<compile_context>
chip_gen: v7x
topology: tpu7x:2x2x1
jax: 0.10.2.dev20260603
libtpu: 0.0.44.dev20260713+nightly
codegen_flags: <defaults>
</compile_context>

<pallas_src>
import functools
import jax
import jax.numpy as jnp
from jax import lax
from jax.experimental import pallas as pl
from jax.experimental.pallas import tpu as pltpu, tpu_sc as plsc

BATCH, SEQ, DM = 4, 2048, 2048
NC, NS, L = 2, 16, 16
NW = NC * NS
ROWS_PER_W = SEQ // NW
C = 1
NCH = ROWS_PER_W // C
NBUF = 8
PF = 4
VECS = DM // L


def _sc_body(in_hbm, t_hbm, out_hbm, t_v, x_v, *sems):
    sem_i = sems[:NBUF]
    sem_o = sems[NBUF:]
    wid = lax.axis_index("s") * NC + lax.axis_index("c")
    s_base = wid * ROWS_PER_W

    def start_in(g, j):
        s0 = s_base + g * C
        pltpu.async_copy(t_hbm.at[pl.ds(s0, C), :], t_v.at[j], sem_i[j])
        pltpu.async_copy(in_hbm.at[:, pl.ds(s0, C), :], x_v.at[j], sem_i[j])

    def wait_in(g, j):
        s0 = s_base + g * C
        pltpu.make_async_copy(t_hbm.at[pl.ds(s0, C), :], t_v.at[j], sem_i[j]).wait()
        pltpu.make_async_copy(in_hbm.at[:, pl.ds(s0, C), :], x_v.at[j], sem_i[j]).wait()

    def start_out(g, j):
        s0 = s_base + g * C
        pltpu.async_copy(x_v.at[j], out_hbm.at[:, pl.ds(s0, C), :], sem_o[j])

    def wait_out(g, j):
        s0 = s_base + g * C
        pltpu.make_async_copy(x_v.at[j], out_hbm.at[:, pl.ds(s0, C), :], sem_o[j]).wait()

    for g in range(PF):
        start_in(g, g % NBUF)

    def outer(go):
        for j0 in range(NBUF):
            g = go + j0
            j = j0
            wait_in(g, j)

            @plsc.parallel_loop(0, VECS, unroll=8)
            def col(v):
                for r in range(C):
                    t = t_v[j, r, pl.ds(v * L, L)]
                    for b in range(BATCH):
                        x_v[j, b, r, pl.ds(v * L, L)] = (
                            x_v[j, b, r, pl.ds(v * L, L)] + t
                        )

            start_out(g, j)
            gn = g + PF
            jn = (j0 + PF) % NBUF

            @pl.when(gn < NCH)
            def _():
                @pl.when(gn >= NBUF)
                def _():
                    wait_out(gn, jn)

                start_in(gn, jn)

    pl.loop(0, NCH, step=NBUF)(outer)

    for j in range(NBUF):
        wait_out(j, j)


def kernel(inputs, pos_table):
    k = functools.partial(
        pl.kernel,
        out_type=jax.ShapeDtypeStruct((BATCH, SEQ, DM), jnp.float32),
        mesh=plsc.VectorSubcoreMesh(
            core_axis_name="c", subcore_axis_name="s", num_cores=NC, num_subcores=NS
        ),
        scratch_types=(
            [
                pltpu.VMEM((NBUF, C, DM), jnp.float32),
                pltpu.VMEM((NBUF, BATCH, C, DM), jnp.float32),
            ]
            + [pltpu.SemaphoreType.DMA] * (2 * NBUF)
        ),
    )(_sc_body)
    return k(inputs, pos_table)

# --- scband reference (transcript-rebuilt; emitter-appended) ---
"""Pipeline reference for scband-position-embedding-layer-13967233646738 (READ-ONLY COPY).

The authoritative reference and input builder live on the scoring server;
editing this copy changes nothing except your own understanding.
"""

import jax, jax.numpy as jnp
import numpy as np

SEQUENCE_LENGTH = 2048
DIM_MODEL = 2048
BATCH = 4

def setup_inputs(seed: int = 0) -> dict:
    key = jax.random.key(seed)
    k1, k2 = jax.random.split(key)
    inputs = jax.random.normal(k1, (BATCH, SEQUENCE_LENGTH, DIM_MODEL), dtype=jnp.float32)
    # Keras Embedding default init: uniform(-0.05, 0.05)
    pos_table = jax.random.uniform(k2, (SEQUENCE_LENGTH, DIM_MODEL), dtype=jnp.float32, minval=-0.05, maxval=0.05)
    return {"inputs": inputs, "pos_table": pos_table}

def reference(inputs, pos_table):
    # position_indices = tf.range(tf.shape(inputs)[-1])
    position_indices = jnp.arange(inputs.shape[-1])
    # embedded_indices = Embedding(...)(position_indices) -> gather rows
    embedded_indices = jnp.take(pos_table, position_indices, axis=0)
    # inputs + embedded_indices (broadcast over batch/seq dims)
    return inputs + embedded_indices

if __name__ == "__main__":
    import jax
    _d = setup_inputs()
    print(jax.jit(kernel)(*tuple(_d.values())))

</pallas_src>

<mosaic_0001>
#map = affine_map<(d0, d1) -> (0, 0, 0)>
#map1 = affine_map<(d0, d1) -> (0, 0)>
module attributes {stable_mosaic.version = 14 : i64} {
  func.func @_sc_body(%arg0: i32, %arg1: i32, %arg2: memref<4x2048x2048xf32, #tpu.memory_space<hbm>>, %arg3: memref<2048x2048xf32, #tpu.memory_space<hbm>>, %arg4: memref<4x2048x2048xf32, #tpu.memory_space<hbm>>, %arg5: memref<8x1x2048xf32, #tpu.memory_space<vmem>>, %arg6: memref<8x4x1x2048xf32, #tpu.memory_space<vmem>>, %arg7: memref<!tpu.dma_semaphore, #tpu.memory_space<semaphore_mem>>, %arg8: memref<!tpu.dma_semaphore, #tpu.memory_space<semaphore_mem>>, %arg9: memref<!tpu.dma_semaphore, #tpu.memory_space<semaphore_mem>>, %arg10: memref<!tpu.dma_semaphore, #tpu.memory_space<semaphore_mem>>, %arg11: memref<!tpu.dma_semaphore, #tpu.memory_space<semaphore_mem>>, %arg12: memref<!tpu.dma_semaphore, #tpu.memory_space<semaphore_mem>>, %arg13: memref<!tpu.dma_semaphore, #tpu.memory_space<semaphore_mem>>, %arg14: memref<!tpu.dma_semaphore, #tpu.memory_space<semaphore_mem>>, %arg15: memref<!tpu.dma_semaphore, #tpu.memory_space<semaphore_mem>>, %arg16: memref<!tpu.dma_semaphore, #tpu.memory_space<semaphore_mem>>, %arg17: memref<!tpu.dma_semaphore, #tpu.memory_space<semaphore_mem>>, %arg18: memref<!tpu.dma_semaphore, #tpu.memory_space<semaphore_mem>>, %arg19: memref<!tpu.dma_semaphore, #tpu.memory_space<semaphore_mem>>, %arg20: memref<!tpu.dma_semaphore, #tpu.memory_space<semaphore_mem>>, %arg21: memref<!tpu.dma_semaphore, #tpu.memory_space<semaphore_mem>>, %arg22: memref<!tpu.dma_semaphore, #tpu.memory_space<semaphore_mem>>) attributes {dimension_semantics = [#tpu.dimension_semantics<core_parallel>, #tpu.dimension_semantics<subcore_parallel>], iteration_bounds = array<i64: 2, 16>, scalar_prefetch = 0 : i64, scratch_operands = 18 : i64, tpu.core_type = #tpu.core_type<sc_vector_subcore>, window_params = [{transform_indices = #map}, {transform_indices = #map1}, {transform_indices = #map}]} {
    %mul3A = arith.constant 2 : i32
    %mul3A_0 = arith.muli %arg1, %mul3A : i32
    %add3A = arith.addi %mul3A_0, %arg0 : i32
    %mul3A_1 = arith.constant 64 : i32
    %mul3A_2 = arith.muli %add3A, %mul3A_1 : i32
    %add3A_3 = arith.constant 0 : i32
    %add3A_4 = arith.addi %mul3A_2, %add3A_3 : i32
    %dma_start3A = arith.constant 0 : i32
    %dma_start3A_5 = arith.constant 0 : i32
    %dma_start3A_6 = arith.constant 0 : i32
    %dma_start3A_7 = tpu.memref_slice %arg5[%dma_start3A, %dma_start3A_5, %dma_start3A_6] : memref<8x1x2048xf32, #tpu.memory_space<vmem>> -> memref<1x1x2048xf32, #tpu.memory_space<vmem>>
    %dma_start3A_8 = tpu.memref_squeeze %dma_start3A_7 : memref<1x1x2048xf32, #tpu.memory_space<vmem>> -> memref<1x2048xf32, #tpu.memory_space<vmem>>
    %dma_start3A_9 = arith.constant 0 : i32
    %dma_start3A_10 = tpu.memref_slice %arg3[%add3A_4, %dma_start3A_9] : memref<2048x2048xf32, #tpu.memory_space<hbm>> -> memref<1x2048xf32, #tpu.memory_space<hbm>>
    %dma_start3A_11 = arith.constant 0 : i32
    %dma_start3A_12 = arith.constant 0 : i32
    %dma_start3A_13 = tpu.memref_slice %arg5[%dma_start3A, %dma_start3A_11, %dma_start3A_12] : memref<8x1x2048xf32, #tpu.memory_space<vmem>> -> memref<1x1x2048xf32, #tpu.memory_space<vmem>>
    %dma_start3A_14 = tpu.memref_squeeze %dma_start3A_13 : memref<1x1x2048xf32, #tpu.memory_space<vmem>> -> memref<1x2048xf32, #tpu.memory_space<vmem>>
    %dma_start3A_15 = arith.constant 0 : i32
    %dma_start3A_16 = tpu.memref_slice %arg3[%add3A_4, %dma_start3A_15] : memref<2048x2048xf32, #tpu.memory_space<hbm>> -> memref<1x2048xf32, #tpu.memory_space<hbm>>
    tpu.enqueue_dma source(%dma_start3A_16 : memref<1x2048xf32, #tpu.memory_space<hbm>>) target(%dma_start3A_14 : memref<1x2048xf32, #tpu.memory_space<vmem>>) target_semaphore(%arg7 : memref<!tpu.dma_semaphore, #tpu.memory_space<semaphore_mem>>)
    %dma_start3A_17 = arith.constant 0 : i32
    %dma_start3A_18 = arith.constant 0 : i32
    %dma_start3A_19 = arith.constant 0 : i32
    %dma_start3A_20 = arith.constant 0 : i32
    %dma_start3A_21 = tpu.memref_slice %arg6[%dma_start3A_17, %dma_start3A_18, %dma_start3A_19, %dma_start3A_20] : memref<8x4x1x2048xf32, #tpu.memory_space<vmem>> -> memref<1x4x1x2048xf32, #tpu.memory_space<vmem>>
    %dma_start3A_22 = tpu.memref_squeeze %dma_start3A_21 : memref<1x4x1x2048xf32, #tpu.memory_space<vmem>> -> memref<4x1x2048xf32, #tpu.memory_space<vmem>>
    %dma_start3A_23 = arith.constant 0 : i32
    %dma_start3A_24 = arith.constant 0 : i32
    %dma_start3A_25 = tpu.memref_slice %arg2[%dma_start3A_23, %add3A_4, %dma_start3A_24] : memref<4x2048x2048xf32, #tpu.memory_space<hbm>> -> memref<4x1x2048xf32, #tpu.memory_space<hbm>>
    %dma_start3A_26 = arith.constant 0 : i32
    %dma_start3A_27 = arith.constant 0 : i32
    %dma_start3A_28 = arith.constant 0 : i32
    %dma_start3A_29 = tpu.memref_slice %arg6[%dma_start3A_17, %dma_start3A_26, %dma_start3A_27, %dma_start3A_28] : memref<8x4x1x2048xf32, #tpu.memory_space<vmem>> -> memref<1x4x1x2048xf32, #tpu.memory_space<vmem>>
    %dma_start3A_30 = tpu.memref_squeeze %dma_start3A_29 : memref<1x4x1x2048xf32, #tpu.memory_space<vmem>> -> memref<4x1x2048xf32, #tpu.memory_space<vmem>>
    %dma_start3A_31 = arith.constant 0 : i32
    %dma_start3A_32 = arith.constant 0 : i32
    %dma_start3A_33 = tpu.memref_slice %arg2[%dma_start3A_31, %add3A_4, %dma_start3A_32] : memref<4x2048x2048xf32, #tpu.memory_space<hbm>> -> memref<4x1x2048xf32, #tpu.memory_space<hbm>>
    tpu.enqueue_dma source(%dma_start3A_33 : memref<4x1x2048xf32, #tpu.memory_space<hbm>>) target(%dma_start3A_30 : memref<4x1x2048xf32, #tpu.memory_space<vmem>>) target_semaphore(%arg7 : memref<!tpu.dma_semaphore, #tpu.memory_space<semaphore_mem>>)
    %add3A_34 = arith.constant 1 : i32
    %add3A_35 = arith.addi %mul3A_2, %add3A_34 : i32
    %dma_start3A_36 = arith.constant 1 : i32
    %dma_start3A_37 = arith.constant 0 : i32
    %dma_start3A_38 = arith.constant 0 : i32
    %dma_start3A_39 = tpu.memref_slice %arg5[%dma_start3A_36, %dma_start3A_37, %dma_start3A_38] : memref<8x1x2048xf32, #tpu.memory_space<vmem>> -> memref<1x1x2048xf32, #tpu.memory_space<vmem>>
    %dma_start3A_40 = tpu.memref_squeeze %dma_start3A_39 : memref<1x1x2048xf32, #tpu.memory_space<vmem>> -> memref<1x2048xf32, #tpu.memory_space<vmem>>
    %dma_start3A_41 = arith.constant 0 : i32
    %dma_start3A_42 = tpu.memref_slice %arg3[%add3A_35, %dma_start3A_41] : memref<2048x2048xf32, #tpu.memory_space<hbm>> -> memref<1x2048xf32, #tpu.memory_space<hbm>>
    %dma_start3A_43 = arith.constant 0 : i32
    %dma_start3A_44 = arith.constant 0 : i32
    %dma_start3A_45 = tpu.memref_slice %arg5[%dma_start3A_36, %dma_start3A_43, %dma_start3A_44] : memref<8x1x2048xf32, #tpu.memory_space<vmem>> -> memref<1x1x2048xf32, #tpu.memory_space<vmem>>
    %dma_start3A_46 = tpu.memref_squeeze %dma_start3A_45 : memref<1x1x2048xf32, #tpu.memory_space<vmem>> -> memref<1x2048xf32, #tpu.memory_space<vmem>>
    %dma_start3A_47 = arith.constant 0 : i32
    %dma_start3A_48 = tpu.memref_slice %arg3[%add3A_35, %dma_start3A_47] : memref<2048x2048xf32, #tpu.memory_space<hbm>> -> memref<1x2048xf32, #tpu.memory_space<hbm>>
    tpu.enqueue_dma source(%dma_start3A_48 : memref<1x2048xf32, #tpu.memory_space<hbm>>) target(%dma_start3A_46 : memref<1x2048xf32, #tpu.memory_space<vmem>>) target_semaphore(%arg8 : memref<!tpu.dma_semaphore, #tpu.memory_space<semaphore_mem>>)
    %dma_start3A_49 = arith.constant 1 : i32
    %dma_start3A_50 = arith.constant 0 : i32
    %dma_start3A_51 = arith.constant 0 : i32
    %dma_start3A_52 = arith.constant 0 : i32
    %dma_start3A_53 = tpu.memref_slice %arg6[%dma_start3A_49, %dma_start3A_50, %dma_start3A_51, %dma_start3A_52] : memref<8x4x1x2048xf32, #tpu.memory_space<vmem>> -> memref<1x4x1x2048xf32, #tpu.memory_space<vmem>>
    %dma_start3A_54 = tpu.memref_squeeze %dma_start3A_53 : memref<1x4x1x2048xf32, #tpu.memory_space<vmem>> -> memref<4x1x2048xf32, #tpu.memory_space<vmem>>
    %dma_start3A_55 = arith.constant 0 : i32
    %dma_start3A_56 = arith.constant 0 : i32
    %dma_start3A_57 = tpu.memref_slice %arg2[%dma_start3A_55, %add3A_35, %dma_start3A_56] : memref<4x2048x2048xf32, #tpu.memory_space<hbm>> -> memref<4x1x2048xf32, #tpu.memory_space<hbm>>
    %dma_start3A_58 = arith.constant 0 : i32
    %dma_start3A_59 = arith.constant 0 : i32
    %dma_start3A_60 = arith.constant 0 : i32
    %dma_start3A_61 = tpu.memref_slice %arg6[%dma_start3A_49, %dma_start3A_58, %dma_start3A_59, %dma_start3A_60] : memref<8x4x1x2048xf32, #tpu.memory_space<vmem>> -> memref<1x4x1x2048xf32, #tpu.memory_space<vmem>>
    %dma_start3A_62 = tpu.memref_squeeze %dma_start3A_61 : memref<1x4x1x2048xf32, #tpu.memory_space<vmem>> -> memref<4x1x2048xf32, #tpu.memory_space<vmem>>
    %dma_start3A_63 = arith.constant 0 : i32
    %dma_start3A_64 = arith.constant 0 : i32
    %dma_start3A_65 = tpu.memref_slice %arg2[%dma_start3A_63, %add3A_35, %dma_start3A_64] : memref<4x2048x2048xf32, #tpu.memory_space<hbm>> -> memref<4x1x2048xf32, #tpu.memory_space<hbm>>
    tpu.enqueue_dma source(%dma_start3A_65 : memref<4x1x2048xf32, #tpu.memory_space<hbm>>) target(%dma_start3A_62 : memref<4x1x2048xf32, #tpu.memory_space<vmem>>) target_semaphore(%arg8 : memref<!tpu.dma_semaphore, #tpu.memory_space<semaphore_mem>>)
    %add3A_66 = arith.constant 2 : i32
    %add3A_67 = arith.addi %mul3A_2, %add3A_66 : i32
    %dma_start3A_68 = arith.constant 2 : i32
    %dma_start3A_69 = arith.constant 0 : i32
    %dma_start3A_70 = arith.constant 0 : i32
    %dma_start3A_71 = tpu.memref_slice %arg5[%dma_start3A_68, %dma_start3A_69, %dma_start3A_70] : memref<8x1x2048xf32, #tpu.memory_space<vmem>> -> memref<1x1x2048xf32, #tpu.memory_space<vmem>>
    %dma_start3A_72 = tpu.memref_squeeze %dma_start3A_71 : memref<1x1x2048xf32, #tpu.memory_space<vmem>> -> memref<1x2048xf32, #tpu.memory_space<vmem>>
    %dma_start3A_73 = arith.constant 0 : i32
    %dma_start3A_74 = tpu.memref_slice %arg3[%add3A_67, %dma_start3A_73] : memref<2048x2048xf32, #tpu.memory_space<hbm>> -> memref<1x2048xf32, #tpu.memory_space<hbm>>
    %dma_start3A_75 = arith.constant 0 : i32
    %dma_start3A_76 = arith.constant 0 : i32
    %dma_start3A_77 = tpu.memref_slice %arg5[%dma_start3A_68, %dma_start3A_75, %dma_start3A_76] : memref<8x1x2048xf32, #tpu.memory_space<vmem>> -> memref<1x1x2048xf32, #tpu.memory_space<vmem>>
    %dma_start3A_78 = tpu.memref_squeeze %dma_start3A_77 : memref<1x1x2048xf32, #tpu.memory_space<vmem>> -> memref<1x2048xf32, #tpu.memory_space<vmem>>
    %dma_start3A_79 = arith.constant 0 : i32
    %dma_start3A_80 = tpu.memref_slice %arg3[%add3A_67, %dma_start3A_79] : memref<2048x2048xf32, #tpu.memory_space<hbm>> -> memref<1x2048xf32, #tpu.memory_space<hbm>>
    tpu.enqueue_dma source(%dma_start3A_80 : memref<1x2048xf32, #tpu.memory_space<hbm>>) target(%dma_start3A_78 : memref<1x2048xf32, #tpu.memory_space<vmem>>) target_semaphore(%arg9 : memref<!tpu.dma_semaphore, #tpu.memory_space<semaphore_mem>>)
    %dma_start3A_81 = arith.constant 2 : i32
    %dma_start3A_82 = arith.constant 0 : i32
    %dma_start3A_83 = arith.constant 0 : i32
    %dma_start3A_84 = arith.constant 0 : i32
    %dma_start3A_85 = tpu.memref_slice %arg6[%dma_start3A_81, %dma_start3A_82, %dma_start3A_83, %dma_start3A_84] : memref<8x4x1x2048xf32, #tpu.memory_space<vmem>> -> memref<1x4x1x2048xf32, #tpu.memory_space<vmem>>
    %dma_start3A_86 = tpu.memref_squeeze %dma_start3A_85 : memref<1x4x1x2048xf32, #tpu.memory_space<vmem>> -> memref<4x1x2048xf32, #tpu.memory_space<vmem>>
    %dma_start3A_87 = arith.constant 0 : i32
    %dma_start3A_88 = arith.constant 0 : i32
    %dma_start3A_89 = tpu.memref_slice %arg2[%dma_start3A_87, %add3A_67, %dma_start3A_88] : memref<4x2048x2048xf32, #tpu.memory_space<hbm>> -> memref<4x1x2048xf32, #tpu.memory_space<hbm>>
    %dma_start3A_90 = arith.constant 0 : i32
    %dma_start3A_91 = arith.constant 0 : i32
    %dma_start3A_92 = arith.constant 0 : i32
    %dma_start3A_93 = tpu.memref_slice %arg6[%dma_start3A_81, %dma_start3A_90, %dma_start3A_91, %dma_start3A_92] : memref<8x4x1x2048xf32, #tpu.memory_space<vmem>> -> memref<1x4x1x2048xf32, #tpu.memory_space<vmem>>
    %dma_start3A_94 = tpu.memref_squeeze %dma_start3A_93 : memref<1x4x1x2048xf32, #tpu.memory_space<vmem>> -> memref<4x1x2048xf32, #tpu.memory_space<vmem>>
    %dma_start3A_95 = arith.constant 0 : i32
    %dma_start3A_96 = arith.constant 0 : i32
    %dma_start3A_97 = tpu.memref_slice %arg2[%dma_start3A_95, %add3A_67, %dma_start3A_96] : memref<4x2048x2048xf32, #tpu.memory_space<hbm>> -> memref<4x1x2048xf32, #tpu.memory_space<hbm>>
    tpu.enqueue_dma source(%dma_start3A_97 : memref<4x1x2048xf32, #tpu.memory_space<hbm>>) target(%dma_start3A_94 : memref<4x1x2048xf32, #tpu.memory_space<vmem>>) target_semaphore(%arg9 : memref<!tpu.dma_semaphore, #tpu.memory_space<semaphore_mem>>)
    %add3A_98 = arith.constant 3 : i32
    %add3A_99 = arith.addi %mul3A_2, %add3A_98 : i32
    %dma_start3A_100 = arith.constant 3 : i32
    %dma_start3A_101 = arith.constant 0 : i32
    %dma_start3A_102 = arith.constant 0 : i32
    %dma_start3A_103 = tpu.memref_slice %arg5[%dma_start3A_100, %dma_start3A_101, %dma_start3A_102] : memref<8x1x2048xf32, #tpu.memory_space<vmem>> -> memref<1x1x2048xf32, #tpu.memory_space<vmem>>
    %dma_start3A_104 = tpu.memref_squeeze %dma_start3A_103 : memref<1x1x2048xf32, #tpu.memory_space<vmem>> -> memref<1x2048xf32, #tpu.memory_space<vmem>>
    %dma_start3A_105 = arith.constant 0 : i32
    %dma_start3A_106 = tpu.memref_slice %arg3[%add3A_99, %dma_start3A_105] : memref<2048x2048xf32, #tpu.memory_space<hbm>> -> memref<1x2048xf32, #tpu.memory_space<hbm>>
    %dma_start3A_107 = arith.constant 0 : i32
    %dma_start3A_108 = arith.constant 0 : i32
    %dma_start3A_109 = tpu.memref_slice %arg5[%dma_start3A_100, %dma_start3A_107, %dma_start3A_108] : memref<8x1x2048xf32, #tpu.memory_space<vmem>> -> memref<1x1x2048xf32, #tpu.memory_space<vmem>>
    %dma_start3A_110 = tpu.memref_squeeze %dma_start3A_109 : memref<1x1x2048xf32, #tpu.memory_space<vmem>> -> memref<1x2048xf32, #tpu.memory_space<vmem>>
    %dma_start3A_111 = arith.constant 0 : i32
    %dma_start3A_112 = tpu.memref_slice %arg3[%add3A_99, %dma_start3A_111] : memref<2048x2048xf32, #tpu.memory_space<hbm>> -> memref<1x2048xf32, #tpu.memory_space<hbm>>
    tpu.enqueue_dma source(%dma_start3A_112 : memref<1x2048xf32, #tpu.memory_space<hbm>>) target(%dma_start3A_110 : memref<1x2048xf32, #tpu.memory_space<vmem>>) target_semaphore(%arg10 : memref<!tpu.dma_semaphore, #tpu.memory_space<semaphore_mem>>)
    %dma_start3A_113 = arith.constant 3 : i32
    %dma_start3A_114 = arith.constant 0 : i32
    %dma_start3A_115 = arith.constant 0 : i32
    %dma_start3A_116 = arith.constant 0 : i32
    %dma_start3A_117 = tpu.memref_slice %arg6[%dma_start3A_113, %dma_start3A_114, %dma_start3A_115, %dma_start3A_116] : memref<8x4x1x2048xf32, #tpu.memory_space<vmem>> -> memref<1x4x1x2048xf32, #tpu.memory_space<vmem>>
    %dma_start3A_118 = tpu.memref_squeeze %dma_start3A_117 : memref<1x4x1x2048xf32, #tpu.memory_space<vmem>> -> memref<4x1x2048xf32, #tpu.memory_space<vmem>>
    %dma_start3A_119 = arith.constant 0 : i32
    %dma_start3A_120 = arith.constant 0 : i32
    %dma_start3A_121 = tpu.memref_slice %arg2[%dma_start3A_119, %add3A_99, %dma_start3A_120] : memref<4x2048x2048xf32, #tpu.memory_space<hbm>> -> memref<4x1x2048xf32, #tpu.memory_space<hbm>>
    %dma_start3A_122 = arith.constant 0 : i32
    %dma_start3A_123 = arith.constant 0 : i32
    %dma_start3A_124 = arith.constant 0 : i32
    %dma_start3A_125 = tpu.memref_slice %arg6[%dma_start3A_113, %dma_start3A_122, %dma_start3A_123, %dma_start3A_124] : memref<8x4x1x2048xf32, #tpu.memory_space<vmem>> -> memref<1x4x1x2048xf32, #tpu.memory_space<vmem>>
    %dma_start3A_126 = tpu.memref_squeeze %dma_start3A_125 : memref<1x4x1x2048xf32, #tpu.memory_space<vmem>> -> memref<4x1x2048xf32, #tpu.memory_space<vmem>>
    %dma_start3A_127 = arith.constant 0 : i32
    %dma_start3A_128 = arith.constant 0 : i32
    %dma_start3A_129 = tpu.memref_slice %arg2[%dma_start3A_127, %add3A_99, %dma_start3A_128] : memref<4x2048x2048xf32, #tpu.memory_space<hbm>> -> memref<4x1x2048xf32, #tpu.memory_space<hbm>>
    tpu.enqueue_dma source(%dma_start3A_129 : memref<4x1x2048xf32, #tpu.memory_space<hbm>>) target(%dma_start3A_126 : memref<4x1x2048xf32, #tpu.memory_space<vmem>>) target_semaphore(%arg10 : memref<!tpu.dma_semaphore, #tpu.memory_space<semaphore_mem>>)
    %scan3A = arith.constant 0 : i32
    %scan3A_130 = arith.constant 8 : i32
    %scan3A_131 = arith.addi %scan3A, %scan3A_130 : i32
    %scan3A_132 = arith.constant 1 : i32
    scf.for %scan3A_285 = %scan3A to %scan3A_131 step %scan3A_132  : i32 {
      %mul3A_286 = arith.constant 8 : i32
      %mul3A_287 = arith.muli %scan3A_285, %mul3A_286 : i32
      %add3A_288 = arith.constant 0 : i32
      %add3A_289 = arith.addi %add3A_288, %mul3A_287 : i32
      %add3A_290 = arith.constant 0 : i32
      %add3A_291 = arith.addi %add3A_289, %add3A_290 : i32
      %mul3A_292 = arith.constant 1 : i32
      %mul3A_293 = arith.muli %add3A_291, %mul3A_292 : i32
      %add3A_294 = arith.addi %mul3A_2, %mul3A_293 : i32
      %dma_wait3A_295 = arith.constant 0 : i32
      %dma_wait3A_296 = arith.constant 0 : i32
      %dma_wait3A_297 = arith.constant 0 : i32
      %dma_wait3A_298 = tpu.memref_slice %arg5[%dma_wait3A_295, %dma_wait3A_296, %dma_wait3A_297] : memref<8x1x2048xf32, #tpu.memory_space<vmem>> -> memref<1x1x2048xf32, #tpu.memory_space<vmem>>
      %dma_wait3A_299 = tpu.memref_squeeze %dma_wait3A_298 : memref<1x1x2048xf32, #tpu.memory_space<vmem>> -> memref<1x2048xf32, #tpu.memory_space<vmem>>
      %dma_wait3A_300 = arith.constant 0 : i32
      %dma_wait3A_301 = tpu.memref_slice %arg3[%add3A_294, %dma_wait3A_300] : memref<2048x2048xf32, #tpu.memory_space<hbm>> -> memref<1x2048xf32, #tpu.memory_space<hbm>>
      %dma_wait3A_302 = arith.constant 0 : i32
      %dma_wait3A_303 = arith.constant 0 : i32
      %dma_wait3A_304 = tpu.memref_slice %arg5[%dma_wait3A_295, %dma_wait3A_302, %dma_wait3A_303] : memref<8x1x2048xf32, #tpu.memory_space<vmem>> -> memref<1x1x2048xf32, #tpu.memory_space<vmem>>
      %dma_wait3A_305 = tpu.memref_squeeze %dma_wait3A_304 : memref<1x1x2048xf32, #tpu.memory_space<vmem>> -> memref<1x2048xf32, #tpu.memory_space<vmem>>
      %dma_wait3A_306 = arith.constant 0 : i32
      %dma_wait3A_307 = tpu.memref_slice %arg3[%add3A_294, %dma_wait3A_306] : memref<2048x2048xf32, #tpu.memory_space<hbm>> -> memref<1x2048xf32, #tpu.memory_space<hbm>>
      tpu.wait_dma2 semaphore(%arg7 : memref<!tpu.dma_semaphore, #tpu.memory_space<semaphore_mem>>) src(%dma_wait3A_307 : memref<1x2048xf32, #tpu.memory_space<hbm>>) dst(%dma_wait3A_305 : memref<1x2048xf32, #tpu.memory_space<vmem>>)
      %dma_wait3A_308 = arith.constant 0 : i32
      %dma_wait3A_309 = arith.constant 0 : i32
      %dma_wait3A_310 = arith.constant 0 : i32
      %dma_wait3A_311 = arith.constant 0 : i32
      %dma_wait3A_312 = tpu.memref_slice %arg6[%dma_wait3A_308, %dma_wait3A_309, %dma_wait3A_310, %dma_wait3A_311] : memref<8x4x1x2048xf32, #tpu.memory_space<vmem>> -> memref<1x4x1x2048xf32, #tpu.memory_space<vmem>>
      %dma_wait3A_313 = tpu.memref_squeeze %dma_wait3A_312 : memref<1x4x1x2048xf32, #tpu.memory_space<vmem>> -> memref<4x1x2048xf32, #tpu.memory_space<vmem>>
      %dma_wait3A_314 = arith.constant 0 : i32
      %dma_wait3A_315 = arith.constant 0 : i32
      %dma_wait3A_316 = tpu.memref_slice %arg2[%dma_wait3A_314, %add3A_294, %dma_wait3A_315] : memref<4x2048x2048xf32, #tpu.memory_space<hbm>> -> memref<4x1x2048xf32, #tpu.memory_space<hbm>>
      %dma_wait3A_317 = arith.constant 0 : i32
      %dma_wait3A_318 = arith.constant 0 : i32
      %dma_wait3A_319 = arith.constant 0 : i32
      %dma_wait3A_320 = tpu.memref_slice %arg6[%dma_wait3A_308, %dma_wait3A_317, %dma_wait3A_318, %dma_wait3A_319] : memref<8x4x1x2048xf32, #tpu.memory_space<vmem>> -> memref<1x4x1x2048xf32, #tpu.memory_space<vmem>>
      %dma_wait3A_321 = tpu.memref_squeeze %dma_wait3A_320 : memref<1x4x1x2048xf32, #tpu.memory_space<vmem>> -> memref<4x1x2048xf32, #tpu.memory_space<vmem>>
      %dma_wait3A_322 = arith.constant 0 : i32
      %dma_wait3A_323 = arith.constant 0 : i32
      %dma_wait3A_324 = tpu.memref_slice %arg2[%dma_wait3A_322, %add3A_294, %dma_wait3A_323] : memref<4x2048x2048xf32, #tpu.memory_space<hbm>> -> memref<4x1x2048xf32, #tpu.memory_space<hbm>>
      tpu.wait_dma2 semaphore(%arg7 : memref<!tpu.dma_semaphore, #tpu.memory_space<semaphore_mem>>) src(%dma_wait3A_324 : memref<4x1x2048xf32, #tpu.memory_space<hbm>>) dst(%dma_wait3A_321 : memref<4x1x2048xf32, #tpu.memory_space<vmem>>)
      %parallel_loop3A = arith.constant 0 : i32
      %parallel_loop3A_325 = arith.constant 128 : i32
      %parallel_loop3A_326 = arith.constant 1 : i32
      scf.for %parallel_loop3A_806 = %parallel_loop3A to %parallel_loop3A_325 step %parallel_loop3A_326  : i32 {
        %parallel_loop3A_807 = arith.constant 16 : i32
        %parallel_loop3A_808 = arith.muli %parallel_loop3A_806, %parallel_loop3A_807 : i32
        %parallel_loop3A_809 = arith.constant 0 : i32
        %parallel_loop3A_810 = arith.constant 0 : i32
        %parallel_loop3A_811 = arith.index_cast %parallel_loop3A_809 : i32 to index
        %parallel_loop3A_812 = arith.index_cast %parallel_loop3A_810 : i32 to index
        %parallel_loop3A_813 = arith.index_cast %parallel_loop3A_808 : i32 to index
        %parallel_loop3A_814 = tpu.vector_load %arg5[%parallel_loop3A_811, %parallel_loop3A_812, %parallel_loop3A_813] {strides = array<i32>} : memref<8x1x2048xf32, #tpu.memory_space<vmem>>, vector<1x1x16xf32>,
        %parallel_loop3A_815 = vector.shape_cast %parallel_loop3A_814 : vector<1x1x16xf32> to vector<16xf32>
        %parallel_loop3A_816 = arith.constant 16 : i32
        %parallel_loop3A_817 = arith.muli %parallel_loop3A_806, %parallel_loop3A_816 : i32
        %parallel_loop3A_818 = arith.constant 0 : i32
        %parallel_loop3A_819 = arith.constant 0 : i32
        %parallel_loop3A_820 = arith.constant 0 : i32
        %parallel_loop3A_821 = arith.index_cast %parallel_loop3A_818 : i32 to index
        %parallel_loop3A_822 = arith.index_cast %parallel_loop3A_819 : i32 to index
        %parallel_loop3A_823 = arith.index_cast %parallel_loop3A_820 : i32 to index
        %parallel_loop3A_824 = arith.index_cast %parallel_loop3A_817 : i32 to index
        %parallel_loop3A_825 = tpu.vector_load %arg6[%parallel_loop3A_821, %parallel_loop3A_822, %parallel_loop3A_823, %parallel_loop3A_824] {strides = array<i32>} : memref<8x4x1x2048xf32, #tpu.memory_space<vmem>>, vector<1x1x1x16xf32>,
        %parallel_loop3A_826 = vector.shape_cast %parallel_loop3A_825 : vector<1x1x1x16xf32> to vector<16xf32>
        %parallel_loop3A_827 = arith.addf %parallel_loop3A_826, %parallel_loop3A_815 : vector<16xf32>
        %parallel_loop3A_828 = arith.constant 16 : i32
        %parallel_loop3A_829 = arith.muli %parallel_loop3A_806, %parallel_loop3A_828 : i32
        %parallel_loop3A_830 = arith.constant 0 : i32
        %parallel_loop3A_831 = arith.constant 0 : i32
        %parallel_loop3A_832 = arith.constant 0 : i32
        %parallel_loop3A_833 = arith.index_cast %parallel_loop3A_830 : i32 to index
        %parallel_loop3A_834 = arith.index_cast %parallel_loop3A_831 : i32 to index
        %parallel_loop3A_835 = arith.index_cast %parallel_loop3A_832 : i32 to index
        %parallel_loop3A_836 = arith.index_cast %parallel_loop3A_829 : i32 to index
        %parallel_loop3A_837 = tpu.vector_load %arg6[%parallel_loop3A_833, %parallel_loop3A_834, %parallel_loop3A_835, %parallel_loop3A_836] {strides = array<i32>} : memref<8x4x1x2048xf32, #tpu.memory_space<vmem>>, vector<1x1x1x16xf32>,
        %parallel_loop3A_838 = vector.shape_cast %parallel_loop3A_837 : vector<1x1x1x16xf32> to vector<16xf32>
        %parallel_loop3A_839 = vector.shape_cast %parallel_loop3A_827 : vector<16xf32> to vector<1x1x1x16xf32>
        tpu.vector_store %arg6[%parallel_loop3A_833, %parallel_loop3A_834, %parallel_loop3A_835, %parallel_loop3A_836], %parallel_loop3A_839 {strides = array<i32>} : memref<8x4x1x2048xf32, #tpu.memory_space<vmem>>, vector<1x1x1x16xf32>,
        %parallel_loop3A_840 = arith.constant 16 : i32
        %parallel_loop3A_841 = arith.muli %parallel_loop3A_806, %parallel_loop3A_840 : i32
        %parallel_loop3A_842 = arith.constant 0 : i32
        %parallel_loop3A_843 = arith.constant 1 : i32
        %parallel_loop3A_844 = arith.constant 0 : i32
        %parallel_loop3A_845 = arith.index_cast %parallel_loop3A_842 : i32 to index
        %parallel_loop3A_846 = arith.index_cast %parallel_loop3A_843 : i32 to index
        %parallel_loop3A_847 = arith.index_cast %parallel_loop3A_844 : i32 to index
        %parallel_loop3A_848 = arith.index_cast %parallel_loop3A_841 : i32 to index
        %parallel_loop3A_849 = tpu.vector_load %arg6[%parallel_loop3A_845, %parallel_loop3A_846, %parallel_loop3A_847, %parallel_loop3A_848] {strides = array<i32>} : memref<8x4x1x2048xf32, #tpu.memory_space<vmem>>, vector<1x1x1x16xf32>,
        %parallel_loop3A_850 = vector.shape_cast %parallel_loop3A_849 : vector<1x1x1x16xf32> to vector<16xf32>
        %parallel_loop3A_851 = arith.addf %parallel_loop3A_850, %parallel_loop3A_815 : vector<16xf32>
        %parallel_loop3A_852 = arith.constant 16 : i32
        %parallel_loop3A_853 = arith.muli %parallel_loop3A_806, %parallel_loop3A_852 : i32
        %parallel_loop3A_854 = arith.constant 0 : i32
        %parallel_loop3A_855 = arith.constant 1 : i32
        %parallel_loop3A_856 = arith.constant 0 : i32
        %parallel_loop3A_857 = arith.index_cast %parallel_loop3A_854 : i32 to index
        %parallel_loop3A_858 = arith.index_cast %parallel_loop3A_855 : i32 to index
        %parallel_loop3A_859 = arith.index_cast %parallel_loop3A_856 : i32 to index
        %parallel_loop3A_860 = arith.index_cast %parallel_loop3A_853 : i32 to index
        %parallel_loop3A_861 = tpu.vector_load %arg6[%parallel_loop3A_857, %parallel_loop3A_858, %parallel_loop3A_859, %parallel_loop3A_860] {strides = array<i32>} : memref<8x4x1x2048xf32, #tpu.memory_space<vmem>>, vector<1x1x1x16xf32>,
        %parallel_loop3A_862 = vector.shape_cast %parallel_loop3A_861 : vector<1x1x1x16xf32> to vector<16xf32>
        %parallel_loop3A_863 = vector.shape_cast %parallel_loop3A_851 : vector<16xf32> to vector<1x1x1x16xf32>
        tpu.vector_store %arg6[%parallel_loop3A_857, %parallel_loop3A_858, %parallel_loop3A_859, %parallel_loop3A_860], %parallel_loop3A_863 {strides = array<i32>} : memref<8x4x1x2048xf32, #tpu.memory_space<vmem>>, vector<1x1x1x16xf32>,
        %parallel_loop3A_864 = arith.constant 16 : i32
        %parallel_loop3A_865 = arith.muli %parallel_loop3A_806, %parallel_loop3A_864 : i32
        %parallel_loop3A_866 = arith.constant 0 : i32
        %parallel_loop3A_867 = arith.constant 2 : i32
        %parallel_loop3A_868 = arith.constant 0 : i32
        %parallel_loop3A_869 = arith.index_cast %parallel_loop3A_866 : i32 to index
        %parallel_loop3A_870 = arith.index_cast %parallel_loop3A_867 : i32 to index
        %parallel_loop3A_871 = arith.index_cast %parallel_loop3A_868 : i32 to index
        %parallel_loop3A_872 = arith.index_cast %parallel_loop3A_865 : i32 to index
        %parallel_loop3A_873 = tpu.vector_load %arg6[%parallel_loop3A_869, %parallel_loop3A_870, %parallel_loop3A_871, %parallel_loop3A_872] {strides = array<i32>} : memref<8x4x1x2048xf32, #tpu.memory_space<vmem>>, vector<1x1x1x16xf32>,
        %parallel_loop3A_874 = vector.shape_cast %parallel_loop3A_873 : vector<1x1x1x16xf32> to vector<16xf32>
        %parallel_loop3A_875 = arith.addf %parallel_loop3A_874, %parallel_loop3A_815 : vector<16xf32>
        %parallel_loop3A_876 = arith.constant 16 : i32
        %parallel_loop3A_877 = arith.muli %parallel_loop3A_806, %parallel_loop3A_876 : i32
        %parallel_loop3A_878 = arith.constant 0 : i32
        %parallel_loop3A_879 = arith.constant 2 : i32
        %parallel_loop3A_880 = arith.constant 0 : i32
        %parallel_loop3A_881 = arith.index_cast %parallel_loop3A_878 : i32 to index
        %parallel_loop3A_882 = arith.index_cast %parallel_loop3A_879 : i32 to index
        %parallel_loop3A_883 = arith.index_cast %parallel_loop3A_880 : i32 to index
        %parallel_loop3A_884 = arith.index_cast %parallel_loop3A_877 : i32 to index
        %parallel_loop3A_885 = tpu.vector_load %arg6[%parallel_loop3A_881, %parallel_loop3A_882, %parallel_loop3A_883, %parallel_loop3A_884] {strides = array<i32>} : memref<8x4x1x2048xf32, #tpu.memory_space<vmem>>, vector<1x1x1x16xf32>,
        %parallel_loop3A_886 = vector.shape_cast %parallel_loop3A_885 : vector<1x1x1x16xf32> to vector<16xf32>
        %parallel_loop3A_887 = vector.shape_cast %parallel_loop3A_875 : vector<16xf32> to vector<1x1x1x16xf32>
        tpu.vector_store %arg6[%parallel_loop3A_881, %parallel_loop3A_882, %parallel_loop3A_883, %parallel_loop3A_884], %parallel_loop3A_887 {strides = array<i32>} : memref<8x4x1x2048xf32, #tpu.memory_space<vmem>>, vector<1x1x1x16xf32>,
        %parallel_loop3A_888 = arith.constant 16 : i32
        %parallel_loop3A_889 = arith.muli %parallel_loop3A_806, %parallel_loop3A_888 : i32
        %parallel_loop3A_890 = arith.constant 0 : i32
        %parallel_loop3A_891 = arith.constant 3 : i32
        %parallel_loop3A_892 = arith.constant 0 : i32
        %parallel_loop3A_893 = arith.index_cast %parallel_loop3A_890 : i32 to index
        %parallel_loop3A_894 = arith.index_cast %parallel_loop3A_891 : i32 to index
        %parallel_loop3A_895 = arith.index_cast %parallel_loop3A_892 : i32 to index
        %parallel_loop3A_896 = arith.index_cast %parallel_loop3A_889 : i32 to index
        %parallel_loop3A_897 = tpu.vector_load %arg6[%parallel_loop3A_893, %parallel_loop3A_894, %parallel_loop3A_895, %parallel_loop3A_896] {strides = array<i32>} : memref<8x4x1x2048xf32, #tpu.memory_space<vmem>>, vector<1x1x1x16xf32>,
        %parallel_loop3A_898 = vector.shape_cast %parallel_loop3A_897 : vector<1x1x1x16xf32> to vector<16xf32>
        %parallel_loop3A_899 = arith.addf %parallel_loop3A_898, %parallel_loop3A_815 : vector<16xf32>
        %parallel_loop3A_900 = arith.constant 16 : i32
        %parallel_loop3A_901 = arith.muli %parallel_loop3A_806, %parallel_loop3A_900 : i32
        %parallel_loop3A_902 = arith.constant 0 : i32
        %parallel_loop3A_903 = arith.constant 3 : i32
        %parallel_loop3A_904 = arith.constant 0 : i32
        %parallel_loop3A_905 = arith.index_cast %parallel_loop3A_902 : i32 to index
        %parallel_loop3A_906 = arith.index_cast %parallel_loop3A_903 : i32 to index
        %parallel_loop3A_907 = arith.index_cast %parallel_loop3A_904 : i32 to index
        %parallel_loop3A_908 = arith.index_cast %parallel_loop3A_901 : i32 to index
        %parallel_loop3A_909 = tpu.vector_load %arg6[%parallel_loop3A_905, %parallel_loop3A_906, %parallel_loop3A_907, %parallel_loop3A_908] {strides = array<i32>} : memref<8x4x1x2048xf32, #tpu.memory_space<vmem>>, vector<1x1x1x16xf32>,
        %parallel_loop3A_910 = vector.shape_cast %parallel_loop3A_909 : vector<1x1x1x16xf32> to vector<16xf32>
        %parallel_loop3A_911 = vector.shape_cast %parallel_loop3A_899 : vector<16xf32> to vector<1x1x1x16xf32>
        tpu.vector_store %arg6[%parallel_loop3A_905, %parallel_loop3A_906, %parallel_loop3A_907, %parallel_loop3A_908], %parallel_loop3A_911 {strides = array<i32>} : memref<8x4x1x2048xf32, #tpu.memory_space<vmem>>, vector<1x1x1x16xf32>,
      } {sc.loop_unroll_factor = 8 : i64, sc.parallel_access}
      %mul3A_327 = arith.constant 1 : i32
      %mul3A_328 = arith.muli %add3A_291, %mul3A_327 : i32
      %add3A_329 = arith.addi %mul3A_2, %mul3A_328 : i32
      %dma_start3A_330 = arith.constant 0 : i32
      %dma_start3A_331 = arith.constant 0 : i32
      %dma_start3A_332 = arith.constant 0 : i32
      %dma_start3A_333 = arith.constant 0 : i32
      %dma_start3A_334 = tpu.memref_slice %arg6[%dma_start3A_330, %dma_start3A_331, %dma_start3A_332, %dma_start3A_333] : memref<8x4x1x2048xf32, #tpu.memory_space<vmem>> -> memref<1x4x1x2048xf32, #tpu.memory_space<vmem>>
      %dma_start3A_335 = tpu.memref_squeeze %dma_start3A_334 : memref<1x4x1x2048xf32, #tpu.memory_space<vmem>> -> memref<4x1x2048xf32, #tpu.memory_space<vmem>>
      %dma_start3A_336 = arith.constant 0 : i32
      %dma_start3A_337 = arith.constant 0 : i32
      %dma_start3A_338 = tpu.memref_slice %arg4[%dma_start3A_336, %add3A_329, %dma_start3A_337] : memref<4x2048x2048xf32, #tpu.memory_space<hbm>> -> memref<4x1x2048xf32, #tpu.memory_space<hbm>>
      %dma_start3A_339 = arith.constant 0 : i32
      %dma_start3A_340 = arith.constant 0 : i32
      %dma_start3A_341 = tpu.memref_slice %arg4[%dma_start3A_339, %add3A_329, %dma_start3A_340] : memref<4x2048x2048xf32, #tpu.memory_space<hbm>> -> memref<4x1x2048xf32, #tpu.memory_space<hbm>>
      %dma_start3A_342 = arith.constant 0 : i32
      %dma_start3A_343 = arith.constant 0 : i32
      %dma_start3A_344 = arith.constant 0 : i32
      %dma_start3A_345 = tpu.memref_slice %arg6[%dma_start3A_330, %dma_start3A_342, %dma_start3A_343, %dma_start3A_344] : memref<8x4x1x2048xf32, #tpu.memory_space<vmem>> -> memref<1x4x1x2048xf32, #tpu.memory_space<vmem>>
      %dma_start3A_346 = tpu.memref_squeeze %dma_start3A_345 : memref<1x4x1x2048xf32, #tpu.memory_space<vmem>> -> memref<4x1x2048xf32, #tpu.memory_space<vmem>>
      tpu.enqueue_dma source(%dma_start3A_346 : memref<4x1x2048xf32, #tpu.memory_space<vmem>>) target(%dma_start3A_341 : memref<4x1x2048xf32, #tpu.memory_space<hbm>>) target_semaphore(%arg15 : memref<!tpu.dma_semaphore, #tpu.memory_space<semaphore_mem>>)
      %add3A_347 = arith.constant 4 : i32
      %add3A_348 = arith.addi %add3A_291, %add3A_347 : i32
      %lt3A = arith.constant 64 : i32
      %lt3A_349 = arith.cmpi slt, %add3A_348, %lt3A : i32
      %convert_element_type3A = arith.extui %lt3A_349 : i1 to i32
      %cond3A = arith.constant 0 : i32
      %cond3A_350 = arith.cmpi ne, %convert_element_type3A, %cond3A : i32
      scf.if %cond3A_350 {
        %ge3A = arith.constant 8 : i32
        %ge3A_806 = arith.cmpi sge, %add3A_348, %ge3A : i32
        %convert_element_type3A_807 = arith.extui %ge3A_806 : i1 to i32
        %cond3A_808 = arith.constant 0 : i32
        %cond3A_809 = arith.cmpi ne, %convert_element_type3A_807, %cond3A_808 : i32
        scf.if %cond3A_809 {
          %mul3A_843 = arith.constant 1 : i32
          %mul3A_844 = arith.muli %add3A_348, %mul3A_843 : i32
          %add3A_845 = arith.addi %mul3A_2, %mul3A_844 : i32
          %dma_wait3A_846 = arith.constant 4 : i32
          %dma_wait3A_847 = arith.constant 0 : i32
          %dma_wait3A_848 = arith.constant 0 : i32
          %dma_wait3A_849 = arith.constant 0 : i32
          %dma_wait3A_850 = tpu.memref_slice %arg6[%dma_wait3A_846, %dma_wait3A_847, %dma_wait3A_848, %dma_wait3A_849] : memref<8x4x1x2048xf32, #tpu.memory_space<vmem>> -> memref<1x4x1x2048xf32, #tpu.memory_space<vmem>>
          %dma_wait3A_851 = tpu.memref_squeeze %dma_wait3A_850 : memref<1x4x1x2048xf32, #tpu.memory_space<vmem>> -> memref<4x1x2048xf32, #tpu.memory_space<vmem>>
          %dma_wait3A_852 = arith.constant 0 : i32
          %dma_wait3A_853 = arith.constant 0 : i32
          %dma_wait3A_854 = tpu.memref_slice %arg4[%dma_wait3A_852, %add3A_845, %dma_wait3A_853] : memref<4x2048x2048xf32, #tpu.memory_space<hbm>> -> memref<4x1x2048xf32, #tpu.memory_space<hbm>>
          %dma_wait3A_855 = arith.constant 0 : i32
          %dma_wait3A_856 = arith.constant 0 : i32
          %dma_wait3A_857 = tpu.memref_slice %arg4[%dma_wait3A_855, %add3A_845, %dma_wait3A_856] : memref<4x2048x2048xf32, #tpu.memory_space<hbm>> -> memref<4x1x2048xf32, #tpu.memory_space<hbm>>
          %dma_wait3A_858 = arith.constant 0 : i32
          %dma_wait3A_859 = arith.constant 0 : i32
          %dma_wait3A_860 = arith.constant 0 : i32
          %dma_wait3A_861 = tpu.memref_slice %arg6[%dma_wait3A_846, %dma_wait3A_858, %dma_wait3A_859, %dma_wait3A_860] : memref<8x4x1x2048xf32, #tpu.memory_space<vmem>> -> memref<1x4x1x2048xf32, #tpu.memory_space<vmem>>
          %dma_wait3A_862 = tpu.memref_squeeze %dma_wait3A_861 : memref<1x4x1x2048xf32, #tpu.memory_space<vmem>> -> memref<4x1x2048xf32, #tpu.memory_space<vmem>>
          tpu.wait_dma2 semaphore(%arg19 : memref<!tpu.dma_semaphore, #tpu.memory_space<semaphore_mem>>) src(%dma_wait3A_862 : memref<4x1x2048xf32, #tpu.memory_space<vmem>>) dst(%dma_wait3A_857 : memref<4x1x2048xf32, #tpu.memory_space<hbm>>)
        } else {
        }
        %mul3A_810 = arith.constant 1 : i32
        %mul3A_811 = arith.muli %add3A_348, %mul3A_810 : i32
        %add3A_812 = arith.addi %mul3A_2, %mul3A_811 : i32
        %dma_start3A_813 = arith.constant 4 : i32
        %dma_start3A_814 = arith.constant 0 : i32
        %dma_start3A_815 = arith.constant 0 : i32
        %dma_start3A_816 = tpu.memref_slice %arg5[%dma_start3A_813, %dma_start3A_814, %dma_start3A_815] : memref<8x1x2048xf32, #tpu.memory_space<vmem>> -> memref<1x1x2048xf32, #tpu.memory_space<vmem>>
        %dma_start3A_817 = tpu.memref_squeeze %dma_start3A_816 : memref<1x1x2048xf32, #tpu.memory_space<vmem>> -> memref<1x2048xf32, #tpu.memory_space<vmem>>
        %dma_start3A_818 = arith.constant 0 : i32
        %dma_start3A_819 = tpu.memref_slice %arg3[%add3A_812, %dma_start3A_818] : memref<2048x2048xf32, #tpu.memory_space<hbm>> -> memref<1x2048xf32, #tpu.memory_space<hbm>>
        %dma_start3A_820 = arith.constant 0 : i32
        %dma_start3A_821 = arith.constant 0 : i32
        %dma_start3A_822 = tpu.memref_slice %arg5[%dma_start3A_813, %dma_start3A_820, %dma_start3A_821] : memref<8x1x2048xf32, #tpu.memory_space<vmem>> -> memref<1x1x2048xf32, #tpu.memory_space<vmem>>
        %dma_start3A_823 = tpu.memref_squeeze %dma_start3A_822 : memref<1x1x2048xf32, #tpu.memory_space<vmem>> -> memref<1x2048xf32, #tpu.memory_space<vmem>>
        %dma_start3A_824 = arith.constant 0 : i32
        %dma_start3A_825 = tpu.memref_slice %arg3[%add3A_812, %dma_start3A_824] : memref<2048x2048xf32, #tpu.memory_space<hbm>> -> memref<1x2048xf32, #tpu.memory_space<hbm>>
        tpu.enqueue_dma source(%dma_start3A_825 : memref<1x2048xf32, #tpu.memory_space<hbm>>) target(%dma_start3A_823 : memref<1x2048xf32, #tpu.memory_space<vmem>>) target_semaphore(%arg11 : memref<!tpu.dma_semaphore, #tpu.memory_space<semaphore_mem>>)
        %dma_start3A_826 = arith.constant 4 : i32
        %dma_start3A_827 = arith.constant 0 : i32
        %dma_start3A_828 = arith.constant 0 : i32
        %dma_start3A_829 = arith.constant 0 : i32
        %dma_start3A_830 = tpu.memref_slice %arg6[%dma_start3A_826, %dma_start3A_827, %dma_start3A_828, %dma_start3A_829] : memref<8x4x1x2048xf32, #tpu.memory_space<vmem>> -> memref<1x4x1x2048xf32, #tpu.memory_space<vmem>>
        %dma_start3A_831 = tpu.memref_squeeze %dma_start3A_830 : memref<1x4x1x2048xf32, #tpu.memory_space<vmem>> -> memref<4x1x2048xf32, #tpu.memory_space<vmem>>
        %dma_start3A_832 = arith.constant 0 : i32
        %dma_start3A_833 = arith.constant 0 : i32
        %dma_start3A_834 = tpu.memref_slice %arg2[%dma_start3A_832, %add3A_812, %dma_start3A_833] : memref<4x2048x2048xf32, #tpu.memory_space<hbm>> -> memref<4x1x2048xf32, #tpu.memory_space<hbm>>
        %dma_start3A_835 = arith.constant 0 : i32
        %dma_start3A_836 = arith.constant 0 : i32
        %dma_start3A_837 = arith.constant 0 : i32
        %dma_start3A_838 = tpu.memref_slice %arg6[%dma_start3A_826, %dma_start3A_835, %dma_start3A_836, %dma_start3A_837] : memref<8x4x1x2048xf32, #tpu.memory_space<vmem>> -> memref<1x4x1x2048xf32, #tpu.memory_space<vmem>>
        %dma_start3A_839 = tpu.memref_squeeze %dma_start3A_838 : memref<1x4x1x2048xf32, #tpu.memory_space<vmem>> -> memref<4x1x2048xf32, #tpu.memory_space<vmem>>
        %dma_start3A_840 = arith.constant 0 : i32
        %dma_start3A_841 = arith.constant 0 : i32
        %dma_start3A_842 = tpu.memref_slice %arg2[%dma_start3A_840, %add3A_812, %dma_start3A_841] : memref<4x2048x2048xf32, #tpu.memory_space<hbm>> -> memref<4x1x2048xf32, #tpu.memory_space<hbm>>
        tpu.enqueue_dma source(%dma_start3A_842 : memref<4x1x2048xf32, #tpu.memory_space<hbm>>) target(%dma_start3A_839 : memref<4x1x2048xf32, #tpu.memory_space<vmem>>) target_semaphore(%arg11 : memref<!tpu.dma_semaphore, #tpu.memory_space<semaphore_mem>>)
      } else {
      }
      %add3A_351 = arith.constant 1 : i32
      %add3A_352 = arith.addi %add3A_289, %add3A_351 : i32
      %mul3A_353 = arith.constant 1 : i32
      %mul3A_354 = arith.muli %add3A_352, %mul3A_353 : i32
      %add3A_355 = arith.addi %mul3A_2, %mul3A_354 : i32
      %dma_wait3A_356 = arith.constant 1 : i32
      %dma_wait3A_357 = arith.constant 0 : i32
      %dma_wait3A_358 = arith.constant 0 : i32
      %dma_wait3A_359 = tpu.memref_slice %arg5[%dma_wait3A_356, %dma_wait3A_357, %dma_wait3A_358] : memref<8x1x2048xf32, #tpu.memory_space<vmem>> -> memref<1x1x2048xf32, #tpu.memory_space<vmem>>
      %dma_wait3A_360 = tpu.memref_squeeze %dma_wait3A_359 : memref<1x1x2048xf32, #tpu.memory_space<vmem>> -> memref<1x2048xf32, #tpu.memory_space<vmem>>
      %dma_wait3A_361 = arith.constant 0 : i32
      %dma_wait3A_362 = tpu.memref_slice %arg3[%add3A_355, %dma_wait3A_361] : memref<2048x2048xf32, #tpu.memory_space<hbm>> -> memref<1x2048xf32, #tpu.memory_space<hbm>>
      %dma_wait3A_363 = arith.constant 0 : i32
      %dma_wait3A_364 = arith.constant 0 : i32
      %dma_wait3A_365 = tpu.memref_slice %arg5[%dma_wait3A_356, %dma_wait3A_363, %dma_wait3A_364] : memref<8x1x2048xf32, #tpu.memory_space<vmem>> -> memref<1x1x2048xf32, #tpu.memory_space<vmem>>
      %dma_wait3A_366 = tpu.memref_squeeze %dma_wait3A_365 : memref<1x1x2048xf32, #tpu.memory_space<vmem>> -> memref<1x2048xf32, #tpu.memory_space<vmem>>
      %dma_wait3A_367 = arith.constant 0 : i32
      %dma_wait3A_368 = tpu.memref_slice %arg3[%add3A_355, %dma_wait3A_367] : memref<2048x2048xf32, #tpu.memory_space<hbm>> -> memref<1x2048xf32, #tpu.memory_space<hbm>>
      tpu.wait_dma2 semaphore(%arg8 : memref<!tpu.dma_semaphore, #tpu.memory_space<semaphore_mem>>) src(%dma_wait3A_368 : memref<1x2048xf32, #tpu.memory_space<hbm>>) dst(%dma_wait3A_366 : memref<1x2048xf32, #tpu.memory_space<vmem>>)
      %dma_wait3A_369 = arith.constant 1 : i32
      %dma_wait3A_370 = arith.constant 0 : i32
      %dma_wait3A_371 = arith.constant 0 : i32
      %dma_wait3A_372 = arith.constant 0 : i32
      %dma_wait3A_373 = tpu.memref_slice %arg6[%dma_wait3A_369, %dma_wait3A_370, %dma_wait3A_371, %dma_wait3A_372] : memref<8x4x1x2048xf32, #tpu.memory_space<vmem>> -> memref<1x4x1x2048xf32, #tpu.memory_space<vmem>>
      %dma_wait3A_374 = tpu.memref_squeeze %dma_wait3A_373 : memref<1x4x1x2048xf32, #tpu.memory_space<vmem>> -> memref<4x1x2048xf32, #tpu.memory_space<vmem>>
      %dma_wait3A_375 = arith.constant 0 : i32
      %dma_wait3A_376 = arith.constant 0 : i32
      %dma_wait3A_377 = tpu.memref_slice %arg2[%dma_wait3A_375, %add3A_355, %dma_wait3A_376] : memref<4x2048x2048xf32, #tpu.memory_space<hbm>> -> memref<4x1x2048xf32, #tpu.memory_space<hbm>>
      %dma_wait3A_378 = arith.constant 0 : i32
      %dma_wait3A_379 = arith.constant 0 : i32
      %dma_wait3A_380 = arith.constant 0 : i32
      %dma_wait3A_381 = tpu.memref_slice %arg6[%dma_wait3A_369, %dma_wait3A_378, %dma_wait3A_379, %dma_wait3A_380] : memref<8x4x1x2048xf32, #tpu.memory_space<vmem>> -> memref<1x4x1x2048xf32, #tpu.memory_space<vmem>>
      %dma_wait3A_382 = tpu.memref_squeeze %dma_wait3A_381 : memref<1x4x1x2048xf32, #tpu.memory_space<vmem>> -> memref<4x1x2048xf32, #tpu.memory_space<vmem>>
      %dma_wait3A_383 = arith.constant 0 : i32
      %dma_wait3A_384 = arith.constant 0 : i32
      %dma_wait3A_385 = tpu.memref_slice %arg2[%dma_wait3A_383, %add3A_355, %dma_wait3A_384] : memref<4x2048x2048xf32, #tpu.memory_space<hbm>> -> memref<4x1x2048xf32, #tpu.memory_space<hbm>>
      tpu.wait_dma2 semaphore(%arg8 : memref<!tpu.dma_semaphore, #tpu.memory_space<semaphore_mem>>) src(%dma_wait3A_385 : memref<4x1x2048xf32, #tpu.memory_space<hbm>>) dst(%dma_wait3A_382 : memref<4x1x2048xf32, #tpu.memory_space<vmem>>)
      %parallel_loop3A_386 = arith.constant 0 : i32
      %parallel_loop3A_387 = arith.constant 128 : i32
      %parallel_loop3A_388 = arith.constant 1 : i32
      scf.for %parallel_loop3A_806 = %parallel_loop3A_386 to %parallel_loop3A_387 step %parallel_loop3A_388  : i32 {
        %parallel_loop3A_807 = arith.constant 16 : i32
        %parallel_loop3A_808 = arith.muli %parallel_loop3A_806, %parallel_loop3A_807 : i32
        %parallel_loop3A_809 = arith.constant 1 : i32
        %parallel_loop3A_810 = arith.constant 0 : i32
        %parallel_loop3A_811 = arith.index_cast %parallel_loop3A_809 : i32 to index
        %parallel_loop3A_812 = arith.index_cast %parallel_loop3A_810 : i32 to index
        %parallel_loop3A_813 = arith.index_cast %parallel_loop3A_808 : i32 to index
        %parallel_loop3A_814 = tpu.vector_load %arg5[%parallel_loop3A_811, %parallel_loop3A_812, %parallel_loop3A_813] {strides = array<i32>} : memref<8x1x2048xf32, #tpu.memory_space<vmem>>, vector<1x1x16xf32>,
        %parallel_loop3A_815 = vector.shape_cast %parallel_loop3A_814 : vector<1x1x16xf32> to vector<16xf32>
        %parallel_loop3A_816 = arith.constant 16 : i32
        %parallel_loop3A_817 = arith.muli %parallel_loop3A_806, %parallel_loop3A_816 : i32
        %parallel_loop3A_818 = arith.constant 1 : i32
        %parallel_loop3A_819 = arith.constant 0 : i32
        %parallel_loop3A_820 = arith.constant 0 : i32
        %parallel_loop3A_821 = arith.index_cast %parallel_loop3A_818 : i32 to index
        %parallel_loop3A_822 = arith.index_cast %parallel_loop3A_819 : i32 to index
        %parallel_loop3A_823 = arith.index_cast %parallel_loop3A_820 : i32 to index
        %parallel_loop3A_824 = arith.index_cast %parallel_loop3A_817 : i32 to index
        %parallel_loop3A_825 = tpu.vector_load %arg6[%parallel_loop3A_821, %parallel_loop3A_822, %parallel_loop3A_823, %parallel_loop3A_824] {strides = array<i32>} : memref<8x4x1x2048xf32, #tpu.memory_space<vmem>>, vector<1x1x1x16xf32>,
        %parallel_loop3A_826 = vector.shape_cast %parallel_loop3A_825 : vector<1x1x1x16xf32> to vector<16xf32>
        %parallel_loop3A_827 = arith.addf %parallel_loop3A_826, %parallel_loop3A_815 : vector<16xf32>
        %parallel_loop3A_828 = arith.constant 16 : i32
        %parallel_loop3A_829 = arith.muli %parallel_loop3A_806, %parallel_loop3A_828 : i32
        %parallel_loop3A_830 = arith.constant 1 : i32
        %parallel_loop3A_831 = arith.constant 0 : i32
        %parallel_loop3A_832 = arith.constant 0 : i32
        %parallel_loop3A_833 = arith.index_cast %parallel_loop3A_830 : i32 to index
        %parallel_loop3A_834 = arith.index_cast %parallel_loop3A_831 : i32 to index
        %parallel_loop3A_835 = arith.index_cast %parallel_loop3A_832 : i32 to index
        %parallel_loop3A_836 = arith.index_cast %parallel_loop3A_829 : i32 to index
        %parallel_loop3A_837 = tpu.vector_load %arg6[%parallel_loop3A_833, %parallel_loop3A_834, %parallel_loop3A_835, %parallel_loop3A_836] {strides = array<i32>} : memref<8x4x1x2048xf32, #tpu.memory_space<vmem>>, vector<1x1x1x16xf32>,
        %parallel_loop3A_838 = vector.shape_cast %parallel_loop3A_837 : vector<1x1x1x16xf32> to vector<16xf32>
        %parallel_loop3A_839 = vector.shape_cast %parallel_loop3A_827 : vector<16xf32> to vector<1x1x1x16xf32>
        tpu.vector_store %arg6[%parallel_loop3A_833, %parallel_loop3A_834, %parallel_loop3A_835, %parallel_loop3A_836], %parallel_loop3A_839 {strides = array<i32>} : memref<8x4x1x2048xf32, #tpu.memory_space<vmem>>, vector<1x1x1x16xf32>,
        %parallel_loop3A_840 = arith.constant 16 : i32
        %parallel_loop3A_841 = arith.muli %parallel_loop3A_806, %parallel_loop3A_840 : i32
        %parallel_loop3A_842 = arith.constant 1 : i32
        %parallel_loop3A_843 = arith.constant 1 : i32
        %parallel_loop3A_844 = arith.constant 0 : i32
        %parallel_loop3A_845 = arith.index_cast %parallel_loop3A_842 : i32 to index
        %parallel_loop3A_846 = arith.index_cast %parallel_loop3A_843 : i32 to index
        %parallel_loop3A_847 = arith.index_cast %parallel_loop3A_844 : i32 to index
        %parallel_loop3A_848 = arith.index_cast %parallel_loop3A_841 : i32 to index
        %parallel_loop3A_849 = tpu.vector_load %arg6[%parallel_loop3A_845, %parallel_loop3A_846, %parallel_loop3A_847, %parallel_loop3A_848] {strides = array<i32>} : memref<8x4x1x2048xf32, #tpu.memory_space<vmem>>, vector<1x1x1x16xf32>,
        %parallel_loop3A_850 = vector.shape_cast %parallel_loop3A_849 : vector<1x1x1x16xf32> to vector<16xf32>
        %parallel_loop3A_851 = arith.addf %parallel_loop3A_850, %parallel_loop3A_815 : vector<16xf32>
        %parallel_loop3A_852 = arith.constant 16 : i32
        %parallel_loop3A_853 = arith.muli %parallel_loop3A_806, %parallel_loop3A_852 : i32
        %parallel_loop3A_854 = arith.constant 1 : i32
        %parallel_loop3A_855 = arith.constant 1 : i32
        %parallel_loop3A_856 = arith.constant 0 : i32
        %parallel_loop3A_857 = arith.index_cast %parallel_loop3A_854 : i32 to index
        %parallel_loop3A_858 = arith.index_cast %parallel_loop3A_855 : i32 to index
        %parallel_loop3A_859 = arith.index_cast %parallel_loop3A_856 : i32 to index
        %parallel_loop3A_860 = arith.index_cast %parallel_loop3A_853 : i32 to index
        %parallel_loop3A_861 = tpu.vector_load %arg6[%parallel_loop3A_857, %parallel_loop3A_858, %parallel_loop3A_859, %parallel_loop3A_860] {strides = array<i32>} : memref<8x4x1x2048xf32, #tpu.memory_space<vmem>>, vector<1x1x1x16xf32>,
        %parallel_loop3A_862 = vector.shape_cast %parallel_loop3A_861 : vector<1x1x1x16xf32> to vector<16xf32>
        %parallel_loop3A_863 = vector.shape_cast %parallel_loop3A_851 : vector<16xf32> to vector<1x1x1x16xf32>
        tpu.vector_store %arg6[%parallel_loop3A_857, %parallel_loop3A_858, %parallel_loop3A_859, %parallel_loop3A_860], %parallel_loop3A_863 {strides = array<i32>} : memref<8x4x1x2048xf32, #tpu.memory_space<vmem>>, vector<1x1x1x16xf32>,
        %parallel_loop3A_864 = arith.constant 16 : i32
        %parallel_loop3A_865 = arith.muli %parallel_loop3A_806, %parallel_loop3A_864 : i32
        %parallel_loop3A_866 = arith.constant 1 : i32
        %parallel_loop3A_867 = arith.constant 2 : i32
        %parallel_loop3A_868 = arith.constant 0 : i32
        %parallel_loop3A_869 = arith.index_cast %parallel_loop3A_866 : i32 to index
        %parallel_loop3A_870 = arith.index_cast %parallel_loop3A_867 : i32 to index
        %parallel_loop3A_871 = arith.index_cast %parallel_loop3A_868 : i32 to index
        %parallel_loop3A_872 = arith.index_cast %parallel_loop3A_865 : i32 to index
        %parallel_loop3A_873 = tpu.vector_load %arg6[%parallel_loop3A_869, %parallel_loop3A_870, %parallel_loop3A_871, %parallel_loop3A_872] {strides = array<i32>} : memref<8x4x1x2048xf32, #tpu.memory_space<vmem>>, vector<1x1x1x16xf32>,
        %parallel_loop3A_874 = vector.shape_cast %parallel_loop3A_873 : vector<1x1x1x16xf32> to vector<16xf32>
        %parallel_loop3A_875 = arith.addf %parallel_loop3A_874, %parallel_loop3A_815 : vector<16xf32>
        %parallel_loop3A_876 = arith.constant 16 : i32
        %parallel_loop3A_877 = arith.muli %parallel_loop3A_806, %parallel_loop3A_876 : i32
        %parallel_loop3A_878 = arith.constant 1 : i32
        %parallel_loop3A_879 = arith.constant 2 : i32
        %parallel_loop3A_880 = arith.constant 0 : i32
        %parallel_loop3A_881 = arith.index_cast %parallel_loop3A_878 : i32 to index
        %parallel_loop3A_882 = arith.index_cast %parallel_loop3A_879 : i32 to index
        %parallel_loop3A_883 = arith.index_cast %parallel_loop3A_880 : i32 to index
        %parallel_loop3A_884 = arith.index_cast %parallel_loop3A_877 : i32 to index
        %parallel_loop3A_885 = tpu.vector_load %arg6[%parallel_loop3A_881, %parallel_loop3A_882, %parallel_loop3A_883, %parallel_loop3A_884] {strides = array<i32>} : memref<8x4x1x2048xf32, #tpu.memory_space<vmem>>, vector<1x1x1x16xf32>,
        %parallel_loop3A_886 = vector.shape_cast %parallel_loop3A_885 : vector<1x1x1x16xf32> to vector<16xf32>
        %parallel_loop3A_887 = vector.shape_cast %parallel_loop3A_875 : vector<16xf32> to vector<1x1x1x16xf32>
        tpu.vector_store %arg6[%parallel_loop3A_881, %parallel_loop3A_882, %parallel_loop3A_883, %parallel_loop3A_884], %parallel_loop3A_887 {strides = array<i32>} : memref<8x4x1x2048xf32, #tpu.memory_space<vmem>>, vector<1x1x1x16xf32>,
        %parallel_loop3A_888 = arith.constant 16 : i32
        %parallel_loop3A_889 = arith.muli %parallel_loop3A_806, %parallel_loop3A_888 : i32
        %parallel_loop3A_890 = arith.constant 1 : i32
        %parallel_loop3A_891 = arith.constant 3 : i32
        %parallel_loop3A_892 = arith.constant 0 : i32
        %parallel_loop3A_893 = arith.index_cast %parallel_loop3A_890 : i32 to index
        %parallel_loop3A_894 = arith.index_cast %parallel_loop3A_891 : i32 to index
        %parallel_loop3A_895 = arith.index_cast %parallel_loop3A_892 : i32 to index
        %parallel_loop3A_896 = arith.index_cast %parallel_loop3A_889 : i32 to index
        %parallel_loop3A_897 = tpu.vector_load %arg6[%parallel_loop3A_893, %parallel_loop3A_894, %parallel_loop3A_895, %parallel_loop3A_896] {strides = array<i32>} : memref<8x4x1x2048xf32, #tpu.memory_space<vmem>>, vector<1x1x1x16xf32>,
        %parallel_loop3A_898 = vector.shape_cast %parallel_loop3A_897 : vector<1x1x1x16xf32> to vector<16xf32>
        %parallel_loop3A_899 = arith.addf %parallel_loop3A_898, %parallel_loop3A_815 : vector<16xf32>
        %parallel_loop3A_900 = arith.constant 16 : i32
        %parallel_loop3A_901 = arith.muli %parallel_loop3A_806, %parallel_loop3A_900 : i32
        %parallel_loop3A_902 = arith.constant 1 : i32
        %parallel_loop3A_903 = arith.constant 3 : i32
        %parallel_loop3A_904 = arith.constant 0 : i32
        %parallel_loop3A_905 = arith.index_cast %parallel_loop3A_902 : i32 to index
        %parallel_loop3A_906 = arith.index_cast %parallel_loop3A_903 : i32 to index
        %parallel_loop3A_907 = arith.index_cast %parallel_loop3A_904 : i32 to index
        %parallel_loop3A_908 = arith.index_cast %parallel_loop3A_901 : i32 to index
        %parallel_loop3A_909 = tpu.vector_load %arg6[%parallel_loop3A_905, %parallel_loop3A_906, %parallel_loop3A_907, %parallel_loop3A_908] {strides = array<i32>} : memref<8x4x1x2048xf32, #tpu.memory_space<vmem>>, vector<1x1x1x16xf32>,
        %parallel_loop3A_910 = vector.shape_cast %parallel_loop3A_909 : vector<1x1x1x16xf32> to vector<16xf32>
        %parallel_loop3A_911 = vector.shape_cast %parallel_loop3A_899 : vector<16xf32> to vector<1x1x1x16xf32>
        tpu.vector_store %arg6[%parallel_loop3A_905, %parallel_loop3A_906, %parallel_loop3A_907, %parallel_loop3A_908], %parallel_loop3A_911 {strides = array<i32>} : memref<8x4x1x2048xf32, #tpu.memory_space<vmem>>, vector<1x1x1x16xf32>,
      } {sc.loop_unroll_factor = 8 : i64, sc.parallel_access}
      %mul3A_389 = arith.constant 1 : i32
      %mul3A_390 = arith.muli %add3A_352, %mul3A_389 : i32
      %add3A_391 = arith.addi %mul3A_2, %mul3A_390 : i32
      %dma_start3A_392 = arith.constant 1 : i32
      %dma_start3A_393 = arith.constant 0 : i32
      %dma_start3A_394 = arith.constant 0 : i32
      %dma_start3A_395 = arith.constant 0 : i32
      %dma_start3A_396 = tpu.memref_slice %arg6[%dma_start3A_392, %dma_start3A_393, %dma_start3A_394, %dma_start3A_395] : memref<8x4x1x2048xf32, #tpu.memory_space<vmem>> -> memref<1x4x1x2048xf32, #tpu.memory_space<vmem>>
      %dma_start3A_397 = tpu.memref_squeeze %dma_start3A_396 : memref<1x4x1x2048xf32, #tpu.memory_space<vmem>> -> memref<4x1x2048xf32, #tpu.memory_space<vmem>>
      %dma_start3A_398 = arith.constant 0 : i32
      %dma_start3A_399 = arith.constant 0 : i32
      %dma_start3A_400 = tpu.memref_slice %arg4[%dma_start3A_398, %add3A_391, %dma_start3A_399] : memref<4x2048x2048xf32, #tpu.memory_space<hbm>> -> memref<4x1x2048xf32, #tpu.memory_space<hbm>>
      %dma_start3A_401 = arith.constant 0 : i32
      %dma_start3A_402 = arith.constant 0 : i32
      %dma_start3A_403 = tpu.memref_slice %arg4[%dma_start3A_401, %add3A_391, %dma_start3A_402] : memref<4x2048x2048xf32, #tpu.memory_space<hbm>> -> memref<4x1x2048xf32, #tpu.memory_space<hbm>>
      %dma_start3A_404 = arith.constant 0 : i32
      %dma_start3A_405 = arith.constant 0 : i32
      %dma_start3A_406 = arith.constant 0 : i32
      %dma_start3A_407 = tpu.memref_slice %arg6[%dma_start3A_392, %dma_start3A_404, %dma_start3A_405, %dma_start3A_406] : memref<8x4x1x2048xf32, #tpu.memory_space<vmem>> -> memref<1x4x1x2048xf32, #tpu.memory_space<vmem>>
      %dma_start3A_408 = tpu.memref_squeeze %dma_start3A_407 : memref<1x4x1x2048xf32, #tpu.memory_space<vmem>> -> memref<4x1x2048xf32, #tpu.memory_space<vmem>>
      tpu.enqueue_dma source(%dma_start3A_408 : memref<4x1x2048xf32, #tpu.memory_space<vmem>>) target(%dma_start3A_403 : memref<4x1x2048xf32, #tpu.memory_space<hbm>>) target_semaphore(%arg16 : memref<!tpu.dma_semaphore, #tpu.memory_space<semaphore_mem>>)
      %add3A_409 = arith.constant 4 : i32
      %add3A_410 = arith.addi %add3A_352, %add3A_409 : i32
      %lt3A_411 = arith.constant 64 : i32
      %lt3A_412 = arith.cmpi slt, %add3A_410, %lt3A_411 : i32
      %convert_element_type3A_413 = arith.extui %lt3A_412 : i1 to i32
      %cond3A_414 = arith.constant 0 : i32
      %cond3A_415 = arith.cmpi ne, %convert_element_type3A_413, %cond3A_414 : i32
      scf.if %cond3A_415 {
        %ge3A = arith.constant 8 : i32
        %ge3A_806 = arith.cmpi sge, %add3A_410, %ge3A : i32
        %convert_element_type3A_807 = arith.extui %ge3A_806 : i1 to i32
        %cond3A_808 = arith.constant 0 : i32
        %cond3A_809 = arith.cmpi ne, %convert_element_type3A_807, %cond3A_808 : i32
        scf.if %cond3A_809 {
          %mul3A_843 = arith.constant 1 : i32
          %mul3A_844 = arith.muli %add3A_410, %mul3A_843 : i32
          %add3A_845 = arith.addi %mul3A_2, %mul3A_844 : i32
          %dma_wait3A_846 = arith.constant 5 : i32
          %dma_wait3A_847 = arith.constant 0 : i32
          %dma_wait3A_848 = arith.constant 0 : i32
          %dma_wait3A_849 = arith.constant 0 : i32
          %dma_wait3A_850 = tpu.memref_slice %arg6[%dma_wait3A_846, %dma_wait3A_847, %dma_wait3A_848, %dma_wait3A_849] : memref<8x4x1x2048xf32, #tpu.memory_space<vmem>> -> memref<1x4x1x2048xf32, #tpu.memory_space<vmem>>
          %dma_wait3A_851 = tpu.memref_squeeze %dma_wait3A_850 : memref<1x4x1x2048xf32, #tpu.memory_space<vmem>> -> memref<4x1x2048xf32, #tpu.memory_space<vmem>>
          %dma_wait3A_852 = arith.constant 0 : i32
          %dma_wait3A_853 = arith.constant 0 : i32
          %dma_wait3A_854 = tpu.memref_slice %arg4[%dma_wait3A_852, %add3A_845, %dma_wait3A_853] : memref<4x2048x2048xf32, #tpu.memory_space<hbm>> -> memref<4x1x2048xf32, #tpu.memory_space<hbm>>
          %dma_wait3A_855 = arith.constant 0 : i32
          %dma_wait3A_856 = arith.constant 0 : i32
          %dma_wait3A_857 = tpu.memref_slice %arg4[%dma_wait3A_855, %add3A_845, %dma_wait3A_856] : memref<4x2048x2048xf32, #tpu.memory_space<hbm>> -> memref<4x1x2048xf32, #tpu.memory_space<hbm>>
          %dma_wait3A_858 = arith.constant 0 : i32
          %dma_wait3A_859 = arith.constant 0 : i32
          %dma_wait3A_860 = arith.constant 0 : i32
          %dma_wait3A_861 = tpu.memref_slice %arg6[%dma_wait3A_846, %dma_wait3A_858, %dma_wait3A_859, %dma_wait3A_860] : memref<8x4x1x2048xf32, #tpu.memory_space<vmem>> -> memref<1x4x1x2048xf32, #tpu.memory_space<vmem>>
          %dma_wait3A_862 = tpu.memref_squeeze %dma_wait3A_861 : memref<1x4x1x2048xf32, #tpu.memory_space<vmem>> -> memref<4x1x2048xf32, #tpu.memory_space<vmem>>
          tpu.wait_dma2 semaphore(%arg20 : memref<!tpu.dma_semaphore, #tpu.memory_space<semaphore_mem>>) src(%dma_wait3A_862 : memref<4x1x2048xf32, #tpu.memory_space<vmem>>) dst(%dma_wait3A_857 : memref<4x1x2048xf32, #tpu.memory_space<hbm>>)
        } else {
        }
        %mul3A_810 = arith.constant 1 : i32
        %mul3A_811 = arith.muli %add3A_410, %mul3A_810 : i32
        %add3A_812 = arith.addi %mul3A_2, %mul3A_811 : i32
        %dma_start3A_813 = arith.constant 5 : i32
        %dma_start3A_814 = arith.constant 0 : i32
        %dma_start3A_815 = arith.constant 0 : i32
        %dma_start3A_816 = tpu.memref_slice %arg5[%dma_start3A_813, %dma_start3A_814, %dma_start3A_815] : memref<8x1x2048xf32, #tpu.memory_space<vmem>> -> memref<1x1x2048xf32, #tpu.memory_space<vmem>>
        %dma_start3A_817 = tpu.memref_squeeze %dma_start3A_816 : memref<1x1x2048xf32, #tpu.memory_space<vmem>> -> memref<1x2048xf32, #tpu.memory_space<vmem>>
        %dma_start3A_818 = arith.constant 0 : i32
        %dma_start3A_819 = tpu.memref_slice %arg3[%add3A_812, %dma_start3A_818] : memref<2048x2048xf32, #tpu.memory_space<hbm>> -> memref<1x2048xf32, #tpu.memory_space<hbm>>
        %dma_start3A_820 = arith.constant 0 : i32
        %dma_start3A_821 = arith.constant 0 : i32
        %dma_start3A_822 = tpu.memref_slice %arg5[%dma_start3A_813, %dma_start3A_820, %dma_start3A_821] : memref<8x1x2048xf32, #tpu.memory_space<vmem>> -> memref<1x1x2048xf32, #tpu.memory_space<vmem>>
        %dma_start3A_823 = tpu.memref_squeeze %dma_start3A_822 : memref<1x1x2048xf32, #tpu.memory_space<vmem>> -> memref<1x2048xf32, #tpu.memory_space<vmem>>
        %dma_start3A_824 = arith.constant 0 : i32
        %dma_start3A_825 = tpu.memref_slice %arg3[%add3A_812, %dma_start3A_824] : memref<2048x2048xf32, #tpu.memory_space<hbm>> -> memref<1x2048xf32, #tpu.memory_space<hbm>>
        tpu.enqueue_dma source(%dma_start3A_825 : memref<1x2048xf32, #tpu.memory_space<hbm>>) target(%dma_start3A_823 : memref<1x2048xf32, #tpu.memory_space<vmem>>) target_semaphore(%arg12 : memref<!tpu.dma_semaphore, #tpu.memory_space<semaphore_mem>>)
        %dma_start3A_826 = arith.constant 5 : i32
        %dma_start3A_827 = arith.constant 0 : i32
        %dma_start3A_828 = arith.constant 0 : i32
        %dma_start3A_829 = arith.constant 0 : i32
        %dma_start3A_830 = tpu.memref_slice %arg6[%dma_start3A_826, %dma_start3A_827, %dma_start3A_828, %dma_start3A_829] : memref<8x4x1x2048xf32, #tpu.memory_space<vmem>> -> memref<1x4x1x2048xf32, #tpu.memory_space<vmem>>
        %dma_start3A_831 = tpu.memref_squeeze %dma_start3A_830 : memref<1x4x1x2048xf32, #tpu.memory_space<vmem>> -> memref<4x1x2048xf32, #tpu.memory_space<vmem>>
        %dma_start3A_832 = arith.constant 0 : i32
        %dma_start3A_833 = arith.constant 0 : i32
        %dma_start3A_834 = tpu.memref_slice %arg2[%dma_start3A_832, %add3A_812, %dma_start3A_833] : memref<4x2048x2048xf32, #tpu.memory_space<hbm>> -> memref<4x1x2048xf32, #tpu.memory_space<hbm>>
        %dma_start3A_835 = arith.constant 0 : i32
        %dma_start3A_836 = arith.constant 0 : i32
        %dma_start3A_837 = arith.constant 0 : i32
        %dma_start3A_838 = tpu.memref_slice %arg6[%dma_start3A_826, %dma_start3A_835, %dma_start3A_836, %dma_start3A_837] : memref<8x4x1x2048xf32, #tpu.memory_space<vmem>> -> memref<1x4x1x2048xf32, #tpu.memory_space<vmem>>
        %dma_start3A_839 = tpu.memref_squeeze %dma_start3A_838 : memref<1x4x1x2048xf32, #tpu.memory_space<vmem>> -> memref<4x1x2048xf32, #tpu.memory_space<vmem>>
        %dma_start3A_840 = arith.constant 0 : i32
        %dma_start3A_841 = arith.constant 0 : i32
        %dma_start3A_842 = tpu.memref_slice %arg2[%dma_start3A_840, %add3A_812, %dma_start3A_841] : memref<4x2048x2048xf32, #tpu.memory_space<hbm>> -> memref<4x1x2048xf32, #tpu.memory_space<hbm>>
        tpu.enqueue_dma source(%dma_start3A_842 : memref<4x1x2048xf32, #tpu.memory_space<hbm>>) target(%dma_start3A_839 : memref<4x1x2048xf32, #tpu.memory_space<vmem>>) target_semaphore(%arg12 : memref<!tpu.dma_semaphore, #tpu.memory_space<semaphore_mem>>)
      } else {
      }
      %add3A_416 = arith.constant 2 : i32
      %add3A_417 = arith.addi %add3A_289, %add3A_416 : i32
      %mul3A_418 = arith.constant 1 : i32
      %mul3A_419 = arith.muli %add3A_417, %mul3A_418 : i32
      %add3A_420 = arith.addi %mul3A_2, %mul3A_419 : i32
      %dma_wait3A_421 = arith.constant 2 : i32
      %dma_wait3A_422 = arith.constant 0 : i32
      %dma_wait3A_423 = arith.constant 0 : i32
      %dma_wait3A_424 = tpu.memref_slice %arg5[%dma_wait3A_421, %dma_wait3A_422, %dma_wait3A_423] : memref<8x1x2048xf32, #tpu.memory_space<vmem>> -> memref<1x1x2048xf32, #tpu.memory_space<vmem>>
      %dma_wait3A_425 = tpu.memref_squeeze %dma_wait3A_424 : memref<1x1x2048xf32, #tpu.memory_space<vmem>> -> memref<1x2048xf32, #tpu.memory_space<vmem>>
      %dma_wait3A_426 = arith.constant 0 : i32
      %dma_wait3A_427 = tpu.memref_slice %arg3[%add3A_420, %dma_wait3A_426] : memref<2048x2048xf32, #tpu.memory_space<hbm>> -> memref<1x2048xf32, #tpu.memory_space<hbm>>
      %dma_wait3A_428 = arith.constant 0 : i32
      %dma_wait3A_429 = arith.constant 0 : i32
      %dma_wait3A_430 = tpu.memref_slice %arg5[%dma_wait3A_421, %dma_wait3A_428, %dma_wait3A_429] : memref<8x1x2048xf32, #tpu.memory_space<vmem>> -> memref<1x1x2048xf32, #tpu.memory_space<vmem>>
      %dma_wait3A_431 = tpu.memref_squeeze %dma_wait3A_430 : memref<1x1x2048xf32, #tpu.memory_space<vmem>> -> memref<1x2048xf32, #tpu.memory_space<vmem>>
      %dma_wait3A_432 = arith.constant 0 : i32
      %dma_wait3A_433 = tpu.memref_slice %arg3[%add3A_420, %dma_wait3A_432] : memref<2048x2048xf32, #tpu.memory_space<hbm>> -> memref<1x2048xf32, #tpu.memory_space<hbm>>
      tpu.wait_dma2 semaphore(%arg9 : memref<!tpu.dma_semaphore, #tpu.memory_space<semaphore_mem>>) src(%dma_wait3A_433 : memref<1x2048xf32, #tpu.memory_space<hbm>>) dst(%dma_wait3A_431 : memref<1x2048xf32, #tpu.memory_space<vmem>>)
      %dma_wait3A_434 = arith.constant 2 : i32
      %dma_wait3A_435 = arith.constant 0 : i32
      %dma_wait3A_436 = arith.constant 0 : i32
      %dma_wait3A_437 = arith.constant 0 : i32
      %dma_wait3A_438 = tpu.memref_slice %arg6[%dma_wait3A_434, %dma_wait3A_435, %dma_wait3A_436, %dma_wait3A_437] : memref<8x4x1x2048xf32, #tpu.memory_space<vmem>> -> memref<1x4x1x2048xf32, #tpu.memory_space<vmem>>
      %dma_wait3A_439 = tpu.memref_squeeze %dma_wait3A_438 : memref<1x4x1x2048xf32, #tpu.memory_space<vmem>> -> memref<4x1x2048xf32, #tpu.memory_space<vmem>>
      %dma_wait3A_440 = arith.constant 0 : i32
      %dma_wait3A_441 = arith.constant 0 : i32
      %dma_wait3A_442 = tpu.memref_slice %arg2[%dma_wait3A_440, %add3A_420, %dma_wait3A_441] : memref<4x2048x2048xf32, #tpu.memory_space<hbm>> -> memref<4x1x2048xf32, #tpu.memory_space<hbm>>
      %dma_wait3A_443 = arith.constant 0 : i32
      %dma_wait3A_444 = arith.constant 0 : i32
      %dma_wait3A_445 = arith.constant 0 : i32
      %dma_wait3A_446 = tpu.memref_slice %arg6[%dma_wait3A_434, %dma_wait3A_443, %dma_wait3A_444, %dma_wait3A_445] : memref<8x4x1x2048xf32, #tpu.memory_space<vmem>> -> memref<1x4x1x2048xf32, #tpu.memory_space<vmem>>
      %dma_wait3A_447 = tpu.memref_squeeze %dma_wait3A_446 : memref<1x4x1x2048xf32, #tpu.memory_space<vmem>> -> memref<4x1x2048xf32, #tpu.memory_space<vmem>>
      %dma_wait3A_448 = arith.constant 0 : i32
      %dma_wait3A_449 = arith.constant 0 : i32
      %dma_wait3A_450 = tpu.memref_slice %arg2[%dma_wait3A_448, %add3A_420, %dma_wait3A_449] : memref<4x2048x2048xf32, #tpu.memory_space<hbm>> -> memref<4x1x2048xf32, #tpu.memory_space<hbm>>
      tpu.wait_dma2 semaphore(%arg9 : memref<!tpu.dma_semaphore, #tpu.memory_space<semaphore_mem>>) src(%dma_wait3A_450 : memref<4x1x2048xf32, #tpu.memory_space<hbm>>) dst(%dma_wait3A_447 : memref<4x1x2048xf32, #tpu.memory_space<vmem>>)
      %parallel_loop3A_451 = arith.constant 0 : i32
      %parallel_loop3A_452 = arith.constant 128 : i32
      %parallel_loop3A_453 = arith.constant 1 : i32
      scf.for %parallel_loop3A_806 = %parallel_loop3A_451 to %parallel_loop3A_452 step %parallel_loop3A_453  : i32 {
        %parallel_loop3A_807 = arith.constant 16 : i32
        %parallel_loop3A_808 = arith.muli %parallel_loop3A_806, %parallel_loop3A_807 : i32
        %parallel_loop3A_809 = arith.constant 2 : i32
        %parallel_loop3A_810 = arith.constant 0 : i32
        %parallel_loop3A_811 = arith.index_cast %parallel_loop3A_809 : i32 to index
        %parallel_loop3A_812 = arith.index_cast %parallel_loop3A_810 : i32 to index
        %parallel_loop3A_813 = arith.index_cast %parallel_loop3A_808 : i32 to index
        %parallel_loop3A_814 = tpu.vector_load %arg5[%parallel_loop3A_811, %parallel_loop3A_812, %parallel_loop3A_813] {strides = array<i32>} : memref<8x1x2048xf32, #tpu.memory_space<vmem>>, vector<1x1x16xf32>,
        %parallel_loop3A_815 = vector.shape_cast %parallel_loop3A_814 : vector<1x1x16xf32> to vector<16xf32>
        %parallel_loop3A_816 = arith.constant 16 : i32
        %parallel_loop3A_817 = arith.muli %parallel_loop3A_806, %parallel_loop3A_816 : i32
        %parallel_loop3A_818 = arith.constant 2 : i32
        %parallel_loop3A_819 = arith.constant 0 : i32
        %parallel_loop3A_820 = arith.constant 0 : i32
        %parallel_loop3A_821 = arith.index_cast %parallel_loop3A_818 : i32 to index
        %parallel_loop3A_822 = arith.index_cast %parallel_loop3A_819 : i32 to index
        %parallel_loop3A_823 = arith.index_cast %parallel_loop3A_820 : i32 to index
        %parallel_loop3A_824 = arith.index_cast %parallel_loop3A_817 : i32 to index
        %parallel_loop3A_825 = tpu.vector_load %arg6[%parallel_loop3A_821, %parallel_loop3A_822, %parallel_loop3A_823, %parallel_loop3A_824] {strides = array<i32>} : memref<8x4x1x2048xf32, #tpu.memory_space<vmem>>, vector<1x1x1x16xf32>,
        %parallel_loop3A_826 = vector.shape_cast %parallel_loop3A_825 : vector<1x1x1x16xf32> to vector<16xf32>
        %parallel_loop3A_827 = arith.addf %parallel_loop3A_826, %parallel_loop3A_815 : vector<16xf32>
        %parallel_loop3A_828 = arith.constant 16 : i32
        %parallel_loop3A_829 = arith.muli %parallel_loop3A_806, %parallel_loop3A_828 : i32
        %parallel_loop3A_830 = arith.constant 2 : i32
        %parallel_loop3A_831 = arith.constant 0 : i32
        %parallel_loop3A_832 = arith.constant 0 : i32
        %parallel_loop3A_833 = arith.index_cast %parallel_loop3A_830 : i32 to index
        %parallel_loop3A_834 = arith.index_cast %parallel_loop3A_831 : i32 to index
        %parallel_loop3A_835 = arith.index_cast %parallel_loop3A_832 : i32 to index
        %parallel_loop3A_836 = arith.index_cast %parallel_loop3A_829 : i32 to index
        %parallel_loop3A_837 = tpu.vector_load %arg6[%parallel_loop3A_833, %parallel_loop3A_834, %parallel_loop3A_835, %parallel_loop3A_836] {strides = array<i32>} : memref<8x4x1x2048xf32, #tpu.memory_space<vmem>>, vector<1x1x1x16xf32>,
        %parallel_loop3A_838 = vector.shape_cast %parallel_loop3A_837 : vector<1x1x1x16xf32> to vector<16xf32>
        %parallel_loop3A_839 = vector.shape_cast %parallel_loop3A_827 : vector<16xf32> to vector<1x1x1x16xf32>
        tpu.vector_store %arg6[%parallel_loop3A_833, %parallel_loop3A_834, %parallel_loop3A_835, %parallel_loop3A_836], %parallel_loop3A_839 {strides = array<i32>} : memref<8x4x1x2048xf32, #tpu.memory_space<vmem>>, vector<1x1x1x16xf32>,
        %parallel_loop3A_840 = arith.constant 16 : i32
        %parallel_loop3A_841 = arith.muli %parallel_loop3A_806, %parallel_loop3A_840 : i32
        %parallel_loop3A_842 = arith.constant 2 : i32
        %parallel_loop3A_843 = arith.constant 1 : i32
        %parallel_loop3A_844 = arith.constant 0 : i32
        %parallel_loop3A_845 = arith.index_cast %parallel_loop3A_842 : i32 to index
        %parallel_loop3A_846 = arith.index_cast %parallel_loop3A_843 : i32 to index
        %parallel_loop3A_847 = arith.index_cast %parallel_loop3A_844 : i32 to index
        %parallel_loop3A_848 = arith.index_cast %parallel_loop3A_841 : i32 to index
        %parallel_loop3A_849 = tpu.vector_load %arg6[%parallel_loop3A_845, %parallel_loop3A_846, %parallel_loop3A_847, %parallel_loop3A_848] {strides = array<i32>} : memref<8x4x1x2048xf32, #tpu.memory_space<vmem>>, vector<1x1x1x16xf32>,
        %parallel_loop3A_850 = vector.shape_cast %parallel_loop3A_849 : vector<1x1x1x16xf32> to vector<16xf32>
        %parallel_loop3A_851 = arith.addf %parallel_loop3A_850, %parallel_loop3A_815 : vector<16xf32>
        %parallel_loop3A_852 = arith.constant 16 : i32
        %parallel_loop3A_853 = arith.muli %parallel_loop3A_806, %parallel_loop3A_852 : i32
        %parallel_loop3A_854 = arith.constant 2 : i32
        %parallel_loop3A_855 = arith.constant 1 : i32
        %parallel_loop3A_856 = arith.constant 0 : i32
        %parallel_loop3A_857 = arith.index_cast %parallel_loop3A_854 : i32 to index
        %parallel_loop3A_858 = arith.index_cast %parallel_loop3A_855 : i32 to index
        %parallel_loop3A_859 = arith.index_cast %parallel_loop3A_856 : i32 to index
        %parallel_loop3A_860 = arith.index_cast %parallel_loop3A_853 : i32 to index
        %parallel_loop3A_861 = tpu.vector_load %arg6[%parallel_loop3A_857, %parallel_loop3A_858, %parallel_loop3A_859, %parallel_loop3A_860] {strides = array<i32>} : memref<8x4x1x2048xf32, #tpu.memory_space<vmem>>, vector<1x1x1x16xf32>,
        %parallel_loop3A_862 = vector.shape_cast %parallel_loop3A_861 : vector<1x1x1x16xf32> to vector<16xf32>
        %parallel_loop3A_863 = vector.shape_cast %parallel_loop3A_851 : vector<16xf32> to vector<1x1x1x16xf32>
        tpu.vector_store %arg6[%parallel_loop3A_857, %parallel_loop3A_858, %parallel_loop3A_859, %parallel_loop3A_860], %parallel_loop3A_863 {strides = array<i32>} : memref<8x4x1x2048xf32, #tpu.memory_space<vmem>>, vector<1x1x1x16xf32>,
        %parallel_loop3A_864 = arith.constant 16 : i32
        %parallel_loop3A_865 = arith.muli %parallel_loop3A_806, %parallel_loop3A_864 : i32
        %parallel_loop3A_866 = arith.constant 2 : i32
        %parallel_loop3A_867 = arith.constant 2 : i32
        %parallel_loop3A_868 = arith.constant 0 : i32
        %parallel_loop3A_869 = arith.index_cast %parallel_loop3A_866 : i32 to index
        %parallel_loop3A_870 = arith.index_cast %parallel_loop3A_867 : i32 to index
        %parallel_loop3A_871 = arith.index_cast %parallel_loop3A_868 : i32 to index
        %parallel_loop3A_872 = arith.index_cast %parallel_loop3A_865 : i32 to index
        %parallel_loop3A_873 = tpu.vector_load %arg6[%parallel_loop3A_869, %parallel_loop3A_870, %parallel_loop3A_871, %parallel_loop3A_872] {strides = array<i32>} : memref<8x4x1x2048xf32, #tpu.memory_space<vmem>>, vector<1x1x1x16xf32>,
        %parallel_loop3A_874 = vector.shape_cast %parallel_loop3A_873 : vector<1x1x1x16xf32> to vector<16xf32>
        %parallel_loop3A_875 = arith.addf %parallel_loop3A_874, %parallel_loop3A_815 : vector<16xf32>
        %parallel_loop3A_876 = arith.constant 16 : i32
        %parallel_loop3A_877 = arith.muli %parallel_loop3A_806, %parallel_loop3A_876 : i32
        %parallel_loop3A_878 = arith.constant 2 : i32
        %parallel_loop3A_879 = arith.constant 2 : i32
        %parallel_loop3A_880 = arith.constant 0 : i32
        %parallel_loop3A_881 = arith.index_cast %parallel_loop3A_878 : i32 to index
        %parallel_loop3A_882 = arith.index_cast %parallel_loop3A_879 : i32 to index
        %parallel_loop3A_883 = arith.index_cast %parallel_loop3A_880 : i32 to index
        %parallel_loop3A_884 = arith.index_cast %parallel_loop3A_877 : i32 to index
        %parallel_loop3A_885 = tpu.vector_load %arg6[%parallel_loop3A_881, %parallel_loop3A_882, %parallel_loop3A_883, %parallel_loop3A_884] {strides = array<i32>} : memref<8x4x1x2048xf32, #tpu.memory_space<vmem>>, vector<1x1x1x16xf32>,
        %parallel_loop3A_886 = vector.shape_cast %parallel_loop3A_885 : vector<1x1x1x16xf32> to vector<16xf32>
        %parallel_loop3A_887 = vector.shape_cast %parallel_loop3A_875 : vector<16xf32> to vector<1x1x1x16xf32>
        tpu.vector_store %arg6[%parallel_loop3A_881, %parallel_loop3A_882, %parallel_loop3A_883, %parallel_loop3A_884], %parallel_loop3A_887 {strides = array<i32>} : memref<8x4x1x2048xf32, #tpu.memory_space<vmem>>, vector<1x1x1x16xf32>,
        %parallel_loop3A_888 = arith.constant 16 : i32
        %parallel_loop3A_889 = arith.muli %parallel_loop3A_806, %parallel_loop3A_888 : i32
        %parallel_loop3A_890 = arith.constant 2 : i32
        %parallel_loop3A_891 = arith.constant 3 : i32
        %parallel_loop3A_892 = arith.constant 0 : i32
        %parallel_loop3A_893 = arith.index_cast %parallel_loop3A_890 : i32 to index
        %parallel_loop3A_894 = arith.index_cast %parallel_loop3A_891 : i32 to index
        %parallel_loop3A_895 = arith.index_cast %parallel_loop3A_892 : i32 to index
        %parallel_loop3A_896 = arith.index_cast %parallel_loop3A_889 : i32 to index
        %parallel_loop3A_897 = tpu.vector_load %arg6[%parallel_loop3A_893, %parallel_loop3A_894, %parallel_loop3A_895, %parallel_loop3A_896] {strides = array<i32>} : memref<8x4x1x2048xf32, #tpu.memory_space<vmem>>, vector<1x1x1x16xf32>,
        %parallel_loop3A_898 = vector.shape_cast %parallel_loop3A_897 : vector<1x1x1x16xf32> to vector<16xf32>
        %parallel_loop3A_899 = arith.addf %parallel_loop3A_898, %parallel_loop3A_815 : vector<16xf32>
        %parallel_loop3A_900 = arith.constant 16 : i32
        %parallel_loop3A_901 = arith.muli %parallel_loop3A_806, %parallel_loop3A_900 : i32
        %parallel_loop3A_902 = arith.constant 2 : i32
        %parallel_loop3A_903 = arith.constant 3 : i32
        %parallel_loop3A_904 = arith.constant 0 : i32
        %parallel_loop3A_905 = arith.index_cast %parallel_loop3A_902 : i32 to index
        %parallel_loop3A_906 = arith.index_cast %parallel_loop3A_903 : i32 to index
        %parallel_loop3A_907 = arith.index_cast %parallel_loop3A_904 : i32 to index
        %parallel_loop3A_908 = arith.index_cast %parallel_loop3A_901 : i32 to index
        %parallel_loop3A_909 = tpu.vector_load %arg6[%parallel_loop3A_905, %parallel_loop3A_906, %parallel_loop3A_907, %parallel_loop3A_908] {strides = array<i32>} : memref<8x4x1x2048xf32, #tpu.memory_space<vmem>>, vector<1x1x1x16xf32>,
        %parallel_loop3A_910 = vector.shape_cast %parallel_loop3A_909 : vector<1x1x1x16xf32> to vector<16xf32>
        %parallel_loop3A_911 = vector.shape_cast %parallel_loop3A_899 : vector<16xf32> to vector<1x1x1x16xf32>
        tpu.vector_store %arg6[%parallel_loop3A_905, %parallel_loop3A_906, %parallel_loop3A_907, %parallel_loop3A_908], %parallel_loop3A_911 {strides = array<i32>} : memref<8x4x1x2048xf32, #tpu.memory_space<vmem>>, vector<1x1x1x16xf32>,
      } {sc.loop_unroll_factor = 8 : i64, sc.parallel_access}
      %mul3A_454 = arith.constant 1 : i32
      %mul3A_455 = arith.muli %add3A_417, %mul3A_454 : i32
      %add3A_456 = arith.addi %mul3A_2, %mul3A_455 : i32
      %dma_start3A_457 = arith.constant 2 : i32
      %dma_start3A_458 = arith.constant 0 : i32
      %dma_start3A_459 = arith.constant 0 : i32
      %dma_start3A_460 = arith.constant 0 : i32
      %dma_start3A_461 = tpu.memref_slice %arg6[%dma_start3A_457, %dma_start3A_458, %dma_start3A_459, %dma_start3A_460] : memref<8x4x1x2048xf32, #tpu.memory_space<vmem>> -> memref<1x4x1x2048xf32, #tpu.memory_space<vmem>>
      %dma_start3A_462 = tpu.memref_squeeze %dma_start3A_461 : memref<1x4x1x2048xf32, #tpu.memory_space<vmem>> -> memref<4x1x2048xf32, #tpu.memory_space<vmem>>
      %dma_start3A_463 = arith.constant 0 : i32
      %dma_start3A_464 = arith.constant 0 : i32
      %dma_start3A_465 = tpu.memref_slice %arg4[%dma_start3A_463, %add3A_456, %dma_start3A_464] : memref<4x2048x2048xf32, #tpu.memory_space<hbm>> -> memref<4x1x2048xf32, #tpu.memory_space<hbm>>
      %dma_start3A_466 = arith.constant 0 : i32
      %dma_start3A_467 = arith.constant 0 : i32
      %dma_start3A_468 = tpu.memref_slice %arg4[%dma_start3A_466, %add3A_456, %dma_start3A_467] : memref<4x2048x2048xf32, #tpu.memory_space<hbm>> -> memref<4x1x2048xf32, #tpu.memory_space<hbm>>
      %dma_start3A_469 = arith.constant 0 : i32
      %dma_start3A_470 = arith.constant 0 : i32
      %dma_start3A_471 = arith.constant 0 : i32
      %dma_start3A_472 = tpu.memref_slice %arg6[%dma_start3A_457, %dma_start3A_469, %dma_start3A_470, %dma_start3A_471] : memref<8x4x1x2048xf32, #tpu.memory_space<vmem>> -> memref<1x4x1x2048xf32, #tpu.memory_space<vmem>>
      %dma_start3A_473 = tpu.memref_squeeze %dma_start3A_472 : memref<1x4x1x2048xf32, #tpu.memory_space<vmem>> -> memref<4x1x2048xf32, #tpu.memory_space<vmem>>
      tpu.enqueue_dma source(%dma_start3A_473 : memref<4x1x2048xf32, #tpu.memory_space<vmem>>) target(%dma_start3A_468 : memref<4x1x2048xf32, #tpu.memory_space<hbm>>) target_semaphore(%arg17 : memref<!tpu.dma_semaphore, #tpu.memory_space<semaphore_mem>>)
      %add3A_474 = arith.constant 4 : i32
      %add3A_475 = arith.addi %add3A_417, %add3A_474 : i32
      %lt3A_476 = arith.constant 64 : i32
      %lt3A_477 = arith.cmpi slt, %add3A_475, %lt3A_476 : i32
      %convert_element_type3A_478 = arith.extui %lt3A_477 : i1 to i32
      %cond3A_479 = arith.constant 0 : i32
      %cond3A_480 = arith.cmpi ne, %convert_element_type3A_478, %cond3A_479 : i32
      scf.if %cond3A_480 {
        %ge3A = arith.constant 8 : i32
        %ge3A_806 = arith.cmpi sge, %add3A_475, %ge3A : i32
        %convert_element_type3A_807 = arith.extui %ge3A_806 : i1 to i32
        %cond3A_808 = arith.constant 0 : i32
        %cond3A_809 = arith.cmpi ne, %convert_element_type3A_807, %cond3A_808 : i32
        scf.if %cond3A_809 {
          %mul3A_843 = arith.constant 1 : i32
          %mul3A_844 = arith.muli %add3A_475, %mul3A_843 : i32
          %add3A_845 = arith.addi %mul3A_2, %mul3A_844 : i32
          %dma_wait3A_846 = arith.constant 6 : i32
          %dma_wait3A_847 = arith.constant 0 : i32
          %dma_wait3A_848 = arith.constant 0 : i32
          %dma_wait3A_849 = arith.constant 0 : i32
          %dma_wait3A_850 = tpu.memref_slice %arg6[%dma_wait3A_846, %dma_wait3A_847, %dma_wait3A_848, %dma_wait3A_849] : memref<8x4x1x2048xf32, #tpu.memory_space<vmem>> -> memref<1x4x1x2048xf32, #tpu.memory_space<vmem>>
          %dma_wait3A_851 = tpu.memref_squeeze %dma_wait3A_850 : memref<1x4x1x2048xf32, #tpu.memory_space<vmem>> -> memref<4x1x2048xf32, #tpu.memory_space<vmem>>
          %dma_wait3A_852 = arith.constant 0 : i32
          %dma_wait3A_853 = arith.constant 0 : i32
          %dma_wait3A_854 = tpu.memref_slice %arg4[%dma_wait3A_852, %add3A_845, %dma_wait3A_853] : memref<4x2048x2048xf32, #tpu.memory_space<hbm>> -> memref<4x1x2048xf32, #tpu.memory_space<hbm>>
          %dma_wait3A_855 = arith.constant 0 : i32
          %dma_wait3A_856 = arith.constant 0 : i32
          %dma_wait3A_857 = tpu.memref_slice %arg4[%dma_wait3A_855, %add3A_845, %dma_wait3A_856] : memref<4x2048x2048xf32, #tpu.memory_space<hbm>> -> memref<4x1x2048xf32, #tpu.memory_space<hbm>>
          %dma_wait3A_858 = arith.constant 0 : i32
          %dma_wait3A_859 = arith.constant 0 : i32
          %dma_wait3A_860 = arith.constant 0 : i32
          %dma_wait3A_861 = tpu.memref_slice %arg6[%dma_wait3A_846, %dma_wait3A_858, %dma_wait3A_859, %dma_wait3A_860] : memref<8x4x1x2048xf32, #tpu.memory_space<vmem>> -> memref<1x4x1x2048xf32, #tpu.memory_space<vmem>>
          %dma_wait3A_862 = tpu.memref_squeeze %dma_wait3A_861 : memref<1x4x1x2048xf32, #tpu.memory_space<vmem>> -> memref<4x1x2048xf32, #tpu.memory_space<vmem>>
          tpu.wait_dma2 semaphore(%arg21 : memref<!tpu.dma_semaphore, #tpu.memory_space<semaphore_mem>>) src(%dma_wait3A_862 : memref<4x1x2048xf32, #tpu.memory_space<vmem>>) dst(%dma_wait3A_857 : memref<4x1x2048xf32, #tpu.memory_space<hbm>>)
        } else {
        }
        %mul3A_810 = arith.constant 1 : i32
        %mul3A_811 = arith.muli %add3A_475, %mul3A_810 : i32
        %add3A_812 = arith.addi %mul3A_2, %mul3A_811 : i32
        %dma_start3A_813 = arith.constant 6 : i32
        %dma_start3A_814 = arith.constant 0 : i32
        %dma_start3A_815 = arith.constant 0 : i32
        %dma_start3A_816 = tpu.memref_slice %arg5[%dma_start3A_813, %dma_start3A_814, %dma_start3A_815] : memref<8x1x2048xf32, #tpu.memory_space<vmem>> -> memref<1x1x2048xf32, #tpu.memory_space<vmem>>
        %dma_start3A_817 = tpu.memref_squeeze %dma_start3A_816 : memref<1x1x2048xf32, #tpu.memory_space<vmem>> -> memref<1x2048xf32, #tpu.memory_space<vmem>>
        %dma_start3A_818 = arith.constant 0 : i32
        %dma_start3A_819 = tpu.memref_slice %arg3[%add3A_812, %dma_start3A_818] : memref<2048x2048xf32, #tpu.memory_space<hbm>> -> memref<1x2048xf32, #tpu.memory_space<hbm>>
        %dma_start3A_820 = arith.constant 0 : i32
        %dma_start3A_821 = arith.constant 0 : i32
        %dma_start3A_822 = tpu.memref_slice %arg5[%dma_start3A_813, %dma_start3A_820, %dma_start3A_821] : memref<8x1x2048xf32, #tpu.memory_space<vmem>> -> memref<1x1x2048xf32, #tpu.memory_space<vmem>>
        %dma_start3A_823 = tpu.memref_squeeze %dma_start3A_822 : memref<1x1x2048xf32, #tpu.memory_space<vmem>> -> memref<1x2048xf32, #tpu.memory_space<vmem>>
        %dma_start3A_824 = arith.constant 0 : i32
        %dma_start3A_825 = tpu.memref_slice %arg3[%add3A_812, %dma_start3A_824] : memref<2048x2048xf32, #tpu.memory_space<hbm>> -> memref<1x2048xf32, #tpu.memory_space<hbm>>
        tpu.enqueue_dma source(%dma_start3A_825 : memref<1x2048xf32, #tpu.memory_space<hbm>>) target(%dma_start3A_823 : memref<1x2048xf32, #tpu.memory_space<vmem>>) target_semaphore(%arg13 : memref<!tpu.dma_semaphore, #tpu.memory_space<semaphore_mem>>)
        %dma_start3A_826 = arith.constant 6 : i32
        %dma_start3A_827 = arith.constant 0 : i32
        %dma_start3A_828 = arith.constant 0 : i32
        %dma_start3A_829 = arith.constant 0 : i32
        %dma_start3A_830 = tpu.memref_slice %arg6[%dma_start3A_826, %dma_start3A_827, %dma_start3A_828, %dma_start3A_829] : memref<8x4x1x2048xf32, #tpu.memory_space<vmem>> -> memref<1x4x1x2048xf32, #tpu.memory_space<vmem>>
        %dma_start3A_831 = tpu.memref_squeeze %dma_start3A_830 : memref<1x4x1x2048xf32, #tpu.memory_space<vmem>> -> memref<4x1x2048xf32, #tpu.memory_space<vmem>>
        %dma_start3A_832 = arith.constant 0 : i32
        %dma_start3A_833 = arith.constant 0 : i32
        %dma_start3A_834 = tpu.memref_slice %arg2[%dma_start3A_832, %add3A_812, %dma_start3A_833] : memref<4x2048x2048xf32, #tpu.memory_space<hbm>> -> memref<4x1x2048xf32, #tpu.memory_space<hbm>>
        %dma_start3A_835 = arith.constant 0 : i32
        %dma_start3A_836 = arith.constant 0 : i32
        %dma_start3A_837 = arith.constant 0 : i32
        %dma_start3A_838 = tpu.memref_slice %arg6[%dma_start3A_826, %dma_start3A_835, %dma_start3A_836, %dma_start3A_837] : memref<8x4x1x2048xf32, #tpu.memory_space<vmem>> -> memref<1x4x1x2048xf32, #tpu.memory_space<vmem>>
        %dma_start3A_839 = tpu.memref_squeeze %dma_start3A_838 : memref<1x4x1x2048xf32, #tpu.memory_space<vmem>> -> memref<4x1x2048xf32, #tpu.memory_space<vmem>>
        %dma_start3A_840 = arith.constant 0 : i32
        %dma_start3A_841 = arith.constant 0 : i32
        %dma_start3A_842 = tpu.memref_slice %arg2[%dma_start3A_840, %add3A_812, %dma_start3A_841] : memref<4x2048x2048xf32, #tpu.memory_space<hbm>> -> memref<4x1x2048xf32, #tpu.memory_space<hbm>>
        tpu.enqueue_dma source(%dma_start3A_842 : memref<4x1x2048xf32, #tpu.memory_space<hbm>>) target(%dma_start3A_839 : memref<4x1x2048xf32, #tpu.memory_space<vmem>>) target_semaphore(%arg13 : memref<!tpu.dma_semaphore, #tpu.memory_space<semaphore_mem>>)
      } else {
      }
      %add3A_481 = arith.constant 3 : i32
      %add3A_482 = arith.addi %add3A_289, %add3A_481 : i32
      %mul3A_483 = arith.constant 1 : i32
      %mul3A_484 = arith.muli %add3A_482, %mul3A_483 : i32
      %add3A_485 = arith.addi %mul3A_2, %mul3A_484 : i32
      %dma_wait3A_486 = arith.constant 3 : i32
      %dma_wait3A_487 = arith.constant 0 : i32
      %dma_wait3A_488 = arith.constant 0 : i32
      %dma_wait3A_489 = tpu.memref_slice %arg5[%dma_wait3A_486, %dma_wait3A_487, %dma_wait3A_488] : memref<8x1x2048xf32, #tpu.memory_space<vmem>> -> memref<1x1x2048xf32, #tpu.memory_space<vmem>>
      %dma_wait3A_490 = tpu.memref_squeeze %dma_wait3A_489 : memref<1x1x2048xf32, #tpu.memory_space<vmem>> -> memref<1x2048xf32, #tpu.memory_space<vmem>>
      %dma_wait3A_491 = arith.constant 0 : i32
      %dma_wait3A_492 = tpu.memref_slice %arg3[%add3A_485, %dma_wait3A_491] : memref<2048x2048xf32, #tpu.memory_space<hbm>> -> memref<1x2048xf32, #tpu.memory_space<hbm>>
      %dma_wait3A_493 = arith.constant 0 : i32
      %dma_wait3A_494 = arith.constant 0 : i32
      %dma_wait3A_495 = tpu.memref_slice %arg5[%dma_wait3A_486, %dma_wait3A_493, %dma_wait3A_494] : memref<8x1x2048xf32, #tpu.memory_space<vmem>> -> memref<1x1x2048xf32, #tpu.memory_space<vmem>>
      %dma_wait3A_496 = tpu.memref_squeeze %dma_wait3A_495 : memref<1x1x2048xf32, #tpu.memory_space<vmem>> -> memref<1x2048xf32, #tpu.memory_space<vmem>>
      %dma_wait3A_497 = arith.constant 0 : i32
      %dma_wait3A_498 = tpu.memref_slice %arg3[%add3A_485, %dma_wait3A_497] : memref<2048x2048xf32, #tpu.memory_space<hbm>> -> memref<1x2048xf32, #tpu.memory_space<hbm>>
      tpu.wait_dma2 semaphore(%arg10 : memref<!tpu.dma_semaphore, #tpu.memory_space<semaphore_mem>>) src(%dma_wait3A_498 : memref<1x2048xf32, #tpu.memory_space<hbm>>) dst(%dma_wait3A_496 : memref<1x2048xf32, #tpu.memory_space<vmem>>)
      %dma_wait3A_499 = arith.constant 3 : i32
      %dma_wait3A_500 = arith.constant 0 : i32
      %dma_wait3A_501 = arith.constant 0 : i32
      %dma_wait3A_502 = arith.constant 0 : i32
      %dma_wait3A_503 = tpu.memref_slice %arg6[%dma_wait3A_499, %dma_wait3A_500, %dma_wait3A_501, %dma_wait3A_502] : memref<8x4x1x2048xf32, #tpu.memory_space<vmem>> -> memref<1x4x1x2048xf32, #tpu.memory_space<vmem>>
      %dma_wait3A_504 = tpu.memref_squeeze %dma_wait3A_503 : memref<1x4x1x2048xf32, #tpu.memory_space<vmem>> -> memref<4x1x2048xf32, #tpu.memory_space<vmem>>
      %dma_wait3A_505 = arith.constant 0 : i32
      %dma_wait3A_506 = arith.constant 0 : i32
      %dma_wait3A_507 = tpu.memref_slice %arg2[%dma_wait3A_505, %add3A_485, %dma_wait3A_506] : memref<4x2048x2048xf32, #tpu.memory_space<hbm>> -> memref<4x1x2048xf32, #tpu.memory_space<hbm>>
      %dma_wait3A_508 = arith.constant 0 : i32
      %dma_wait3A_509 = arith.constant 0 : i32
      %dma_wait3A_510 = arith.constant 0 : i32
      %dma_wait3A_511 = tpu.memref_slice %arg6[%dma_wait3A_499, %dma_wait3A_508, %dma_wait3A_509, %dma_wait3A_510] : memref<8x4x1x2048xf32, #tpu.memory_space<vmem>> -> memref<1x4x1x2048xf32, #tpu.memory_space<vmem>>
      %dma_wait3A_512 = tpu.memref_squeeze %dma_wait3A_511 : memref<1x4x1x2048xf32, #tpu.memory_space<vmem>> -> memref<4x1x2048xf32, #tpu.memory_space<vmem>>
      %dma_wait3A_513 = arith.constant 0 : i32
      %dma_wait3A_514 = arith.constant 0 : i32
      %dma_wait3A_515 = tpu.memref_slice %arg2[%dma_wait3A_513, %add3A_485, %dma_wait3A_514] : memref<4x2048x2048xf32, #tpu.memory_space<hbm>> -> memref<4x1x2048xf32, #tpu.memory_space<hbm>>
      tpu.wait_dma2 semaphore(%arg10 : memref<!tpu.dma_semaphore, #tpu.memory_space<semaphore_mem>>) src(%dma_wait3A_515 : memref<4x1x2048xf32, #tpu.memory_space<hbm>>) dst(%dma_wait3A_512 : memref<4x1x2048xf32, #tpu.memory_space<vmem>>)
      %parallel_loop3A_516 = arith.constant 0 : i32
      %parallel_loop3A_517 = arith.constant 128 : i32
      %parallel_loop3A_518 = arith.constant 1 : i32
      scf.for %parallel_loop3A_806 = %parallel_loop3A_516 to %parallel_loop3A_517 step %parallel_loop3A_518  : i32 {
        %parallel_loop3A_807 = arith.constant 16 : i32
        %parallel_loop3A_808 = arith.muli %parallel_loop3A_806, %parallel_loop3A_807 : i32
        %parallel_loop3A_809 = arith.constant 3 : i32
        %parallel_loop3A_810 = arith.constant 0 : i32
        %parallel_loop3A_811 = arith.index_cast %parallel_loop3A_809 : i32 to index
        %parallel_loop3A_812 = arith.index_cast %parallel_loop3A_810 : i32 to index
        %parallel_loop3A_813 = arith.index_cast %parallel_loop3A_808 : i32 to index
        %parallel_loop3A_814 = tpu.vector_load %arg5[%parallel_loop3A_811, %parallel_loop3A_812, %parallel_loop3A_813] {strides = array<i32>} : memref<8x1x2048xf32, #tpu.memory_space<vmem>>, vector<1x1x16xf32>,
        %parallel_loop3A_815 = vector.shape_cast %parallel_loop3A_814 : vector<1x1x16xf32> to vector<16xf32>
        %parallel_loop3A_816 = arith.constant 16 : i32
        %parallel_loop3A_817 = arith.muli %parallel_loop3A_806, %parallel_loop3A_816 : i32
        %parallel_loop3A_818 = arith.constant 3 : i32
        %parallel_loop3A_819 = arith.constant 0 : i32
        %parallel_loop3A_820 = arith.constant 0 : i32
        %parallel_loop3A_821 = arith.index_cast %parallel_loop3A_818 : i32 to index
        %parallel_loop3A_822 = arith.index_cast %parallel_loop3A_819 : i32 to index
        %parallel_loop3A_823 = arith.index_cast %parallel_loop3A_820 : i32 to index
        %parallel_loop3A_824 = arith.index_cast %parallel_loop3A_817 : i32 to index
        %parallel_loop3A_825 = tpu.vector_load %arg6[%parallel_loop3A_821, %parallel_loop3A_822, %parallel_loop3A_823, %parallel_loop3A_824] {strides = array<i32>} : memref<8x4x1x2048xf32, #tpu.memory_space<vmem>>, vector<1x1x1x16xf32>,
        %parallel_loop3A_826 = vector.shape_cast %parallel_loop3A_825 : vector<1x1x1x16xf32> to vector<16xf32>
        %parallel_loop3A_827 = arith.addf %parallel_loop3A_826, %parallel_loop3A_815 : vector<16xf32>
        %parallel_loop3A_828 = arith.constant 16 : i32
        %parallel_loop3A_829 = arith.muli %parallel_loop3A_806, %parallel_loop3A_828 : i32
        %parallel_loop3A_830 = arith.constant 3 : i32
        %parallel_loop3A_831 = arith.constant 0 : i32
        %parallel_loop3A_832 = arith.constant 0 : i32
        %parallel_loop3A_833 = arith.index_cast %parallel_loop3A_830 : i32 to index
        %parallel_loop3A_834 = arith.index_cast %parallel_loop3A_831 : i32 to index
        %parallel_loop3A_835 = arith.index_cast %parallel_loop3A_832 : i32 to index
        %parallel_loop3A_836 = arith.index_cast %parallel_loop3A_829 : i32 to index
        %parallel_loop3A_837 = tpu.vector_load %arg6[%parallel_loop3A_833, %parallel_loop3A_834, %parallel_loop3A_835, %parallel_loop3A_836] {strides = array<i32>} : memref<8x4x1x2048xf32, #tpu.memory_space<vmem>>, vector<1x1x1x16xf32>,
        %parallel_loop3A_838 = vector.shape_cast %parallel_loop3A_837 : vector<1x1x1x16xf32> to vector<16xf32>
        %parallel_loop3A_839 = vector.shape_cast %parallel_loop3A_827 : vector<16xf32> to vector<1x1x1x16xf32>
        tpu.vector_store %arg6[%parallel_loop3A_833, %parallel_loop3A_834, %parallel_loop3A_835, %parallel_loop3A_836], %parallel_loop3A_839 {strides = array<i32>} : memref<8x4x1x2048xf32, #tpu.memory_space<vmem>>, vector<1x1x1x16xf32>,
        %parallel_loop3A_840 = arith.constant 16 : i32
        %parallel_loop3A_841 = arith.muli %parallel_loop3A_806, %parallel_loop3A_840 : i32
        %parallel_loop3A_842 = arith.constant 3 : i32
        %parallel_loop3A_843 = arith.constant 1 : i32
        %parallel_loop3A_844 = arith.constant 0 : i32
        %parallel_loop3A_845 = arith.index_cast %parallel_loop3A_842 : i32 to index
        %parallel_loop3A_846 = arith.index_cast %parallel_loop3A_843 : i32 to index
        %parallel_loop3A_847 = arith.index_cast %parallel_loop3A_844 : i32 to index
        %parallel_loop3A_848 = arith.index_cast %parallel_loop3A_841 : i32 to index
        %parallel_loop3A_849 = tpu.vector_load %arg6[%parallel_loop3A_845, %parallel_loop3A_846, %parallel_loop3A_847, %parallel_loop3A_848] {strides = array<i32>} : memref<8x4x1x2048xf32, #tpu.memory_space<vmem>>, vector<1x1x1x16xf32>,
        %parallel_loop3A_850 = vector.shape_cast %parallel_loop3A_849 : vector<1x1x1x16xf32> to vector<16xf32>
        %parallel_loop3A_851 = arith.addf %parallel_loop3A_850, %parallel_loop3A_815 : vector<16xf32>
        %parallel_loop3A_852 = arith.constant 16 : i32
        %parallel_loop3A_853 = arith.muli %parallel_loop3A_806, %parallel_loop3A_852 : i32
        %parallel_loop3A_854 = arith.constant 3 : i32
        %parallel_loop3A_855 = arith.constant 1 : i32
        %parallel_loop3A_856 = arith.constant 0 : i32
        %parallel_loop3A_857 = arith.index_cast %parallel_loop3A_854 : i32 to index
        %parallel_loop3A_858 = arith.index_cast %parallel_loop3A_855 : i32 to index
        %parallel_loop3A_859 = arith.index_cast %parallel_loop3A_856 : i32 to index
        %parallel_loop3A_860 = arith.index_cast %parallel_loop3A_853 : i32 to index
        %parallel_loop3A_861 = tpu.vector_load %arg6[%parallel_loop3A_857, %parallel_loop3A_858, %parallel_loop3A_859, %parallel_loop3A_860] {strides = array<i32>} : memref<8x4x1x2048xf32, #tpu.memory_space<vmem>>, vector<1x1x1x16xf32>,
        %parallel_loop3A_862 = vector.shape_cast %parallel_loop3A_861 : vector<1x1x1x16xf32> to vector<16xf32>
        %parallel_loop3A_863 = vector.shape_cast %parallel_loop3A_851 : vector<16xf32> to vector<1x1x1x16xf32>
        tpu.vector_store %arg6[%parallel_loop3A_857, %parallel_loop3A_858, %parallel_loop3A_859, %parallel_loop3A_860], %parallel_loop3A_863 {strides = array<i32>} : memref<8x4x1x2048xf32, #tpu.memory_space<vmem>>, vector<1x1x1x16xf32>,
        %parallel_loop3A_864 = arith.constant 16 : i32
        %parallel_loop3A_865 = arith.muli %parallel_loop3A_806, %parallel_loop3A_864 : i32
        %parallel_loop3A_866 = arith.constant 3 : i32
        %parallel_loop3A_867 = arith.constant 2 : i32
        %parallel_loop3A_868 = arith.constant 0 : i32
        %parallel_loop3A_869 = arith.index_cast %parallel_loop3A_866 : i32 to index
        %parallel_loop3A_870 = arith.index_cast %parallel_loop3A_867 : i32 to index
        %parallel_loop3A_871 = arith.index_cast %parallel_loop3A_868 : i32 to index
        %parallel_loop3A_872 = arith.index_cast %parallel_loop3A_865 : i32 to index
        %parallel_loop3A_873 = tpu.vector_load %arg6[%parallel_loop3A_869, %parallel_loop3A_870, %parallel_loop3A_871, %parallel_loop3A_872] {strides = array<i32>} : memref<8x4x1x2048xf32, #tpu.memory_space<vmem>>, vector<1x1x1x16xf32>,
        %parallel_loop3A_874 = vector.shape_cast %parallel_loop3A_873 : vector<1x1x1x16xf32> to vector<16xf32>
        %parallel_loop3A_875 = arith.addf %parallel_loop3A_874, %parallel_loop3A_815 : vector<16xf32>
        %parallel_loop3A_876 = arith.constant 16 : i32
        %parallel_loop3A_877 = arith.muli %parallel_loop3A_806, %parallel_loop3A_876 : i32
        %parallel_loop3A_878 = arith.constant 3 : i32
        %parallel_loop3A_879 = arith.constant 2 : i32
        %parallel_loop3A_880 = arith.constant 0 : i32
        %parallel_loop3A_881 = arith.index_cast %parallel_loop3A_878 : i32 to index
        %parallel_loop3A_882 = arith.index_cast %parallel_loop3A_879 : i32 to index
        %parallel_loop3A_883 = arith.index_cast %parallel_loop3A_880 : i32 to index
        %parallel_loop3A_884 = arith.index_cast %parallel_loop3A_877 : i32 to index
        %parallel_loop3A_885 = tpu.vector_load %arg6[%parallel_loop3A_881, %parallel_loop3A_882, %parallel_loop3A_883, %parallel_loop3A_884] {strides = array<i32>} : memref<8x4x1x2048xf32, #tpu.memory_space<vmem>>, vector<1x1x1x16xf32>,
        %parallel_loop3A_886 = vector.shape_cast %parallel_loop3A_885 : vector<1x1x1x16xf32> to vector<16xf32>
        %parallel_loop3A_887 = vector.shape_cast %parallel_loop3A_875 : vector<16xf32> to vector<1x1x1x16xf32>
        tpu.vector_store %arg6[%parallel_loop3A_881, %parallel_loop3A_882, %parallel_loop3A_883, %parallel_loop3A_884], %parallel_loop3A_887 {strides = array<i32>} : memref<8x4x1x2048xf32, #tpu.memory_space<vmem>>, vector<1x1x1x16xf32>,
        %parallel_loop3A_888 = arith.constant 16 : i32
        %parallel_loop3A_889 = arith.muli %parallel_loop3A_806, %parallel_loop3A_888 : i32
        %parallel_loop3A_890 = arith.constant 3 : i32
        %parallel_loop3A_891 = arith.constant 3 : i32
        %parallel_loop3A_892 = arith.constant 0 : i32
        %parallel_loop3A_893 = arith.index_cast %parallel_loop3A_890 : i32 to index
        %parallel_loop3A_894 = arith.index_cast %parallel_loop3A_891 : i32 to index
        %parallel_loop3A_895 = arith.index_cast %parallel_loop3A_892 : i32 to index
        %parallel_loop3A_896 = arith.index_cast %parallel_loop3A_889 : i32 to index
        %parallel_loop3A_897 = tpu.vector_load %arg6[%parallel_loop3A_893, %parallel_loop3A_894, %parallel_loop3A_895, %parallel_loop3A_896] {strides = array<i32>} : memref<8x4x1x2048xf32, #tpu.memory_space<vmem>>, vector<1x1x1x16xf32>,
        %parallel_loop3A_898 = vector.shape_cast %parallel_loop3A_897 : vector<1x1x1x16xf32> to vector<16xf32>
        %parallel_loop3A_899 = arith.addf %parallel_loop3A_898, %parallel_loop3A_815 : vector<16xf32>
        %parallel_loop3A_900 = arith.constant 16 : i32
        %parallel_loop3A_901 = arith.muli %parallel_loop3A_806, %parallel_loop3A_900 : i32
        %parallel_loop3A_902 = arith.constant 3 : i32
        %parallel_loop3A_903 = arith.constant 3 : i32
        %parallel_loop3A_904 = arith.constant 0 : i32
        %parallel_loop3A_905 = arith.index_cast %parallel_loop3A_902 : i32 to index
        %parallel_loop3A_906 = arith.index_cast %parallel_loop3A_903 : i32 to index
        %parallel_loop3A_907 = arith.index_cast %parallel_loop3A_904 : i32 to index
        %parallel_loop3A_908 = arith.index_cast %parallel_loop3A_901 : i32 to index
        %parallel_loop3A_909 = tpu.vector_load %arg6[%parallel_loop3A_905, %parallel_loop3A_906, %parallel_loop3A_907, %parallel_loop3A_908] {strides = array<i32>} : memref<8x4x1x2048xf32, #tpu.memory_space<vmem>>, vector<1x1x1x16xf32>,
        %parallel_loop3A_910 = vector.shape_cast %parallel_loop3A_909 : vector<1x1x1x16xf32> to vector<16xf32>
        %parallel_loop3A_911 = vector.shape_cast %parallel_loop3A_899 : vector<16xf32> to vector<1x1x1x16xf32>
        tpu.vector_store %arg6[%parallel_loop3A_905, %parallel_loop3A_906, %parallel_loop3A_907, %parallel_loop3A_908], %parallel_loop3A_911 {strides = array<i32>} : memref<8x4x1x2048xf32, #tpu.memory_space<vmem>>, vector<1x1x1x16xf32>,
      } {sc.loop_unroll_factor = 8 : i64, sc.parallel_access}
      %mul3A_519 = arith.constant 1 : i32
      %mul3A_520 = arith.muli %add3A_482, %mul3A_519 : i32
      %add3A_521 = arith.addi %mul3A_2, %mul3A_520 : i32
      %dma_start3A_522 = arith.constant 3 : i32
      %dma_start3A_523 = arith.constant 0 : i32
      %dma_start3A_524 = arith.constant 0 : i32
      %dma_start3A_525 = arith.constant 0 : i32
      %dma_start3A_526 = tpu.memref_slice %arg6[%dma_start3A_522, %dma_start3A_523, %dma_start3A_524, %dma_start3A_525] : memref<8x4x1x2048xf32, #tpu.memory_space<vmem>> -> memref<1x4x1x2048xf32, #tpu.memory_space<vmem>>
      %dma_start3A_527 = tpu.memref_squeeze %dma_start3A_526 : memref<1x4x1x2048xf32, #tpu.memory_space<vmem>> -> memref<4x1x2048xf32, #tpu.memory_space<vmem>>
      %dma_start3A_528 = arith.constant 0 : i32
      %dma_start3A_529 = arith.constant 0 : i32
      %dma_start3A_530 = tpu.memref_slice %arg4[%dma_start3A_528, %add3A_521, %dma_start3A_529] : memref<4x2048x2048xf32, #tpu.memory_space<hbm>> -> memref<4x1x2048xf32, #tpu.memory_space<hbm>>
      %dma_start3A_531 = arith.constant 0 : i32
      %dma_start3A_532 = arith.constant 0 : i32
      %dma_start3A_533 = tpu.memref_slice %arg4[%dma_start3A_531, %add3A_521, %dma_start3A_532] : memref<4x2048x2048xf32, #tpu.memory_space<hbm>> -> memref<4x1x2048xf32, #tpu.memory_space<hbm>>
      %dma_start3A_534 = arith.constant 0 : i32
      %dma_start3A_535 = arith.constant 0 : i32
      %dma_start3A_536 = arith.constant 0 : i32
      %dma_start3A_537 = tpu.memref_slice %arg6[%dma_start3A_522, %dma_start3A_534, %dma_start3A_535, %dma_start3A_536] : memref<8x4x1x2048xf32, #tpu.memory_space<vmem>> -> memref<1x4x1x2048xf32, #tpu.memory_space<vmem>>
      %dma_start3A_538 = tpu.memref_squeeze %dma_start3A_537 : memref<1x4x1x2048xf32, #tpu.memory_space<vmem>> -> memref<4x1x2048xf32, #tpu.memory_space<vmem>>
      tpu.enqueue_dma source(%dma_start3A_538 : memref<4x1x2048xf32, #tpu.memory_space<vmem>>) target(%dma_start3A_533 : memref<4x1x2048xf32, #tpu.memory_space<hbm>>) target_semaphore(%arg18 : memref<!tpu.dma_semaphore, #tpu.memory_space<semaphore_mem>>)
      %add3A_539 = arith.constant 4 : i32
      %add3A_540 = arith.addi %add3A_482, %add3A_539 : i32
      %lt3A_541 = arith.constant 64 : i32
      %lt3A_542 = arith.cmpi slt, %add3A_540, %lt3A_541 : i32
      %convert_element_type3A_543 = arith.extui %lt3A_542 : i1 to i32
      %cond3A_544 = arith.constant 0 : i32
      %cond3A_545 = arith.cmpi ne, %convert_element_type3A_543, %cond3A_544 : i32
      scf.if %cond3A_545 {
        %ge3A = arith.constant 8 : i32
        %ge3A_806 = arith.cmpi sge, %add3A_540, %ge3A : i32
        %convert_element_type3A_807 = arith.extui %ge3A_806 : i1 to i32
        %cond3A_808 = arith.constant 0 : i32
        %cond3A_809 = arith.cmpi ne, %convert_element_type3A_807, %cond3A_808 : i32
        scf.if %cond3A_809 {
          %mul3A_843 = arith.constant 1 : i32
          %mul3A_844 = arith.muli %add3A_540, %mul3A_843 : i32
          %add3A_845 = arith.addi %mul3A_2, %mul3A_844 : i32
          %dma_wait3A_846 = arith.constant 7 : i32
          %dma_wait3A_847 = arith.constant 0 : i32
          %dma_wait3A_848 = arith.constant 0 : i32
          %dma_wait3A_849 = arith.constant 0 : i32
          %dma_wait3A_850 = tpu.memref_slice %arg6[%dma_wait3A_846, %dma_wait3A_847, %dma_wait3A_848, %dma_wait3A_849] : memref<8x4x1x2048xf32, #tpu.memory_space<vmem>> -> memref<1x4x1x2048xf32, #tpu.memory_space<vmem>>
          %dma_wait3A_851 = tpu.memref_squeeze %dma_wait3A_850 : memref<1x4x1x2048xf32, #tpu.memory_space<vmem>> -> memref<4x1x2048xf32, #tpu.memory_space<vmem>>
          %dma_wait3A_852 = arith.constant 0 : i32
          %dma_wait3A_853 = arith.constant 0 : i32
          %dma_wait3A_854 = tpu.memref_slice %arg4[%dma_wait3A_852, %add3A_845, %dma_wait3A_853] : memref<4x2048x2048xf32, #tpu.memory_space<hbm>> -> memref<4x1x2048xf32, #tpu.memory_space<hbm>>
          %dma_wait3A_855 = arith.constant 0 : i32
          %dma_wait3A_856 = arith.constant 0 : i32
          %dma_wait3A_857 = tpu.memref_slice %arg4[%dma_wait3A_855, %add3A_845, %dma_wait3A_856] : memref<4x2048x2048xf32, #tpu.memory_space<hbm>> -> memref<4x1x2048xf32, #tpu.memory_space<hbm>>
          %dma_wait3A_858 = arith.constant 0 : i32
          %dma_wait3A_859 = arith.constant 0 : i32
          %dma_wait3A_860 = arith.constant 0 : i32
          %dma_wait3A_861 = tpu.memref_slice %arg6[%dma_wait3A_846, %dma_wait3A_858, %dma_wait3A_859, %dma_wait3A_860] : memref<8x4x1x2048xf32, #tpu.memory_space<vmem>> -> memref<1x4x1x2048xf32, #tpu.memory_space<vmem>>
          %dma_wait3A_862 = tpu.memref_squeeze %dma_wait3A_861 : memref<1x4x1x2048xf32, #tpu.memory_space<vmem>> -> memref<4x1x2048xf32, #tpu.memory_space<vmem>>
          tpu.wait_dma2 semaphore(%arg22 : memref<!tpu.dma_semaphore, #tpu.memory_space<semaphore_mem>>) src(%dma_wait3A_862 : memref<4x1x2048xf32, #tpu.memory_space<vmem>>) dst(%dma_wait3A_857 : memref<4x1x2048xf32, #tpu.memory_space<hbm>>)
        } else {
        }
        %mul3A_810 = arith.constant 1 : i32
        %mul3A_811 = arith.muli %add3A_540, %mul3A_810 : i32
        %add3A_812 = arith.addi %mul3A_2, %mul3A_811 : i32
        %dma_start3A_813 = arith.constant 7 : i32
        %dma_start3A_814 = arith.constant 0 : i32
        %dma_start3A_815 = arith.constant 0 : i32
        %dma_start3A_816 = tpu.memref_slice %arg5[%dma_start3A_813, %dma_start3A_814, %dma_start3A_815] : memref<8x1x2048xf32, #tpu.memory_space<vmem>> -> memref<1x1x2048xf32, #tpu.memory_space<vmem>>
        %dma_start3A_817 = tpu.memref_squeeze %dma_start3A_816 : memref<1x1x2048xf32, #tpu.memory_space<vmem>> -> memref<1x2048xf32, #tpu.memory_space<vmem>>
        %dma_start3A_818 = arith.constant 0 : i32
        %dma_start3A_819 = tpu.memref_slice %arg3[%add3A_812, %dma_start3A_818] : memref<2048x2048xf32, #tpu.memory_space<hbm>> -> memref<1x2048xf32, #tpu.memory_space<hbm>>
        %dma_start3A_820 = arith.constant 0 : i32
        %dma_start3A_821 = arith.constant 0 : i32
        %dma_start3A_822 = tpu.memref_slice %arg5[%dma_start3A_813, %dma_start3A_820, %dma_start3A_821] : memref<8x1x2048xf32, #tpu.memory_space<vmem>> -> memref<1x1x2048xf32, #tpu.memory_space<vmem>>
        %dma_start3A_823 = tpu.memref_squeeze %dma_start3A_822 : memref<1x1x2048xf32, #tpu.memory_space<vmem>> -> memref<1x2048xf32, #tpu.memory_space<vmem>>
        %dma_start3A_824 = arith.constant 0 : i32
        %dma_start3A_825 = tpu.memref_slice %arg3[%add3A_812, %dma_start3A_824] : memref<2048x2048xf32, #tpu.memory_space<hbm>> -> memref<1x2048xf32, #tpu.memory_space<hbm>>
        tpu.enqueue_dma source(%dma_start3A_825 : memref<1x2048xf32, #tpu.memory_space<hbm>>) target(%dma_start3A_823 : memref<1x2048xf32, #tpu.memory_space<vmem>>) target_semaphore(%arg14 : memref<!tpu.dma_semaphore, #tpu.memory_space<semaphore_mem>>)
        %dma_start3A_826 = arith.constant 7 : i32
        %dma_start3A_827 = arith.constant 0 : i32
        %dma_start3A_828 = arith.constant 0 : i32
        %dma_start3A_829 = arith.constant 0 : i32
        %dma_start3A_830 = tpu.memref_slice %arg6[%dma_start3A_826, %dma_start3A_827, %dma_start3A_828, %dma_start3A_829] : memref<8x4x1x2048xf32, #tpu.memory_space<vmem>> -> memref<1x4x1x2048xf32, #tpu.memory_space<vmem>>
        %dma_start3A_831 = tpu.memref_squeeze %dma_start3A_830 : memref<1x4x1x2048xf32, #tpu.memory_space<vmem>> -> memref<4x1x2048xf32, #tpu.memory_space<vmem>>
        %dma_start3A_832 = arith.constant 0 : i32
        %dma_start3A_833 = arith.constant 0 : i32
        %dma_start3A_834 = tpu.memref_slice %arg2[%dma_start3A_832, %add3A_812, %dma_start3A_833] : memref<4x2048x2048xf32, #tpu.memory_space<hbm>> -> memref<4x1x2048xf32, #tpu.memory_space<hbm>>
        %dma_start3A_835 = arith.constant 0 : i32
        %dma_start3A_836 = arith.constant 0 : i32
        %dma_start3A_837 = arith.constant 0 : i32
        %dma_start3A_838 = tpu.memref_slice %arg6[%dma_start3A_826, %dma_start3A_835, %dma_start3A_836, %dma_start3A_837] : memref<8x4x1x2048xf32, #tpu.memory_space<vmem>> -> memref<1x4x1x2048xf32, #tpu.memory_space<vmem>>
        %dma_start3A_839 = tpu.memref_squeeze %dma_start3A_838 : memref<1x4x1x2048xf32, #tpu.memory_space<vmem>> -> memref<4x1x2048xf32, #tpu.memory_space<vmem>>
        %dma_start3A_840 = arith.constant 0 : i32
        %dma_start3A_841 = arith.constant 0 : i32
        %dma_start3A_842 = tpu.memref_slice %arg2[%dma_start3A_840, %add3A_812, %dma_start3A_841] : memref<4x2048x2048xf32, #tpu.memory_space<hbm>> -> memref<4x1x2048xf32, #tpu.memory_space<hbm>>
        tpu.enqueue_dma source(%dma_start3A_842 : memref<4x1x2048xf32, #tpu.memory_space<hbm>>) target(%dma_start3A_839 : memref<4x1x2048xf32, #tpu.memory_space<vmem>>) target_semaphore(%arg14 : memref<!tpu.dma_semaphore, #tpu.memory_space<semaphore_mem>>)
      } else {
      }
      %add3A_546 = arith.constant 4 : i32
      %add3A_547 = arith.addi %add3A_289, %add3A_546 : i32
      %mul3A_548 = arith.constant 1 : i32
      %mul3A_549 = arith.muli %add3A_547, %mul3A_548 : i32
      %add3A_550 = arith.addi %mul3A_2, %mul3A_549 : i32
      %dma_wait3A_551 = arith.constant 4 : i32
      %dma_wait3A_552 = arith.constant 0 : i32
      %dma_wait3A_553 = arith.constant 0 : i32
      %dma_wait3A_554 = tpu.memref_slice %arg5[%dma_wait3A_551, %dma_wait3A_552, %dma_wait3A_553] : memref<8x1x2048xf32, #tpu.memory_space<vmem>> -> memref<1x1x2048xf32, #tpu.memory_space<vmem>>
      %dma_wait3A_555 = tpu.memref_squeeze %dma_wait3A_554 : memref<1x1x2048xf32, #tpu.memory_space<vmem>> -> memref<1x2048xf32, #tpu.memory_space<vmem>>
      %dma_wait3A_556 = arith.constant 0 : i32
      %dma_wait3A_557 = tpu.memref_slice %arg3[%add3A_550, %dma_wait3A_556] : memref<2048x2048xf32, #tpu.memory_space<hbm>> -> memref<1x2048xf32, #tpu.memory_space<hbm>>
      %dma_wait3A_558 = arith.constant 0 : i32
      %dma_wait3A_559 = arith.constant 0 : i32
      %dma_wait3A_560 = tpu.memref_slice %arg5[%dma_wait3A_551, %dma_wait3A_558, %dma_wait3A_559] : memref<8x1x2048xf32, #tpu.memory_space<vmem>> -> memref<1x1x2048xf32, #tpu.memory_space<vmem>>
      %dma_wait3A_561 = tpu.memref_squeeze %dma_wait3A_560 : memref<1x1x2048xf32, #tpu.memory_space<vmem>> -> memref<1x2048xf32, #tpu.memory_space<vmem>>
      %dma_wait3A_562 = arith.constant 0 : i32
      %dma_wait3A_563 = tpu.memref_slice %arg3[%add3A_550, %dma_wait3A_562] : memref<2048x2048xf32, #tpu.memory_space<hbm>> -> memref<1x2048xf32, #tpu.memory_space<hbm>>
      tpu.wait_dma2 semaphore(%arg11 : memref<!tpu.dma_semaphore, #tpu.memory_space<semaphore_mem>>) src(%dma_wait3A_563 : memref<1x2048xf32, #tpu.memory_space<hbm>>) dst(%dma_wait3A_561 : memref<1x2048xf32, #tpu.memory_space<vmem>>)
      %dma_wait3A_564 = arith.constant 4 : i32
      %dma_wait3A_565 = arith.constant 0 : i32
      %dma_wait3A_566 = arith.constant 0 : i32
      %dma_wait3A_567 = arith.constant 0 : i32
      %dma_wait3A_568 = tpu.memref_slice %arg6[%dma_wait3A_564, %dma_wait3A_565, %dma_wait3A_566, %dma_wait3A_567] : memref<8x4x1x2048xf32, #tpu.memory_space<vmem>> -> memref<1x4x1x2048xf32, #tpu.memory_space<vmem>>
      %dma_wait3A_569 = tpu.memref_squeeze %dma_wait3A_568 : memref<1x4x1x2048xf32, #tpu.memory_space<vmem>> -> memref<4x1x2048xf32, #tpu.memory_space<vmem>>
      %dma_wait3A_570 = arith.constant 0 : i32
      %dma_wait3A_571 = arith.constant 0 : i32
      %dma_wait3A_572 = tpu.memref_slice %arg2[%dma_wait3A_570, %add3A_550, %dma_wait3A_571] : memref<4x2048x2048xf32, #tpu.memory_space<hbm>> -> memref<4x1x2048xf32, #tpu.memory_space<hbm>>
      %dma_wait3A_573 = arith.constant 0 : i32
      %dma_wait3A_574 = arith.constant 0 : i32
      %dma_wait3A_575 = arith.constant 0 : i32
      %dma_wait3A_576 = tpu.memref_slice %arg6[%dma_wait3A_564, %dma_wait3A_573, %dma_wait3A_574, %dma_wait3A_575] : memref<8x4x1x2048xf32, #tpu.memory_space<vmem>> -> memref<1x4x1x2048xf32, #tpu.memory_space<vmem>>
      %dma_wait3A_577 = tpu.memref_squeeze %dma_wait3A_576 : memref<1x4x1x2048xf32, #tpu.memory_space<vmem>> -> memref<4x1x2048xf32, #tpu.memory_space<vmem>>
      %dma_wait3A_578 = arith.constant 0 : i32
      %dma_wait3A_579 = arith.constant 0 : i32
      %dma_wait3A_580 = tpu.memref_slice %arg2[%dma_wait3A_578, %add3A_550, %dma_wait3A_579] : memref<4x2048x2048xf32, #tpu.memory_space<hbm>> -> memref<4x1x2048xf32, #tpu.memory_space<hbm>>
      tpu.wait_dma2 semaphore(%arg11 : memref<!tpu.dma_semaphore, #tpu.memory_space<semaphore_mem>>) src(%dma_wait3A_580 : memref<4x1x2048xf32, #tpu.memory_space<hbm>>) dst(%dma_wait3A_577 : memref<4x1x2048xf32, #tpu.memory_space<vmem>>)
      %parallel_loop3A_581 = arith.constant 0 : i32
      %parallel_loop3A_582 = arith.constant 128 : i32
      %parallel_loop3A_583 = arith.constant 1 : i32
      scf.for %parallel_loop3A_806 = %parallel_loop3A_581 to %parallel_loop3A_582 step %parallel_loop3A_583  : i32 {
        %parallel_loop3A_807 = arith.constant 16 : i32
        %parallel_loop3A_808 = arith.muli %parallel_loop3A_806, %parallel_loop3A_807 : i32
        %parallel_loop3A_809 = arith.constant 4 : i32
        %parallel_loop3A_810 = arith.constant 0 : i32
        %parallel_loop3A_811 = arith.index_cast %parallel_loop3A_809 : i32 to index
        %parallel_loop3A_812 = arith.index_cast %parallel_loop3A_810 : i32 to index
        %parallel_loop3A_813 = arith.index_cast %parallel_loop3A_808 : i32 to index
        %parallel_loop3A_814 = tpu.vector_load %arg5[%parallel_loop3A_811, %parallel_loop3A_812, %parallel_loop3A_813] {strides = array<i32>} : memref<8x1x2048xf32, #tpu.memory_space<vmem>>, vector<1x1x16xf32>,
        %parallel_loop3A_815 = vector.shape_cast %parallel_loop3A_814 : vector<1x1x16xf32> to vector<16xf32>
        %parallel_loop3A_816 = arith.constant 16 : i32
        %parallel_loop3A_817 = arith.muli %parallel_loop3A_806, %parallel_loop3A_816 : i32
        %parallel_loop3A_818 = arith.constant 4 : i32
        %parallel_loop3A_819 = arith.constant 0 : i32
        %parallel_loop3A_820 = arith.constant 0 : i32
        %parallel_loop3A_821 = arith.index_cast %parallel_loop3A_818 : i32 to index
        %parallel_loop3A_822 = arith.index_cast %parallel_loop3A_819 : i32 to index
        %parallel_loop3A_823 = arith.index_cast %parallel_loop3A_820 : i32 to index
        %parallel_loop3A_824 = arith.index_cast %parallel_loop3A_817 : i32 to index
        %parallel_loop3A_825 = tpu.vector_load %arg6[%parallel_loop3A_821, %parallel_loop3A_822, %parallel_loop3A_823, %parallel_loop3A_824] {strides = array<i32>} : memref<8x4x1x2048xf32, #tpu.memory_space<vmem>>, vector<1x1x1x16xf32>,
        %parallel_loop3A_826 = vector.shape_cast %parallel_loop3A_825 : vector<1x1x1x16xf32> to vector<16xf32>
        %parallel_loop3A_827 = arith.addf %parallel_loop3A_826, %parallel_loop3A_815 : vector<16xf32>
        %parallel_loop3A_828 = arith.constant 16 : i32
        %parallel_loop3A_829 = arith.muli %parallel_loop3A_806, %parallel_loop3A_828 : i32
        %parallel_loop3A_830 = arith.constant 4 : i32
        %parallel_loop3A_831 = arith.constant 0 : i32
        %parallel_loop3A_832 = arith.constant 0 : i32
        %parallel_loop3A_833 = arith.index_cast %parallel_loop3A_830 : i32 to index
        %parallel_loop3A_834 = arith.index_cast %parallel_loop3A_831 : i32 to index
        %parallel_loop3A_835 = arith.index_cast %parallel_loop3A_832 : i32 to index
        %parallel_loop3A_836 = arith.index_cast %parallel_loop3A_829 : i32 to index
        %parallel_loop3A_837 = tpu.vector_load %arg6[%parallel_loop3A_833, %parallel_loop3A_834, %parallel_loop3A_835, %parallel_loop3A_836] {strides = array<i32>} : memref<8x4x1x2048xf32, #tpu.memory_space<vmem>>, vector<1x1x1x16xf32>,
        %parallel_loop3A_838 = vector.shape_cast %parallel_loop3A_837 : vector<1x1x1x16xf32> to vector<16xf32>
        %parallel_loop3A_839 = vector.shape_cast %parallel_loop3A_827 : vector<16xf32> to vector<1x1x1x16xf32>
        tpu.vector_store %arg6[%parallel_loop3A_833, %parallel_loop3A_834, %parallel_loop3A_835, %parallel_loop3A_836], %parallel_loop3A_839 {strides = array<i32>} : memref<8x4x1x2048xf32, #tpu.memory_space<vmem>>, vector<1x1x1x16xf32>,
        %parallel_loop3A_840 = arith.constant 16 : i32
        %parallel_loop3A_841 = arith.muli %parallel_loop3A_806, %parallel_loop3A_840 : i32
        %parallel_loop3A_842 = arith.constant 4 : i32
        %parallel_loop3A_843 = arith.constant 1 : i32
        %parallel_loop3A_844 = arith.constant 0 : i32
        %parallel_loop3A_845 = arith.index_cast %parallel_loop3A_842 : i32 to index
        %parallel_loop3A_846 = arith.index_cast %parallel_loop3A_843 : i32 to index
        %parallel_loop3A_847 = arith.index_cast %parallel_loop3A_844 : i32 to index
        %parallel_loop3A_848 = arith.index_cast %parallel_loop3A_841 : i32 to index
        %parallel_loop3A_849 = tpu.vector_load %arg6[%parallel_loop3A_845, %parallel_loop3A_846, %parallel_loop3A_847, %parallel_loop3A_848] {strides = array<i32>} : memref<8x4x1x2048xf32, #tpu.memory_space<vmem>>, vector<1x1x1x16xf32>,
        %parallel_loop3A_850 = vector.shape_cast %parallel_loop3A_849 : vector<1x1x1x16xf32> to vector<16xf32>
        %parallel_loop3A_851 = arith.addf %parallel_loop3A_850, %parallel_loop3A_815 : vector<16xf32>
        %parallel_loop3A_852 = arith.constant 16 : i32
        %parallel_loop3A_853 = arith.muli %parallel_loop3A_806, %parallel_loop3A_852 : i32
        %parallel_loop3A_854 = arith.constant 4 : i32
        %parallel_loop3A_855 = arith.constant 1 : i32
        %parallel_loop3A_856 = arith.constant 0 : i32
        %parallel_loop3A_857 = arith.index_cast %parallel_loop3A_854 : i32 to index
        %parallel_loop3A_858 = arith.index_cast %parallel_loop3A_855 : i32 to index
        %parallel_loop3A_859 = arith.index_cast %parallel_loop3A_856 : i32 to index
        %parallel_loop3A_860 = arith.index_cast %parallel_loop3A_853 : i32 to index
        %parallel_loop3A_861 = tpu.vector_load %arg6[%parallel_loop3A_857, %parallel_loop3A_858, %parallel_loop3A_859, %parallel_loop3A_860] {strides = array<i32>} : memref<8x4x1x2048xf32, #tpu.memory_space<vmem>>, vector<1x1x1x16xf32>,
        %parallel_loop3A_862 = vector.shape_cast %parallel_loop3A_861 : vector<1x1x1x16xf32> to vector<16xf32>
        %parallel_loop3A_863 = vector.shape_cast %parallel_loop3A_851 : vector<16xf32> to vector<1x1x1x16xf32>
        tpu.vector_store %arg6[%parallel_loop3A_857, %parallel_loop3A_858, %parallel_loop3A_859, %parallel_loop3A_860], %parallel_loop3A_863 {strides = array<i32>} : memref<8x4x1x2048xf32, #tpu.memory_space<vmem>>, vector<1x1x1x16xf32>,
        %parallel_loop3A_864 = arith.constant 16 : i32
        %parallel_loop3A_865 = arith.muli %parallel_loop3A_806, %parallel_loop3A_864 : i32
        %parallel_loop3A_866 = arith.constant 4 : i32
        %parallel_loop3A_867 = arith.constant 2 : i32
        %parallel_loop3A_868 = arith.constant 0 : i32
        %parallel_loop3A_869 = arith.index_cast %parallel_loop3A_866 : i32 to index
        %parallel_loop3A_870 = arith.index_cast %parallel_loop3A_867 : i32 to index
        %parallel_loop3A_871 = arith.index_cast %parallel_loop3A_868 : i32 to index
        %parallel_loop3A_872 = arith.index_cast %parallel_loop3A_865 : i32 to index
        %parallel_loop3A_873 = tpu.vector_load %arg6[%parallel_loop3A_869, %parallel_loop3A_870, %parallel_loop3A_871, %parallel_loop3A_872] {strides = array<i32>} : memref<8x4x1x2048xf32, #tpu.memory_space<vmem>>, vector<1x1x1x16xf32>,
        %parallel_loop3A_874 = vector.shape_cast %parallel_loop3A_873 : vector<1x1x1x16xf32> to vector<16xf32>
        %parallel_loop3A_875 = arith.addf %parallel_loop3A_874, %parallel_loop3A_815 : vector<16xf32>
        %parallel_loop3A_876 = arith.constant 16 : i32
        %parallel_loop3A_877 = arith.muli %parallel_loop3A_806, %parallel_loop3A_876 : i32
        %parallel_loop3A_878 = arith.constant 4 : i32
        %parallel_loop3A_879 = arith.constant 2 : i32
        %parallel_loop3A_880 = arith.constant 0 : i32
        %parallel_loop3A_881 = arith.index_cast %parallel_loop3A_878 : i32 to index
        %parallel_loop3A_882 = arith.index_cast %parallel_loop3A_879 : i32 to index
        %parallel_loop3A_883 = arith.index_cast %parallel_loop3A_880 : i32 to index
        %parallel_loop3A_884 = arith.index_cast %parallel_loop3A_877 : i32 to index
        %parallel_loop3A_885 = tpu.vector_load %arg6[%parallel_loop3A_881, %parallel_loop3A_882, %parallel_loop3A_883, %parallel_loop3A_884] {strides = array<i32>} : memref<8x4x1x2048xf32, #tpu.memory_space<vmem>>, vector<1x1x1x16xf32>,
        %parallel_loop3A_886 = vector.shape_cast %parallel_loop3A_885 : vector<1x1x1x16xf32> to vector<16xf32>
        %parallel_loop3A_887 = vector.shape_cast %parallel_loop3A_875 : vector<16xf32> to vector<1x1x1x16xf32>
        tpu.vector_store %arg6[%parallel_loop3A_881, %parallel_loop3A_882, %parallel_loop3A_883, %parallel_loop3A_884], %parallel_loop3A_887 {strides = array<i32>} : memref<8x4x1x2048xf32, #tpu.memory_space<vmem>>, vector<1x1x1x16xf32>,
        %parallel_loop3A_888 = arith.constant 16 : i32
        %parallel_loop3A_889 = arith.muli %parallel_loop3A_806, %parallel_loop3A_888 : i32
        %parallel_loop3A_890 = arith.constant 4 : i32
        %parallel_loop3A_891 = arith.constant 3 : i32
        %parallel_loop3A_892 = arith.constant 0 : i32
        %parallel_loop3A_893 = arith.index_cast %parallel_loop3A_890 : i32 to index
        %parallel_loop3A_894 = arith.index_cast %parallel_loop3A_891 : i32 to index
        %parallel_loop3A_895 = arith.index_cast %parallel_loop3A_892 : i32 to index
        %parallel_loop3A_896 = arith.index_cast %parallel_loop3A_889 : i32 to index
        %parallel_loop3A_897 = tpu.vector_load %arg6[%parallel_loop3A_893, %parallel_loop3A_894, %parallel_loop3A_895, %parallel_loop3A_896] {strides = array<i32>} : memref<8x4x1x2048xf32, #tpu.memory_space<vmem>>, vector<1x1x1x16xf32>,
        %parallel_loop3A_898 = vector.shape_cast %parallel_loop3A_897 : vector<1x1x1x16xf32> to vector<16xf32>
        %parallel_loop3A_899 = arith.addf %parallel_loop3A_898, %parallel_loop3A_815 : vector<16xf32>
        %parallel_loop3A_900 = arith.constant 16 : i32
        %parallel_loop3A_901 = arith.muli %parallel_loop3A_806, %parallel_loop3A_900 : i32
        %parallel_loop3A_902 = arith.constant 4 : i32
        %parallel_loop3A_903 = arith.constant 3 : i32
        %parallel_loop3A_904 = arith.constant 0 : i32
        %parallel_loop3A_905 = arith.index_cast %parallel_loop3A_902 : i32 to index
        %parallel_loop3A_906 = arith.index_cast %parallel_loop3A_903 : i32 to index
        %parallel_loop3A_907 = arith.index_cast %parallel_loop3A_904 : i32 to index
        %parallel_loop3A_908 = arith.index_cast %parallel_loop3A_901 : i32 to index
        %parallel_loop3A_909 = tpu.vector_load %arg6[%parallel_loop3A_905, %parallel_loop3A_906, %parallel_loop3A_907, %parallel_loop3A_908] {strides = array<i32>} : memref<8x4x1x2048xf32, #tpu.memory_space<vmem>>, vector<1x1x1x16xf32>,
        %parallel_loop3A_910 = vector.shape_cast %parallel_loop3A_909 : vector<1x1x1x16xf32> to vector<16xf32>
        %parallel_loop3A_911 = vector.shape_cast %parallel_loop3A_899 : vector<16xf32> to vector<1x1x1x16xf32>
        tpu.vector_store %arg6[%parallel_loop3A_905, %parallel_loop3A_906, %parallel_loop3A_907, %parallel_loop3A_908], %parallel_loop3A_911 {strides = array<i32>} : memref<8x4x1x2048xf32, #tpu.memory_space<vmem>>, vector<1x1x1x16xf32>,
      } {sc.loop_unroll_factor = 8 : i64, sc.parallel_access}
      %mul3A_584 = arith.constant 1 : i32
      %mul3A_585 = arith.muli %add3A_547, %mul3A_584 : i32
      %add3A_586 = arith.addi %mul3A_2, %mul3A_585 : i32
      %dma_start3A_587 = arith.constant 4 : i32
      %dma_start3A_588 = arith.constant 0 : i32
      %dma_start3A_589 = arith.constant 0 : i32
      %dma_start3A_590 = arith.constant 0 : i32
      %dma_start3A_591 = tpu.memref_slice %arg6[%dma_start3A_587, %dma_start3A_588, %dma_start3A_589, %dma_start3A_590] : memref<8x4x1x2048xf32, #tpu.memory_space<vmem>> -> memref<1x4x1x2048xf32, #tpu.memory_space<vmem>>
      %dma_start3A_592 = tpu.memref_squeeze %dma_start3A_591 : memref<1x4x1x2048xf32, #tpu.memory_space<vmem>> -> memref<4x1x2048xf32, #tpu.memory_space<vmem>>
      %dma_start3A_593 = arith.constant 0 : i32
      %dma_start3A_594 = arith.constant 0 : i32
      %dma_start3A_595 = tpu.memref_slice %arg4[%dma_start3A_593, %add3A_586, %dma_start3A_594] : memref<4x2048x2048xf32, #tpu.memory_space<hbm>> -> memref<4x1x2048xf32, #tpu.memory_space<hbm>>
      %dma_start3A_596 = arith.constant 0 : i32
      %dma_start3A_597 = arith.constant 0 : i32
      %dma_start3A_598 = tpu.memref_slice %arg4[%dma_start3A_596, %add3A_586, %dma_start3A_597] : memref<4x2048x2048xf32, #tpu.memory_space<hbm>> -> memref<4x1x2048xf32, #tpu.memory_space<hbm>>
      %dma_start3A_599 = arith.constant 0 : i32
      %dma_start3A_600 = arith.constant 0 : i32
      %dma_start3A_601 = arith.constant 0 : i32
      %dma_start3A_602 = tpu.memref_slice %arg6[%dma_start3A_587, %dma_start3A_599, %dma_start3A_600, %dma_start3A_601] : memref<8x4x1x2048xf32, #tpu.memory_space<vmem>> -> memref<1x4x1x2048xf32, #tpu.memory_space<vmem>>
      %dma_start3A_603 = tpu.memref_squeeze %dma_start3A_602 : memref<1x4x1x2048xf32, #tpu.memory_space<vmem>> -> memref<4x1x2048xf32, #tpu.memory_space<vmem>>
      tpu.enqueue_dma source(%dma_start3A_603 : memref<4x1x2048xf32, #tpu.memory_space<vmem>>) target(%dma_start3A_598 : memref<4x1x2048xf32, #tpu.memory_space<hbm>>) target_semaphore(%arg19 : memref<!tpu.dma_semaphore, #tpu.memory_space<semaphore_mem>>)
      %add3A_604 = arith.constant 4 : i32
      %add3A_605 = arith.addi %add3A_547, %add3A_604 : i32
      %lt3A_606 = arith.constant 64 : i32
      %lt3A_607 = arith.cmpi slt, %add3A_605, %lt3A_606 : i32
      %convert_element_type3A_608 = arith.extui %lt3A_607 : i1 to i32
      %cond3A_609 = arith.constant 0 : i32
      %cond3A_610 = arith.cmpi ne, %convert_element_type3A_608, %cond3A_609 : i32
      scf.if %cond3A_610 {
        %ge3A = arith.constant 8 : i32
        %ge3A_806 = arith.cmpi sge, %add3A_605, %ge3A : i32
        %convert_element_type3A_807 = arith.extui %ge3A_806 : i1 to i32
        %cond3A_808 = arith.constant 0 : i32
        %cond3A_809 = arith.cmpi ne, %convert_element_type3A_807, %cond3A_808 : i32
        scf.if %cond3A_809 {
          %mul3A_843 = arith.constant 1 : i32
          %mul3A_844 = arith.muli %add3A_605, %mul3A_843 : i32
          %add3A_845 = arith.addi %mul3A_2, %mul3A_844 : i32
          %dma_wait3A_846 = arith.constant 0 : i32
          %dma_wait3A_847 = arith.constant 0 : i32
          %dma_wait3A_848 = arith.constant 0 : i32
          %dma_wait3A_849 = arith.constant 0 : i32
          %dma_wait3A_850 = tpu.memref_slice %arg6[%dma_wait3A_846, %dma_wait3A_847, %dma_wait3A_848, %dma_wait3A_849] : memref<8x4x1x2048xf32, #tpu.memory_space<vmem>> -> memref<1x4x1x2048xf32, #tpu.memory_space<vmem>>
          %dma_wait3A_851 = tpu.memref_squeeze %dma_wait3A_850 : memref<1x4x1x2048xf32, #tpu.memory_space<vmem>> -> memref<4x1x2048xf32, #tpu.memory_space<vmem>>
          %dma_wait3A_852 = arith.constant 0 : i32
          %dma_wait3A_853 = arith.constant 0 : i32
          %dma_wait3A_854 = tpu.memref_slice %arg4[%dma_wait3A_852, %add3A_845, %dma_wait3A_853] : memref<4x2048x2048xf32, #tpu.memory_space<hbm>> -> memref<4x1x2048xf32, #tpu.memory_space<hbm>>
          %dma_wait3A_855 = arith.constant 0 : i32
          %dma_wait3A_856 = arith.constant 0 : i32
          %dma_wait3A_857 = tpu.memref_slice %arg4[%dma_wait3A_855, %add3A_845, %dma_wait3A_856] : memref<4x2048x2048xf32, #tpu.memory_space<hbm>> -> memref<4x1x2048xf32, #tpu.memory_space<hbm>>
          %dma_wait3A_858 = arith.constant 0 : i32
          %dma_wait3A_859 = arith.constant 0 : i32
          %dma_wait3A_860 = arith.constant 0 : i32
          %dma_wait3A_861 = tpu.memref_slice %arg6[%dma_wait3A_846, %dma_wait3A_858, %dma_wait3A_859, %dma_wait3A_860] : memref<8x4x1x2048xf32, #tpu.memory_space<vmem>> -> memref<1x4x1x2048xf32, #tpu.memory_space<vmem>>
          %dma_wait3A_862 = tpu.memref_squeeze %dma_wait3A_861 : memref<1x4x1x2048xf32, #tpu.memory_space<vmem>> -> memref<4x1x2048xf32, #tpu.memory_space<vmem>>
          tpu.wait_dma2 semaphore(%arg15 : memref<!tpu.dma_semaphore, #tpu.memory_space<semaphore_mem>>) src(%dma_wait3A_862 : memref<4x1x2048xf32, #tpu.memory_space<vmem>>) dst(%dma_wait3A_857 : memref<4x1x2048xf32, #tpu.memory_space<hbm>>)
        } else {
        }
        %mul3A_810 = arith.constant 1 : i32
        %mul3A_811 = arith.muli %add3A_605, %mul3A_810 : i32
        %add3A_812 = arith.addi %mul3A_2, %mul3A_811 : i32
        %dma_start3A_813 = arith.constant 0 : i32
        %dma_start3A_814 = arith.constant 0 : i32
        %dma_start3A_815 = arith.constant 0 : i32
        %dma_start3A_816 = tpu.memref_slice %arg5[%dma_start3A_813, %dma_start3A_814, %dma_start3A_815] : memref<8x1x2048xf32, #tpu.memory_space<vmem>> -> memref<1x1x2048xf32, #tpu.memory_space<vmem>>
        %dma_start3A_817 = tpu.memref_squeeze %dma_start3A_816 : memref<1x1x2048xf32, #tpu.memory_space<vmem>> -> memref<1x2048xf32, #tpu.memory_space<vmem>>
        %dma_start3A_818 = arith.constant 0 : i32
        %dma_start3A_819 = tpu.memref_slice %arg3[%add3A_812, %dma_start3A_818] : memref<2048x2048xf32, #tpu.memory_space<hbm>> -> memref<1x2048xf32, #tpu.memory_space<hbm>>
        %dma_start3A_820 = arith.constant 0 : i32
        %dma_start3A_821 = arith.constant 0 : i32
        %dma_start3A_822 = tpu.memref_slice %arg5[%dma_start3A_813, %dma_start3A_820, %dma_start3A_821] : memref<8x1x2048xf32, #tpu.memory_space<vmem>> -> memref<1x1x2048xf32, #tpu.memory_space<vmem>>
        %dma_start3A_823 = tpu.memref_squeeze %dma_start3A_822 : memref<1x1x2048xf32, #tpu.memory_space<vmem>> -> memref<1x2048xf32, #tpu.memory_space<vmem>>
        %dma_start3A_824 = arith.constant 0 : i32
        %dma_start3A_825 = tpu.memref_slice %arg3[%add3A_812, %dma_start3A_824] : memref<2048x2048xf32, #tpu.memory_space<hbm>> -> memref<1x2048xf32, #tpu.memory_space<hbm>>
        tpu.enqueue_dma source(%dma_start3A_825 : memref<1x2048xf32, #tpu.memory_space<hbm>>) target(%dma_start3A_823 : memref<1x2048xf32, #tpu.memory_space<vmem>>) target_semaphore(%arg7 : memref<!tpu.dma_semaphore, #tpu.memory_space<semaphore_mem>>)
        %dma_start3A_826 = arith.constant 0 : i32
        %dma_start3A_827 = arith.constant 0 : i32
        %dma_start3A_828 = arith.constant 0 : i32
        %dma_start3A_829 = arith.constant 0 : i32
        %dma_start3A_830 = tpu.memref_slice %arg6[%dma_start3A_826, %dma_start3A_827, %dma_start3A_828, %dma_start3A_829] : memref<8x4x1x2048xf32, #tpu.memory_space<vmem>> -> memref<1x4x1x2048xf32, #tpu.memory_space<vmem>>
        %dma_start3A_831 = tpu.memref_squeeze %dma_start3A_830 : memref<1x4x1x2048xf32, #tpu.memory_space<vmem>> -> memref<4x1x2048xf32, #tpu.memory_space<vmem>>
        %dma_start3A_832 = arith.constant 0 : i32
        %dma_start3A_833 = arith.constant 0 : i32
        %dma_start3A_834 = tpu.memref_slice %arg2[%dma_start3A_832, %add3A_812, %dma_start3A_833] : memref<4x2048x2048xf32, #tpu.memory_space<hbm>> -> memref<4x1x2048xf32, #tpu.memory_space<hbm>>
        %dma_start3A_835 = arith.constant 0 : i32
        %dma_start3A_836 = arith.constant 0 : i32
        %dma_start3A_837 = arith.constant 0 : i32
        %dma_start3A_838 = tpu.memref_slice %arg6[%dma_start3A_826, %dma_start3A_835, %dma_start3A_836, %dma_start3A_837] : memref<8x4x1x2048xf32, #tpu.memory_space<vmem>> -> memref<1x4x1x2048xf32, #tpu.memory_space<vmem>>
        %dma_start3A_839 = tpu.memref_squeeze %dma_start3A_838 : memref<1x4x1x2048xf32, #tpu.memory_space<vmem>> -> memref<4x1x2048xf32, #tpu.memory_space<vmem>>
        %dma_start3A_840 = arith.constant 0 : i32
        %dma_start3A_841 = arith.constant 0 : i32
        %dma_start3A_842 = tpu.memref_slice %arg2[%dma_start3A_840, %add3A_812, %dma_start3A_841] : memref<4x2048x2048xf32, #tpu.memory_space<hbm>> -> memref<4x1x2048xf32, #tpu.memory_space<hbm>>
        tpu.enqueue_dma source(%dma_start3A_842 : memref<4x1x2048xf32, #tpu.memory_space<hbm>>) target(%dma_start3A_839 : memref<4x1x2048xf32, #tpu.memory_space<vmem>>) target_semaphore(%arg7 : memref<!tpu.dma_semaphore, #tpu.memory_space<semaphore_mem>>)
      } else {
      }
      %add3A_611 = arith.constant 5 : i32
      %add3A_612 = arith.addi %add3A_289, %add3A_611 : i32
      %mul3A_613 = arith.constant 1 : i32
      %mul3A_614 = arith.muli %add3A_612, %mul3A_613 : i32
      %add3A_615 = arith.addi %mul3A_2, %mul3A_614 : i32
      %dma_wait3A_616 = arith.constant 5 : i32
      %dma_wait3A_617 = arith.constant 0 : i32
      %dma_wait3A_618 = arith.constant 0 : i32
      %dma_wait3A_619 = tpu.memref_slice %arg5[%dma_wait3A_616, %dma_wait3A_617, %dma_wait3A_618] : memref<8x1x2048xf32, #tpu.memory_space<vmem>> -> memref<1x1x2048xf32, #tpu.memory_space<vmem>>
      %dma_wait3A_620 = tpu.memref_squeeze %dma_wait3A_619 : memref<1x1x2048xf32, #tpu.memory_space<vmem>> -> memref<1x2048xf32, #tpu.memory_space<vmem>>
      %dma_wait3A_621 = arith.constant 0 : i32
      %dma_wait3A_622 = tpu.memref_slice %arg3[%add3A_615, %dma_wait3A_621] : memref<2048x2048xf32, #tpu.memory_space<hbm>> -> memref<1x2048xf32, #tpu.memory_space<hbm>>
      %dma_wait3A_623 = arith.constant 0 : i32
      %dma_wait3A_624 = arith.constant 0 : i32
      %dma_wait3A_625 = tpu.memref_slice %arg5[%dma_wait3A_616, %dma_wait3A_623, %dma_wait3A_624] : memref<8x1x2048xf32, #tpu.memory_space<vmem>> -> memref<1x1x2048xf32, #tpu.memory_space<vmem>>
      %dma_wait3A_626 = tpu.memref_squeeze %dma_wait3A_625 : memref<1x1x2048xf32, #tpu.memory_space<vmem>> -> memref<1x2048xf32, #tpu.memory_space<vmem>>
      %dma_wait3A_627 = arith.constant 0 : i32
      %dma_wait3A_628 = tpu.memref_slice %arg3[%add3A_615, %dma_wait3A_627] : memref<2048x2048xf32, #tpu.memory_space<hbm>> -> memref<1x2048xf32, #tpu.memory_space<hbm>>
      tpu.wait_dma2 semaphore(%arg12 : memref<!tpu.dma_semaphore, #tpu.memory_space<semaphore_mem>>) src(%dma_wait3A_628 : memref<1x2048xf32, #tpu.memory_space<hbm>>) dst(%dma_wait3A_626 : memref<1x2048xf32, #tpu.memory_space<vmem>>)
      %dma_wait3A_629 = arith.constant 5 : i32
      %dma_wait3A_630 = arith.constant 0 : i32
      %dma_wait3A_631 = arith.constant 0 : i32
      %dma_wait3A_632 = arith.constant 0 : i32
      %dma_wait3A_633 = tpu.memref_slice %arg6[%dma_wait3A_629, %dma_wait3A_630, %dma_wait3A_631, %dma_wait3A_632] : memref<8x4x1x2048xf32, #tpu.memory_space<vmem>> -> memref<1x4x1x2048xf32, #tpu.memory_space<vmem>>
      %dma_wait3A_634 = tpu.memref_squeeze %dma_wait3A_633 : memref<1x4x1x2048xf32, #tpu.memory_space<vmem>> -> memref<4x1x2048xf32, #tpu.memory_space<vmem>>
      %dma_wait3A_635 = arith.constant 0 : i32
      %dma_wait3A_636 = arith.constant 0 : i32
      %dma_wait3A_637 = tpu.memref_slice %arg2[%dma_wait3A_635, %add3A_615, %dma_wait3A_636] : memref<4x2048x2048xf32, #tpu.memory_space<hbm>> -> memref<4x1x2048xf32, #tpu.memory_space<hbm>>
      %dma_wait3A_638 = arith.constant 0 : i32
      %dma_wait3A_639 = arith.constant 0 : i32
      %dma_wait3A_640 = arith.constant 0 : i32
      %dma_wait3A_641 = tpu.memref_slice %arg6[%dma_wait3A_629, %dma_wait3A_638, %dma_wait3A_639, %dma_wait3A_640] : memref<8x4x1x2048xf32, #tpu.memory_space<vmem>> -> memref<1x4x1x2048xf32, #tpu.memory_space<vmem>>
      %dma_wait3A_642 = tpu.memref_squeeze %dma_wait3A_641 : memref<1x4x1x2048xf32, #tpu.memory_space<vmem>> -> memref<4x1x2048xf32, #tpu.memory_space<vmem>>
      %dma_wait3A_643 = arith.constant 0 : i32
      %dma_wait3A_644 = arith.constant 0 : i32
      %dma_wait3A_645 = tpu.memref_slice %arg2[%dma_wait3A_643, %add3A_615, %dma_wait3A_644] : memref<4x2048x2048xf32, #tpu.memory_space<hbm>> -> memref<4x1x2048xf32, #tpu.memory_space<hbm>>
      tpu.wait_dma2 semaphore(%arg12 : memref<!tpu.dma_semaphore, #tpu.memory_space<semaphore_mem>>) src(%dma_wait3A_645 : memref<4x1x2048xf32, #tpu.memory_space<hbm>>) dst(%dma_wait3A_642 : memref<4x1x2048xf32, #tpu.memory_space<vmem>>)
      %parallel_loop3A_646 = arith.constant 0 : i32
      %parallel_loop3A_647 = arith.constant 128 : i32
      %parallel_loop3A_648 = arith.constant 1 : i32
      scf.for %parallel_loop3A_806 = %parallel_loop3A_646 to %parallel_loop3A_647 step %parallel_loop3A_648  : i32 {
        %parallel_loop3A_807 = arith.constant 16 : i32
        %parallel_loop3A_808 = arith.muli %parallel_loop3A_806, %parallel_loop3A_807 : i32
        %parallel_loop3A_809 = arith.constant 5 : i32
        %parallel_loop3A_810 = arith.constant 0 : i32
        %parallel_loop3A_811 = arith.index_cast %parallel_loop3A_809 : i32 to index
        %parallel_loop3A_812 = arith.index_cast %parallel_loop3A_810 : i32 to index
        %parallel_loop3A_813 = arith.index_cast %parallel_loop3A_808 : i32 to index
        %parallel_loop3A_814 = tpu.vector_load %arg5[%parallel_loop3A_811, %parallel_loop3A_812, %parallel_loop3A_813] {strides = array<i32>} : memref<8x1x2048xf32, #tpu.memory_space<vmem>>, vector<1x1x16xf32>,
        %parallel_loop3A_815 = vector.shape_cast %parallel_loop3A_814 : vector<1x1x16xf32> to vector<16xf32>
        %parallel_loop3A_816 = arith.constant 16 : i32
        %parallel_loop3A_817 = arith.muli %parallel_loop3A_806, %parallel_loop3A_816 : i32
        %parallel_loop3A_818 = arith.constant 5 : i32
        %parallel_loop3A_819 = arith.constant 0 : i32
        %parallel_loop3A_820 = arith.constant 0 : i32
        %parallel_loop3A_821 = arith.index_cast %parallel_loop3A_818 : i32 to index
        %parallel_loop3A_822 = arith.index_cast %parallel_loop3A_819 : i32 to index
        %parallel_loop3A_823 = arith.index_cast %parallel_loop3A_820 : i32 to index
        %parallel_loop3A_824 = arith.index_cast %parallel_loop3A_817 : i32 to index
        %parallel_loop3A_825 = tpu.vector_load %arg6[%parallel_loop3A_821, %parallel_loop3A_822, %parallel_loop3A_823, %parallel_loop3A_824] {strides = array<i32>} : memref<8x4x1x2048xf32, #tpu.memory_space<vmem>>, vector<1x1x1x16xf32>,
        %parallel_loop3A_826 = vector.shape_cast %parallel_loop3A_825 : vector<1x1x1x16xf32> to vector<16xf32>
        %parallel_loop3A_827 = arith.addf %parallel_loop3A_826, %parallel_loop3A_815 : vector<16xf32>
        %parallel_loop3A_828 = arith.constant 16 : i32
        %parallel_loop3A_829 = arith.muli %parallel_loop3A_806, %parallel_loop3A_828 : i32
        %parallel_loop3A_830 = arith.constant 5 : i32
        %parallel_loop3A_831 = arith.constant 0 : i32
        %parallel_loop3A_832 = arith.constant 0 : i32
        %parallel_loop3A_833 = arith.index_cast %parallel_loop3A_830 : i32 to index
        %parallel_loop3A_834 = arith.index_cast %parallel_loop3A_831 : i32 to index
        %parallel_loop3A_835 = arith.index_cast %parallel_loop3A_832 : i32 to index
        %parallel_loop3A_836 = arith.index_cast %parallel_loop3A_829 : i32 to index
        %parallel_loop3A_837 = tpu.vector_load %arg6[%parallel_loop3A_833, %parallel_loop3A_834, %parallel_loop3A_835, %parallel_loop3A_836] {strides = array<i32>} : memref<8x4x1x2048xf32, #tpu.memory_space<vmem>>, vector<1x1x1x16xf32>,
        %parallel_loop3A_838 = vector.shape_cast %parallel_loop3A_837 : vector<1x1x1x16xf32> to vector<16xf32>
        %parallel_loop3A_839 = vector.shape_cast %parallel_loop3A_827 : vector<16xf32> to vector<1x1x1x16xf32>
        tpu.vector_store %arg6[%parallel_loop3A_833, %parallel_loop3A_834, %parallel_loop3A_835, %parallel_loop3A_836], %parallel_loop3A_839 {strides = array<i32>} : memref<8x4x1x2048xf32, #tpu.memory_space<vmem>>, vector<1x1x1x16xf32>,
        %parallel_loop3A_840 = arith.constant 16 : i32
        %parallel_loop3A_841 = arith.muli %parallel_loop3A_806, %parallel_loop3A_840 : i32
        %parallel_loop3A_842 = arith.constant 5 : i32
        %parallel_loop3A_843 = arith.constant 1 : i32
        %parallel_loop3A_844 = arith.constant 0 : i32
        %parallel_loop3A_845 = arith.index_cast %parallel_loop3A_842 : i32 to index
        %parallel_loop3A_846 = arith.index_cast %parallel_loop3A_843 : i32 to index
        %parallel_loop3A_847 = arith.index_cast %parallel_loop3A_844 : i32 to index
        %parallel_loop3A_848 = arith.index_cast %parallel_loop3A_841 : i32 to index
        %parallel_loop3A_849 = tpu.vector_load %arg6[%parallel_loop3A_845, %parallel_loop3A_846, %parallel_loop3A_847, %parallel_loop3A_848] {strides = array<i32>} : memref<8x4x1x2048xf32, #tpu.memory_space<vmem>>, vector<1x1x1x16xf32>,
        %parallel_loop3A_850 = vector.shape_cast %parallel_loop3A_849 : vector<1x1x1x16xf32> to vector<16xf32>
        %parallel_loop3A_851 = arith.addf %parallel_loop3A_850, %parallel_loop3A_815 : vector<16xf32>
        %parallel_loop3A_852 = arith.constant 16 : i32
        %parallel_loop3A_853 = arith.muli %parallel_loop3A_806, %parallel_loop3A_852 : i32
        %parallel_loop3A_854 = arith.constant 5 : i32
        %parallel_loop3A_855 = arith.constant 1 : i32
        %parallel_loop3A_856 = arith.constant 0 : i32
        %parallel_loop3A_857 = arith.index_cast %parallel_loop3A_854 : i32 to index
        %parallel_loop3A_858 = arith.index_cast %parallel_loop3A_855 : i32 to index
        %parallel_loop3A_859 = arith.index_cast %parallel_loop3A_856 : i32 to index
        %parallel_loop3A_860 = arith.index_cast %parallel_loop3A_853 : i32 to index
        %parallel_loop3A_861 = tpu.vector_load %arg6[%parallel_loop3A_857, %parallel_loop3A_858, %parallel_loop3A_859, %parallel_loop3A_860] {strides = array<i32>} : memref<8x4x1x2048xf32, #tpu.memory_space<vmem>>, vector<1x1x1x16xf32>,
        %parallel_loop3A_862 = vector.shape_cast %parallel_loop3A_861 : vector<1x1x1x16xf32> to vector<16xf32>
        %parallel_loop3A_863 = vector.shape_cast %parallel_loop3A_851 : vector<16xf32> to vector<1x1x1x16xf32>
        tpu.vector_store %arg6[%parallel_loop3A_857, %parallel_loop3A_858, %parallel_loop3A_859, %parallel_loop3A_860], %parallel_loop3A_863 {strides = array<i32>} : memref<8x4x1x2048xf32, #tpu.memory_space<vmem>>, vector<1x1x1x16xf32>,
        %parallel_loop3A_864 = arith.constant 16 : i32
        %parallel_loop3A_865 = arith.muli %parallel_loop3A_806, %parallel_loop3A_864 : i32
        %parallel_loop3A_866 = arith.constant 5 : i32
        %parallel_loop3A_867 = arith.constant 2 : i32
        %parallel_loop3A_868 = arith.constant 0 : i32
        %parallel_loop3A_869 = arith.index_cast %parallel_loop3A_866 : i32 to index
        %parallel_loop3A_870 = arith.index_cast %parallel_loop3A_867 : i32 to index
        %parallel_loop3A_871 = arith.index_cast %parallel_loop3A_868 : i32 to index
        %parallel_loop3A_872 = arith.index_cast %parallel_loop3A_865 : i32 to index
        %parallel_loop3A_873 = tpu.vector_load %arg6[%parallel_loop3A_869, %parallel_loop3A_870, %parallel_loop3A_871, %parallel_loop3A_872] {strides = array<i32>} : memref<8x4x1x2048xf32, #tpu.memory_space<vmem>>, vector<1x1x1x16xf32>,
        %parallel_loop3A_874 = vector.shape_cast %parallel_loop3A_873 : vector<1x1x1x16xf32> to vector<16xf32>
        %parallel_loop3A_875 = arith.addf %parallel_loop3A_874, %parallel_loop3A_815 : vector<16xf32>
        %parallel_loop3A_876 = arith.constant 16 : i32
        %parallel_loop3A_877 = arith.muli %parallel_loop3A_806, %parallel_loop3A_876 : i32
        %parallel_loop3A_878 = arith.constant 5 : i32
        %parallel_loop3A_879 = arith.constant 2 : i32
        %parallel_loop3A_880 = arith.constant 0 : i32
        %parallel_loop3A_881 = arith.index_cast %parallel_loop3A_878 : i32 to index
        %parallel_loop3A_882 = arith.index_cast %parallel_loop3A_879 : i32 to index
        %parallel_loop3A_883 = arith.index_cast %parallel_loop3A_880 : i32 to index
        %parallel_loop3A_884 = arith.index_cast %parallel_loop3A_877 : i32 to index
        %parallel_loop3A_885 = tpu.vector_load %arg6[%parallel_loop3A_881, %parallel_loop3A_882, %parallel_loop3A_883, %parallel_loop3A_884] {strides = array<i32>} : memref<8x4x1x2048xf32, #tpu.memory_space<vmem>>, vector<1x1x1x16xf32>,
        %parallel_loop3A_886 = vector.shape_cast %parallel_loop3A_885 : vector<1x1x1x16xf32> to vector<16xf32>
        %parallel_loop3A_887 = vector.shape_cast %parallel_loop3A_875 : vector<16xf32> to vector<1x1x1x16xf32>
        tpu.vector_store %arg6[%parallel_loop3A_881, %parallel_loop3A_882, %parallel_loop3A_883, %parallel_loop3A_884], %parallel_loop3A_887 {strides = array<i32>} : memref<8x4x1x2048xf32, #tpu.memory_space<vmem>>, vector<1x1x1x16xf32>,
        %parallel_loop3A_888 = arith.constant 16 : i32
        %parallel_loop3A_889 = arith.muli %parallel_loop3A_806, %parallel_loop3A_888 : i32
        %parallel_loop3A_890 = arith.constant 5 : i32
        %parallel_loop3A_891 = arith.constant 3 : i32
        %parallel_loop3A_892 = arith.constant 0 : i32
        %parallel_loop3A_893 = arith.index_cast %parallel_loop3A_890 : i32 to index
        %parallel_loop3A_894 = arith.index_cast %parallel_loop3A_891 : i32 to index
        %parallel_loop3A_895 = arith.index_cast %parallel_loop3A_892 : i32 to index
        %parallel_loop3A_896 = arith.index_cast %parallel_loop3A_889 : i32 to index
        %parallel_loop3A_897 = tpu.vector_load %arg6[%parallel_loop3A_893, %parallel_loop3A_894, %parallel_loop3A_895, %parallel_loop3A_896] {strides = array<i32>} : memref<8x4x1x2048xf32, #tpu.memory_space<vmem>>, vector<1x1x1x16xf32>,
        %parallel_loop3A_898 = vector.shape_cast %parallel_loop3A_897 : vector<1x1x1x16xf32> to vector<16xf32>
        %parallel_loop3A_899 = arith.addf %parallel_loop3A_898, %parallel_loop3A_815 : vector<16xf32>
        %parallel_loop3A_900 = arith.constant 16 : i32
        %parallel_loop3A_901 = arith.muli %parallel_loop3A_806, %parallel_loop3A_900 : i32
        %parallel_loop3A_902 = arith.constant 5 : i32
        %parallel_loop3A_903 = arith.constant 3 : i32
        %parallel_loop3A_904 = arith.constant 0 : i32
        %parallel_loop3A_905 = arith.index_cast %parallel_loop3A_902 : i32 to index
        %parallel_loop3A_906 = arith.index_cast %parallel_loop3A_903 : i32 to index
        %parallel_loop3A_907 = arith.index_cast %parallel_loop3A_904 : i32 to index
        %parallel_loop3A_908 = arith.index_cast %parallel_loop3A_901 : i32 to index
        %parallel_loop3A_909 = tpu.vector_load %arg6[%parallel_loop3A_905, %parallel_loop3A_906, %parallel_loop3A_907, %parallel_loop3A_908] {strides = array<i32>} : memref<8x4x1x2048xf32, #tpu.memory_space<vmem>>, vector<1x1x1x16xf32>,
        %parallel_loop3A_910 = vector.shape_cast %parallel_loop3A_909 : vector<1x1x1x16xf32> to vector<16xf32>
        %parallel_loop3A_911 = vector.shape_cast %parallel_loop3A_899 : vector<16xf32> to vector<1x1x1x16xf32>
        tpu.vector_store %arg6[%parallel_loop3A_905, %parallel_loop3A_906, %parallel_loop3A_907, %parallel_loop3A_908], %parallel_loop3A_911 {strides = array<i32>} : memref<8x4x1x2048xf32, #tpu.memory_space<vmem>>, vector<1x1x1x16xf32>,
      } {sc.loop_unroll_factor = 8 : i64, sc.parallel_access}
      %mul3A_649 = arith.constant 1 : i32
      %mul3A_650 = arith.muli %add3A_612, %mul3A_649 : i32
      %add3A_651 = arith.addi %mul3A_2, %mul3A_650 : i32
      %dma_start3A_652 = arith.constant 5 : i32
      %dma_start3A_653 = arith.constant 0 : i32
      %dma_start3A_654 = arith.constant 0 : i32
      %dma_start3A_655 = arith.constant 0 : i32
      %dma_start3A_656 = tpu.memref_slice %arg6[%dma_start3A_652, %dma_start3A_653, %dma_start3A_654, %dma_start3A_655] : memref<8x4x1x2048xf32, #tpu.memory_space<vmem>> -> memref<1x4x1x2048xf32, #tpu.memory_space<vmem>>
      %dma_start3A_657 = tpu.memref_squeeze %dma_start3A_656 : memref<1x4x1x2048xf32, #tpu.memory_space<vmem>> -> memref<4x1x2048xf32, #tpu.memory_space<vmem>>
      %dma_start3A_658 = arith.constant 0 : i32
      %dma_start3A_659 = arith.constant 0 : i32
      %dma_start3A_660 = tpu.memref_slice %arg4[%dma_start3A_658, %add3A_651, %dma_start3A_659] : memref<4x2048x2048xf32, #tpu.memory_space<hbm>> -> memref<4x1x2048xf32, #tpu.memory_space<hbm>>
      %dma_start3A_661 = arith.constant 0 : i32
      %dma_start3A_662 = arith.constant 0 : i32
      %dma_start3A_663 = tpu.memref_slice %arg4[%dma_start3A_661, %add3A_651, %dma_start3A_662] : memref<4x2048x2048xf32, #tpu.memory_space<hbm>> -> memref<4x1x2048xf32, #tpu.memory_space<hbm>>
      %dma_start3A_664 = arith.constant 0 : i32
      %dma_start3A_665 = arith.constant 0 : i32
      %dma_start3A_666 = arith.constant 0 : i32
      %dma_start3A_667 = tpu.memref_slice %arg6[%dma_start3A_652, %dma_start3A_664, %dma_start3A_665, %dma_start3A_666] : memref<8x4x1x2048xf32, #tpu.memory_space<vmem>> -> memref<1x4x1x2048xf32, #tpu.memory_space<vmem>>
      %dma_start3A_668 = tpu.memref_squeeze %dma_start3A_667 : memref<1x4x1x2048xf32, #tpu.memory_space<vmem>> -> memref<4x1x2048xf32, #tpu.memory_space<vmem>>
      tpu.enqueue_dma source(%dma_start3A_668 : memref<4x1x2048xf32, #tpu.memory_space<vmem>>) target(%dma_start3A_663 : memref<4x1x2048xf32, #tpu.memory_space<hbm>>) target_semaphore(%arg20 : memref<!tpu.dma_semaphore, #tpu.memory_space<semaphore_mem>>)
      %add3A_669 = arith.constant 4 : i32
      %add3A_670 = arith.addi %add3A_612, %add3A_669 : i32
      %lt3A_671 = arith.constant 64 : i32
      %lt3A_672 = arith.cmpi slt, %add3A_670, %lt3A_671 : i32
      %convert_element_type3A_673 = arith.extui %lt3A_672 : i1 to i32
      %cond3A_674 = arith.constant 0 : i32
      %cond3A_675 = arith.cmpi ne, %convert_element_type3A_673, %cond3A_674 : i32
      scf.if %cond3A_675 {
        %ge3A = arith.constant 8 : i32
        %ge3A_806 = arith.cmpi sge, %add3A_670, %ge3A : i32
        %convert_element_type3A_807 = arith.extui %ge3A_806 : i1 to i32
        %cond3A_808 = arith.constant 0 : i32
        %cond3A_809 = arith.cmpi ne, %convert_element_type3A_807, %cond3A_808 : i32
        scf.if %cond3A_809 {
          %mul3A_843 = arith.constant 1 : i32
          %mul3A_844 = arith.muli %add3A_670, %mul3A_843 : i32
          %add3A_845 = arith.addi %mul3A_2, %mul3A_844 : i32
          %dma_wait3A_846 = arith.constant 1 : i32
          %dma_wait3A_847 = arith.constant 0 : i32
          %dma_wait3A_848 = arith.constant 0 : i32
          %dma_wait3A_849 = arith.constant 0 : i32
          %dma_wait3A_850 = tpu.memref_slice %arg6[%dma_wait3A_846, %dma_wait3A_847, %dma_wait3A_848, %dma_wait3A_849] : memref<8x4x1x2048xf32, #tpu.memory_space<vmem>> -> memref<1x4x1x2048xf32, #tpu.memory_space<vmem>>
          %dma_wait3A_851 = tpu.memref_squeeze %dma_wait3A_850 : memref<1x4x1x2048xf32, #tpu.memory_space<vmem>> -> memref<4x1x2048xf32, #tpu.memory_space<vmem>>
          %dma_wait3A_852 = arith.constant 0 : i32
          %dma_wait3A_853 = arith.constant 0 : i32
          %dma_wait3A_854 = tpu.memref_slice %arg4[%dma_wait3A_852, %add3A_845, %dma_wait3A_853] : memref<4x2048x2048xf32, #tpu.memory_space<hbm>> -> memref<4x1x2048xf32, #tpu.memory_space<hbm>>
          %dma_wait3A_855 = arith.constant 0 : i32
          %dma_wait3A_856 = arith.constant 0 : i32
          %dma_wait3A_857 = tpu.memref_slice %arg4[%dma_wait3A_855, %add3A_845, %dma_wait3A_856] : memref<4x2048x2048xf32, #tpu.memory_space<hbm>> -> memref<4x1x2048xf32, #tpu.memory_space<hbm>>
          %dma_wait3A_858 = arith.constant 0 : i32
          %dma_wait3A_859 = arith.constant 0 : i32
          %dma_wait3A_860 = arith.constant 0 : i32
          %dma_wait3A_861 = tpu.memref_slice %arg6[%dma_wait3A_846, %dma_wait3A_858, %dma_wait3A_859, %dma_wait3A_860] : memref<8x4x1x2048xf32, #tpu.memory_space<vmem>> -> memref<1x4x1x2048xf32, #tpu.memory_space<vmem>>
          %dma_wait3A_862 = tpu.memref_squeeze %dma_wait3A_861 : memref<1x4x1x2048xf32, #tpu.memory_space<vmem>> -> memref<4x1x2048xf32, #tpu.memory_space<vmem>>
          tpu.wait_dma2 semaphore(%arg16 : memref<!tpu.dma_semaphore, #tpu.memory_space<semaphore_mem>>) src(%dma_wait3A_862 : memref<4x1x2048xf32, #tpu.memory_space<vmem>>) dst(%dma_wait3A_857 : memref<4x1x2048xf32, #tpu.memory_space<hbm>>)
        } else {
        }
        %mul3A_810 = arith.constant 1 : i32
        %mul3A_811 = arith.muli %add3A_670, %mul3A_810 : i32
        %add3A_812 = arith.addi %mul3A_2, %mul3A_811 : i32
        %dma_start3A_813 = arith.constant 1 : i32
        %dma_start3A_814 = arith.constant 0 : i32
        %dma_start3A_815 = arith.constant 0 : i32
        %dma_start3A_816 = tpu.memref_slice %arg5[%dma_start3A_813, %dma_start3A_814, %dma_start3A_815] : memref<8x1x2048xf32, #tpu.memory_space<vmem>> -> memref<1x1x2048xf32, #tpu.memory_space<vmem>>
        %dma_start3A_817 = tpu.memref_squeeze %dma_start3A_816 : memref<1x1x2048xf32, #tpu.memory_space<vmem>> -> memref<1x2048xf32, #tpu.memory_space<vmem>>
        %dma_start3A_818 = arith.constant 0 : i32
        %dma_start3A_819 = tpu.memref_slice %arg3[%add3A_812, %dma_start3A_818] : memref<2048x2048xf32, #tpu.memory_space<hbm>> -> memref<1x2048xf32, #tpu.memory_space<hbm>>
        %dma_start3A_820 = arith.constant 0 : i32
        %dma_start3A_821 = arith.constant 0 : i32
        %dma_start3A_822 = tpu.memref_slice %arg5[%dma_start3A_813, %dma_start3A_820, %dma_start3A_821] : memref<8x1x2048xf32, #tpu.memory_space<vmem>> -> memref<1x1x2048xf32, #tpu.memory_space<vmem>>
        %dma_start3A_823 = tpu.memref_squeeze %dma_start3A_822 : memref<1x1x2048xf32, #tpu.memory_space<vmem>> -> memref<1x2048xf32, #tpu.memory_space<vmem>>
        %dma_start3A_824 = arith.constant 0 : i32
        %dma_start3A_825 = tpu.memref_slice %arg3[%add3A_812, %dma_start3A_824] : memref<2048x2048xf32, #tpu.memory_space<hbm>> -> memref<1x2048xf32, #tpu.memory_space<hbm>>
        tpu.enqueue_dma source(%dma_start3A_825 : memref<1x2048xf32, #tpu.memory_space<hbm>>) target(%dma_start3A_823 : memref<1x2048xf32, #tpu.memory_space<vmem>>) target_semaphore(%arg8 : memref<!tpu.dma_semaphore, #tpu.memory_space<semaphore_mem>>)
        %dma_start3A_826 = arith.constant 1 : i32
        %dma_start3A_827 = arith.constant 0 : i32
        %dma_start3A_828 = arith.constant 0 : i32
        %dma_start3A_829 = arith.constant 0 : i32
        %dma_start3A_830 = tpu.memref_slice %arg6[%dma_start3A_826, %dma_start3A_827, %dma_start3A_828, %dma_start3A_829] : memref<8x4x1x2048xf32, #tpu.memory_space<vmem>> -> memref<1x4x1x2048xf32, #tpu.memory_space<vmem>>
        %dma_start3A_831 = tpu.memref_squeeze %dma_start3A_830 : memref<1x4x1x2048xf32, #tpu.memory_space<vmem>> -> memref<4x1x2048xf32, #tpu.memory_space<vmem>>
        %dma_start3A_832 = arith.constant 0 : i32
        %dma_start3A_833 = arith.constant 0 : i32
        %dma_start3A_834 = tpu.memref_slice %arg2[%dma_start3A_832, %add3A_812, %dma_start3A_833] : memref<4x2048x2048xf32, #tpu.memory_space<hbm>> -> memref<4x1x2048xf32, #tpu.memory_space<hbm>>
        %dma_start3A_835 = arith.constant 0 : i32
        %dma_start3A_836 = arith.constant 0 : i32
        %dma_start3A_837 = arith.constant 0 : i32
        %dma_start3A_838 = tpu.memref_slice %arg6[%dma_start3A_826, %dma_start3A_835, %dma_start3A_836, %dma_start3A_837] : memref<8x4x1x2048xf32, #tpu.memory_space<vmem>> -> memref<1x4x1x2048xf32, #tpu.memory_space<vmem>>
        %dma_start3A_839 = tpu.memref_squeeze %dma_start3A_838 : memref<1x4x1x2048xf32, #tpu.memory_space<vmem>> -> memref<4x1x2048xf32, #tpu.memory_space<vmem>>
        %dma_start3A_840 = arith.constant 0 : i32
        %dma_start3A_841 = arith.constant 0 : i32
        %dma_start3A_842 = tpu.memref_slice %arg2[%dma_start3A_840, %add3A_812, %dma_start3A_841] : memref<4x2048x2048xf32, #tpu.memory_space<hbm>> -> memref<4x1x2048xf32, #tpu.memory_space<hbm>>
        tpu.enqueue_dma source(%dma_start3A_842 : memref<4x1x2048xf32, #tpu.memory_space<hbm>>) target(%dma_start3A_839 : memref<4x1x2048xf32, #tpu.memory_space<vmem>>) target_semaphore(%arg8 : memref<!tpu.dma_semaphore, #tpu.memory_space<semaphore_mem>>)
      } else {
      }
      %add3A_676 = arith.constant 6 : i32
      %add3A_677 = arith.addi %add3A_289, %add3A_676 : i32
      %mul3A_678 = arith.constant 1 : i32
      %mul3A_679 = arith.muli %add3A_677, %mul3A_678 : i32
      %add3A_680 = arith.addi %mul3A_2, %mul3A_679 : i32
      %dma_wait3A_681 = arith.constant 6 : i32
      %dma_wait3A_682 = arith.constant 0 : i32
      %dma_wait3A_683 = arith.constant 0 : i32
      %dma_wait3A_684 = tpu.memref_slice %arg5[%dma_wait3A_681, %dma_wait3A_682, %dma_wait3A_683] : memref<8x1x2048xf32, #tpu.memory_space<vmem>> -> memref<1x1x2048xf32, #tpu.memory_space<vmem>>
      %dma_wait3A_685 = tpu.memref_squeeze %dma_wait3A_684 : memref<1x1x2048xf32, #tpu.memory_space<vmem>> -> memref<1x2048xf32, #tpu.memory_space<vmem>>
      %dma_wait3A_686 = arith.constant 0 : i32
      %dma_wait3A_687 = tpu.memref_slice %arg3[%add3A_680, %dma_wait3A_686] : memref<2048x2048xf32, #tpu.memory_space<hbm>> -> memref<1x2048xf32, #tpu.memory_space<hbm>>
      %dma_wait3A_688 = arith.constant 0 : i32
      %dma_wait3A_689 = arith.constant 0 : i32
      %dma_wait3A_690 = tpu.memref_slice %arg5[%dma_wait3A_681, %dma_wait3A_688, %dma_wait3A_689] : memref<8x1x2048xf32, #tpu.memory_space<vmem>> -> memref<1x1x2048xf32, #tpu.memory_space<vmem>>
      %dma_wait3A_691 = tpu.memref_squeeze %dma_wait3A_690 : memref<1x1x2048xf32, #tpu.memory_space<vmem>> -> memref<1x2048xf32, #tpu.memory_space<vmem>>
      %dma_wait3A_692 = arith.constant 0 : i32
      %dma_wait3A_693 = tpu.memref_slice %arg3[%add3A_680, %dma_wait3A_692] : memref<2048x2048xf32, #tpu.memory_space<hbm>> -> memref<1x2048xf32, #tpu.memory_space<hbm>>
      tpu.wait_dma2 semaphore(%arg13 : memref<!tpu.dma_semaphore, #tpu.memory_space<semaphore_mem>>) src(%dma_wait3A_693 : memref<1x2048xf32, #tpu.memory_space<hbm>>) dst(%dma_wait3A_691 : memref<1x2048xf32, #tpu.memory_space<vmem>>)
      %dma_wait3A_694 = arith.constant 6 : i32
      %dma_wait3A_695 = arith.constant 0 : i32
      %dma_wait3A_696 = arith.constant 0 : i32
      %dma_wait3A_697 = arith.constant 0 : i32
      %dma_wait3A_698 = tpu.memref_slice %arg6[%dma_wait3A_694, %dma_wait3A_695, %dma_wait3A_696, %dma_wait3A_697] : memref<8x4x1x2048xf32, #tpu.memory_space<vmem>> -> memref<1x4x1x2048xf32, #tpu.memory_space<vmem>>
      %dma_wait3A_699 = tpu.memref_squeeze %dma_wait3A_698 : memref<1x4x1x2048xf32, #tpu.memory_space<vmem>> -> memref<4x1x2048xf32, #tpu.memory_space<vmem>>
      %dma_wait3A_700 = arith.constant 0 : i32
      %dma_wait3A_701 = arith.constant 0 : i32
      %dma_wait3A_702 = tpu.memref_slice %arg2[%dma_wait3A_700, %add3A_680, %dma_wait3A_701] : memref<4x2048x2048xf32, #tpu.memory_space<hbm>> -> memref<4x1x2048xf32, #tpu.memory_space<hbm>>
      %dma_wait3A_703 = arith.constant 0 : i32
      %dma_wait3A_704 = arith.constant 0 : i32
      %dma_wait3A_705 = arith.constant 0 : i32
      %dma_wait3A_706 = tpu.memref_slice %arg6[%dma_wait3A_694, %dma_wait3A_703, %dma_wait3A_704, %dma_wait3A_705] : memref<8x4x1x2048xf32, #tpu.memory_space<vmem>> -> memref<1x4x1x2048xf32, #tpu.memory_space<vmem>>
      %dma_wait3A_707 = tpu.memref_squeeze %dma_wait3A_706 : memref<1x4x1x2048xf32, #tpu.memory_space<vmem>> -> memref<4x1x2048xf32, #tpu.memory_space<vmem>>
      %dma_wait3A_708 = arith.constant 0 : i32
      %dma_wait3A_709 = arith.constant 0 : i32
      %dma_wait3A_710 = tpu.memref_slice %arg2[%dma_wait3A_708, %add3A_680, %dma_wait3A_709] : memref<4x2048x2048xf32, #tpu.memory_space<hbm>> -> memref<4x1x2048xf32, #tpu.memory_space<hbm>>
      tpu.wait_dma2 semaphore(%arg13 : memref<!tpu.dma_semaphore, #tpu.memory_space<semaphore_mem>>) src(%dma_wait3A_710 : memref<4x1x2048xf32, #tpu.memory_space<hbm>>) dst(%dma_wait3A_707 : memref<4x1x2048xf32, #tpu.memory_space<vmem>>)
      %parallel_loop3A_711 = arith.constant 0 : i32
      %parallel_loop3A_712 = arith.constant 128 : i32
      %parallel_loop3A_713 = arith.constant 1 : i32
      scf.for %parallel_loop3A_806 = %parallel_loop3A_711 to %parallel_loop3A_712 step %parallel_loop3A_713  : i32 {
        %parallel_loop3A_807 = arith.constant 16 : i32
        %parallel_loop3A_808 = arith.muli %parallel_loop3A_806, %parallel_loop3A_807 : i32
        %parallel_loop3A_809 = arith.constant 6 : i32
        %parallel_loop3A_810 = arith.constant 0 : i32
        %parallel_loop3A_811 = arith.index_cast %parallel_loop3A_809 : i32 to index
        %parallel_loop3A_812 = arith.index_cast %parallel_loop3A_810 : i32 to index
        %parallel_loop3A_813 = arith.index_cast %parallel_loop3A_808 : i32 to index
        %parallel_loop3A_814 = tpu.vector_load %arg5[%parallel_loop3A_811, %parallel_loop3A_812, %parallel_loop3A_813] {strides = array<i32>} : memref<8x1x2048xf32, #tpu.memory_space<vmem>>, vector<1x1x16xf32>,
        %parallel_loop3A_815 = vector.shape_cast %parallel_loop3A_814 : vector<1x1x16xf32> to vector<16xf32>
        %parallel_loop3A_816 = arith.constant 16 : i32
        %parallel_loop3A_817 = arith.muli %parallel_loop3A_806, %parallel_loop3A_816 : i32
        %parallel_loop3A_818 = arith.constant 6 : i32
        %parallel_loop3A_819 = arith.constant 0 : i32
        %parallel_loop3A_820 = arith.constant 0 : i32
        %parallel_loop3A_821 = arith.index_cast %parallel_loop3A_818 : i32 to index
        %parallel_loop3A_822 = arith.index_cast %parallel_loop3A_819 : i32 to index
        %parallel_loop3A_823 = arith.index_cast %parallel_loop3A_820 : i32 to index
        %parallel_loop3A_824 = arith.index_cast %parallel_loop3A_817 : i32 to index
        %parallel_loop3A_825 = tpu.vector_load %arg6[%parallel_loop3A_821, %parallel_loop3A_822, %parallel_loop3A_823, %parallel_loop3A_824] {strides = array<i32>} : memref<8x4x1x2048xf32, #tpu.memory_space<vmem>>, vector<1x1x1x16xf32>,
        %parallel_loop3A_826 = vector.shape_cast %parallel_loop3A_825 : vector<1x1x1x16xf32> to vector<16xf32>
        %parallel_loop3A_827 = arith.addf %parallel_loop3A_826, %parallel_loop3A_815 : vector<16xf32>
        %parallel_loop3A_828 = arith.constant 16 : i32
        %parallel_loop3A_829 = arith.muli %parallel_loop3A_806, %parallel_loop3A_828 : i32
        %parallel_loop3A_830 = arith.constant 6 : i32
        %parallel_loop3A_831 = arith.constant 0 : i32
        %parallel_loop3A_832 = arith.constant 0 : i32
        %parallel_loop3A_833 = arith.index_cast %parallel_loop3A_830 : i32 to index
        %parallel_loop3A_834 = arith.index_cast %parallel_loop3A_831 : i32 to index
        %parallel_loop3A_835 = arith.index_cast %parallel_loop3A_832 : i32 to index
        %parallel_loop3A_836 = arith.index_cast %parallel_loop3A_829 : i32 to index
        %parallel_loop3A_837 = tpu.vector_load %arg6[%parallel_loop3A_833, %parallel_loop3A_834, %parallel_loop3A_835, %parallel_loop3A_836] {strides = array<i32>} : memref<8x4x1x2048xf32, #tpu.memory_space<vmem>>, vector<1x1x1x16xf32>,
        %parallel_loop3A_838 = vector.shape_cast %parallel_loop3A_837 : vector<1x1x1x16xf32> to vector<16xf32>
        %parallel_loop3A_839 = vector.shape_cast %parallel_loop3A_827 : vector<16xf32> to vector<1x1x1x16xf32>
        tpu.vector_store %arg6[%parallel_loop3A_833, %parallel_loop3A_834, %parallel_loop3A_835, %parallel_loop3A_836], %parallel_loop3A_839 {strides = array<i32>} : memref<8x4x1x2048xf32, #tpu.memory_space<vmem>>, vector<1x1x1x16xf32>,
        %parallel_loop3A_840 = arith.constant 16 : i32
        %parallel_loop3A_841 = arith.muli %parallel_loop3A_806, %parallel_loop3A_840 : i32
        %parallel_loop3A_842 = arith.constant 6 : i32
        %parallel_loop3A_843 = arith.constant 1 : i32
        %parallel_loop3A_844 = arith.constant 0 : i32
        %parallel_loop3A_845 = arith.index_cast %parallel_loop3A_842 : i32 to index
        %parallel_loop3A_846 = arith.index_cast %parallel_loop3A_843 : i32 to index
        %parallel_loop3A_847 = arith.index_cast %parallel_loop3A_844 : i32 to index
        %parallel_loop3A_848 = arith.index_cast %parallel_loop3A_841 : i32 to index
        %parallel_loop3A_849 = tpu.vector_load %arg6[%parallel_loop3A_845, %parallel_loop3A_846, %parallel_loop3A_847, %parallel_loop3A_848] {strides = array<i32>} : memref<8x4x1x2048xf32, #tpu.memory_space<vmem>>, vector<1x1x1x16xf32>,
        %parallel_loop3A_850 = vector.shape_cast %parallel_loop3A_849 : vector<1x1x1x16xf32> to vector<16xf32>
        %parallel_loop3A_851 = arith.addf %parallel_loop3A_850, %parallel_loop3A_815 : vector<16xf32>
        %parallel_loop3A_852 = arith.constant 16 : i32
        %parallel_loop3A_853 = arith.muli %parallel_loop3A_806, %parallel_loop3A_852 : i32
        %parallel_loop3A_854 = arith.constant 6 : i32
        %parallel_loop3A_855 = arith.constant 1 : i32
        %parallel_loop3A_856 = arith.constant 0 : i32
        %parallel_loop3A_857 = arith.index_cast %parallel_loop3A_854 : i32 to index
        %parallel_loop3A_858 = arith.index_cast %parallel_loop3A_855 : i32 to index
        %parallel_loop3A_859 = arith.index_cast %parallel_loop3A_856 : i32 to index
        %parallel_loop3A_860 = arith.index_cast %parallel_loop3A_853 : i32 to index
        %parallel_loop3A_861 = tpu.vector_load %arg6[%parallel_loop3A_857, %parallel_loop3A_858, %parallel_loop3A_859, %parallel_loop3A_860] {strides = array<i32>} : memref<8x4x1x2048xf32, #tpu.memory_space<vmem>>, vector<1x1x1x16xf32>,
        %parallel_loop3A_862 = vector.shape_cast %parallel_loop3A_861 : vector<1x1x1x16xf32> to vector<16xf32>
        %parallel_loop3A_863 = vector.shape_cast %parallel_loop3A_851 : vector<16xf32> to vector<1x1x1x16xf32>
        tpu.vector_store %arg6[%parallel_loop3A_857, %parallel_loop3A_858, %parallel_loop3A_859, %parallel_loop3A_860], %parallel_loop3A_863 {strides = array<i32>} : memref<8x4x1x2048xf32, #tpu.memory_space<vmem>>, vector<1x1x1x16xf32>,
        %parallel_loop3A_864 = arith.constant 16 : i32
        %parallel_loop3A_865 = arith.muli %parallel_loop3A_806, %parallel_loop3A_864 : i32
        %parallel_loop3A_866 = arith.constant 6 : i32
        %parallel_loop3A_867 = arith.constant 2 : i32
        %parallel_loop3A_868 = arith.constant 0 : i32
        %parallel_loop3A_869 = arith.index_cast %parallel_loop3A_866 : i32 to index
        %parallel_loop3A_870 = arith.index_cast %parallel_loop3A_867 : i32 to index
        %parallel_loop3A_871 = arith.index_cast %parallel_loop3A_868 : i32 to index
        %parallel_loop3A_872 = arith.index_cast %parallel_loop3A_865 : i32 to index
        %parallel_loop3A_873 = tpu.vector_load %arg6[%parallel_loop3A_869, %parallel_loop3A_870, %parallel_loop3A_871, %parallel_loop3A_872] {strides = array<i32>} : memref<8x4x1x2048xf32, #tpu.memory_space<vmem>>, vector<1x1x1x16xf32>,
        %parallel_loop3A_874 = vector.shape_cast %parallel_loop3A_873 : vector<1x1x1x16xf32> to vector<16xf32>
        %parallel_loop3A_875 = arith.addf %parallel_loop3A_874, %parallel_loop3A_815 : vector<16xf32>
        %parallel_loop3A_876 = arith.constant 16 : i32
        %parallel_loop3A_877 = arith.muli %parallel_loop3A_806, %parallel_loop3A_876 : i32
        %parallel_loop3A_878 = arith.constant 6 : i32
        %parallel_loop3A_879 = arith.constant 2 : i32
        %parallel_loop3A_880 = arith.constant 0 : i32
        %parallel_loop3A_881 = arith.index_cast %parallel_loop3A_878 : i32 to index
        %parallel_loop3A_882 = arith.index_cast %parallel_loop3A_879 : i32 to index
        %parallel_loop3A_883 = arith.index_cast %parallel_loop3A_880 : i32 to index
        %parallel_loop3A_884 = arith.index_cast %parallel_loop3A_877 : i32 to index
        %parallel_loop3A_885 = tpu.vector_load %arg6[%parallel_loop3A_881, %parallel_loop3A_882, %parallel_loop3A_883, %parallel_loop3A_884] {strides = array<i32>} : memref<8x4x1x2048xf32, #tpu.memory_space<vmem>>, vector<1x1x1x16xf32>,
        %parallel_loop3A_886 = vector.shape_cast %parallel_loop3A_885 : vector<1x1x1x16xf32> to vector<16xf32>
        %parallel_loop3A_887 = vector.shape_cast %parallel_loop3A_875 : vector<16xf32> to vector<1x1x1x16xf32>
        tpu.vector_store %arg6[%parallel_loop3A_881, %parallel_loop3A_882, %parallel_loop3A_883, %parallel_loop3A_884], %parallel_loop3A_887 {strides = array<i32>} : memref<8x4x1x2048xf32, #tpu.memory_space<vmem>>, vector<1x1x1x16xf32>,
        %parallel_loop3A_888 = arith.constant 16 : i32
        %parallel_loop3A_889 = arith.muli %parallel_loop3A_806, %parallel_loop3A_888 : i32
        %parallel_loop3A_890 = arith.constant 6 : i32
        %parallel_loop3A_891 = arith.constant 3 : i32
        %parallel_loop3A_892 = arith.constant 0 : i32
        %parallel_loop3A_893 = arith.index_cast %parallel_loop3A_890 : i32 to index
        %parallel_loop3A_894 = arith.index_cast %parallel_loop3A_891 : i32 to index
        %parallel_loop3A_895 = arith.index_cast %parallel_loop3A_892 : i32 to index
        %parallel_loop3A_896 = arith.index_cast %parallel_loop3A_889 : i32 to index
        %parallel_loop3A_897 = tpu.vector_load %arg6[%parallel_loop3A_893, %parallel_loop3A_894, %parallel_loop3A_895, %parallel_loop3A_896] {strides = array<i32>} : memref<8x4x1x2048xf32, #tpu.memory_space<vmem>>, vector<1x1x1x16xf32>,
        %parallel_loop3A_898 = vector.shape_cast %parallel_loop3A_897 : vector<1x1x1x16xf32> to vector<16xf32>
        %parallel_loop3A_899 = arith.addf %parallel_loop3A_898, %parallel_loop3A_815 : vector<16xf32>
        %parallel_loop3A_900 = arith.constant 16 : i32
        %parallel_loop3A_901 = arith.muli %parallel_loop3A_806, %parallel_loop3A_900 : i32
        %parallel_loop3A_902 = arith.constant 6 : i32
        %parallel_loop3A_903 = arith.constant 3 : i32
        %parallel_loop3A_904 = arith.constant 0 : i32
        %parallel_loop3A_905 = arith.index_cast %parallel_loop3A_902 : i32 to index
        %parallel_loop3A_906 = arith.index_cast %parallel_loop3A_903 : i32 to index
        %parallel_loop3A_907 = arith.index_cast %parallel_loop3A_904 : i32 to index
        %parallel_loop3A_908 = arith.index_cast %parallel_loop3A_901 : i32 to index
        %parallel_loop3A_909 = tpu.vector_load %arg6[%parallel_loop3A_905, %parallel_loop3A_906, %parallel_loop3A_907, %parallel_loop3A_908] {strides = array<i32>} : memref<8x4x1x2048xf32, #tpu.memory_space<vmem>>, vector<1x1x1x16xf32>,
        %parallel_loop3A_910 = vector.shape_cast %parallel_loop3A_909 : vector<1x1x1x16xf32> to vector<16xf32>
        %parallel_loop3A_911 = vector.shape_cast %parallel_loop3A_899 : vector<16xf32> to vector<1x1x1x16xf32>
        tpu.vector_store %arg6[%parallel_loop3A_905, %parallel_loop3A_906, %parallel_loop3A_907, %parallel_loop3A_908], %parallel_loop3A_911 {strides = array<i32>} : memref<8x4x1x2048xf32, #tpu.memory_space<vmem>>, vector<1x1x1x16xf32>,
      } {sc.loop_unroll_factor = 8 : i64, sc.parallel_access}
      %mul3A_714 = arith.constant 1 : i32
      %mul3A_715 = arith.muli %add3A_677, %mul3A_714 : i32
      %add3A_716 = arith.addi %mul3A_2, %mul3A_715 : i32
      %dma_start3A_717 = arith.constant 6 : i32
      %dma_start3A_718 = arith.constant 0 : i32
      %dma_start3A_719 = arith.constant 0 : i32
      %dma_start3A_720 = arith.constant 0 : i32
      %dma_start3A_721 = tpu.memref_slice %arg6[%dma_start3A_717, %dma_start3A_718, %dma_start3A_719, %dma_start3A_720] : memref<8x4x1x2048xf32, #tpu.memory_space<vmem>> -> memref<1x4x1x2048xf32, #tpu.memory_space<vmem>>
      %dma_start3A_722 = tpu.memref_squeeze %dma_start3A_721 : memref<1x4x1x2048xf32, #tpu.memory_space<vmem>> -> memref<4x1x2048xf32, #tpu.memory_space<vmem>>
      %dma_start3A_723 = arith.constant 0 : i32
      %dma_start3A_724 = arith.constant 0 : i32
      %dma_start3A_725 = tpu.memref_slice %arg4[%dma_start3A_723, %add3A_716, %dma_start3A_724] : memref<4x2048x2048xf32, #tpu.memory_space<hbm>> -> memref<4x1x2048xf32, #tpu.memory_space<hbm>>
      %dma_start3A_726 = arith.constant 0 : i32
      %dma_start3A_727 = arith.constant 0 : i32
      %dma_start3A_728 = tpu.memref_slice %arg4[%dma_start3A_726, %add3A_716, %dma_start3A_727] : memref<4x2048x2048xf32, #tpu.memory_space<hbm>> -> memref<4x1x2048xf32, #tpu.memory_space<hbm>>
      %dma_start3A_729 = arith.constant 0 : i32
      %dma_start3A_730 = arith.constant 0 : i32
      %dma_start3A_731 = arith.constant 0 : i32
      %dma_start3A_732 = tpu.memref_slice %arg6[%dma_start3A_717, %dma_start3A_729, %dma_start3A_730, %dma_start3A_731] : memref<8x4x1x2048xf32, #tpu.memory_space<vmem>> -> memref<1x4x1x2048xf32, #tpu.memory_space<vmem>>
      %dma_start3A_733 = tpu.memref_squeeze %dma_start3A_732 : memref<1x4x1x2048xf32, #tpu.memory_space<vmem>> -> memref<4x1x2048xf32, #tpu.memory_space<vmem>>
      tpu.enqueue_dma source(%dma_start3A_733 : memref<4x1x2048xf32, #tpu.memory_space<vmem>>) target(%dma_start3A_728 : memref<4x1x2048xf32, #tpu.memory_space<hbm>>) target_semaphore(%arg21 : memref<!tpu.dma_semaphore, #tpu.memory_space<semaphore_mem>>)
      %add3A_734 = arith.constant 4 : i32
      %add3A_735 = arith.addi %add3A_677, %add3A_734 : i32
      %lt3A_736 = arith.constant 64 : i32
      %lt3A_737 = arith.cmpi slt, %add3A_735, %lt3A_736 : i32
      %convert_element_type3A_738 = arith.extui %lt3A_737 : i1 to i32
      %cond3A_739 = arith.constant 0 : i32
      %cond3A_740 = arith.cmpi ne, %convert_element_type3A_738, %cond3A_739 : i32
      scf.if %cond3A_740 {
        %ge3A = arith.constant 8 : i32
        %ge3A_806 = arith.cmpi sge, %add3A_735, %ge3A : i32
        %convert_element_type3A_807 = arith.extui %ge3A_806 : i1 to i32
        %cond3A_808 = arith.constant 0 : i32
        %cond3A_809 = arith.cmpi ne, %convert_element_type3A_807, %cond3A_808 : i32
        scf.if %cond3A_809 {
          %mul3A_843 = arith.constant 1 : i32
          %mul3A_844 = arith.muli %add3A_735, %mul3A_843 : i32
          %add3A_845 = arith.addi %mul3A_2, %mul3A_844 : i32
          %dma_wait3A_846 = arith.constant 2 : i32
          %dma_wait3A_847 = arith.constant 0 : i32
          %dma_wait3A_848 = arith.constant 0 : i32
          %dma_wait3A_849 = arith.constant 0 : i32
          %dma_wait3A_850 = tpu.memref_slice %arg6[%dma_wait3A_846, %dma_wait3A_847, %dma_wait3A_848, %dma_wait3A_849] : memref<8x4x1x2048xf32, #tpu.memory_space<vmem>> -> memref<1x4x1x2048xf32, #tpu.memory_space<vmem>>
          %dma_wait3A_851 = tpu.memref_squeeze %dma_wait3A_850 : memref<1x4x1x2048xf32, #tpu.memory_space<vmem>> -> memref<4x1x2048xf32, #tpu.memory_space<vmem>>
          %dma_wait3A_852 = arith.constant 0 : i32
          %dma_wait3A_853 = arith.constant 0 : i32
          %dma_wait3A_854 = tpu.memref_slice %arg4[%dma_wait3A_852, %add3A_845, %dma_wait3A_853] : memref<4x2048x2048xf32, #tpu.memory_space<hbm>> -> memref<4x1x2048xf32, #tpu.memory_space<hbm>>
          %dma_wait3A_855 = arith.constant 0 : i32
          %dma_wait3A_856 = arith.constant 0 : i32
          %dma_wait3A_857 = tpu.memref_slice %arg4[%dma_wait3A_855, %add3A_845, %dma_wait3A_856] : memref<4x2048x2048xf32, #tpu.memory_space<hbm>> -> memref<4x1x2048xf32, #tpu.memory_space<hbm>>
          %dma_wait3A_858 = arith.constant 0 : i32
          %dma_wait3A_859 = arith.constant 0 : i32
          %dma_wait3A_860 = arith.constant 0 : i32
          %dma_wait3A_861 = tpu.memref_slice %arg6[%dma_wait3A_846, %dma_wait3A_858, %dma_wait3A_859, %dma_wait3A_860] : memref<8x4x1x2048xf32, #tpu.memory_space<vmem>> -> memref<1x4x1x2048xf32, #tpu.memory_space<vmem>>
          %dma_wait3A_862 = tpu.memref_squeeze %dma_wait3A_861 : memref<1x4x1x2048xf32, #tpu.memory_space<vmem>> -> memref<4x1x2048xf32, #tpu.memory_space<vmem>>
          tpu.wait_dma2 semaphore(%arg17 : memref<!tpu.dma_semaphore, #tpu.memory_space<semaphore_mem>>) src(%dma_wait3A_862 : memref<4x1x2048xf32, #tpu.memory_space<vmem>>) dst(%dma_wait3A_857 : memref<4x1x2048xf32, #tpu.memory_space<hbm>>)
        } else {
        }
        %mul3A_810 = arith.constant 1 : i32
        %mul3A_811 = arith.muli %add3A_735, %mul3A_810 : i32
        %add3A_812 = arith.addi %mul3A_2, %mul3A_811 : i32
        %dma_start3A_813 = arith.constant 2 : i32
        %dma_start3A_814 = arith.constant 0 : i32
        %dma_start3A_815 = arith.constant 0 : i32
        %dma_start3A_816 = tpu.memref_slice %arg5[%dma_start3A_813, %dma_start3A_814, %dma_start3A_815] : memref<8x1x2048xf32, #tpu.memory_space<vmem>> -> memref<1x1x2048xf32, #tpu.memory_space<vmem>>
        %dma_start3A_817 = tpu.memref_squeeze %dma_start3A_816 : memref<1x1x2048xf32, #tpu.memory_space<vmem>> -> memref<1x2048xf32, #tpu.memory_space<vmem>>
        %dma_start3A_818 = arith.constant 0 : i32
        %dma_start3A_819 = tpu.memref_slice %arg3[%add3A_812, %dma_start3A_818] : memref<2048x2048xf32, #tpu.memory_space<hbm>> -> memref<1x2048xf32, #tpu.memory_space<hbm>>
        %dma_start3A_820 = arith.constant 0 : i32
        %dma_start3A_821 = arith.constant 0 : i32
        %dma_start3A_822 = tpu.memref_slice %arg5[%dma_start3A_813, %dma_start3A_820, %dma_start3A_821] : memref<8x1x2048xf32, #tpu.memory_space<vmem>> -> memref<1x1x2048xf32, #tpu.memory_space<vmem>>
        %dma_start3A_823 = tpu.memref_squeeze %dma_start3A_822 : memref<1x1x2048xf32, #tpu.memory_space<vmem>> -> memref<1x2048xf32, #tpu.memory_space<vmem>>
        %dma_start3A_824 = arith.constant 0 : i32
        %dma_start3A_825 = tpu.memref_slice %arg3[%add3A_812, %dma_start3A_824] : memref<2048x2048xf32, #tpu.memory_space<hbm>> -> memref<1x2048xf32, #tpu.memory_space<hbm>>
        tpu.enqueue_dma source(%dma_start3A_825 : memref<1x2048xf32, #tpu.memory_space<hbm>>) target(%dma_start3A_823 : memref<1x2048xf32, #tpu.memory_space<vmem>>) target_semaphore(%arg9 : memref<!tpu.dma_semaphore, #tpu.memory_space<semaphore_mem>>)
        %dma_start3A_826 = arith.constant 2 : i32
        %dma_start3A_827 = arith.constant 0 : i32
        %dma_start3A_828 = arith.constant 0 : i32
        %dma_start3A_829 = arith.constant 0 : i32
        %dma_start3A_830 = tpu.memref_slice %arg6[%dma_start3A_826, %dma_start3A_827, %dma_start3A_828, %dma_start3A_829] : memref<8x4x1x2048xf32, #tpu.memory_space<vmem>> -> memref<1x4x1x2048xf32, #tpu.memory_space<vmem>>
        %dma_start3A_831 = tpu.memref_squeeze %dma_start3A_830 : memref<1x4x1x2048xf32, #tpu.memory_space<vmem>> -> memref<4x1x2048xf32, #tpu.memory_space<vmem>>
        %dma_start3A_832 = arith.constant 0 : i32
        %dma_start3A_833 = arith.constant 0 : i32
        %dma_start3A_834 = tpu.memref_slice %arg2[%dma_start3A_832, %add3A_812, %dma_start3A_833] : memref<4x2048x2048xf32, #tpu.memory_space<hbm>> -> memref<4x1x2048xf32, #tpu.memory_space<hbm>>
        %dma_start3A_835 = arith.constant 0 : i32
        %dma_start3A_836 = arith.constant 0 : i32
        %dma_start3A_837 = arith.constant 0 : i32
        %dma_start3A_838 = tpu.memref_slice %arg6[%dma_start3A_826, %dma_start3A_835, %dma_start3A_836, %dma_start3A_837] : memref<8x4x1x2048xf32, #tpu.memory_space<vmem>> -> memref<1x4x1x2048xf32, #tpu.memory_space<vmem>>
        %dma_start3A_839 = tpu.memref_squeeze %dma_start3A_838 : memref<1x4x1x2048xf32, #tpu.memory_space<vmem>> -> memref<4x1x2048xf32, #tpu.memory_space<vmem>>
        %dma_start3A_840 = arith.constant 0 : i32
        %dma_start3A_841 = arith.constant 0 : i32
        %dma_start3A_842 = tpu.memref_slice %arg2[%dma_start3A_840, %add3A_812, %dma_start3A_841] : memref<4x2048x2048xf32, #tpu.memory_space<hbm>> -> memref<4x1x2048xf32, #tpu.memory_space<hbm>>
        tpu.enqueue_dma source(%dma_start3A_842 : memref<4x1x2048xf32, #tpu.memory_space<hbm>>) target(%dma_start3A_839 : memref<4x1x2048xf32, #tpu.memory_space<vmem>>) target_semaphore(%arg9 : memref<!tpu.dma_semaphore, #tpu.memory_space<semaphore_mem>>)
      } else {
      }
      %add3A_741 = arith.constant 7 : i32
      %add3A_742 = arith.addi %add3A_289, %add3A_741 : i32
      %mul3A_743 = arith.constant 1 : i32
      %mul3A_744 = arith.muli %add3A_742, %mul3A_743 : i32
      %add3A_745 = arith.addi %mul3A_2, %mul3A_744 : i32
      %dma_wait3A_746 = arith.constant 7 : i32
      %dma_wait3A_747 = arith.constant 0 : i32
      %dma_wait3A_748 = arith.constant 0 : i32
      %dma_wait3A_749 = tpu.memref_slice %arg5[%dma_wait3A_746, %dma_wait3A_747, %dma_wait3A_748] : memref<8x1x2048xf32, #tpu.memory_space<vmem>> -> memref<1x1x2048xf32, #tpu.memory_space<vmem>>
      %dma_wait3A_750 = tpu.memref_squeeze %dma_wait3A_749 : memref<1x1x2048xf32, #tpu.memory_space<vmem>> -> memref<1x2048xf32, #tpu.memory_space<vmem>>
      %dma_wait3A_751 = arith.constant 0 : i32
      %dma_wait3A_752 = tpu.memref_slice %arg3[%add3A_745, %dma_wait3A_751] : memref<2048x2048xf32, #tpu.memory_space<hbm>> -> memref<1x2048xf32, #tpu.memory_space<hbm>>
      %dma_wait3A_753 = arith.constant 0 : i32
      %dma_wait3A_754 = arith.constant 0 : i32
      %dma_wait3A_755 = tpu.memref_slice %arg5[%dma_wait3A_746, %dma_wait3A_753, %dma_wait3A_754] : memref<8x1x2048xf32, #tpu.memory_space<vmem>> -> memref<1x1x2048xf32, #tpu.memory_space<vmem>>
      %dma_wait3A_756 = tpu.memref_squeeze %dma_wait3A_755 : memref<1x1x2048xf32, #tpu.memory_space<vmem>> -> memref<1x2048xf32, #tpu.memory_space<vmem>>
      %dma_wait3A_757 = arith.constant 0 : i32
      %dma_wait3A_758 = tpu.memref_slice %arg3[%add3A_745, %dma_wait3A_757] : memref<2048x2048xf32, #tpu.memory_space<hbm>> -> memref<1x2048xf32, #tpu.memory_space<hbm>>
      tpu.wait_dma2 semaphore(%arg14 : memref<!tpu.dma_semaphore, #tpu.memory_space<semaphore_mem>>) src(%dma_wait3A_758 : memref<1x2048xf32, #tpu.memory_space<hbm>>) dst(%dma_wait3A_756 : memref<1x2048xf32, #tpu.memory_space<vmem>>)
      %dma_wait3A_759 = arith.constant 7 : i32
      %dma_wait3A_760 = arith.constant 0 : i32
      %dma_wait3A_761 = arith.constant 0 : i32
      %dma_wait3A_762 = arith.constant 0 : i32
      %dma_wait3A_763 = tpu.memref_slice %arg6[%dma_wait3A_759, %dma_wait3A_760, %dma_wait3A_761, %dma_wait3A_762] : memref<8x4x1x2048xf32, #tpu.memory_space<vmem>> -> memref<1x4x1x2048xf32, #tpu.memory_space<vmem>>
      %dma_wait3A_764 = tpu.memref_squeeze %dma_wait3A_763 : memref<1x4x1x2048xf32, #tpu.memory_space<vmem>> -> memref<4x1x2048xf32, #tpu.memory_space<vmem>>
      %dma_wait3A_765 = arith.constant 0 : i32
      %dma_wait3A_766 = arith.constant 0 : i32
      %dma_wait3A_767 = tpu.memref_slice %arg2[%dma_wait3A_765, %add3A_745, %dma_wait3A_766] : memref<4x2048x2048xf32, #tpu.memory_space<hbm>> -> memref<4x1x2048xf32, #tpu.memory_space<hbm>>
      %dma_wait3A_768 = arith.constant 0 : i32
      %dma_wait3A_769 = arith.constant 0 : i32
      %dma_wait3A_770 = arith.constant 0 : i32
      %dma_wait3A_771 = tpu.memref_slice %arg6[%dma_wait3A_759, %dma_wait3A_768, %dma_wait3A_769, %dma_wait3A_770] : memref<8x4x1x2048xf32, #tpu.memory_space<vmem>> -> memref<1x4x1x2048xf32, #tpu.memory_space<vmem>>
      %dma_wait3A_772 = tpu.memref_squeeze %dma_wait3A_771 : memref<1x4x1x2048xf32, #tpu.memory_space<vmem>> -> memref<4x1x2048xf32, #tpu.memory_space<vmem>>
      %dma_wait3A_773 = arith.constant 0 : i32
      %dma_wait3A_774 = arith.constant 0 : i32
      %dma_wait3A_775 = tpu.memref_slice %arg2[%dma_wait3A_773, %add3A_745, %dma_wait3A_774] : memref<4x2048x2048xf32, #tpu.memory_space<hbm>> -> memref<4x1x2048xf32, #tpu.memory_space<hbm>>
      tpu.wait_dma2 semaphore(%arg14 : memref<!tpu.dma_semaphore, #tpu.memory_space<semaphore_mem>>) src(%dma_wait3A_775 : memref<4x1x2048xf32, #tpu.memory_space<hbm>>) dst(%dma_wait3A_772 : memref<4x1x2048xf32, #tpu.memory_space<vmem>>)
      %parallel_loop3A_776 = arith.constant 0 : i32
      %parallel_loop3A_777 = arith.constant 128 : i32
      %parallel_loop3A_778 = arith.constant 1 : i32
      scf.for %parallel_loop3A_806 = %parallel_loop3A_776 to %parallel_loop3A_777 step %parallel_loop3A_778  : i32 {
        %parallel_loop3A_807 = arith.constant 16 : i32
        %parallel_loop3A_808 = arith.muli %parallel_loop3A_806, %parallel_loop3A_807 : i32
        %parallel_loop3A_809 = arith.constant 7 : i32
        %parallel_loop3A_810 = arith.constant 0 : i32
        %parallel_loop3A_811 = arith.index_cast %parallel_loop3A_809 : i32 to index
        %parallel_loop3A_812 = arith.index_cast %parallel_loop3A_810 : i32 to index
        %parallel_loop3A_813 = arith.index_cast %parallel_loop3A_808 : i32 to index
        %parallel_loop3A_814 = tpu.vector_load %arg5[%parallel_loop3A_811, %parallel_loop3A_812, %parallel_loop3A_813] {strides = array<i32>} : memref<8x1x2048xf32, #tpu.memory_space<vmem>>, vector<1x1x16xf32>,
        %parallel_loop3A_815 = vector.shape_cast %parallel_loop3A_814 : vector<1x1x16xf32> to vector<16xf32>
        %parallel_loop3A_816 = arith.constant 16 : i32
        %parallel_loop3A_817 = arith.muli %parallel_loop3A_806, %parallel_loop3A_816 : i32
        %parallel_loop3A_818 = arith.constant 7 : i32
        %parallel_loop3A_819 = arith.constant 0 : i32
        %parallel_loop3A_820 = arith.constant 0 : i32
        %parallel_loop3A_821 = arith.index_cast %parallel_loop3A_818 : i32 to index
        %parallel_loop3A_822 = arith.index_cast %parallel_loop3A_819 : i32 to index
        %parallel_loop3A_823 = arith.index_cast %parallel_loop3A_820 : i32 to index
        %parallel_loop3A_824 = arith.index_cast %parallel_loop3A_817 : i32 to index
        %parallel_loop3A_825 = tpu.vector_load %arg6[%parallel_loop3A_821, %parallel_loop3A_822, %parallel_loop3A_823, %parallel_loop3A_824] {strides = array<i32>} : memref<8x4x1x2048xf32, #tpu.memory_space<vmem>>, vector<1x1x1x16xf32>,
        %parallel_loop3A_826 = vector.shape_cast %parallel_loop3A_825 : vector<1x1x1x16xf32> to vector<16xf32>
        %parallel_loop3A_827 = arith.addf %parallel_loop3A_826, %parallel_loop3A_815 : vector<16xf32>
        %parallel_loop3A_828 = arith.constant 16 : i32
        %parallel_loop3A_829 = arith.muli %parallel_loop3A_806, %parallel_loop3A_828 : i32
        %parallel_loop3A_830 = arith.constant 7 : i32
        %parallel_loop3A_831 = arith.constant 0 : i32
        %parallel_loop3A_832 = arith.constant 0 : i32
        %parallel_loop3A_833 = arith.index_cast %parallel_loop3A_830 : i32 to index
        %parallel_loop3A_834 = arith.index_cast %parallel_loop3A_831 : i32 to index
        %parallel_loop3A_835 = arith.index_cast %parallel_loop3A_832 : i32 to index
        %parallel_loop3A_836 = arith.index_cast %parallel_loop3A_829 : i32 to index
        %parallel_loop3A_837 = tpu.vector_load %arg6[%parallel_loop3A_833, %parallel_loop3A_834, %parallel_loop3A_835, %parallel_loop3A_836] {strides = array<i32>} : memref<8x4x1x2048xf32, #tpu.memory_space<vmem>>, vector<1x1x1x16xf32>,
        %parallel_loop3A_838 = vector.shape_cast %parallel_loop3A_837 : vector<1x1x1x16xf32> to vector<16xf32>
        %parallel_loop3A_839 = vector.shape_cast %parallel_loop3A_827 : vector<16xf32> to vector<1x1x1x16xf32>
        tpu.vector_store %arg6[%parallel_loop3A_833, %parallel_loop3A_834, %parallel_loop3A_835, %parallel_loop3A_836], %parallel_loop3A_839 {strides = array<i32>} : memref<8x4x1x2048xf32, #tpu.memory_space<vmem>>, vector<1x1x1x16xf32>,
        %parallel_loop3A_840 = arith.constant 16 : i32
        %parallel_loop3A_841 = arith.muli %parallel_loop3A_806, %parallel_loop3A_840 : i32
        %parallel_loop3A_842 = arith.constant 7 : i32
        %parallel_loop3A_843 = arith.constant 1 : i32
        %parallel_loop3A_844 = arith.constant 0 : i32
        %parallel_loop3A_845 = arith.index_cast %parallel_loop3A_842 : i32 to index
        %parallel_loop3A_846 = arith.index_cast %parallel_loop3A_843 : i32 to index
        %parallel_loop3A_847 = arith.index_cast %parallel_loop3A_844 : i32 to index
        %parallel_loop3A_848 = arith.index_cast %parallel_loop3A_841 : i32 to index
        %parallel_loop3A_849 = tpu.vector_load %arg6[%parallel_loop3A_845, %parallel_loop3A_846, %parallel_loop3A_847, %parallel_loop3A_848] {strides = array<i32>} : memref<8x4x1x2048xf32, #tpu.memory_space<vmem>>, vector<1x1x1x16xf32>,
        %parallel_loop3A_850 = vector.shape_cast %parallel_loop3A_849 : vector<1x1x1x16xf32> to vector<16xf32>
        %parallel_loop3A_851 = arith.addf %parallel_loop3A_850, %parallel_loop3A_815 : vector<16xf32>
        %parallel_loop3A_852 = arith.constant 16 : i32
        %parallel_loop3A_853 = arith.muli %parallel_loop3A_806, %parallel_loop3A_852 : i32
        %parallel_loop3A_854 = arith.constant 7 : i32
        %parallel_loop3A_855 = arith.constant 1 : i32
        %parallel_loop3A_856 = arith.constant 0 : i32
        %parallel_loop3A_857 = arith.index_cast %parallel_loop3A_854 : i32 to index
        %parallel_loop3A_858 = arith.index_cast %parallel_loop3A_855 : i32 to index
        %parallel_loop3A_859 = arith.index_cast %parallel_loop3A_856 : i32 to index
        %parallel_loop3A_860 = arith.index_cast %parallel_loop3A_853 : i32 to index
        %parallel_loop3A_861 = tpu.vector_load %arg6[%parallel_loop3A_857, %parallel_loop3A_858, %parallel_loop3A_859, %parallel_loop3A_860] {strides = array<i32>} : memref<8x4x1x2048xf32, #tpu.memory_space<vmem>>, vector<1x1x1x16xf32>,
        %parallel_loop3A_862 = vector.shape_cast %parallel_loop3A_861 : vector<1x1x1x16xf32> to vector<16xf32>
        %parallel_loop3A_863 = vector.shape_cast %parallel_loop3A_851 : vector<16xf32> to vector<1x1x1x16xf32>
        tpu.vector_store %arg6[%parallel_loop3A_857, %parallel_loop3A_858, %parallel_loop3A_859, %parallel_loop3A_860], %parallel_loop3A_863 {strides = array<i32>} : memref<8x4x1x2048xf32, #tpu.memory_space<vmem>>, vector<1x1x1x16xf32>,
        %parallel_loop3A_864 = arith.constant 16 : i32
        %parallel_loop3A_865 = arith.muli %parallel_loop3A_806, %parallel_loop3A_864 : i32
        %parallel_loop3A_866 = arith.constant 7 : i32
        %parallel_loop3A_867 = arith.constant 2 : i32
        %parallel_loop3A_868 = arith.constant 0 : i32
        %parallel_loop3A_869 = arith.index_cast %parallel_loop3A_866 : i32 to index
        %parallel_loop3A_870 = arith.index_cast %parallel_loop3A_867 : i32 to index
        %parallel_loop3A_871 = arith.index_cast %parallel_loop3A_868 : i32 to index
        %parallel_loop3A_872 = arith.index_cast %parallel_loop3A_865 : i32 to index
        %parallel_loop3A_873 = tpu.vector_load %arg6[%parallel_loop3A_869, %parallel_loop3A_870, %parallel_loop3A_871, %parallel_loop3A_872] {strides = array<i32>} : memref<8x4x1x2048xf32, #tpu.memory_space<vmem>>, vector<1x1x1x16xf32>,
        %parallel_loop3A_874 = vector.shape_cast %parallel_loop3A_873 : vector<1x1x1x16xf32> to vector<16xf32>
        %parallel_loop3A_875 = arith.addf %parallel_loop3A_874, %parallel_loop3A_815 : vector<16xf32>
        %parallel_loop3A_876 = arith.constant 16 : i32
        %parallel_loop3A_877 = arith.muli %parallel_loop3A_806, %parallel_loop3A_876 : i32
        %parallel_loop3A_878 = arith.constant 7 : i32
        %parallel_loop3A_879 = arith.constant 2 : i32
        %parallel_loop3A_880 = arith.constant 0 : i32
        %parallel_loop3A_881 = arith.index_cast %parallel_loop3A_878 : i32 to index
        %parallel_loop3A_882 = arith.index_cast %parallel_loop3A_879 : i32 to index
        %parallel_loop3A_883 = arith.index_cast %parallel_loop3A_880 : i32 to index
        %parallel_loop3A_884 = arith.index_cast %parallel_loop3A_877 : i32 to index
        %parallel_loop3A_885 = tpu.vector_load %arg6[%parallel_loop3A_881, %parallel_loop3A_882, %parallel_loop3A_883, %parallel_loop3A_884] {strides = array<i32>} : memref<8x4x1x2048xf32, #tpu.memory_space<vmem>>, vector<1x1x1x16xf32>,
        %parallel_loop3A_886 = vector.shape_cast %parallel_loop3A_885 : vector<1x1x1x16xf32> to vector<16xf32>
        %parallel_loop3A_887 = vector.shape_cast %parallel_loop3A_875 : vector<16xf32> to vector<1x1x1x16xf32>
        tpu.vector_store %arg6[%parallel_loop3A_881, %parallel_loop3A_882, %parallel_loop3A_883, %parallel_loop3A_884], %parallel_loop3A_887 {strides = array<i32>} : memref<8x4x1x2048xf32, #tpu.memory_space<vmem>>, vector<1x1x1x16xf32>,
        %parallel_loop3A_888 = arith.constant 16 : i32
        %parallel_loop3A_889 = arith.muli %parallel_loop3A_806, %parallel_loop3A_888 : i32
        %parallel_loop3A_890 = arith.constant 7 : i32
        %parallel_loop3A_891 = arith.constant 3 : i32
        %parallel_loop3A_892 = arith.constant 0 : i32
        %parallel_loop3A_893 = arith.index_cast %parallel_loop3A_890 : i32 to index
        %parallel_loop3A_894 = arith.index_cast %parallel_loop3A_891 : i32 to index
        %parallel_loop3A_895 = arith.index_cast %parallel_loop3A_892 : i32 to index
        %parallel_loop3A_896 = arith.index_cast %parallel_loop3A_889 : i32 to index
        %parallel_loop3A_897 = tpu.vector_load %arg6[%parallel_loop3A_893, %parallel_loop3A_894, %parallel_loop3A_895, %parallel_loop3A_896] {strides = array<i32>} : memref<8x4x1x2048xf32, #tpu.memory_space<vmem>>, vector<1x1x1x16xf32>,
        %parallel_loop3A_898 = vector.shape_cast %parallel_loop3A_897 : vector<1x1x1x16xf32> to vector<16xf32>
        %parallel_loop3A_899 = arith.addf %parallel_loop3A_898, %parallel_loop3A_815 : vector<16xf32>
        %parallel_loop3A_900 = arith.constant 16 : i32
        %parallel_loop3A_901 = arith.muli %parallel_loop3A_806, %parallel_loop3A_900 : i32
        %parallel_loop3A_902 = arith.constant 7 : i32
        %parallel_loop3A_903 = arith.constant 3 : i32
        %parallel_loop3A_904 = arith.constant 0 : i32
        %parallel_loop3A_905 = arith.index_cast %parallel_loop3A_902 : i32 to index
        %parallel_loop3A_906 = arith.index_cast %parallel_loop3A_903 : i32 to index
        %parallel_loop3A_907 = arith.index_cast %parallel_loop3A_904 : i32 to index
        %parallel_loop3A_908 = arith.index_cast %parallel_loop3A_901 : i32 to index
        %parallel_loop3A_909 = tpu.vector_load %arg6[%parallel_loop3A_905, %parallel_loop3A_906, %parallel_loop3A_907, %parallel_loop3A_908] {strides = array<i32>} : memref<8x4x1x2048xf32, #tpu.memory_space<vmem>>, vector<1x1x1x16xf32>,
        %parallel_loop3A_910 = vector.shape_cast %parallel_loop3A_909 : vector<1x1x1x16xf32> to vector<16xf32>
        %parallel_loop3A_911 = vector.shape_cast %parallel_loop3A_899 : vector<16xf32> to vector<1x1x1x16xf32>
        tpu.vector_store %arg6[%parallel_loop3A_905, %parallel_loop3A_906, %parallel_loop3A_907, %parallel_loop3A_908], %parallel_loop3A_911 {strides = array<i32>} : memref<8x4x1x2048xf32, #tpu.memory_space<vmem>>, vector<1x1x1x16xf32>,
      } {sc.loop_unroll_factor = 8 : i64, sc.parallel_access}
      %mul3A_779 = arith.constant 1 : i32
      %mul3A_780 = arith.muli %add3A_742, %mul3A_779 : i32
      %add3A_781 = arith.addi %mul3A_2, %mul3A_780 : i32
      %dma_start3A_782 = arith.constant 7 : i32
      %dma_start3A_783 = arith.constant 0 : i32
      %dma_start3A_784 = arith.constant 0 : i32
      %dma_start3A_785 = arith.constant 0 : i32
      %dma_start3A_786 = tpu.memref_slice %arg6[%dma_start3A_782, %dma_start3A_783, %dma_start3A_784, %dma_start3A_785] : memref<8x4x1x2048xf32, #tpu.memory_space<vmem>> -> memref<1x4x1x2048xf32, #tpu.memory_space<vmem>>
      %dma_start3A_787 = tpu.memref_squeeze %dma_start3A_786 : memref<1x4x1x2048xf32, #tpu.memory_space<vmem>> -> memref<4x1x2048xf32, #tpu.memory_space<vmem>>
      %dma_start3A_788 = arith.constant 0 : i32
      %dma_start3A_789 = arith.constant 0 : i32
      %dma_start3A_790 = tpu.memref_slice %arg4[%dma_start3A_788, %add3A_781, %dma_start3A_789] : memref<4x2048x2048xf32, #tpu.memory_space<hbm>> -> memref<4x1x2048xf32, #tpu.memory_space<hbm>>
      %dma_start3A_791 = arith.constant 0 : i32
      %dma_start3A_792 = arith.constant 0 : i32
      %dma_start3A_793 = tpu.memref_slice %arg4[%dma_start3A_791, %add3A_781, %dma_start3A_792] : memref<4x2048x2048xf32, #tpu.memory_space<hbm>> -> memref<4x1x2048xf32, #tpu.memory_space<hbm>>
      %dma_start3A_794 = arith.constant 0 : i32
      %dma_start3A_795 = arith.constant 0 : i32
      %dma_start3A_796 = arith.constant 0 : i32
      %dma_start3A_797 = tpu.memref_slice %arg6[%dma_start3A_782, %dma_start3A_794, %dma_start3A_795, %dma_start3A_796] : memref<8x4x1x2048xf32, #tpu.memory_space<vmem>> -> memref<1x4x1x2048xf32, #tpu.memory_space<vmem>>
      %dma_start3A_798 = tpu.memref_squeeze %dma_start3A_797 : memref<1x4x1x2048xf32, #tpu.memory_space<vmem>> -> memref<4x1x2048xf32, #tpu.memory_space<vmem>>
      tpu.enqueue_dma source(%dma_start3A_798 : memref<4x1x2048xf32, #tpu.memory_space<vmem>>) target(%dma_start3A_793 : memref<4x1x2048xf32, #tpu.memory_space<hbm>>) target_semaphore(%arg22 : memref<!tpu.dma_semaphore, #tpu.memory_space<semaphore_mem>>)
      %add3A_799 = arith.constant 4 : i32
      %add3A_800 = arith.addi %add3A_742, %add3A_799 : i32
      %lt3A_801 = arith.constant 64 : i32
      %lt3A_802 = arith.cmpi slt, %add3A_800, %lt3A_801 : i32
      %convert_element_type3A_803 = arith.extui %lt3A_802 : i1 to i32
      %cond3A_804 = arith.constant 0 : i32
      %cond3A_805 = arith.cmpi ne, %convert_element_type3A_803, %cond3A_804 : i32
      scf.if %cond3A_805 {
        %ge3A = arith.constant 8 : i32
        %ge3A_806 = arith.cmpi sge, %add3A_800, %ge3A : i32
        %convert_element_type3A_807 = arith.extui %ge3A_806 : i1 to i32
        %cond3A_808 = arith.constant 0 : i32
        %cond3A_809 = arith.cmpi ne, %convert_element_type3A_807, %cond3A_808 : i32
        scf.if %cond3A_809 {
          %mul3A_843 = arith.constant 1 : i32
          %mul3A_844 = arith.muli %add3A_800, %mul3A_843 : i32
          %add3A_845 = arith.addi %mul3A_2, %mul3A_844 : i32
          %dma_wait3A_846 = arith.constant 3 : i32
          %dma_wait3A_847 = arith.constant 0 : i32
          %dma_wait3A_848 = arith.constant 0 : i32
          %dma_wait3A_849 = arith.constant 0 : i32
          %dma_wait3A_850 = tpu.memref_slice %arg6[%dma_wait3A_846, %dma_wait3A_847, %dma_wait3A_848, %dma_wait3A_849] : memref<8x4x1x2048xf32, #tpu.memory_space<vmem>> -> memref<1x4x1x2048xf32, #tpu.memory_space<vmem>>
          %dma_wait3A_851 = tpu.memref_squeeze %dma_wait3A_850 : memref<1x4x1x2048xf32, #tpu.memory_space<vmem>> -> memref<4x1x2048xf32, #tpu.memory_space<vmem>>
          %dma_wait3A_852 = arith.constant 0 : i32
          %dma_wait3A_853 = arith.constant 0 : i32
          %dma_wait3A_854 = tpu.memref_slice %arg4[%dma_wait3A_852, %add3A_845, %dma_wait3A_853] : memref<4x2048x2048xf32, #tpu.memory_space<hbm>> -> memref<4x1x2048xf32, #tpu.memory_space<hbm>>
          %dma_wait3A_855 = arith.constant 0 : i32
          %dma_wait3A_856 = arith.constant 0 : i32
          %dma_wait3A_857 = tpu.memref_slice %arg4[%dma_wait3A_855, %add3A_845, %dma_wait3A_856] : memref<4x2048x2048xf32, #tpu.memory_space<hbm>> -> memref<4x1x2048xf32, #tpu.memory_space<hbm>>
          %dma_wait3A_858 = arith.constant 0 : i32
          %dma_wait3A_859 = arith.constant 0 : i32
          %dma_wait3A_860 = arith.constant 0 : i32
          %dma_wait3A_861 = tpu.memref_slice %arg6[%dma_wait3A_846, %dma_wait3A_858, %dma_wait3A_859, %dma_wait3A_860] : memref<8x4x1x2048xf32, #tpu.memory_space<vmem>> -> memref<1x4x1x2048xf32, #tpu.memory_space<vmem>>
          %dma_wait3A_862 = tpu.memref_squeeze %dma_wait3A_861 : memref<1x4x1x2048xf32, #tpu.memory_space<vmem>> -> memref<4x1x2048xf32, #tpu.memory_space<vmem>>
          tpu.wait_dma2 semaphore(%arg18 : memref<!tpu.dma_semaphore, #tpu.memory_space<semaphore_mem>>) src(%dma_wait3A_862 : memref<4x1x2048xf32, #tpu.memory_space<vmem>>) dst(%dma_wait3A_857 : memref<4x1x2048xf32, #tpu.memory_space<hbm>>)
        } else {
        }
        %mul3A_810 = arith.constant 1 : i32
        %mul3A_811 = arith.muli %add3A_800, %mul3A_810 : i32
        %add3A_812 = arith.addi %mul3A_2, %mul3A_811 : i32
        %dma_start3A_813 = arith.constant 3 : i32
        %dma_start3A_814 = arith.constant 0 : i32
        %dma_start3A_815 = arith.constant 0 : i32
        %dma_start3A_816 = tpu.memref_slice %arg5[%dma_start3A_813, %dma_start3A_814, %dma_start3A_815] : memref<8x1x2048xf32, #tpu.memory_space<vmem>> -> memref<1x1x2048xf32, #tpu.memory_space<vmem>>
        %dma_start3A_817 = tpu.memref_squeeze %dma_start3A_816 : memref<1x1x2048xf32, #tpu.memory_space<vmem>> -> memref<1x2048xf32, #tpu.memory_space<vmem>>
        %dma_start3A_818 = arith.constant 0 : i32
        %dma_start3A_819 = tpu.memref_slice %arg3[%add3A_812, %dma_start3A_818] : memref<2048x2048xf32, #tpu.memory_space<hbm>> -> memref<1x2048xf32, #tpu.memory_space<hbm>>
        %dma_start3A_820 = arith.constant 0 : i32
        %dma_start3A_821 = arith.constant 0 : i32
        %dma_start3A_822 = tpu.memref_slice %arg5[%dma_start3A_813, %dma_start3A_820, %dma_start3A_821] : memref<8x1x2048xf32, #tpu.memory_space<vmem>> -> memref<1x1x2048xf32, #tpu.memory_space<vmem>>
        %dma_start3A_823 = tpu.memref_squeeze %dma_start3A_822 : memref<1x1x2048xf32, #tpu.memory_space<vmem>> -> memref<1x2048xf32, #tpu.memory_space<vmem>>
        %dma_start3A_824 = arith.constant 0 : i32
        %dma_start3A_825 = tpu.memref_slice %arg3[%add3A_812, %dma_start3A_824] : memref<2048x2048xf32, #tpu.memory_space<hbm>> -> memref<1x2048xf32, #tpu.memory_space<hbm>>
        tpu.enqueue_dma source(%dma_start3A_825 : memref<1x2048xf32, #tpu.memory_space<hbm>>) target(%dma_start3A_823 : memref<1x2048xf32, #tpu.memory_space<vmem>>) target_semaphore(%arg10 : memref<!tpu.dma_semaphore, #tpu.memory_space<semaphore_mem>>)
        %dma_start3A_826 = arith.constant 3 : i32
        %dma_start3A_827 = arith.constant 0 : i32
        %dma_start3A_828 = arith.constant 0 : i32
        %dma_start3A_829 = arith.constant 0 : i32
        %dma_start3A_830 = tpu.memref_slice %arg6[%dma_start3A_826, %dma_start3A_827, %dma_start3A_828, %dma_start3A_829] : memref<8x4x1x2048xf32, #tpu.memory_space<vmem>> -> memref<1x4x1x2048xf32, #tpu.memory_space<vmem>>
        %dma_start3A_831 = tpu.memref_squeeze %dma_start3A_830 : memref<1x4x1x2048xf32, #tpu.memory_space<vmem>> -> memref<4x1x2048xf32, #tpu.memory_space<vmem>>
        %dma_start3A_832 = arith.constant 0 : i32
        %dma_start3A_833 = arith.constant 0 : i32
        %dma_start3A_834 = tpu.memref_slice %arg2[%dma_start3A_832, %add3A_812, %dma_start3A_833] : memref<4x2048x2048xf32, #tpu.memory_space<hbm>> -> memref<4x1x2048xf32, #tpu.memory_space<hbm>>
        %dma_start3A_835 = arith.constant 0 : i32
        %dma_start3A_836 = arith.constant 0 : i32
        %dma_start3A_837 = arith.constant 0 : i32
        %dma_start3A_838 = tpu.memref_slice %arg6[%dma_start3A_826, %dma_start3A_835, %dma_start3A_836, %dma_start3A_837] : memref<8x4x1x2048xf32, #tpu.memory_space<vmem>> -> memref<1x4x1x2048xf32, #tpu.memory_space<vmem>>
        %dma_start3A_839 = tpu.memref_squeeze %dma_start3A_838 : memref<1x4x1x2048xf32, #tpu.memory_space<vmem>> -> memref<4x1x2048xf32, #tpu.memory_space<vmem>>
        %dma_start3A_840 = arith.constant 0 : i32
        %dma_start3A_841 = arith.constant 0 : i32
        %dma_start3A_842 = tpu.memref_slice %arg2[%dma_start3A_840, %add3A_812, %dma_start3A_841] : memref<4x2048x2048xf32, #tpu.memory_space<hbm>> -> memref<4x1x2048xf32, #tpu.memory_space<hbm>>
        tpu.enqueue_dma source(%dma_start3A_842 : memref<4x1x2048xf32, #tpu.memory_space<hbm>>) target(%dma_start3A_839 : memref<4x1x2048xf32, #tpu.memory_space<vmem>>) target_semaphore(%arg10 : memref<!tpu.dma_semaphore, #tpu.memory_space<semaphore_mem>>)
      } else {
      }
    }
    %scan3A_133 = arith.constant 8 : i32
    %add3A_134 = arith.constant 0 : i32
    %add3A_135 = arith.addi %mul3A_2, %add3A_134 : i32
    %dma_wait3A = arith.constant 0 : i32
    %dma_wait3A_136 = arith.constant 0 : i32
    %dma_wait3A_137 = arith.constant 0 : i32
    %dma_wait3A_138 = arith.constant 0 : i32
    %dma_wait3A_139 = tpu.memref_slice %arg6[%dma_wait3A, %dma_wait3A_136, %dma_wait3A_137, %dma_wait3A_138] : memref<8x4x1x2048xf32, #tpu.memory_space<vmem>> -> memref<1x4x1x2048xf32, #tpu.memory_space<vmem>>
    %dma_wait3A_140 = tpu.memref_squeeze %dma_wait3A_139 : memref<1x4x1x2048xf32, #tpu.memory_space<vmem>> -> memref<4x1x2048xf32, #tpu.memory_space<vmem>>
    %dma_wait3A_141 = arith.constant 0 : i32
    %dma_wait3A_142 = arith.constant 0 : i32
    %dma_wait3A_143 = tpu.memref_slice %arg4[%dma_wait3A_141, %add3A_135, %dma_wait3A_142] : memref<4x2048x2048xf32, #tpu.memory_space<hbm>> -> memref<4x1x2048xf32, #tpu.memory_space<hbm>>
    %dma_wait3A_144 = arith.constant 0 : i32
    %dma_wait3A_145 = arith.constant 0 : i32
    %dma_wait3A_146 = tpu.memref_slice %arg4[%dma_wait3A_144, %add3A_135, %dma_wait3A_145] : memref<4x2048x2048xf32, #tpu.memory_space<hbm>> -> memref<4x1x2048xf32, #tpu.memory_space<hbm>>
    %dma_wait3A_147 = arith.constant 0 : i32
    %dma_wait3A_148 = arith.constant 0 : i32
    %dma_wait3A_149 = arith.constant 0 : i32
    %dma_wait3A_150 = tpu.memref_slice %arg6[%dma_wait3A, %dma_wait3A_147, %dma_wait3A_148, %dma_wait3A_149] : memref<8x4x1x2048xf32, #tpu.memory_space<vmem>> -> memref<1x4x1x2048xf32, #tpu.memory_space<vmem>>
    %dma_wait3A_151 = tpu.memref_squeeze %dma_wait3A_150 : memref<1x4x1x2048xf32, #tpu.memory_space<vmem>> -> memref<4x1x2048xf32, #tpu.memory_space<vmem>>
    tpu.wait_dma2 semaphore(%arg15 : memref<!tpu.dma_semaphore, #tpu.memory_space<semaphore_mem>>) src(%dma_wait3A_151 : memref<4x1x2048xf32, #tpu.memory_space<vmem>>) dst(%dma_wait3A_146 : memref<4x1x2048xf32, #tpu.memory_space<hbm>>)
    %add3A_152 = arith.constant 1 : i32
    %add3A_153 = arith.addi %mul3A_2, %add3A_152 : i32
    %dma_wait3A_154 = arith.constant 1 : i32
    %dma_wait3A_155 = arith.constant 0 : i32
    %dma_wait3A_156 = arith.constant 0 : i32
    %dma_wait3A_157 = arith.constant 0 : i32
    %dma_wait3A_158 = tpu.memref_slice %arg6[%dma_wait3A_154, %dma_wait3A_155, %dma_wait3A_156, %dma_wait3A_157] : memref<8x4x1x2048xf32, #tpu.memory_space<vmem>> -> memref<1x4x1x2048xf32, #tpu.memory_space<vmem>>
    %dma_wait3A_159 = tpu.memref_squeeze %dma_wait3A_158 : memref<1x4x1x2048xf32, #tpu.memory_space<vmem>> -> memref<4x1x2048xf32, #tpu.memory_space<vmem>>
    %dma_wait3A_160 = arith.constant 0 : i32
    %dma_wait3A_161 = arith.constant 0 : i32
    %dma_wait3A_162 = tpu.memref_slice %arg4[%dma_wait3A_160, %add3A_153, %dma_wait3A_161] : memref<4x2048x2048xf32, #tpu.memory_space<hbm>> -> memref<4x1x2048xf32, #tpu.memory_space<hbm>>
    %dma_wait3A_163 = arith.constant 0 : i32
    %dma_wait3A_164 = arith.constant 0 : i32
    %dma_wait3A_165 = tpu.memref_slice %arg4[%dma_wait3A_163, %add3A_153, %dma_wait3A_164] : memref<4x2048x2048xf32, #tpu.memory_space<hbm>> -> memref<4x1x2048xf32, #tpu.memory_space<hbm>>
    %dma_wait3A_166 = arith.constant 0 : i32
    %dma_wait3A_167 = arith.constant 0 : i32
    %dma_wait3A_168 = arith.constant 0 : i32
    %dma_wait3A_169 = tpu.memref_slice %arg6[%dma_wait3A_154, %dma_wait3A_166, %dma_wait3A_167, %dma_wait3A_168] : memref<8x4x1x2048xf32, #tpu.memory_space<vmem>> -> memref<1x4x1x2048xf32, #tpu.memory_space<vmem>>
    %dma_wait3A_170 = tpu.memref_squeeze %dma_wait3A_169 : memref<1x4x1x2048xf32, #tpu.memory_space<vmem>> -> memref<4x1x2048xf32, #tpu.memory_space<vmem>>
    tpu.wait_dma2 semaphore(%arg16 : memref<!tpu.dma_semaphore, #tpu.memory_space<semaphore_mem>>) src(%dma_wait3A_170 : memref<4x1x2048xf32, #tpu.memory_space<vmem>>) dst(%dma_wait3A_165 : memref<4x1x2048xf32, #tpu.memory_space<hbm>>)
    %add3A_171 = arith.constant 2 : i32
    %add3A_172 = arith.addi %mul3A_2, %add3A_171 : i32
    %dma_wait3A_173 = arith.constant 2 : i32
    %dma_wait3A_174 = arith.constant 0 : i32
    %dma_wait3A_175 = arith.constant 0 : i32
    %dma_wait3A_176 = arith.constant 0 : i32
    %dma_wait3A_177 = tpu.memref_slice %arg6[%dma_wait3A_173, %dma_wait3A_174, %dma_wait3A_175, %dma_wait3A_176] : memref<8x4x1x2048xf32, #tpu.memory_space<vmem>> -> memref<1x4x1x2048xf32, #tpu.memory_space<vmem>>
    %dma_wait3A_178 = tpu.memref_squeeze %dma_wait3A_177 : memref<1x4x1x2048xf32, #tpu.memory_space<vmem>> -> memref<4x1x2048xf32, #tpu.memory_space<vmem>>
    %dma_wait3A_179 = arith.constant 0 : i32
    %dma_wait3A_180 = arith.constant 0 : i32
    %dma_wait3A_181 = tpu.memref_slice %arg4[%dma_wait3A_179, %add3A_172, %dma_wait3A_180] : memref<4x2048x2048xf32, #tpu.memory_space<hbm>> -> memref<4x1x2048xf32, #tpu.memory_space<hbm>>
    %dma_wait3A_182 = arith.constant 0 : i32
    %dma_wait3A_183 = arith.constant 0 : i32
    %dma_wait3A_184 = tpu.memref_slice %arg4[%dma_wait3A_182, %add3A_172, %dma_wait3A_183] : memref<4x2048x2048xf32, #tpu.memory_space<hbm>> -> memref<4x1x2048xf32, #tpu.memory_space<hbm>>
    %dma_wait3A_185 = arith.constant 0 : i32
    %dma_wait3A_186 = arith.constant 0 : i32
    %dma_wait3A_187 = arith.constant 0 : i32
    %dma_wait3A_188 = tpu.memref_slice %arg6[%dma_wait3A_173, %dma_wait3A_185, %dma_wait3A_186, %dma_wait3A_187] : memref<8x4x1x2048xf32, #tpu.memory_space<vmem>> -> memref<1x4x1x2048xf32, #tpu.memory_space<vmem>>
    %dma_wait3A_189 = tpu.memref_squeeze %dma_wait3A_188 : memref<1x4x1x2048xf32, #tpu.memory_space<vmem>> -> memref<4x1x2048xf32, #tpu.memory_space<vmem>>
    tpu.wait_dma2 semaphore(%arg17 : memref<!tpu.dma_semaphore, #tpu.memory_space<semaphore_mem>>) src(%dma_wait3A_189 : memref<4x1x2048xf32, #tpu.memory_space<vmem>>) dst(%dma_wait3A_184 : memref<4x1x2048xf32, #tpu.memory_space<hbm>>)
    %add3A_190 = arith.constant 3 : i32
    %add3A_191 = arith.addi %mul3A_2, %add3A_190 : i32
    %dma_wait3A_192 = arith.constant 3 : i32
    %dma_wait3A_193 = arith.constant 0 : i32
    %dma_wait3A_194 = arith.constant 0 : i32
    %dma_wait3A_195 = arith.constant 0 : i32
    %dma_wait3A_196 = tpu.memref_slice %arg6[%dma_wait3A_192, %dma_wait3A_193, %dma_wait3A_194, %dma_wait3A_195] : memref<8x4x1x2048xf32, #tpu.memory_space<vmem>> -> memref<1x4x1x2048xf32, #tpu.memory_space<vmem>>
    %dma_wait3A_197 = tpu.memref_squeeze %dma_wait3A_196 : memref<1x4x1x2048xf32, #tpu.memory_space<vmem>> -> memref<4x1x2048xf32, #tpu.memory_space<vmem>>
    %dma_wait3A_198 = arith.constant 0 : i32
    %dma_wait3A_199 = arith.constant 0 : i32
    %dma_wait3A_200 = tpu.memref_slice %arg4[%dma_wait3A_198, %add3A_191, %dma_wait3A_199] : memref<4x2048x2048xf32, #tpu.memory_space<hbm>> -> memref<4x1x2048xf32, #tpu.memory_space<hbm>>
    %dma_wait3A_201 = arith.constant 0 : i32
    %dma_wait3A_202 = arith.constant 0 : i32
    %dma_wait3A_203 = tpu.memref_slice %arg4[%dma_wait3A_201, %add3A_191, %dma_wait3A_202] : memref<4x2048x2048xf32, #tpu.memory_space<hbm>> -> memref<4x1x2048xf32, #tpu.memory_space<hbm>>
    %dma_wait3A_204 = arith.constant 0 : i32
    %dma_wait3A_205 = arith.constant 0 : i32
    %dma_wait3A_206 = arith.constant 0 : i32
    %dma_wait3A_207 = tpu.memref_slice %arg6[%dma_wait3A_192, %dma_wait3A_204, %dma_wait3A_205, %dma_wait3A_206] : memref<8x4x1x2048xf32, #tpu.memory_space<vmem>> -> memref<1x4x1x2048xf32, #tpu.memory_space<vmem>>
    %dma_wait3A_208 = tpu.memref_squeeze %dma_wait3A_207 : memref<1x4x1x2048xf32, #tpu.memory_space<vmem>> -> memref<4x1x2048xf32, #tpu.memory_space<vmem>>
    tpu.wait_dma2 semaphore(%arg18 : memref<!tpu.dma_semaphore, #tpu.memory_space<semaphore_mem>>) src(%dma_wait3A_208 : memref<4x1x2048xf32, #tpu.memory_space<vmem>>) dst(%dma_wait3A_203 : memref<4x1x2048xf32, #tpu.memory_space<hbm>>)
    %add3A_209 = arith.constant 4 : i32
    %add3A_210 = arith.addi %mul3A_2, %add3A_209 : i32
    %dma_wait3A_211 = arith.constant 4 : i32
    %dma_wait3A_212 = arith.constant 0 : i32
    %dma_wait3A_213 = arith.constant 0 : i32
    %dma_wait3A_214 = arith.constant 0 : i32
    %dma_wait3A_215 = tpu.memref_slice %arg6[%dma_wait3A_211, %dma_wait3A_212, %dma_wait3A_213, %dma_wait3A_214] : memref<8x4x1x2048xf32, #tpu.memory_space<vmem>> -> memref<1x4x1x2048xf32, #tpu.memory_space<vmem>>
    %dma_wait3A_216 = tpu.memref_squeeze %dma_wait3A_215 : memref<1x4x1x2048xf32, #tpu.memory_space<vmem>> -> memref<4x1x2048xf32, #tpu.memory_space<vmem>>
    %dma_wait3A_217 = arith.constant 0 : i32
    %dma_wait3A_218 = arith.constant 0 : i32
    %dma_wait3A_219 = tpu.memref_slice %arg4[%dma_wait3A_217, %add3A_210, %dma_wait3A_218] : memref<4x2048x2048xf32, #tpu.memory_space<hbm>> -> memref<4x1x2048xf32, #tpu.memory_space<hbm>>
    %dma_wait3A_220 = arith.constant 0 : i32
    %dma_wait3A_221 = arith.constant 0 : i32
    %dma_wait3A_222 = tpu.memref_slice %arg4[%dma_wait3A_220, %add3A_210, %dma_wait3A_221] : memref<4x2048x2048xf32, #tpu.memory_space<hbm>> -> memref<4x1x2048xf32, #tpu.memory_space<hbm>>
    %dma_wait3A_223 = arith.constant 0 : i32
    %dma_wait3A_224 = arith.constant 0 : i32
    %dma_wait3A_225 = arith.constant 0 : i32
    %dma_wait3A_226 = tpu.memref_slice %arg6[%dma_wait3A_211, %dma_wait3A_223, %dma_wait3A_224, %dma_wait3A_225] : memref<8x4x1x2048xf32, #tpu.memory_space<vmem>> -> memref<1x4x1x2048xf32, #tpu.memory_space<vmem>>
    %dma_wait3A_227 = tpu.memref_squeeze %dma_wait3A_226 : memref<1x4x1x2048xf32, #tpu.memory_space<vmem>> -> memref<4x1x2048xf32, #tpu.memory_space<vmem>>
    tpu.wait_dma2 semaphore(%arg19 : memref<!tpu.dma_semaphore, #tpu.memory_space<semaphore_mem>>) src(%dma_wait3A_227 : memref<4x1x2048xf32, #tpu.memory_space<vmem>>) dst(%dma_wait3A_222 : memref<4x1x2048xf32, #tpu.memory_space<hbm>>)
    %add3A_228 = arith.constant 5 : i32
    %add3A_229 = arith.addi %mul3A_2, %add3A_228 : i32
    %dma_wait3A_230 = arith.constant 5 : i32
    %dma_wait3A_231 = arith.constant 0 : i32
    %dma_wait3A_232 = arith.constant 0 : i32
    %dma_wait3A_233 = arith.constant 0 : i32
    %dma_wait3A_234 = tpu.memref_slice %arg6[%dma_wait3A_230, %dma_wait3A_231, %dma_wait3A_232, %dma_wait3A_233] : memref<8x4x1x2048xf32, #tpu.memory_space<vmem>> -> memref<1x4x1x2048xf32, #tpu.memory_space<vmem>>
    %dma_wait3A_235 = tpu.memref_squeeze %dma_wait3A_234 : memref<1x4x1x2048xf32, #tpu.memory_space<vmem>> -> memref<4x1x2048xf32, #tpu.memory_space<vmem>>
    %dma_wait3A_236 = arith.constant 0 : i32
    %dma_wait3A_237 = arith.constant 0 : i32
    %dma_wait3A_238 = tpu.memref_slice %arg4[%dma_wait3A_236, %add3A_229, %dma_wait3A_237] : memref<4x2048x2048xf32, #tpu.memory_space<hbm>> -> memref<4x1x2048xf32, #tpu.memory_space<hbm>>
    %dma_wait3A_239 = arith.constant 0 : i32
    %dma_wait3A_240 = arith.constant 0 : i32
    %dma_wait3A_241 = tpu.memref_slice %arg4[%dma_wait3A_239, %add3A_229, %dma_wait3A_240] : memref<4x2048x2048xf32, #tpu.memory_space<hbm>> -> memref<4x1x2048xf32, #tpu.memory_space<hbm>>
    %dma_wait3A_242 = arith.constant 0 : i32
    %dma_wait3A_243 = arith.constant 0 : i32
    %dma_wait3A_244 = arith.constant 0 : i32
    %dma_wait3A_245 = tpu.memref_slice %arg6[%dma_wait3A_230, %dma_wait3A_242, %dma_wait3A_243, %dma_wait3A_244] : memref<8x4x1x2048xf32, #tpu.memory_space<vmem>> -> memref<1x4x1x2048xf32, #tpu.memory_space<vmem>>
    %dma_wait3A_246 = tpu.memref_squeeze %dma_wait3A_245 : memref<1x4x1x2048xf32, #tpu.memory_space<vmem>> -> memref<4x1x2048xf32, #tpu.memory_space<vmem>>
    tpu.wait_dma2 semaphore(%arg20 : memref<!tpu.dma_semaphore, #tpu.memory_space<semaphore_mem>>) src(%dma_wait3A_246 : memref<4x1x2048xf32, #tpu.memory_space<vmem>>) dst(%dma_wait3A_241 : memref<4x1x2048xf32, #tpu.memory_space<hbm>>)
    %add3A_247 = arith.constant 6 : i32
    %add3A_248 = arith.addi %mul3A_2, %add3A_247 : i32
    %dma_wait3A_249 = arith.constant 6 : i32
    %dma_wait3A_250 = arith.constant 0 : i32
    %dma_wait3A_251 = arith.constant 0 : i32
    %dma_wait3A_252 = arith.constant 0 : i32
    %dma_wait3A_253 = tpu.memref_slice %arg6[%dma_wait3A_249, %dma_wait3A_250, %dma_wait3A_251, %dma_wait3A_252] : memref<8x4x1x2048xf32, #tpu.memory_space<vmem>> -> memref<1x4x1x2048xf32, #tpu.memory_space<vmem>>
    %dma_wait3A_254 = tpu.memref_squeeze %dma_wait3A_253 : memref<1x4x1x2048xf32, #tpu.memory_space<vmem>> -> memref<4x1x2048xf32, #tpu.memory_space<vmem>>
    %dma_wait3A_255 = arith.constant 0 : i32
    %dma_wait3A_256 = arith.constant 0 : i32
    %dma_wait3A_257 = tpu.memref_slice %arg4[%dma_wait3A_255, %add3A_248, %dma_wait3A_256] : memref<4x2048x2048xf32, #tpu.memory_space<hbm>> -> memref<4x1x2048xf32, #tpu.memory_space<hbm>>
    %dma_wait3A_258 = arith.constant 0 : i32
    %dma_wait3A_259 = arith.constant 0 : i32
    %dma_wait3A_260 = tpu.memref_slice %arg4[%dma_wait3A_258, %add3A_248, %dma_wait3A_259] : memref<4x2048x2048xf32, #tpu.memory_space<hbm>> -> memref<4x1x2048xf32, #tpu.memory_space<hbm>>
    %dma_wait3A_261 = arith.constant 0 : i32
    %dma_wait3A_262 = arith.constant 0 : i32
    %dma_wait3A_263 = arith.constant 0 : i32
    %dma_wait3A_264 = tpu.memref_slice %arg6[%dma_wait3A_249, %dma_wait3A_261, %dma_wait3A_262, %dma_wait3A_263] : memref<8x4x1x2048xf32, #tpu.memory_space<vmem>> -> memref<1x4x1x2048xf32, #tpu.memory_space<vmem>>
    %dma_wait3A_265 = tpu.memref_squeeze %dma_wait3A_264 : memref<1x4x1x2048xf32, #tpu.memory_space<vmem>> -> memref<4x1x2048xf32, #tpu.memory_space<vmem>>
    tpu.wait_dma2 semaphore(%arg21 : memref<!tpu.dma_semaphore, #tpu.memory_space<semaphore_mem>>) src(%dma_wait3A_265 : memref<4x1x2048xf32, #tpu.memory_space<vmem>>) dst(%dma_wait3A_260 : memref<4x1x2048xf32, #tpu.memory_space<hbm>>)
    %add3A_266 = arith.constant 7 : i32
    %add3A_267 = arith.addi %mul3A_2, %add3A_266 : i32
    %dma_wait3A_268 = arith.constant 7 : i32
    %dma_wait3A_269 = arith.constant 0 : i32
    %dma_wait3A_270 = arith.constant 0 : i32
    %dma_wait3A_271 = arith.constant 0 : i32
    %dma_wait3A_272 = tpu.memref_slice %arg6[%dma_wait3A_268, %dma_wait3A_269, %dma_wait3A_270, %dma_wait3A_271] : memref<8x4x1x2048xf32, #tpu.memory_space<vmem>> -> memref<1x4x1x2048xf32, #tpu.memory_space<vmem>>
    %dma_wait3A_273 = tpu.memref_squeeze %dma_wait3A_272 : memref<1x4x1x2048xf32, #tpu.memory_space<vmem>> -> memref<4x1x2048xf32, #tpu.memory_space<vmem>>
    %dma_wait3A_274 = arith.constant 0 : i32
    %dma_wait3A_275 = arith.constant 0 : i32
    %dma_wait3A_276 = tpu.memref_slice %arg4[%dma_wait3A_274, %add3A_267, %dma_wait3A_275] : memref<4x2048x2048xf32, #tpu.memory_space<hbm>> -> memref<4x1x2048xf32, #tpu.memory_space<hbm>>
    %dma_wait3A_277 = arith.constant 0 : i32
    %dma_wait3A_278 = arith.constant 0 : i32
    %dma_wait3A_279 = tpu.memref_slice %arg4[%dma_wait3A_277, %add3A_267, %dma_wait3A_278] : memref<4x2048x2048xf32, #tpu.memory_space<hbm>> -> memref<4x1x2048xf32, #tpu.memory_space<hbm>>
    %dma_wait3A_280 = arith.constant 0 : i32
    %dma_wait3A_281 = arith.constant 0 : i32
    %dma_wait3A_282 = arith.constant 0 : i32
    %dma_wait3A_283 = tpu.memref_slice %arg6[%dma_wait3A_268, %dma_wait3A_280, %dma_wait3A_281, %dma_wait3A_282] : memref<8x4x1x2048xf32, #tpu.memory_space<vmem>> -> memref<1x4x1x2048xf32, #tpu.memory_space<vmem>>
    %dma_wait3A_284 = tpu.memref_squeeze %dma_wait3A_283 : memref<1x4x1x2048xf32, #tpu.memory_space<vmem>> -> memref<4x1x2048xf32, #tpu.memory_space<vmem>>
    tpu.wait_dma2 semaphore(%arg22 : memref<!tpu.dma_semaphore, #tpu.memory_space<semaphore_mem>>) src(%dma_wait3A_284 : memref<4x1x2048xf32, #tpu.memory_space<vmem>>) dst(%dma_wait3A_279 : memref<4x1x2048xf32, #tpu.memory_space<hbm>>)
    return
  }
}

</mosaic_0001>

<sc_bundles>
// kernel: kernel.3.cloned.1.call-start
scs
__scs_entry_jumppad:
0x0: {  	(pc) =	sbr.rel $0x88, $3  }
0x1: {  	(tag) =	ssettag $0x0;
	lr =	simm.s32 $0x1  }
0x2: {  	[smem:$0x3F9F] =	sst lr;
	_ =	strace $0xD0000000  }
0x3: {  	_ = 	snop  }
0x4: {  	_ = 	snop  }
0x5: {  	_ = 	snop  }
0x6: {  	_ = 	snop  }
0x7: {  	_ = 	snop  }
__scs_overlays_trampoline_lowered:
0x8: {  	[smem:$0x3FAE] =	sst s0  }
0x9: {  	[smem:$0x3FAF] =	sst s1  }
0xa: {  	[smem:$0x3FB0] =	sst s2  }
0xb: {  	[smem:$0x3FB1] =	sst s3  }
0xc: {  	[smem:$0x3FB2] =	sst s4  }
0xd: {  	[smem:$0x3FB3] =	sst s5  }
0xe: {  	[smem:$0x3FB4] =	sst s6  }
0xf: {  	[smem:$0x3FB5] =	sst s7  }
0x10: {  	[smem:$0x3FB6] =	sst s8  }
0x11: {  	[smem:$0x3FB7] =	sst s9;
	s0 =	simm.s32 @!p0 $0x0  }
0x12: {  	s1 =	sld [smem:$0x3F9D];
	s0 =	simm.s32 @p0 $0x1  }
0x13: {  	[smem:$0x3FB8] =	sst s0;
	s0 =	simm.s32 @!p1 $0x0  }
0x14: {  	s2 =	sld [smem:$0x3F9C];
	s0 =	simm.s32 @p1 $0x1  }
0x15: {  	[smem:$0x3FB9] =	sst s0;
	s0 =	simm.s32 @!p2 $0x0  }
0x16: {  	s3 =	sld [smem:$0x3FDB];
	s0 =	simm.s32 @p2 $0x1  }
0x17: {  	s4 =	simm.s32 $0x1BF5;
	[smem:$0x3FBB] =	sst s0  }
0x18: {  	s0 =	sld [smem:$0x3F9E];
	_ =	swait.ge [sflag:s4], $0x0  }
0x19: {  	s7 =	sld [smem:$0x3F9F]  }
0x1a: {  	s8 =	sadd.s32 $0xFFFFE003, lr  }
0x1b: {  	s9 =	sadd.s32 $0xFFFFFEF7, lr;
	s5 =	simm.s32 $0xFFFFFFFF;
	p2 =	slt.u32 s8, $0xFFFFF086  }
0x1c: {  	p1 =	slt.u32 s9, $0xF7A;
	s5 =	simm.s32 @!p2 $0x0  }
0x1d: {  	s5 =	simm.s32 @p1 $0x1;
	p0 =	seq.s32 s7, s2  }
0x1e: {  	s7 =	smul.u32 @!p0 $0xF7A, s2;
	p2 =	seq.s32 @!p0 s5, $0x0  }
0x1f: {  	s9 =	smul.u32 $0xF7A, s1;
	s8 =	simm.s32 @!p0 $0x1BF5;
	p2 =	por !p2, p0  }
0x20: {  	[sflag:s8] =	ssyncset.s32 @!p0 $0xFFFFF086;
	s6 =	sadd.s32 @!p0 s3, s7;
	s7 =	simm.s32 @!p0 $0x108  }
0x21: {  	s3 =	sadd.s32 s3, s9;
	s6 =	sadd.s32 @!p0 $0x88, s6;
	s7 =	simm.s32 @p2 $0x1082  }
0x22: {  	[simem:s7], [sflag:s8] =	dma.local @!p0 [hbm:s6], $0xF7A  }
0x23: {  	s9 =	sor.u32 $0xD0000000, s2;
	s6 =	simm.s32 $0x108;
	_ =	swait.ge @!p0 [sflag:s8], $0x0  }
0x24: {  	s3 =	sadd.s32 $0x88, s3;
	s6 =	simm.s32 @!p1 $0x1082;
	[sflag:s4] =	ssyncset.s32 $0xFFFFF086  }
0x25: {  	[simem:s6], [sflag:s4] =	dma.local [hbm:s3], $0xF7A  }
0x26: {  	[smem:$0x3F9F] =	sst s1;
	(tag) =	ssettag s2;
	_ =	strace s9  }
0x27: {  	s1 =	sld [smem:$0x3FAF]  }
0x28: {  	s2 =	sld [smem:$0x3FB0]  }
0x29: {  	s4 =	sld [smem:$0x3FB2]  }
0x2a: {  	p0 =	seq.s32 s5, $0x0;
	s5 =	sld [smem:$0x3FB3]  }
0x2b: {  	s6 =	sld [smem:$0x3FB4]  }
0x2c: {  	s7 =	sld [smem:$0x3FB5]  }
0x2d: {  	s3 =	simm.s32 $0x108;
	s8 =	sld [smem:$0x3FB6]  }
0x2e: {  	s3 =	simm.s32 @!p0 $0x1082;
	s9 =	sld [smem:$0x3FB7]  }
0x2f: {  	lr =	sadd.s32 s0, s3;
	s0 =	sld [smem:$0x3FAE]  }
0x30: {  	s3 =	sld [smem:$0x3FB1]  }
0x31: {  	[smem:$0x3FBA] =	sst s10  }
0x32: {  	s10 =	sld [smem:$0x3FB8];
	_ =	sdelay $0x3  }
0x33: {  	p0 =	seq.s32 s10, $0x1;
	s10 =	sld [smem:$0x3FBA];
	_ =	sdelay $0x3  }
0x34: {  	[smem:$0x3FBA] =	sst s10  }
0x35: {  	s10 =	sld [smem:$0x3FB9];
	_ =	sdelay $0x3  }
0x36: {  	p1 =	seq.s32 s10, $0x1;
	s10 =	sld [smem:$0x3FBA];
	_ =	sdelay $0x3  }
0x37: {  	[smem:$0x3FBA] =	sst s10  }
0x38: {  	s10 =	sld [smem:$0x3FBB]  }
0x39: {  	_ = 	snop;
	(pc) =	sbr.ind lr, $3  }
0x3a: {  	_ = 	snop  }
0x3b: {  	_ = 	snop  }
0x3c: {  	p2 =	seq.s32 s10, $0x1;
	s10 =	sld [smem:$0x3FBA]  }
0x3d: {  	_ =	shalt  }
0x3e: {  	_ =	shalt  }
0x3f: {  	_ =	shalt  }
0x40: {  	_ =	shalt  }
0x41: {  	_ =	shalt  }
0x42: {  	_ =	shalt  }
0x43: {  	_ =	shalt  }
0x44: {  	_ =	shalt  }
0x45: {  	_ =	shalt  }
0x46: {  	_ =	shalt  }
0x47: {  	_ =	shalt  }
0x48: {  	_ =	shalt  }
0x49: {  	_ =	shalt  }
0x4a: {  	_ =	shalt  }
0x4b: {  	_ =	shalt  }
0x4c: {  	_ =	shalt  }
0x4d: {  	_ =	shalt  }
0x4e: {  	_ =	shalt  }
0x4f: {  	_ =	shalt  }
0x50: {  	_ =	shalt  }
0x51: {  	_ =	shalt  }
0x52: {  	_ =	shalt  }
0x53: {  	_ =	shalt  }
0x54: {  	_ =	shalt  }
0x55: {  	_ =	shalt  }
0x56: {  	_ =	shalt  }
0x57: {  	_ =	shalt  }
0x58: {  	_ =	shalt  }
0x59: {  	_ =	shalt  }
0x5a: {  	_ =	shalt  }
0x5b: {  	_ =	shalt  }
0x5c: {  	_ =	shalt  }
0x5d: {  	_ =	shalt  }
0x5e: {  	_ =	shalt  }
0x5f: {  	_ =	shalt  }
0x60: {  	_ =	shalt  }
0x61: {  	_ =	shalt  }
0x62: {  	_ =	shalt  }
0x63: {  	_ =	shalt  }
0x64: {  	_ =	shalt  }
0x65: {  	_ =	shalt  }
0x66: {  	_ =	shalt  }
0x67: {  	_ =	shalt  }
0x68: {  	_ =	shalt  }
0x69: {  	_ =	shalt  }
0x6a: {  	_ =	shalt  }
0x6b: {  	_ =	shalt  }
0x6c: {  	_ =	shalt  }
0x6d: {  	_ =	shalt  }
0x6e: {  	_ =	shalt  }
0x6f: {  	_ =	shalt  }
0x70: {  	_ =	shalt  }
0x71: {  	_ =	shalt  }
0x72: {  	_ =	shalt  }
0x73: {  	_ =	shalt  }
0x74: {  	_ =	shalt  }
0x75: {  	_ =	shalt  }
0x76: {  	_ =	shalt  }
0x77: {  	_ =	shalt  }
0x78: {  	_ =	shalt  }
0x79: {  	_ =	shalt  }
0x7a: {  	_ =	shalt  }
0x7b: {  	_ =	shalt  }
0x7c: {  	_ =	shalt  }
0x7d: {  	_ =	shalt  }
0x7e: {  	_ =	shalt  }
0x7f: {  	_ =	shalt  }
0x80: {  	_ =	shalt  }
0x81: {  	_ =	shalt  }
0x82: {  	_ =	shalt  }
0x83: {  	_ =	shalt  }
0x84: {  	_ =	shalt  }
0x85: {  	_ =	shalt  }
0x86: {  	_ =	shalt  }
0x87: {  	_ =	shalt  }
.Lfunc_end0:
.L_simem_size_0:
called_computation_lowered:
.L_overlay_start_0:
0x88: {  	s2 =	sld [smem:$0x3FD9]  }
0x89: {  	s3 =	sld [smem:$0x3FFE];
	_ =	sdelay $0x1  }
0x8a: {  	s1 =	srdreg.scid  }
0x8b: {  	s0 =	sand.u32 $0x1, s1  }
0x8c: {  	s18 =	sshll.u32 s0, $0xA;
	s2 =	sadd.s32 s3, s2  }
0x8d: {  	s2 =	sadd.s32 s2, s18  }
0x8e: {  	[smem:$0x3FC6] =	sst s2  }
0x8f: {  	_ = 	snop  }
0x90: {  	s2 =	sld [smem:$0x3FC9]  }
0x91: {  	s19 =	sld [smem:$0x3FC8]  }
0x92: {  	s4 =	sld [smem:$0x3FD0];
	(tm) =	ssettm $0x1  }
0x93: {  	s5 =	sld [smem:$0x3FFB];
	_ =	sdelay $0x3  }
0x94: {  	_ =	strace s5  }
0x95: {  	s5 =	sld [smem:$0x3FFC];
	_ =	sdelay $0x3  }
0x96: {  	_ =	strace s5  }
0x97: {  	s5 =	sld [smem:$0x3FFD];
	_ =	sdelay $0x3  }
0x98: {  	_ =	strace s5  }
0x99: {  	_ =	strace $0x8FFFFFFF  }
0x9a: {  	s20 =	sld [smem:$0x3FDB];
	_ =	sdelay $0x1  }
0x9b: {  	s6 =	simm.s32 $_scs_section_size  }
0x9c: {  	s7 =	simm.s32 $_size__tile_overlayer_lowered;
	s8 =	simm.s32 $_tile_overlayer_lowered  }
0x9d: {  	s23 =	simm.s32 $0x1BFF;
	s22 =	sshll.u32 s8, $0x1;
	s5 =	sadd.s32 s6, s20  }
0x9e: {  	s9 =	simm.s32 $0x0;
	s21 =	sshll.u32 s7, $0x1;
	s7 =	sadd.s32 s22, s5  }
0x9f: {  	[timem:s9], [sflag:s23] =	dma.local [hbm:s7], s21  }
0xa0: {  	_ =	swait.ge [sflag:s23], s21  }
0xa1: {  	s6 =	ssub.s32 $0x0, s21;
	[sflag:s23] =	ssyncset.done $0x0  }
0xa2: {  	[sflag:s23] =	ssyncadd.s32 s6;
	_ =	sdelay $0x1  }
0xa3: {  	s24 =	simm.s32 $0x1B8B  }
0xa4: {  	_ =	swait.ge [sflag:s24], $0x1  }
0xa5: {  	[sflag:s24] =	ssyncset.done $0x0  }
0xa6: {  	s25 =	simm.s32 $0x1B8E;
	[sflag:s24] =	ssyncadd.s32 $0xFFFFFFFF  }
0xa7: {  	s26 =	simm.s32 $execute0_lowered;
	[smem:$0x3FD2] =	sst s25  }
0xa8: {  	s6 =	sshll.u32 s26, $0x1;
	_ =	strace $0x80000046;
	[dreg:$0x1] =	wrdreg $0xFFFFFFFF  }
0xa9: {  	s28 =	simm.s32 $_size_execute0_lowered;
	s5 =	sadd.s32 s5, s6;
	[dreg:$0x0] =	wrdreg $0x0  }
0xaa: {  	s6 =	sshll.u32 s28, $0x1;
	[dreg:$0x2] =	wrdreg s5  }
0xab: {  	[dreg:$0x3] =	wrdreg s6  }
0xac: {  	[dreg:$0x4] =	wrdreg $0xC0  }
0xad: {  	_ =	task [dreg:s9], $0x5FFFF  }
0xae: {  	[dreg:$0x1] =	wrdreg $0xFFFFFFFF  }
0xaf: {  	[dreg:$0x0] =	wrdreg $0x60  }
0xb0: {  	[dreg:$0x2] =	wrdreg s2  }
0xb1: {  	[dreg:$0x3] =	wrdreg s19  }
0xb2: {  	[dreg:$0x4] =	wrdreg s4  }
0xb3: {  	[dreg:$0x5] =	wrdreg $0x9  }
0xb4: {  	_ =	task.clear_ibuf [dreg:s9], $0x6FFFF;
	_ =	strace $0x90000046  }
0xb5: {  	s29 =	simm.s32 $0x9;
	_ =	strace $0x80000048  }
0xb6: {  	_ =	swait.ge [sflag:s29], $0x1  }
0xb7: {  	[sflag:s29] =	ssyncadd.s32 $0xFFFFFFFF  }
0xb8: {  	_ =	strace $0x90000048  }
0xb9: {  	_ =	sfence  }
0xba: {  	s30 =	sld [smem:$0x0];
	_ =	sdelay $0x2  }
0xbb: {  	s31 =	sshll.u32 s1, $0xD;
	s1 =	sshrl.u32 s1, $0x2  }
0xbc: {  	s3 =	sand.u32 $0x4000, s31;
	s1 =	sadd.s32 s1, s30  }
0xbd: {  	s0 =	sor.u32 s3, s0;
	s1 =	sshll.u32 s1, $0x11  }
0xbe: {  	s0 =	sor.u32 s1, s0  }
0xbf: {  	s0 =	sadd.s32 $0x8F2B, s0  }
0xc0: {  	[sflag:s0] =	ssyncadd.remote.s32 $0x1  }
0xc1: {  	_ =	sfence.sel $0xFFFF  }
0xc2: {  	[dreg:$0x0] =	wrdreg $0xFFFFFFFF;
	(pc) =	sbr.abs _section_cstart, $3  }
0xc3: {  	[dreg:$0x1] =	wrdreg $0xFFFFFFFF  }
0xc4: {  	_ =	task.clear_ibuf [dreg:s9], $0x2FFFF;
	_ =	strace $0x9FFFFFFF  }
0xc5: {  	(tm) =	ssettm $0x7FFFFFFF  }
tec
execute0_lowered:
.L_overlay_start_1:
0x0: {  	(tag) =	ssettag $0x1  }
0x1: {  	s1 =	rddreg [dreg:$0x0]  }
0x2: {  	s3 =	rddreg [dreg:$0x1]  }
0x3: {  	s4 =	rddreg [dreg:$0x2]  }
0x4: {  	s0 =	srdreg.scid;
	s2 =	stileid.u32;
	s6 =	simm.s32 $0x0  }
0x5: {  	s0 =	sand.u32 $0x1, s0;
	s2 =	sshll.u32 s2, $0x7;
	[smem:$0x7FF] =	sst s6  }
0x6: {  	s12 =	sadd.s32 $0x10, s4;
	s13 =	sadd.s32 $0x20, s4;
	s14 =	sadd.s32 $0x30, s4  }
0x7: {  	s5 =	sshll.u32 s0, $0x6;
	_ =	strace $0x80000047;
	[dreg:$0xd] =	wrdreg s12  }
0x8: {  	s0 =	ssub.s32 $0x2, s0;
	[dreg:$0xe] =	wrdreg s13;
	s7 =	sor.u32 s5, s2  }
0x9: {  	[dreg:$0xf] =	wrdreg s14;
	s22 =	sshrl.u32 s0, $0x1;
	s5 =	sshll.u32 s7, $0x8  }
0xa: {  	s0 =	ssub.s32 s0, s22;
	[dreg:$0x4] =	wrdreg s7;
	s23 =	sadd.s32 s3, s5  }
0xb: {  	s0 =	smax.u32 s0, $0x1;
	[dreg:$0x5] =	wrdreg s23  }
0xc: {  	s24 =	sor.u32 $0x10, s5;
	s8 =	sadd.s32 s1, s5;
	[dreg:$0x10] =	wrdreg s0  }
0xd: {  	s26 =	sor.u32 $0x20, s5;
	s25 =	sadd.s32 s3, s24;
	[dreg:$0x6] =	wrdreg s8  }
0xe: {  	s5 =	sor.u32 $0x30, s5;
	s28 =	sadd.s32 s3, s26;
	[dreg:$0x7] =	wrdreg s25  }
0xf: {  	s11 =	sadd.s32 s3, s5;
	[dreg:$0x9] =	wrdreg s28  }
0x10: {  	s15 =	sadd.s32 $0x80000, s8;
	[dreg:$0xb] =	wrdreg s11  }
0x11: {  	s16 =	sadd.s32 $0x100000, s8;
	[dreg:$0x11] =	wrdreg s15  }
0x12: {  	s29 =	simm.s32 $0x6;
	s17 =	sadd.s32 $0x180000, s8;
	[dreg:$0x12] =	wrdreg s16  }
0x13: {  	s30 =	simm.s32 $0x7;
	s9 =	sadd.s32 s1, s24;
	[dreg:$0x13] =	wrdreg s17  }
0x14: {  	s31 =	simm.s32 $0x8;
	s10 =	sadd.s32 s1, s26;
	[dreg:$0x8] =	wrdreg s9  }
0x15: {  	s6 =	simm.s32 $0x12800;
	s2 =	sadd.s32 s1, s5;
	[dreg:$0xa] =	wrdreg s10  }
0x16: {  	s18 =	sor.u32 $0x8, s7;
	s19 =	sadd.s32 $0x80000, s9;
	[dreg:$0xc] =	wrdreg s2  }
0x17: {  	s7 =	simm.s32 $0x2;
	s20 =	sadd.s32 $0x100000, s9;
	[dreg:$0x14] =	wrdreg s19  }
0x18: {  	s5 =	simm.s32 $0x400;
	s21 =	sadd.s32 $0x180000, s9;
	[dreg:$0x15] =	wrdreg s20  }
0x19: {  	s8 =	simm.s32 $0x1;
	s22 =	sadd.s32 $0x80000, s10;
	[dreg:$0x16] =	wrdreg s21  }
0x1a: {  	s0 =	simm.s32 $0xC;
	s23 =	sadd.s32 $0x100000, s10;
	[dreg:$0x17] =	wrdreg s22  }
0x1b: {  	s24 =	sadd.s32 $0x180000, s10;
	s25 =	sadd.s32 $0x80000, s2;
	[dreg:$0x18] =	wrdreg s23  }
0x1c: {  	s26 =	sadd.s32 $0x100000, s2;
	s28 =	sadd.s32 $0x180000, s2;
	[dreg:$0x19] =	wrdreg s24  }
.Ltmp0:
0x1d: {  	s2 =	simm.s32 $0x80;
	[dreg:$0x1a] =	wrdreg s25;
	(pc) =	sbr.rel .LBB2_1-.Ltmp0, $4  }
0x1e: {  	s15 =	simm.s32 $0x13000;
	s16 =	simm.s32 $0x13800;
	[dreg:$0x1b] =	wrdreg s26  }
0x1f: {  	s17 =	simm.s32 $0x5;
	s11 =	simm.s32 $0x0;
	[dreg:$0x1c] =	wrdreg s28  }
0x20: {  	s23 =	simm.s32 $0xA000;
	s20 =	simm.s32 $0x3;
	s22 =	simm.s32 $0x10000  }
0x21: {  	s24 =	simm.s32 $0x11800;
	s25 =	simm.s32 $0x4;
	s26 =	simm.s32 $0x12000  }
.LBB2_20:
0x22: {  	s9 =	simm.s32 $0x9  }
0x23: {  	_ =	swait.ge [sflag:s9], $0x2000  }
0x24: {  	[sflag:s9] =	ssyncset.done $0x0  }
0x25: {  	s12 =	simm.s32 $0xA;
	[sflag:s9] =	ssyncadd.s32 $0xFFFFE000  }
0x26: {  	_ =	swait.ge [sflag:s12], $0x2000  }
0x27: {  	[sflag:s12] =	ssyncset.done $0x0  }
0x28: {  	s13 =	simm.s32 $0xB;
	[sflag:s12] =	ssyncadd.s32 $0xFFFFE000  }
0x29: {  	_ =	swait.ge [sflag:s13], $0x2000  }
0x2a: {  	[sflag:s13] =	ssyncset.done $0x0  }
0x2b: {  	[sflag:s13] =	ssyncadd.s32 $0xFFFFE000  }
0x2c: {  	_ =	swait.ge [sflag:s0], $0x2000  }
0x2d: {  	[sflag:s0] =	ssyncset.done $0x0  }
0x2e: {  	s14 =	simm.s32 $0xD;
	[sflag:s0] =	ssyncadd.s32 $0xFFFFE000  }
0x2f: {  	_ =	swait.ge [sflag:s14], $0x2000  }
0x30: {  	[sflag:s14] =	ssyncset.done $0x0  }
0x31: {  	s19 =	simm.s32 $0xE;
	[sflag:s14] =	ssyncadd.s32 $0xFFFFE000  }
0x32: {  	_ =	swait.ge [sflag:s19], $0x2000  }
0x33: {  	[sflag:s19] =	ssyncset.done $0x0  }
0x34: {  	s21 =	simm.s32 $0xF;
	[sflag:s19] =	ssyncadd.s32 $0xFFFFE000  }
0x35: {  	_ =	swait.ge [sflag:s21], $0x2000  }
0x36: {  	[sflag:s21] =	ssyncset.done $0x0  }
0x37: {  	s10 =	simm.s32 $0x10;
	[sflag:s21] =	ssyncadd.s32 $0xFFFFE000  }
0x38: {  	_ =	swait.ge [sflag:s10], $0x2000  }
0x39: {  	s11 =	rddreg [dreg:$0x1d]  }
0x3a: {  	s28 =	rddreg [dreg:$0x10];
	s11 =	sadd.s32 $0x1, s11  }
0x3b: {  	p0 =	sne.s32 s11, s28  }
.Ltmp1:
0x3c: {  	_ = 	snop;
	(pc) =	sbr.rel @!p0 .LBB2_21-.Ltmp1, $3  }
0x3d: {  	_ =	sdelay $0x1  }
0x3e: {  	[sflag:s10] =	ssyncset.done $0x0  }
0x3f: {  	[sflag:s10] =	ssyncadd.s32 $0xFFFFE000  }
.LBB2_1:
0x40: {  	[dreg:$0x1d] =	wrdreg s11  }
0x41: {  	s9 =	simm.s32 $0x0;
	s10 =	rddreg [dreg:$0x5]  }
0x42: {  	[tilespmem:s9], [sflag:$0x1] =	stream.strided.gather [hbm4b:s10+s2], $0x800, s5, s2, $0x38;
	[tilespmem:$0x14000] =	vst v63  }
0x43: {  	s12 =	rddreg [dreg:$0x6];
	s13 =	simm.s32 $0x4000  }
0x44: {  	[tilespmem:s13], [sflag:$0x1] =	stream.strided.gather [hbm4b:s12+s2], $0x800, s5, s2, $0x38;
	[tilespmem:$0x14000] =	vst v63  }
0x45: {  	s14 =	rddreg [dreg:$0x11];
	s19 =	simm.s32 $0x4800  }
0x46: {  	[tilespmem:s19], [sflag:$0x1] =	stream.strided.gather [hbm4b:s14+s2], $0x800, s5, s2, $0x38;
	[tilespmem:$0x14000] =	vst v63  }
0x47: {  	s21 =	rddreg [dreg:$0x12];
	s28 =	simm.s32 $0x5000  }
0x48: {  	[tilespmem:s28], [sflag:$0x1] =	stream.strided.gather [hbm4b:s21+s2], $0x800, s5, s2, $0x38;
	[tilespmem:$0x14000] =	vst v63  }
0x49: {  	s11 =	simm.s32 $0x5800;
	s10 =	rddreg [dreg:$0x13]  }
0x4a: {  	[tilespmem:s11], [sflag:$0x1] =	stream.strided.gather [hbm4b:s10+s2], $0x800, s5, s2, $0x38;
	[tilespmem:$0x14000] =	vst v63  }
0x4b: {  	s12 =	rddreg [dreg:$0x7];
	s13 =	simm.s32 $0x800  }
0x4c: {  	[tilespmem:s13], [sflag:$0x2] =	stream.strided.gather [hbm4b:s12+s2], $0x800, s5, s2, $0x38;
	[tilespmem:$0x14000] =	vst v63  }
0x4d: {  	s14 =	rddreg [dreg:$0x8];
	s19 =	simm.s32 $0x6000  }
0x4e: {  	[tilespmem:s19], [sflag:$0x2] =	stream.strided.gather [hbm4b:s14+s2], $0x800, s5, s2, $0x38;
	[tilespmem:$0x14000] =	vst v63  }
0x4f: {  	s21 =	rddreg [dreg:$0x14];
	s28 =	simm.s32 $0x6800  }
0x50: {  	[tilespmem:s28], [sflag:$0x2] =	stream.strided.gather [hbm4b:s21+s2], $0x800, s5, s2, $0x38;
	[tilespmem:$0x14000] =	vst v63  }
0x51: {  	s10 =	rddreg [dreg:$0x15];
	s11 =	simm.s32 $0x7000  }
0x52: {  	[tilespmem:s11], [sflag:$0x2] =	stream.strided.gather [hbm4b:s10+s2], $0x800, s5, s2, $0x38;
	[tilespmem:$0x14000] =	vst v63  }
0x53: {  	s12 =	rddreg [dreg:$0x16];
	s13 =	simm.s32 $0x7800  }
0x54: {  	[tilespmem:s13], [sflag:$0x2] =	stream.strided.gather [hbm4b:s12+s2], $0x800, s5, s2, $0x38;
	[tilespmem:$0x14000] =	vst v63  }
0x55: {  	s14 =	rddreg [dreg:$0x9];
	s19 =	simm.s32 $0x1000  }
0x56: {  	[tilespmem:s19], [sflag:$0x3] =	stream.strided.gather [hbm4b:s14+s2], $0x800, s5, s2, $0x38;
	[tilespmem:$0x14000] =	vst v63  }
0x57: {  	s21 =	rddreg [dreg:$0xa];
	s28 =	simm.s32 $0x8000  }
0x58: {  	[tilespmem:s28], [sflag:$0x3] =	stream.strided.gather [hbm4b:s21+s2], $0x800, s5, s2, $0x38;
	[tilespmem:$0x14000] =	vst v63  }
0x59: {  	s10 =	rddreg [dreg:$0x17];
	s11 =	simm.s32 $0x8800  }
0x5a: {  	[tilespmem:s11], [sflag:$0x3] =	stream.strided.gather [hbm4b:s10+s2], $0x800, s5, s2, $0x38;
	[tilespmem:$0x14000] =	vst v63  }
0x5b: {  	s12 =	rddreg [dreg:$0x18];
	s13 =	simm.s32 $0x9000  }
0x5c: {  	[tilespmem:s13], [sflag:$0x3] =	stream.strided.gather [hbm4b:s12+s2], $0x800, s5, s2, $0x38;
	[tilespmem:$0x14000] =	vst v63  }
0x5d: {  	s14 =	rddreg [dreg:$0x19];
	s19 =	simm.s32 $0x9800  }
0x5e: {  	[tilespmem:s19], [sflag:$0x3] =	stream.strided.gather [hbm4b:s14+s2], $0x800, s5, s2, $0x38;
	[tilespmem:$0x14000] =	vst v63  }
0x5f: {  	s21 =	rddreg [dreg:$0xb];
	s28 =	simm.s32 $0x1800  }
0x60: {  	[tilespmem:s28], [sflag:$0x4] =	stream.strided.gather [hbm4b:s21+s2], $0x800, s5, s2, $0x38;
	[tilespmem:$0x14000] =	vst v63  }
0x61: {  	s11 =	rddreg [dreg:$0xc]  }
0x62: {  	[tilespmem:s23], [sflag:$0x4] =	stream.strided.gather [hbm4b:s11+s2], $0x800, s5, s2, $0x38;
	[tilespmem:$0x14000] =	vst v63  }
0x63: {  	s12 =	rddreg [dreg:$0x1a];
	s13 =	simm.s32 $0xA800  }
0x64: {  	[tilespmem:s13], [sflag:$0x4] =	stream.strided.gather [hbm4b:s12+s2], $0x800, s5, s2, $0x38;
	[tilespmem:$0x14000] =	vst v63  }
0x65: {  	s14 =	rddreg [dreg:$0x1b];
	s19 =	simm.s32 $0xB000  }
0x66: {  	[tilespmem:s19], [sflag:$0x4] =	stream.strided.gather [hbm4b:s14+s2], $0x800, s5, s2, $0x38;
	[tilespmem:$0x14000] =	vst v63  }
0x67: {  	s21 =	rddreg [dreg:$0x1c];
	s28 =	simm.s32 $0xB800;
	s12 =	simm.s32 $0x0  }
0x68: {  	[tilespmem:s28], [sflag:$0x4] =	stream.strided.gather [hbm4b:s21+s2], $0x800, s5, s2, $0x38;
	[tilespmem:$0x14000] =	vst v63  }
.LBB2_2:
0x69: {  	_ =	swait.ge [sflag:s8], $0x800  }
0x6a: {  	[sflag:s8] =	ssyncset.done $0x0  }
0x6b: {  	[sflag:s8] =	ssyncadd.s32 $0xFFFFF800  }
0x6c: {  	_ =	swait.ge [sflag:s8], $0x2000  }
0x6d: {  	[sflag:s8] =	ssyncset.done $0x0  }
0x6e: {  	s11 =	simm.s32 $0x40;
	[sflag:s8] =	ssyncadd.s32 $0xFFFFE000  }
0x6f: {  	s9 =	simm.s32 $0x5000;
	v1 =	vld [tilespmem:s11+$0x30]  }
0x70: {  	v5 =	vld [tilespmem:s9+$0x870]  }
0x71: {  	v2 =	vld [tilespmem:s9+$0xFFFFF000]  }
0x72: {  	v3 =	vld [tilespmem:s9+$0xFFFFF800]  }
0x73: {  	v4 =	vld [tilespmem:s9+$0x0]  }
0x74: {  	v0 =	vld [tilespmem:s9+$0x800]  }
0x75: {  	v6 =	vld [tilespmem:s11+$0xFFFFFFD0]  }
0x76: {  	v7 =	vld [tilespmem:s9+$0xFFFFF010]  }
0x77: {  	v8 =	vld [tilespmem:s9+$0xFFFFF810]  }
0x78: {  	v9 =	vld [tilespmem:s9+$0x10]  }
0x79: {  	v10 =	vld [tilespmem:s9+$0x810]  }
0x7a: {  	v11 =	vld [tilespmem:s11+$0xFFFFFFE0]  }
0x7b: {  	v12 =	vld [tilespmem:s9+$0xFFFFF020]  }
0x7c: {  	v13 =	vld [tilespmem:s9+$0xFFFFF820]  }
0x7d: {  	v14 =	vld [tilespmem:s9+$0x20]  }
0x7e: {  	v15 =	vld [tilespmem:s9+$0x820]  }
0x7f: {  	v16 =	vld [tilespmem:s11+$0xFFFFFFF0];
	v5 =	vadd.f32 v5, v1  }
0x80: {  	v17 =	vld [tilespmem:s9+$0xFFFFF030];
	v7 =	vadd.f32 v7, v6  }
0x81: {  	[tilespmem:s9+$0x870] =	vst v5;
	v5 =	vadd.f32 v8, v6;
	v8 =	vld [tilespmem:s9+$0xFFFFF830]  }
0x82: {  	[tilespmem:s9+$0xFFFFF010] =	vst v7;
	v7 =	vadd.f32 v9, v6;
	v9 =	vld [tilespmem:s9+$0x30]  }
0x83: {  	[tilespmem:s9+$0xFFFFF810] =	vst v5;
	v5 =	vadd.f32 v10, v6;
	v6 =	vld [tilespmem:s9+$0x830]  }
0x84: {  	[tilespmem:s9+$0x10] =	vst v7;
	v7 =	vadd.f32 v12, v11;
	v10 =	vld [tilespmem:s11+$0x0]  }
0x85: {  	v12 =	vld [tilespmem:s9+$0xFFFFF040];
	[tilespmem:s9+$0x810] =	vst v5;
	v5 =	vadd.f32 v13, v11  }
0x86: {  	[tilespmem:s9+$0xFFFFF020] =	vst v7;
	v7 =	vadd.f32 v14, v11;
	v13 =	vld [tilespmem:s9+$0xFFFFF840]  }
0x87: {  	v14 =	vld [tilespmem:s9+$0x840];
	[tilespmem:s9+$0xFFFFF820] =	vst v5;
	v5 =	vadd.f32 v15, v11  }
0x88: {  	v11 =	vld [tilespmem:s9+$0x40];
	[tilespmem:s9+$0x20] =	vst v7;
	v7 =	vadd.f32 v17, v16  }
0x89: {  	v15 =	vld [tilespmem:s9+$0x850];
	[tilespmem:s9+$0x820] =	vst v5;
	v5 =	vadd.f32 v8, v16  }
0x8a: {  	v8 =	vld [tilespmem:s11+$0x10];
	[tilespmem:s9+$0xFFFFF030] =	vst v7;
	v7 =	vadd.f32 v9, v16  }
0x8b: {  	v9 =	vld [tilespmem:s9+$0xFFFFF050];
	[tilespmem:s9+$0xFFFFF830] =	vst v5;
	v5 =	vadd.f32 v6, v16  }
0x8c: {  	v6 =	vld [tilespmem:s9+$0xFFFFF850];
	[tilespmem:s9+$0x30] =	vst v7;
	v7 =	vadd.f32 v12, v10  }
0x8d: {  	v13 =	vadd.f32 v13, v10;
	v12 =	vld [tilespmem:s9+$0x50];
	[tilespmem:s9+$0x830] =	vst v5  }
0x8e: {  	[tilespmem:s9+$0xFFFFF040] =	vst v7;
	v7 =	vadd.f32 v11, v10;
	v5 =	vld [tilespmem:s11+$0x20]  }
0x8f: {  	[tilespmem:s9+$0xFFFFF840] =	vst v13;
	v10 =	vadd.f32 v14, v10;
	v11 =	vld [tilespmem:s9+$0xFFFFF060]  }
0x90: {  	v13 =	vld [tilespmem:s9+$0xFFFFF860];
	[tilespmem:s9+$0x40] =	vst v7;
	v7 =	vadd.f32 v9, v8  }
0x91: {  	v14 =	vld [tilespmem:s9+$0x60];
	[tilespmem:s9+$0x840] =	vst v10;
	v6 =	vadd.f32 v6, v8  }
0x92: {  	v10 =	vld [tilespmem:s9+$0x860];
	[tilespmem:s9+$0xFFFFF050] =	vst v7;
	v7 =	vadd.f32 v12, v8  }
0x93: {  	[tilespmem:s9+$0xFFFFF850] =	vst v6;
	v6 =	vadd.f32 v15, v8;
	v8 =	vld [tilespmem:s9+$0xFFFFF070]  }
0x94: {  	v9 =	vld [tilespmem:s9+$0xFFFFF870];
	v12 =	vadd.f32 v11, v5;
	[tilespmem:s9+$0x50] =	vst v7  }
0x95: {  	v11 =	vadd.f32 v13, v5;
	v7 =	vld [tilespmem:s9+$0x70];
	[tilespmem:s9+$0x850] =	vst v6  }
0x96: {  	s10 =	simm.s32 $0x0;
	s13 =	simm.s32 $0x5000;
	v6 =	vld [tilespmem:s11+$0xFFFFFFC0];
	[tilespmem:s9+$0xFFFFF060] =	vst v12;
	v12 =	vadd.f32 v14, v5;
	s11 =	simm.s32 $0xC0  }
.LBB2_3:
0x97: {  	v13 =	vld [tilespmem:s11+$0x30];
	[tilespmem:s9+$0xFFFFF860] =	vst v11;
	v5 =	vadd.f32 v10, v5;
	s13 =	sadd.s32 $0x80, s13  }
0x98: {  	s10 =	sadd.s32 $0x8, s10;
	v10 =	vld [tilespmem:s13+$0x870];
	[tilespmem:s9+$0x60] =	vst v12;
	v8 =	vadd.f32 v8, v1  }
0x99: {  	p0 =	slt.u32 s10, $0x78;
	v11 =	vld [tilespmem:s13+$0xFFFFF000];
	[tilespmem:s9+$0x860] =	vst v5;
	v5 =	vadd.f32 v9, v1  }
0x9a: {  	v9 =	vld [tilespmem:s13+$0xFFFFF800];
	[tilespmem:s9+$0xFFFFF070] =	vst v8;
	v8 =	vadd.f32 v7, v1  }
0x9b: {  	v7 =	vld [tilespmem:s13+$0x0];
	v12 =	vadd.f32 v2, v6;
	v3 =	vadd.f32 v3, v6;
	[tilespmem:s9+$0xFFFFF870] =	vst v5  }
0x9c: {  	v4 =	vadd.f32 v4, v6;
	v5 =	vadd.f32 v0, v6;
	v0 =	vld [tilespmem:s13+$0x800];
	[tilespmem:s9+$0x70] =	vst v8;
	v1 =	vmov v13  }
0x9d: {  	v6 =	vld [tilespmem:s11+$0xFFFFFFD0];
	v8 =	vadd.f32 v10, v1;
	[tilespmem:s9+$0xFFFFF000] =	vst v12  }
0x9e: {  	v10 =	vld [tilespmem:s13+$0xFFFFF010];
	[tilespmem:s9+$0xFFFFF800] =	vst v3;
	v2 =	vmov v11  }
0x9f: {  	v11 =	vld [tilespmem:s13+$0xFFFFF810];
	[tilespmem:s13+$0x870] =	vst v8;
	v3 =	vmov v9  }
0xa0: {  	v8 =	vld [tilespmem:s13+$0x10];
	[tilespmem:s9+$0x0] =	vst v4;
	v4 =	vmov v7  }
0xa1: {  	v7 =	vld [tilespmem:s13+$0x810];
	[tilespmem:s9+$0x800] =	vst v5;
	s9 =	smov.u32 s13  }
0xa2: {  	v5 =	vld [tilespmem:s11+$0xFFFFFFE0]  }
0xa3: {  	v9 =	vadd.f32 v10, v6;
	v10 =	vld [tilespmem:s13+$0xFFFFF020]  }
0xa4: {  	v11 =	vadd.f32 v11, v6;
	v12 =	vld [tilespmem:s13+$0xFFFFF820]  }
0xa5: {  	[tilespmem:s13+$0xFFFFF010] =	vst v9;
	v8 =	vadd.f32 v8, v6;
	v9 =	vld [tilespmem:s13+$0x20]  }
0xa6: {  	[tilespmem:s13+$0xFFFFF810] =	vst v11;
	v6 =	vadd.f32 v7, v6;
	v7 =	vld [tilespmem:s13+$0x820]  }
0xa7: {  	[tilespmem:s13+$0x10] =	vst v8;
	v8 =	vld [tilespmem:s11+$0xFFFFFFF0]  }
0xa8: {  	[tilespmem:s13+$0x810] =	vst v6;
	v6 =	vadd.f32 v10, v5;
	v10 =	vld [tilespmem:s13+$0xFFFFF030]  }
0xa9: {  	v11 =	vadd.f32 v12, v5;
	v12 =	vld [tilespmem:s13+$0xFFFFF830]  }
0xaa: {  	[tilespmem:s13+$0xFFFFF020] =	vst v6;
	v6 =	vadd.f32 v9, v5;
	v9 =	vld [tilespmem:s13+$0x30]  }
0xab: {  	[tilespmem:s13+$0xFFFFF820] =	vst v11;
	v5 =	vadd.f32 v7, v5;
	v7 =	vld [tilespmem:s13+$0x830]  }
0xac: {  	[tilespmem:s13+$0x20] =	vst v6;
	v6 =	vld [tilespmem:s11+$0x0]  }
0xad: {  	[tilespmem:s13+$0x820] =	vst v5;
	v5 =	vadd.f32 v10, v8;
	v10 =	vld [tilespmem:s13+$0xFFFFF040]  }
0xae: {  	v11 =	vadd.f32 v12, v8;
	v12 =	vld [tilespmem:s13+$0xFFFFF840]  }
0xaf: {  	[tilespmem:s13+$0xFFFFF030] =	vst v5;
	v5 =	vadd.f32 v9, v8;
	v9 =	vld [tilespmem:s13+$0x40]  }
0xb0: {  	[tilespmem:s13+$0xFFFFF830] =	vst v11;
	v7 =	vadd.f32 v7, v8;
	v8 =	vld [tilespmem:s13+$0x840]  }
0xb1: {  	[tilespmem:s13+$0x30] =	vst v5;
	v11 =	vld [tilespmem:s11+$0x10]  }
0xb2: {  	[tilespmem:s13+$0x830] =	vst v7;
	v5 =	vadd.f32 v10, v6;
	v7 =	vld [tilespmem:s13+$0xFFFFF050]  }
0xb3: {  	v10 =	vadd.f32 v12, v6;
	v12 =	vld [tilespmem:s13+$0xFFFFF850]  }
0xb4: {  	[tilespmem:s13+$0xFFFFF040] =	vst v5;
	v5 =	vadd.f32 v9, v6;
	v9 =	vld [tilespmem:s13+$0x50]  }
0xb5: {  	[tilespmem:s13+$0xFFFFF840] =	vst v10;
	v6 =	vadd.f32 v8, v6;
	v8 =	vld [tilespmem:s13+$0x850]  }
0xb6: {  	[tilespmem:s13+$0x40] =	vst v5;
	v5 =	vld [tilespmem:s11+$0x20]  }
0xb7: {  	[tilespmem:s13+$0x840] =	vst v6;
	v6 =	vadd.f32 v7, v11;
	v7 =	vld [tilespmem:s13+$0xFFFFF060]  }
0xb8: {  	v10 =	vadd.f32 v12, v11;
	v12 =	vld [tilespmem:s13+$0xFFFFF860]  }
0xb9: {  	[tilespmem:s13+$0xFFFFF050] =	vst v6;
	v6 =	vadd.f32 v9, v11;
	v13 =	vld [tilespmem:s13+$0x60]  }
.Ltmp2:
0xba: {  	[tilespmem:s13+$0xFFFFF850] =	vst v10;
	v9 =	vadd.f32 v8, v11;
	v10 =	vld [tilespmem:s13+$0x860];
	(pc) =	sbr.rel @p0 .LBB2_3-.Ltmp2, $4  }
0xbb: {  	[tilespmem:s13+$0x50] =	vst v6;
	v8 =	vld [tilespmem:s13+$0xFFFFF070]  }
0xbc: {  	[tilespmem:s13+$0x850] =	vst v9;
	v14 =	vadd.f32 v7, v5;
	v9 =	vld [tilespmem:s13+$0xFFFFF870]  }
0xbd: {  	v11 =	vadd.f32 v12, v5;
	v7 =	vld [tilespmem:s13+$0x70]  }
0xbe: {  	v6 =	vld [tilespmem:s11+$0xFFFFFFC0];
	[tilespmem:s13+$0xFFFFF060] =	vst v14;
	v12 =	vadd.f32 v13, v5;
	s11 =	sadd.s32 $0x80, s11  }
0xbf: {  	[tilespmem:s9+$0xFFFFF860] =	vst v11;
	v5 =	vadd.f32 v10, v5  }
0xc0: {  	[tilespmem:s9+$0x60] =	vst v12;
	v8 =	vadd.f32 v8, v1  }
0xc1: {  	[tilespmem:s9+$0x860] =	vst v5;
	v5 =	vadd.f32 v9, v1  }
0xc2: {  	[tilespmem:s9+$0xFFFFF070] =	vst v8;
	v1 =	vadd.f32 v7, v1  }
0xc3: {  	v2 =	vadd.f32 v2, v6;
	[tilespmem:s9+$0xFFFFF870] =	vst v5  }
0xc4: {  	v3 =	vadd.f32 v3, v6;
	[tilespmem:s9+$0x70] =	vst v1  }
0xc5: {  	[tilespmem:s9+$0xFFFFF000] =	vst v2  }
0xc6: {  	[tilespmem:s9+$0xFFFFF800] =	vst v3  }
0xc7: {  	s14 =	sshll.u32 s12, $0x3;
	v1 =	vadd.f32 v4, v6;
	s10 =	rddreg [dreg:$0x4]  }
0xc8: {  	v0 =	vadd.f32 v0, v6;
	s10 =	sor.u32 s10, s14  }
0xc9: {  	[tilespmem:s9+$0x0] =	vst v1;
	s28 =	sshll.u32 s10, $0x8  }
0xca: {  	s19 =	simm.s32 $0x4000;
	[tilespmem:s9+$0x800] =	vst v0;
	s9 =	sadd.s32 s4, s28  }
0xcb: {  	[hbm4b:s9+s2] =	stream.strided.scatter [tilespmem:s19], [sflag:$0x9], $0x800, s5, s2, $0x38;
	[tilespmem:$0x14000] =	vst v63  }
0xcc: {  	s11 =	simm.s32 $0x4800;
	s21 =	sadd.s32 $0x80000, s9  }
0xcd: {  	[hbm4b:s21+s2] =	stream.strided.scatter [tilespmem:s11], [sflag:$0x9], $0x800, s5, s2, $0x38;
	[tilespmem:$0x14000] =	vst v63  }
0xce: {  	s13 =	sadd.s32 $0x100000, s9;
	s19 =	simm.s32 $0x5000  }
0xcf: {  	[hbm4b:s13+s2] =	stream.strided.scatter [tilespmem:s19], [sflag:$0x9], $0x800, s5, s2, $0x38;
	[tilespmem:$0x14000] =	vst v63  }
0xd0: {  	p0 =	seq.s32 s12, $0x0;
	s9 =	sadd.s32 $0x180000, s9;
	s21 =	simm.s32 $0x5800  }
0xd1: {  	[hbm4b:s9+s2] =	stream.strided.scatter [tilespmem:s21], [sflag:$0x9], $0x800, s5, s2, $0x38;
	[tilespmem:$0x14000] =	vst v63  }
0xd2: {  	s9 =	simm.s32 @!p0 $0xD  }
0xd3: {  	_ =	swait.ge @!p0 [sflag:s9], $0x2000  }
0xd4: {  	s11 =	sor.u32 $0x40, s28;
	[sflag:s9] =	ssyncset.done @!p0 $0x0  }
0xd5: {  	s10 =	sadd.s32 s3, s11;
	s13 =	simm.s32 $0x2000;
	[sflag:s9] =	ssyncadd.s32 @!p0 $0xFFFFE000  }
0xd6: {  	[tilespmem:s13], [sflag:$0x5] =	stream.strided.gather [hbm4b:s10+s2], $0x800, s5, s2, $0x38;
	[tilespmem:$0x14000] =	vst v63  }
0xd7: {  	s19 =	simm.s32 $0xC000;
	s9 =	sadd.s32 s1, s11  }
0xd8: {  	[tilespmem:s19], [sflag:$0x5] =	stream.strided.gather [hbm4b:s9+s2], $0x800, s5, s2, $0x38;
	[tilespmem:$0x14000] =	vst v63  }
0xd9: {  	s21 =	sadd.s32 $0x80000, s9;
	s13 =	simm.s32 $0xC800  }
0xda: {  	[tilespmem:s13], [sflag:$0x5] =	stream.strided.gather [hbm4b:s21+s2], $0x800, s5, s2, $0x38;
	[tilespmem:$0x14000] =	vst v63  }
0xdb: {  	s19 =	sadd.s32 $0x100000, s9;
	s21 =	simm.s32 $0xD000  }
0xdc: {  	[tilespmem:s21], [sflag:$0x5] =	stream.strided.gather [hbm4b:s19+s2], $0x800, s5, s2, $0x38;
	[tilespmem:$0x14000] =	vst v63  }
0xdd: {  	s9 =	sadd.s32 $0x180000, s9;
	s19 =	simm.s32 $0xD800  }
0xde: {  	[tilespmem:s19], [sflag:$0x5] =	stream.strided.gather [hbm4b:s9+s2], $0x800, s5, s2, $0x38;
	[tilespmem:$0x14000] =	vst v63  }
0xdf: {  	_ =	swait.ge [sflag:s7], $0x800  }
0xe0: {  	[sflag:s7] =	ssyncset.done $0x0  }
0xe1: {  	[sflag:s7] =	ssyncadd.s32 $0xFFFFF800  }
0xe2: {  	_ =	swait.ge [sflag:s7], $0x2000  }
0xe3: {  	[sflag:s7] =	ssyncset.done $0x0  }
0xe4: {  	s21 =	simm.s32 $0x870;
	[sflag:s7] =	ssyncadd.s32 $0xFFFFE000  }
0xe5: {  	s9 =	simm.s32 $0x7870;
	v1 =	vld [tilespmem:s21+$0x0]  }
0xe6: {  	v5 =	vld [tilespmem:s9+$0x0]  }
0xe7: {  	v2 =	vld [tilespmem:s9+$0xFFFFE790]  }
0xe8: {  	v3 =	vld [tilespmem:s9+$0xFFFFEF90]  }
0xe9: {  	v4 =	vld [tilespmem:s9+$0xFFFFF790]  }
0xea: {  	v0 =	vld [tilespmem:s9+$0xFFFFFF90]  }
0xeb: {  	v6 =	vld [tilespmem:s21+$0xFFFFFFA0]  }
0xec: {  	v7 =	vld [tilespmem:s9+$0xFFFFE7A0]  }
0xed: {  	v8 =	vld [tilespmem:s9+$0xFFFFEFA0]  }
0xee: {  	v9 =	vld [tilespmem:s9+$0xFFFFF7A0]  }
0xef: {  	v10 =	vld [tilespmem:s9+$0xFFFFFFA0]  }
0xf0: {  	v11 =	vld [tilespmem:s21+$0xFFFFFFB0]  }
0xf1: {  	v12 =	vld [tilespmem:s9+$0xFFFFE7B0]  }
0xf2: {  	v13 =	vld [tilespmem:s9+$0xFFFFEFB0]  }
0xf3: {  	v14 =	vld [tilespmem:s9+$0xFFFFF7B0]  }
0xf4: {  	v15 =	vld [tilespmem:s9+$0xFFFFFFB0]  }
0xf5: {  	v16 =	vld [tilespmem:s21+$0xFFFFFFC0];
	v5 =	vadd.f32 v5, v1  }
0xf6: {  	v17 =	vld [tilespmem:s9+$0xFFFFE7C0];
	v7 =	vadd.f32 v7, v6  }
0xf7: {  	[tilespmem:s9+$0x0] =	vst v5;
	v5 =	vadd.f32 v8, v6;
	v8 =	vld [tilespmem:s9+$0xFFFFEFC0]  }
0xf8: {  	[tilespmem:s9+$0xFFFFE7A0] =	vst v7;
	v7 =	vadd.f32 v9, v6;
	v9 =	vld [tilespmem:s9+$0xFFFFF7C0]  }
0xf9: {  	[tilespmem:s9+$0xFFFFEFA0] =	vst v5;
	v5 =	vadd.f32 v10, v6;
	v6 =	vld [tilespmem:s9+$0xFFFFFFC0]  }
0xfa: {  	[tilespmem:s9+$0xFFFFF7A0] =	vst v7;
	v7 =	vadd.f32 v12, v11;
	v10 =	vld [tilespmem:s21+$0xFFFFFFD0]  }
0xfb: {  	v12 =	vld [tilespmem:s9+$0xFFFFE7D0];
	[tilespmem:s9+$0xFFFFFFA0] =	vst v5;
	v5 =	vadd.f32 v13, v11  }
0xfc: {  	[tilespmem:s9+$0xFFFFE7B0] =	vst v7;
	v7 =	vadd.f32 v14, v11;
	v13 =	vld [tilespmem:s9+$0xFFFFEFD0]  }
0xfd: {  	v14 =	vld [tilespmem:s9+$0xFFFFFFD0];
	[tilespmem:s9+$0xFFFFEFB0] =	vst v5;
	v5 =	vadd.f32 v15, v11  }
0xfe: {  	v11 =	vld [tilespmem:s9+$0xFFFFF7D0];
	[tilespmem:s9+$0xFFFFF7B0] =	vst v7;
	v7 =	vadd.f32 v17, v16  }
0xff: {  	v15 =	vld [tilespmem:s9+$0xFFFFFFE0];
	[tilespmem:s9+$0xFFFFFFB0] =	vst v5;
	v5 =	vadd.f32 v8, v16  }
0x100: {  	v8 =	vld [tilespmem:s21+$0xFFFFFFE0];
	[tilespmem:s9+$0xFFFFE7C0] =	vst v7;
	v7 =	vadd.f32 v9, v16  }
0x101: {  	v9 =	vld [tilespmem:s9+$0xFFFFE7E0];
	[tilespmem:s9+$0xFFFFEFC0] =	vst v5;
	v5 =	vadd.f32 v6, v16  }
0x102: {  	v6 =	vld [tilespmem:s9+$0xFFFFEFE0];
	[tilespmem:s9+$0xFFFFF7C0] =	vst v7;
	v7 =	vadd.f32 v12, v10  }
0x103: {  	v13 =	vadd.f32 v13, v10;
	v12 =	vld [tilespmem:s9+$0xFFFFF7E0];
	[tilespmem:s9+$0xFFFFFFC0] =	vst v5  }
0x104: {  	[tilespmem:s9+$0xFFFFE7D0] =	vst v7;
	v7 =	vadd.f32 v11, v10;
	v5 =	vld [tilespmem:s21+$0xFFFFFFF0]  }
0x105: {  	[tilespmem:s9+$0xFFFFEFD0] =	vst v13;
	v10 =	vadd.f32 v14, v10;
	v11 =	vld [tilespmem:s9+$0xFFFFE7F0]  }
0x106: {  	v13 =	vld [tilespmem:s9+$0xFFFFEFF0];
	[tilespmem:s9+$0xFFFFF7D0] =	vst v7;
	v7 =	vadd.f32 v9, v8  }
0x107: {  	v14 =	vld [tilespmem:s9+$0xFFFFF7F0];
	[tilespmem:s9+$0xFFFFFFD0] =	vst v10;
	v6 =	vadd.f32 v6, v8  }
0x108: {  	v10 =	vld [tilespmem:s9+$0xFFFFFFF0];
	[tilespmem:s9+$0xFFFFE7E0] =	vst v7;
	v7 =	vadd.f32 v12, v8  }
0x109: {  	[tilespmem:s9+$0xFFFFEFE0] =	vst v6;
	v6 =	vadd.f32 v15, v8;
	v8 =	vld [tilespmem:s9+$0xFFFFE800]  }
0x10a: {  	v9 =	vld [tilespmem:s9+$0xFFFFF000];
	v12 =	vadd.f32 v11, v5;
	[tilespmem:s9+$0xFFFFF7E0] =	vst v7  }
0x10b: {  	v11 =	vadd.f32 v13, v5;
	v7 =	vld [tilespmem:s9+$0xFFFFF800];
	[tilespmem:s9+$0xFFFFFFE0] =	vst v6  }
0x10c: {  	s10 =	simm.s32 $0x0;
	s13 =	simm.s32 $0x8F0;
	s19 =	simm.s32 $0x7870;
	v6 =	vld [tilespmem:s21+$0xFFFFFF90];
	[tilespmem:s9+$0xFFFFE7F0] =	vst v12;
	v12 =	vadd.f32 v14, v5  }
.LBB2_5:
0x10d: {  	v13 =	vld [tilespmem:s13+$0x0];
	[tilespmem:s9+$0xFFFFEFF0] =	vst v11;
	v5 =	vadd.f32 v10, v5;
	s19 =	sadd.s32 $0x80, s19  }
0x10e: {  	s10 =	sadd.s32 $0x8, s10;
	v10 =	vld [tilespmem:s19+$0x0];
	[tilespmem:s9+$0xFFFFF7F0] =	vst v12;
	v8 =	vadd.f32 v8, v1  }
0x10f: {  	p1 =	slt.u32 s10, $0x78;
	v11 =	vld [tilespmem:s19+$0xFFFFE790];
	[tilespmem:s9+$0xFFFFFFF0] =	vst v5;
	v5 =	vadd.f32 v9, v1  }
0x110: {  	v9 =	vld [tilespmem:s19+$0xFFFFEF90];
	[tilespmem:s9+$0xFFFFE800] =	vst v8;
	v8 =	vadd.f32 v7, v1  }
0x111: {  	v7 =	vld [tilespmem:s19+$0xFFFFF790];
	v12 =	vadd.f32 v2, v6;
	v3 =	vadd.f32 v3, v6;
	[tilespmem:s9+$0xFFFFF000] =	vst v5  }
0x112: {  	v4 =	vadd.f32 v4, v6;
	v5 =	vadd.f32 v0, v6;
	v0 =	vld [tilespmem:s19+$0xFFFFFF90];
	[tilespmem:s9+$0xFFFFF800] =	vst v8;
	v1 =	vmov v13  }
0x113: {  	v6 =	vld [tilespmem:s13+$0xFFFFFFA0];
	v8 =	vadd.f32 v10, v1;
	[tilespmem:s9+$0xFFFFE790] =	vst v12  }
0x114: {  	v10 =	vld [tilespmem:s19+$0xFFFFE7A0];
	[tilespmem:s9+$0xFFFFEF90] =	vst v3;
	v2 =	vmov v11  }
0x115: {  	v11 =	vld [tilespmem:s19+$0xFFFFEFA0];
	[tilespmem:s19+$0x0] =	vst v8;
	v3 =	vmov v9  }
0x116: {  	v8 =	vld [tilespmem:s19+$0xFFFFF7A0];
	[tilespmem:s9+$0xFFFFF790] =	vst v4;
	v4 =	vmov v7  }
0x117: {  	v7 =	vld [tilespmem:s19+$0xFFFFFFA0];
	[tilespmem:s9+$0xFFFFFF90] =	vst v5;
	s9 =	smov.u32 s19  }
0x118: {  	v5 =	vld [tilespmem:s13+$0xFFFFFFB0]  }
0x119: {  	v9 =	vadd.f32 v10, v6;
	v10 =	vld [tilespmem:s19+$0xFFFFE7B0]  }
0x11a: {  	v11 =	vadd.f32 v11, v6;
	v12 =	vld [tilespmem:s19+$0xFFFFEFB0]  }
0x11b: {  	[tilespmem:s19+$0xFFFFE7A0] =	vst v9;
	v8 =	vadd.f32 v8, v6;
	v9 =	vld [tilespmem:s19+$0xFFFFF7B0]  }
0x11c: {  	[tilespmem:s19+$0xFFFFEFA0] =	vst v11;
	v6 =	vadd.f32 v7, v6;
	v7 =	vld [tilespmem:s19+$0xFFFFFFB0]  }
0x11d: {  	[tilespmem:s19+$0xFFFFF7A0] =	vst v8;
	v8 =	vld [tilespmem:s13+$0xFFFFFFC0]  }
0x11e: {  	[tilespmem:s19+$0xFFFFFFA0] =	vst v6;
	v6 =	vadd.f32 v10, v5;
	v10 =	vld [tilespmem:s19+$0xFFFFE7C0]  }
0x11f: {  	v11 =	vadd.f32 v12, v5;
	v12 =	vld [tilespmem:s19+$0xFFFFEFC0]  }
0x120: {  	[tilespmem:s19+$0xFFFFE7B0] =	vst v6;
	v6 =	vadd.f32 v9, v5;
	v9 =	vld [tilespmem:s19+$0xFFFFF7C0]  }
0x121: {  	[tilespmem:s19+$0xFFFFEFB0] =	vst v11;
	v5 =	vadd.f32 v7, v5;
	v7 =	vld [tilespmem:s19+$0xFFFFFFC0]  }
0x122: {  	[tilespmem:s19+$0xFFFFF7B0] =	vst v6;
	v6 =	vld [tilespmem:s13+$0xFFFFFFD0]  }
0x123: {  	[tilespmem:s19+$0xFFFFFFB0] =	vst v5;
	v5 =	vadd.f32 v10, v8;
	v10 =	vld [tilespmem:s19+$0xFFFFE7D0]  }
0x124: {  	v11 =	vadd.f32 v12, v8;
	v12 =	vld [tilespmem:s19+$0xFFFFEFD0]  }
0x125: {  	[tilespmem:s19+$0xFFFFE7C0] =	vst v5;
	v5 =	vadd.f32 v9, v8;
	v9 =	vld [tilespmem:s19+$0xFFFFF7D0]  }
0x126: {  	[tilespmem:s19+$0xFFFFEFC0] =	vst v11;
	v7 =	vadd.f32 v7, v8;
	v8 =	vld [tilespmem:s19+$0xFFFFFFD0]  }
0x127: {  	[tilespmem:s19+$0xFFFFF7C0] =	vst v5;
	v11 =	vld [tilespmem:s13+$0xFFFFFFE0]  }
0x128: {  	[tilespmem:s19+$0xFFFFFFC0] =	vst v7;
	v5 =	vadd.f32 v10, v6;
	v7 =	vld [tilespmem:s19+$0xFFFFE7E0]  }
0x129: {  	v10 =	vadd.f32 v12, v6;
	v12 =	vld [tilespmem:s19+$0xFFFFEFE0]  }
0x12a: {  	[tilespmem:s19+$0xFFFFE7D0] =	vst v5;
	v5 =	vadd.f32 v9, v6;
	v9 =	vld [tilespmem:s19+$0xFFFFF7E0]  }
0x12b: {  	[tilespmem:s19+$0xFFFFEFD0] =	vst v10;
	v6 =	vadd.f32 v8, v6;
	v8 =	vld [tilespmem:s19+$0xFFFFFFE0]  }
0x12c: {  	[tilespmem:s19+$0xFFFFF7D0] =	vst v5;
	v5 =	vld [tilespmem:s13+$0xFFFFFFF0]  }
0x12d: {  	[tilespmem:s19+$0xFFFFFFD0] =	vst v6;
	v6 =	vadd.f32 v7, v11;
	v7 =	vld [tilespmem:s19+$0xFFFFE7F0]  }
0x12e: {  	v10 =	vadd.f32 v12, v11;
	v12 =	vld [tilespmem:s19+$0xFFFFEFF0]  }
0x12f: {  	[tilespmem:s19+$0xFFFFE7E0] =	vst v6;
	v6 =	vadd.f32 v9, v11;
	v13 =	vld [tilespmem:s19+$0xFFFFF7F0]  }
.Ltmp3:
0x130: {  	[tilespmem:s19+$0xFFFFEFE0] =	vst v10;
	v9 =	vadd.f32 v8, v11;
	v10 =	vld [tilespmem:s19+$0xFFFFFFF0];
	(pc) =	sbr.rel @p1 .LBB2_5-.Ltmp3, $4  }
0x131: {  	[tilespmem:s19+$0xFFFFF7E0] =	vst v6;
	v8 =	vld [tilespmem:s19+$0xFFFFE800]  }
0x132: {  	[tilespmem:s19+$0xFFFFFFE0] =	vst v9;
	v14 =	vadd.f32 v7, v5;
	v9 =	vld [tilespmem:s19+$0xFFFFF000]  }
0x133: {  	v11 =	vadd.f32 v12, v5;
	v7 =	vld [tilespmem:s19+$0xFFFFF800]  }
0x134: {  	v6 =	vld [tilespmem:s13+$0xFFFFFF90];
	[tilespmem:s19+$0xFFFFE7F0] =	vst v14;
	v12 =	vadd.f32 v13, v5;
	s13 =	sadd.s32 $0x80, s13  }
0x135: {  	[tilespmem:s9+$0xFFFFEFF0] =	vst v11;
	v5 =	vadd.f32 v10, v5  }
0x136: {  	[tilespmem:s9+$0xFFFFF7F0] =	vst v12;
	v8 =	vadd.f32 v8, v1  }
0x137: {  	[tilespmem:s9+$0xFFFFFFF0] =	vst v5;
	v5 =	vadd.f32 v9, v1  }
0x138: {  	[tilespmem:s9+$0xFFFFE800] =	vst v8;
	v1 =	vadd.f32 v7, v1  }
0x139: {  	v2 =	vadd.f32 v2, v6;
	[tilespmem:s9+$0xFFFFF000] =	vst v5  }
0x13a: {  	v3 =	vadd.f32 v3, v6;
	[tilespmem:s9+$0xFFFFF800] =	vst v1  }
0x13b: {  	v0 =	vadd.f32 v0, v6;
	[tilespmem:s9+$0xFFFFE790] =	vst v2  }
0x13c: {  	v1 =	vadd.f32 v4, v6;
	[tilespmem:s9+$0xFFFFEF90] =	vst v3  }
0x13d: {  	[tilespmem:s9+$0xFFFFFF90] =	vst v0  }
0x13e: {  	[tilespmem:s9+$0xFFFFF790] =	vst v1  }
0x13f: {  	s9 =	rddreg [dreg:$0xd]  }
0x140: {  	s10 =	simm.s32 $0x6000;
	s9 =	sadd.s32 s28, s9  }
0x141: {  	[hbm4b:s9+s2] =	stream.strided.scatter [tilespmem:s10], [sflag:$0xA], $0x800, s5, s2, $0x38;
	[tilespmem:$0x14000] =	vst v63  }
0x142: {  	s13 =	simm.s32 $0x6800;
	s21 =	sadd.s32 $0x80000, s9  }
0x143: {  	[hbm4b:s21+s2] =	stream.strided.scatter [tilespmem:s13], [sflag:$0xA], $0x800, s5, s2, $0x38;
	[tilespmem:$0x14000] =	vst v63  }
0x144: {  	s19 =	sadd.s32 $0x100000, s9;
	s21 =	simm.s32 $0x7000  }
0x145: {  	[hbm4b:s19+s2] =	stream.strided.scatter [tilespmem:s21], [sflag:$0xA], $0x800, s5, s2, $0x38;
	[tilespmem:$0x14000] =	vst v63  }
0x146: {  	s9 =	sadd.s32 $0x180000, s9;
	s10 =	simm.s32 @!p0 $0xE;
	s13 =	simm.s32 $0x7800  }
0x147: {  	[hbm4b:s9+s2] =	stream.strided.scatter [tilespmem:s13], [sflag:$0xA], $0x800, s5, s2, $0x38;
	[tilespmem:$0x14000] =	vst v63  }
0x148: {  	_ =	swait.ge @!p0 [sflag:s10], $0x2000  }
0x149: {  	s9 =	sor.u32 $0x50, s28;
	[sflag:s10] =	ssyncset.done @!p0 $0x0  }
0x14a: {  	s21 =	simm.s32 $0x2800;
	s19 =	sadd.s32 s3, s9;
	[sflag:s10] =	ssyncadd.s32 @!p0 $0xFFFFE000  }
0x14b: {  	[tilespmem:s21], [sflag:$0x6] =	stream.strided.gather [hbm4b:s19+s2], $0x800, s5, s2, $0x38;
	[tilespmem:$0x14000] =	vst v63  }
0x14c: {  	s10 =	sadd.s32 s1, s9;
	s19 =	simm.s32 $0xE000  }
0x14d: {  	[tilespmem:s19], [sflag:$0x6] =	stream.strided.gather [hbm4b:s10+s2], $0x800, s5, s2, $0x38;
	[tilespmem:$0x14000] =	vst v63  }
0x14e: {  	s21 =	sadd.s32 $0x80000, s10;
	s19 =	simm.s32 $0xE800  }
0x14f: {  	[tilespmem:s19], [sflag:$0x6] =	stream.strided.gather [hbm4b:s21+s2], $0x800, s5, s2, $0x38;
	[tilespmem:$0x14000] =	vst v63  }
0x150: {  	s19 =	sadd.s32 $0x100000, s10;
	s21 =	simm.s32 $0xF000  }
0x151: {  	[tilespmem:s21], [sflag:$0x6] =	stream.strided.gather [hbm4b:s19+s2], $0x800, s5, s2, $0x38;
	[tilespmem:$0x14000] =	vst v63  }
0x152: {  	s10 =	sadd.s32 $0x180000, s10;
	s21 =	simm.s32 $0xF800  }
0x153: {  	[tilespmem:s21], [sflag:$0x6] =	stream.strided.gather [hbm4b:s10+s2], $0x800, s5, s2, $0x38;
	[tilespmem:$0x14000] =	vst v63  }
0x154: {  	_ =	swait.ge [sflag:s20], $0x800  }
0x155: {  	[sflag:s20] =	ssyncset.done $0x0  }
0x156: {  	[sflag:s20] =	ssyncadd.s32 $0xFFFFF800  }
0x157: {  	_ =	swait.ge [sflag:s20], $0x2000  }
0x158: {  	[sflag:s20] =	ssyncset.done $0x0  }
0x159: {  	s10 =	simm.s32 $0x0;
	[sflag:s20] =	ssyncadd.s32 $0xFFFFE000  }
0x15a: {  	v0 =	vld [tilespmem:s10+$0x1070]  }
0x15b: {  	v1 =	vld [tilespmem:s10+$0x9870]  }
0x15c: {  	v2 =	vld [tilespmem:s10+$0x1000]  }
0x15d: {  	v3 =	vld [tilespmem:s10+$0x8000]  }
0x15e: {  	v4 =	vld [tilespmem:s10+$0x8800]  }
0x15f: {  	v5 =	vld [tilespmem:s10+$0x9000]  }
0x160: {  	v6 =	vld [tilespmem:s10+$0x9800]  }
0x161: {  	v7 =	vld [tilespmem:s10+$0x1010]  }
0x162: {  	v8 =	vld [tilespmem:s10+$0x8010]  }
0x163: {  	v56 =	vld [tilespmem:s10+$0x8810]  }
0x164: {  	v57 =	vld [tilespmem:s10+$0x9010]  }
0x165: {  	v58 =	vld [tilespmem:s10+$0x9810]  }
0x166: {  	v59 =	vld [tilespmem:s10+$0x1020];
	v1 =	vadd.f32 v1, v0  }
0x167: {  	v13 =	vld [tilespmem:s10+$0x8020];
	v3 =	vadd.f32 v3, v2  }
0x168: {  	v60 =	vld [tilespmem:s10+$0x8830];
	[tilespmem:s10+$0x9870] =	vst v1;
	v1 =	vadd.f32 v4, v2  }
0x169: {  	v61 =	vld [tilespmem:s10+$0x9830];
	[tilespmem:s10+$0x8000] =	vst v3;
	v3 =	vadd.f32 v5, v2  }
0x16a: {  	v4 =	vld [tilespmem:s10+$0x8820];
	[tilespmem:s10+$0x8800] =	vst v1;
	v1 =	vadd.f32 v6, v2  }
0x16b: {  	v5 =	vld [tilespmem:s10+$0x9020];
	[tilespmem:s10+$0x9000] =	vst v3;
	v3 =	vadd.f32 v8, v7  }
0x16c: {  	v2 =	vld [tilespmem:s10+$0x9820];
	[tilespmem:s10+$0x9800] =	vst v1;
	v1 =	vadd.f32 v56, v7  }
0x16d: {  	v6 =	vld [tilespmem:s10+$0x1030];
	[tilespmem:s10+$0x8010] =	vst v3;
	v3 =	vadd.f32 v57, v7  }
0x16e: {  	v8 =	vld [tilespmem:s10+$0x8030];
	[tilespmem:s10+$0x8810] =	vst v1;
	v1 =	vadd.f32 v58, v7  }
0x16f: {  	v62 =	vld [tilespmem:s10+$0x9840];
	[tilespmem:s10+$0x9010] =	vst v3;
	v3 =	vadd.f32 v13, v59  }
0x170: {  	v7 =	vld [tilespmem:s10+$0x9030];
	[tilespmem:s10+$0x9810] =	vst v1;
	v1 =	vadd.f32 v4, v59  }
0x171: {  	v4 =	vld [tilespmem:s10+$0x1040];
	[tilespmem:s10+$0x8020] =	vst v3;
	v3 =	vadd.f32 v5, v59  }
0x172: {  	v5 =	vld [tilespmem:s10+$0x8040];
	[tilespmem:s10+$0x8820] =	vst v1;
	v1 =	vadd.f32 v2, v59  }
0x173: {  	v2 =	vld [tilespmem:s10+$0x8840];
	[tilespmem:s10+$0x9020] =	vst v3;
	v3 =	vadd.f32 v8, v6  }
0x174: {  	v8 =	vld [tilespmem:s10+$0x9040];
	[tilespmem:s10+$0x9820] =	vst v1;
	v1 =	vadd.f32 v60, v6  }
0x175: {  	[tilespmem:s10+$0x8030] =	vst v3;
	v3 =	vadd.f32 v7, v6;
	v7 =	vld [tilespmem:s10+$0x1050]  }
0x176: {  	[tilespmem:s10+$0x8830] =	vst v1;
	v1 =	vadd.f32 v61, v6;
	v6 =	vld [tilespmem:s10+$0x8050]  }
0x177: {  	[tilespmem:s10+$0x9030] =	vst v3;
	v3 =	vadd.f32 v5, v4;
	v5 =	vld [tilespmem:s10+$0x8850]  }
0x178: {  	[tilespmem:s10+$0x9830] =	vst v1;
	v1 =	vadd.f32 v2, v4;
	v2 =	vld [tilespmem:s10+$0x9050]  }
0x179: {  	[tilespmem:s10+$0x8040] =	vst v3;
	v3 =	vadd.f32 v8, v4;
	v8 =	vld [tilespmem:s10+$0x9850]  }
0x17a: {  	v63 =	vld [tilespmem:s10+$0x8060];
	v4 =	vadd.f32 v62, v4;
	[tilespmem:s10+$0x8840] =	vst v1  }
0x17b: {  	v1 =	vld [tilespmem:s10+$0x1060];
	[tilespmem:s10+$0x9040] =	vst v3;
	v3 =	vadd.f32 v6, v7  }
0x17c: {  	[tilespmem:s10+$0x9840] =	vst v4;
	v4 =	vadd.f32 v5, v7;
	v6 =	vld [tilespmem:s10+$0x8860]  }
0x17d: {  	[tilespmem:s10+$0x8050] =	vst v3;
	v2 =	vadd.f32 v2, v7;
	v3 =	vld [tilespmem:s10+$0x9060]  }
0x17e: {  	[tilespmem:s10+$0x8850] =	vst v4;
	v5 =	vadd.f32 v8, v7;
	v4 =	vld [tilespmem:s10+$0x9860]  }
0x17f: {  	[tilespmem:s10+$0x9050] =	vst v2;
	v2 =	vld [tilespmem:s10+$0x8070]  }
0x180: {  	s13 =	simm.s32 $0x0;
	s19 =	simm.s32 $0x200;
	[tilespmem:s10+$0x9850] =	vst v5;
	v7 =	vadd.f32 v63, v1;
	v5 =	vld [tilespmem:s10+$0x8870]  }
.LBB2_7:
0x181: {  	s21 =	sshra.s32 s19, $0x2;
	v6 =	vadd.f32 v6, v1;
	v8 =	vld [tilespmem:s10+$0x9070]  }
0x182: {  	s13 =	sadd.s32 $0x8, s13;
	v9 =	vld [tilespmem:s21+$0x1070];
	[tilespmem:s10+$0x8060] =	vst v7;
	v3 =	vadd.f32 v3, v1  }
0x183: {  	p1 =	slt.u32 s13, $0x78;
	v7 =	vld [tilespmem:s21+$0x9870];
	[tilespmem:s10+$0x8860] =	vst v6;
	v1 =	vadd.f32 v4, v1  }
0x184: {  	v4 =	vld [tilespmem:s21+$0x1000];
	[tilespmem:s10+$0x9060] =	vst v3;
	v2 =	vadd.f32 v2, v0  }
0x185: {  	v3 =	vld [tilespmem:s21+$0x8000];
	[tilespmem:s10+$0x9860] =	vst v1;
	v1 =	vadd.f32 v5, v0  }
0x186: {  	v5 =	vld [tilespmem:s21+$0x8800];
	[tilespmem:s10+$0x8070] =	vst v2;
	v2 =	vadd.f32 v8, v0  }
0x187: {  	v6 =	vld [tilespmem:s21+$0x9000];
	[tilespmem:s10+$0x8870] =	vst v1;
	v0 =	vmov v9  }
0x188: {  	v1 =	vld [tilespmem:s21+$0x9800];
	v7 =	vadd.f32 v7, v0;
	[tilespmem:s10+$0x9070] =	vst v2;
	s10 =	smov.u32 s21  }
0x189: {  	v2 =	vld [tilespmem:s10+$0x1010]  }
0x18a: {  	v3 =	vadd.f32 v3, v4;
	v8 =	vld [tilespmem:s10+$0x8010];
	[tilespmem:s10+$0x9870] =	vst v7  }
0x18b: {  	v5 =	vadd.f32 v5, v4;
	v7 =	vld [tilespmem:s10+$0x8810]  }
0x18c: {  	[tilespmem:s10+$0x8000] =	vst v3;
	v3 =	vadd.f32 v6, v4;
	v6 =	vld [tilespmem:s10+$0x9010]  }
0x18d: {  	[tilespmem:s10+$0x8800] =	vst v5;
	v1 =	vadd.f32 v1, v4;
	v4 =	vld [tilespmem:s10+$0x9810]  }
0x18e: {  	[tilespmem:s10+$0x9000] =	vst v3;
	v3 =	vld [tilespmem:s10+$0x1020]  }
0x18f: {  	[tilespmem:s10+$0x9800] =	vst v1;
	v1 =	vadd.f32 v8, v2;
	v5 =	vld [tilespmem:s10+$0x8020]  }
0x190: {  	v7 =	vadd.f32 v7, v2;
	v8 =	vld [tilespmem:s10+$0x8820]  }
0x191: {  	[tilespmem:s10+$0x8010] =	vst v1;
	v1 =	vadd.f32 v6, v2;
	v6 =	vld [tilespmem:s10+$0x9020]  }
0x192: {  	[tilespmem:s10+$0x8810] =	vst v7;
	v2 =	vadd.f32 v4, v2;
	v4 =	vld [tilespmem:s10+$0x9820]  }
0x193: {  	[tilespmem:s10+$0x9010] =	vst v1;
	v1 =	vld [tilespmem:s10+$0x1030]  }
0x194: {  	[tilespmem:s10+$0x9810] =	vst v2;
	v2 =	vadd.f32 v5, v3;
	v5 =	vld [tilespmem:s10+$0x8030]  }
0x195: {  	v7 =	vadd.f32 v8, v3;
	v8 =	vld [tilespmem:s10+$0x8830]  }
0x196: {  	[tilespmem:s10+$0x8020] =	vst v2;
	v2 =	vadd.f32 v6, v3;
	v6 =	vld [tilespmem:s10+$0x9030]  }
0x197: {  	[tilespmem:s10+$0x8820] =	vst v7;
	v3 =	vadd.f32 v4, v3;
	v4 =	vld [tilespmem:s10+$0x9830]  }
0x198: {  	[tilespmem:s10+$0x9020] =	vst v2;
	v2 =	vld [tilespmem:s10+$0x1040]  }
0x199: {  	[tilespmem:s10+$0x9820] =	vst v3;
	v3 =	vadd.f32 v5, v1;
	v5 =	vld [tilespmem:s10+$0x8040]  }
0x19a: {  	v7 =	vadd.f32 v8, v1;
	v8 =	vld [tilespmem:s10+$0x8840]  }
0x19b: {  	[tilespmem:s10+$0x8030] =	vst v3;
	v3 =	vadd.f32 v6, v1;
	v6 =	vld [tilespmem:s10+$0x9040]  }
0x19c: {  	[tilespmem:s10+$0x8830] =	vst v7;
	v1 =	vadd.f32 v4, v1;
	v4 =	vld [tilespmem:s10+$0x9840]  }
0x19d: {  	[tilespmem:s10+$0x9030] =	vst v3;
	v7 =	vld [tilespmem:s10+$0x1050]  }
0x19e: {  	[tilespmem:s10+$0x9830] =	vst v1;
	v1 =	vadd.f32 v5, v2;
	v3 =	vld [tilespmem:s10+$0x8050]  }
0x19f: {  	v5 =	vadd.f32 v8, v2;
	v8 =	vld [tilespmem:s10+$0x8850]  }
0x1a0: {  	[tilespmem:s10+$0x8040] =	vst v1;
	v1 =	vadd.f32 v6, v2;
	v9 =	vld [tilespmem:s10+$0x9050]  }
0x1a1: {  	[tilespmem:s10+$0x8840] =	vst v5;
	v2 =	vadd.f32 v4, v2;
	v4 =	vld [tilespmem:s10+$0x9850]  }
0x1a2: {  	[tilespmem:s10+$0x9040] =	vst v1;
	v1 =	vld [tilespmem:s10+$0x1060]  }
0x1a3: {  	[tilespmem:s10+$0x9840] =	vst v2;
	v2 =	vadd.f32 v3, v7;
	v5 =	vld [tilespmem:s10+$0x8060]  }
.Ltmp4:
0x1a4: {  	v8 =	vadd.f32 v8, v7;
	v6 =	vld [tilespmem:s10+$0x8860];
	(pc) =	sbr.rel @p1 .LBB2_7-.Ltmp4, $4  }
0x1a5: {  	[tilespmem:s10+$0x8050] =	vst v2;
	v2 =	vadd.f32 v9, v7;
	v3 =	vld [tilespmem:s10+$0x9060]  }
0x1a6: {  	[tilespmem:s10+$0x8850] =	vst v8;
	v7 =	vadd.f32 v4, v7;
	v4 =	vld [tilespmem:s10+$0x9860]  }
0x1a7: {  	[tilespmem:s10+$0x9050] =	vst v2;
	v2 =	vld [tilespmem:s10+$0x8070]  }
0x1a8: {  	s19 =	sadd.s32 $0x200, s19;
	[tilespmem:s10+$0x9850] =	vst v7;
	v7 =	vadd.f32 v5, v1;
	v5 =	vld [tilespmem:s10+$0x8870]  }
0x1a9: {  	v6 =	vadd.f32 v6, v1;
	v8 =	vld [tilespmem:s10+$0x9070]  }
0x1aa: {  	[tilespmem:s10+$0x8060] =	vst v7;
	v3 =	vadd.f32 v3, v1  }
0x1ab: {  	[tilespmem:s10+$0x8860] =	vst v6;
	v1 =	vadd.f32 v4, v1  }
0x1ac: {  	[tilespmem:s10+$0x9060] =	vst v3;
	v2 =	vadd.f32 v2, v0  }
0x1ad: {  	[tilespmem:s10+$0x9860] =	vst v1;
	v1 =	vadd.f32 v5, v0  }
0x1ae: {  	[tilespmem:s10+$0x8070] =	vst v2;
	v0 =	vadd.f32 v8, v0  }
0x1af: {  	[tilespmem:s10+$0x8870] =	vst v1  }
0x1b0: {  	[tilespmem:s10+$0x9070] =	vst v0  }
0x1b1: {  	s10 =	rddreg [dreg:$0xe]  }
0x1b2: {  	s13 =	simm.s32 $0x8000;
	s10 =	sadd.s32 s28, s10  }
0x1b3: {  	[hbm4b:s10+s2] =	stream.strided.scatter [tilespmem:s13], [sflag:$0xB], $0x800, s5, s2, $0x38;
	[tilespmem:$0x14000] =	vst v63  }
0x1b4: {  	s19 =	simm.s32 $0x8800;
	s21 =	sadd.s32 $0x80000, s10  }
0x1b5: {  	[hbm4b:s21+s2] =	stream.strided.scatter [tilespmem:s19], [sflag:$0xB], $0x800, s5, s2, $0x38;
	[tilespmem:$0x14000] =	vst v63  }
0x1b6: {  	s19 =	sadd.s32 $0x100000, s10;
	s21 =	simm.s32 $0x9000  }
0x1b7: {  	[hbm4b:s19+s2] =	stream.strided.scatter [tilespmem:s21], [sflag:$0xB], $0x800, s5, s2, $0x38;
	[tilespmem:$0x14000] =	vst v63  }
0x1b8: {  	s13 =	simm.s32 @!p0 $0xF;
	s10 =	sadd.s32 $0x180000, s10;
	s21 =	simm.s32 $0x9800  }
0x1b9: {  	[hbm4b:s10+s2] =	stream.strided.scatter [tilespmem:s21], [sflag:$0xB], $0x800, s5, s2, $0x38;
	[tilespmem:$0x14000] =	vst v63  }
0x1ba: {  	_ =	swait.ge @!p0 [sflag:s13], $0x2000  }
0x1bb: {  	s10 =	sor.u32 $0x60, s28;
	[sflag:s13] =	ssyncset.done @!p0 $0x0  }
0x1bc: {  	s21 =	simm.s32 $0x3000;
	s19 =	sadd.s32 s3, s10;
	[sflag:s13] =	ssyncadd.s32 @!p0 $0xFFFFE000  }
0x1bd: {  	[tilespmem:s21], [sflag:$0x7] =	stream.strided.gather [hbm4b:s19+s2], $0x800, s5, s2, $0x38;
	[tilespmem:$0x14000] =	vst v63  }
0x1be: {  	s13 =	sadd.s32 s1, s10  }
0x1bf: {  	[tilespmem:s22], [sflag:$0x7] =	stream.strided.gather [hbm4b:s13+s2], $0x800, s5, s2, $0x38;
	[tilespmem:$0x14000] =	vst v63  }
0x1c0: {  	s21 =	simm.s32 $0x10800;
	s22 =	sadd.s32 $0x80000, s13  }
0x1c1: {  	[tilespmem:s21], [sflag:$0x7] =	stream.strided.gather [hbm4b:s22+s2], $0x800, s5, s2, $0x38;
	[tilespmem:$0x14000] =	vst v63  }
0x1c2: {  	s21 =	sadd.s32 $0x100000, s13;
	s22 =	simm.s32 $0x11000  }
0x1c3: {  	[tilespmem:s22], [sflag:$0x7] =	stream.strided.gather [hbm4b:s21+s2], $0x800, s5, s2, $0x38;
	[tilespmem:$0x14000] =	vst v63  }
0x1c4: {  	s13 =	sadd.s32 $0x180000, s13  }
0x1c5: {  	[tilespmem:s24], [sflag:$0x7] =	stream.strided.gather [hbm4b:s13+s2], $0x800, s5, s2, $0x38;
	[tilespmem:$0x14000] =	vst v63  }
0x1c6: {  	_ =	swait.ge [sflag:s25], $0x800  }
0x1c7: {  	[sflag:s25] =	ssyncset.done $0x0  }
0x1c8: {  	[sflag:s25] =	ssyncadd.s32 $0xFFFFF800  }
0x1c9: {  	_ =	swait.ge [sflag:s25], $0x2000  }
0x1ca: {  	[sflag:s25] =	ssyncset.done $0x0  }
0x1cb: {  	s13 =	simm.s32 $0x0;
	[sflag:s25] =	ssyncadd.s32 $0xFFFFE000  }
0x1cc: {  	v0 =	vld [tilespmem:s13+$0x1870]  }
0x1cd: {  	v1 =	vld [tilespmem:s13+$0xB870]  }
0x1ce: {  	v2 =	vld [tilespmem:s13+$0x1800]  }
0x1cf: {  	v3 =	vld [tilespmem:s13+$0xA000]  }
0x1d0: {  	v4 =	vld [tilespmem:s13+$0xA800]  }
0x1d1: {  	v5 =	vld [tilespmem:s13+$0xB000]  }
0x1d2: {  	v6 =	vld [tilespmem:s13+$0xB800]  }
0x1d3: {  	v7 =	vld [tilespmem:s13+$0x1810]  }
0x1d4: {  	v8 =	vld [tilespmem:s13+$0xA010]  }
0x1d5: {  	v9 =	vld [tilespmem:s13+$0xA810]  }
0x1d6: {  	v10 =	vld [tilespmem:s13+$0xB010]  }
0x1d7: {  	v11 =	vld [tilespmem:s13+$0xB810]  }
0x1d8: {  	v12 =	vld [tilespmem:s13+$0x1820];
	v1 =	vadd.f32 v1, v0  }
0x1d9: {  	v13 =	vld [tilespmem:s13+$0xA020];
	v3 =	vadd.f32 v3, v2  }
0x1da: {  	v60 =	vld [tilespmem:s13+$0xA830];
	[tilespmem:s13+$0xB870] =	vst v1;
	v1 =	vadd.f32 v4, v2  }
0x1db: {  	v61 =	vld [tilespmem:s13+$0xB830];
	[tilespmem:s13+$0xA000] =	vst v3;
	v3 =	vadd.f32 v5, v2  }
0x1dc: {  	v4 =	vld [tilespmem:s13+$0xA820];
	[tilespmem:s13+$0xA800] =	vst v1;
	v1 =	vadd.f32 v6, v2  }
0x1dd: {  	v5 =	vld [tilespmem:s13+$0xB020];
	[tilespmem:s13+$0xB000] =	vst v3;
	v3 =	vadd.f32 v8, v7  }
0x1de: {  	v2 =	vld [tilespmem:s13+$0xB820];
	[tilespmem:s13+$0xB800] =	vst v1;
	v1 =	vadd.f32 v9, v7  }
0x1df: {  	v6 =	vld [tilespmem:s13+$0x1830];
	[tilespmem:s13+$0xA010] =	vst v3;
	v3 =	vadd.f32 v10, v7  }
0x1e0: {  	v8 =	vld [tilespmem:s13+$0xA030];
	[tilespmem:s13+$0xA810] =	vst v1;
	v1 =	vadd.f32 v11, v7  }
0x1e1: {  	v62 =	vld [tilespmem:s13+$0xB840];
	[tilespmem:s13+$0xB010] =	vst v3;
	v3 =	vadd.f32 v13, v12  }
0x1e2: {  	v7 =	vld [tilespmem:s13+$0xB030];
	[tilespmem:s13+$0xB810] =	vst v1;
	v1 =	vadd.f32 v4, v12  }
0x1e3: {  	v4 =	vld [tilespmem:s13+$0x1840];
	[tilespmem:s13+$0xA020] =	vst v3;
	v3 =	vadd.f32 v5, v12  }
0x1e4: {  	v5 =	vld [tilespmem:s13+$0xA040];
	[tilespmem:s13+$0xA820] =	vst v1;
	v1 =	vadd.f32 v2, v12  }
0x1e5: {  	v2 =	vld [tilespmem:s13+$0xA840];
	[tilespmem:s13+$0xB020] =	vst v3;
	v3 =	vadd.f32 v8, v6  }
0x1e6: {  	v8 =	vld [tilespmem:s13+$0xB040];
	[tilespmem:s13+$0xB820] =	vst v1;
	v1 =	vadd.f32 v60, v6  }
0x1e7: {  	[tilespmem:s13+$0xA030] =	vst v3;
	v3 =	vadd.f32 v7, v6;
	v7 =	vld [tilespmem:s13+$0x1850]  }
0x1e8: {  	[tilespmem:s13+$0xA830] =	vst v1;
	v1 =	vadd.f32 v61, v6;
	v6 =	vld [tilespmem:s13+$0xA050]  }
0x1e9: {  	[tilespmem:s13+$0xB030] =	vst v3;
	v3 =	vadd.f32 v5, v4;
	v5 =	vld [tilespmem:s13+$0xA850]  }
0x1ea: {  	[tilespmem:s13+$0xB830] =	vst v1;
	v1 =	vadd.f32 v2, v4;
	v2 =	vld [tilespmem:s13+$0xB050]  }
0x1eb: {  	[tilespmem:s13+$0xA040] =	vst v3;
	v3 =	vadd.f32 v8, v4;
	v8 =	vld [tilespmem:s13+$0xB850]  }
0x1ec: {  	v63 =	vld [tilespmem:s13+$0xA060];
	v4 =	vadd.f32 v62, v4;
	[tilespmem:s13+$0xA840] =	vst v1  }
0x1ed: {  	v1 =	vld [tilespmem:s13+$0x1860];
	[tilespmem:s13+$0xB040] =	vst v3;
	v3 =	vadd.f32 v6, v7  }
0x1ee: {  	[tilespmem:s13+$0xB840] =	vst v4;
	v4 =	vadd.f32 v5, v7;
	v6 =	vld [tilespmem:s13+$0xA860]  }
0x1ef: {  	[tilespmem:s13+$0xA050] =	vst v3;
	v2 =	vadd.f32 v2, v7;
	v3 =	vld [tilespmem:s13+$0xB060]  }
0x1f0: {  	[tilespmem:s13+$0xA850] =	vst v4;
	v5 =	vadd.f32 v8, v7;
	v4 =	vld [tilespmem:s13+$0xB860]  }
0x1f1: {  	[tilespmem:s13+$0xB050] =	vst v2;
	v2 =	vld [tilespmem:s13+$0xA070]  }
0x1f2: {  	s19 =	simm.s32 $0x0;
	s21 =	simm.s32 $0x200;
	[tilespmem:s13+$0xB850] =	vst v5;
	v7 =	vadd.f32 v63, v1;
	v5 =	vld [tilespmem:s13+$0xA870]  }
.LBB2_9:
0x1f3: {  	s22 =	sshra.s32 s21, $0x2;
	v6 =	vadd.f32 v6, v1;
	v8 =	vld [tilespmem:s13+$0xB070]  }
0x1f4: {  	s19 =	sadd.s32 $0x8, s19;
	v9 =	vld [tilespmem:s22+$0x1870];
	[tilespmem:s13+$0xA060] =	vst v7;
	v3 =	vadd.f32 v3, v1  }
0x1f5: {  	p1 =	slt.u32 s19, $0x78;
	v7 =	vld [tilespmem:s22+$0xB870];
	[tilespmem:s13+$0xA860] =	vst v6;
	v1 =	vadd.f32 v4, v1  }
0x1f6: {  	v4 =	vld [tilespmem:s22+$0x1800];
	[tilespmem:s13+$0xB060] =	vst v3;
	v2 =	vadd.f32 v2, v0  }
0x1f7: {  	v3 =	vld [tilespmem:s22+$0xA000];
	[tilespmem:s13+$0xB860] =	vst v1;
	v1 =	vadd.f32 v5, v0  }
0x1f8: {  	v5 =	vld [tilespmem:s22+$0xA800];
	[tilespmem:s13+$0xA070] =	vst v2;
	v2 =	vadd.f32 v8, v0  }
0x1f9: {  	v6 =	vld [tilespmem:s22+$0xB000];
	[tilespmem:s13+$0xA870] =	vst v1;
	v0 =	vmov v9  }
0x1fa: {  	v1 =	vld [tilespmem:s22+$0xB800];
	v7 =	vadd.f32 v7, v0;
	[tilespmem:s13+$0xB070] =	vst v2;
	s13 =	smov.u32 s22  }
0x1fb: {  	v2 =	vld [tilespmem:s13+$0x1810]  }
0x1fc: {  	v3 =	vadd.f32 v3, v4;
	v8 =	vld [tilespmem:s13+$0xA010];
	[tilespmem:s13+$0xB870] =	vst v7  }
0x1fd: {  	v5 =	vadd.f32 v5, v4;
	v7 =	vld [tilespmem:s13+$0xA810]  }
0x1fe: {  	[tilespmem:s13+$0xA000] =	vst v3;
	v3 =	vadd.f32 v6, v4;
	v6 =	vld [tilespmem:s13+$0xB010]  }
0x1ff: {  	[tilespmem:s13+$0xA800] =	vst v5;
	v1 =	vadd.f32 v1, v4;
	v4 =	vld [tilespmem:s13+$0xB810]  }
0x200: {  	[tilespmem:s13+$0xB000] =	vst v3;
	v3 =	vld [tilespmem:s13+$0x1820]  }
0x201: {  	[tilespmem:s13+$0xB800] =	vst v1;
	v1 =	vadd.f32 v8, v2;
	v5 =	vld [tilespmem:s13+$0xA020]  }
0x202: {  	v7 =	vadd.f32 v7, v2;
	v8 =	vld [tilespmem:s13+$0xA820]  }
0x203: {  	[tilespmem:s13+$0xA010] =	vst v1;
	v1 =	vadd.f32 v6, v2;
	v6 =	vld [tilespmem:s13+$0xB020]  }
0x204: {  	[tilespmem:s13+$0xA810] =	vst v7;
	v2 =	vadd.f32 v4, v2;
	v4 =	vld [tilespmem:s13+$0xB820]  }
0x205: {  	[tilespmem:s13+$0xB010] =	vst v1;
	v1 =	vld [tilespmem:s13+$0x1830]  }
0x206: {  	[tilespmem:s13+$0xB810] =	vst v2;
	v2 =	vadd.f32 v5, v3;
	v5 =	vld [tilespmem:s13+$0xA030]  }
0x207: {  	v7 =	vadd.f32 v8, v3;
	v8 =	vld [tilespmem:s13+$0xA830]  }
0x208: {  	[tilespmem:s13+$0xA020] =	vst v2;
	v2 =	vadd.f32 v6, v3;
	v6 =	vld [tilespmem:s13+$0xB030]  }
0x209: {  	[tilespmem:s13+$0xA820] =	vst v7;
	v3 =	vadd.f32 v4, v3;
	v4 =	vld [tilespmem:s13+$0xB830]  }
0x20a: {  	[tilespmem:s13+$0xB020] =	vst v2;
	v2 =	vld [tilespmem:s13+$0x1840]  }
0x20b: {  	[tilespmem:s13+$0xB820] =	vst v3;
	v3 =	vadd.f32 v5, v1;
	v5 =	vld [tilespmem:s13+$0xA040]  }
0x20c: {  	v7 =	vadd.f32 v8, v1;
	v8 =	vld [tilespmem:s13+$0xA840]  }
0x20d: {  	[tilespmem:s13+$0xA030] =	vst v3;
	v3 =	vadd.f32 v6, v1;
	v6 =	vld [tilespmem:s13+$0xB040]  }
0x20e: {  	[tilespmem:s13+$0xA830] =	vst v7;
	v1 =	vadd.f32 v4, v1;
	v4 =	vld [tilespmem:s13+$0xB840]  }
0x20f: {  	[tilespmem:s13+$0xB030] =	vst v3;
	v7 =	vld [tilespmem:s13+$0x1850]  }
0x210: {  	[tilespmem:s13+$0xB830] =	vst v1;
	v1 =	vadd.f32 v5, v2;
	v3 =	vld [tilespmem:s13+$0xA050]  }
0x211: {  	v5 =	vadd.f32 v8, v2;
	v8 =	vld [tilespmem:s13+$0xA850]  }
0x212: {  	[tilespmem:s13+$0xA040] =	vst v1;
	v1 =	vadd.f32 v6, v2;
	v9 =	vld [tilespmem:s13+$0xB050]  }
0x213: {  	[tilespmem:s13+$0xA840] =	vst v5;
	v2 =	vadd.f32 v4, v2;
	v4 =	vld [tilespmem:s13+$0xB850]  }
0x214: {  	[tilespmem:s13+$0xB040] =	vst v1;
	v1 =	vld [tilespmem:s13+$0x1860]  }
0x215: {  	[tilespmem:s13+$0xB840] =	vst v2;
	v2 =	vadd.f32 v3, v7;
	v5 =	vld [tilespmem:s13+$0xA060]  }
.Ltmp5:
0x216: {  	v8 =	vadd.f32 v8, v7;
	v6 =	vld [tilespmem:s13+$0xA860];
	(pc) =	sbr.rel @p1 .LBB2_9-.Ltmp5, $4  }
0x217: {  	[tilespmem:s13+$0xA050] =	vst v2;
	v2 =	vadd.f32 v9, v7;
	v3 =	vld [tilespmem:s13+$0xB060]  }
0x218: {  	[tilespmem:s13+$0xA850] =	vst v8;
	v7 =	vadd.f32 v4, v7;
	v4 =	vld [tilespmem:s13+$0xB860]  }
0x219: {  	[tilespmem:s13+$0xB050] =	vst v2;
	v2 =	vld [tilespmem:s13+$0xA070]  }
0x21a: {  	s21 =	sadd.s32 $0x200, s21;
	[tilespmem:s13+$0xB850] =	vst v7;
	v7 =	vadd.f32 v5, v1;
	v5 =	vld [tilespmem:s13+$0xA870]  }
0x21b: {  	v6 =	vadd.f32 v6, v1;
	v8 =	vld [tilespmem:s13+$0xB070]  }
0x21c: {  	[tilespmem:s13+$0xA060] =	vst v7;
	v3 =	vadd.f32 v3, v1  }
0x21d: {  	[tilespmem:s13+$0xA860] =	vst v6;
	v1 =	vadd.f32 v4, v1  }
0x21e: {  	[tilespmem:s13+$0xB060] =	vst v3;
	v2 =	vadd.f32 v2, v0  }
0x21f: {  	[tilespmem:s13+$0xB860] =	vst v1;
	v1 =	vadd.f32 v5, v0  }
0x220: {  	[tilespmem:s13+$0xA070] =	vst v2;
	v0 =	vadd.f32 v8, v0  }
0x221: {  	[tilespmem:s13+$0xA870] =	vst v1  }
0x222: {  	[tilespmem:s13+$0xB070] =	vst v0  }
0x223: {  	s13 =	rddreg [dreg:$0xf]  }
0x224: {  	s13 =	sadd.s32 s28, s13  }
0x225: {  	[hbm4b:s13+s2] =	stream.strided.scatter [tilespmem:s23], [sflag:$0xC], $0x800, s5, s2, $0x38;
	[tilespmem:$0x14000] =	vst v63  }
0x226: {  	s21 =	simm.s32 $0xA800;
	s19 =	sadd.s32 $0x80000, s13  }
0x227: {  	[hbm4b:s19+s2] =	stream.strided.scatter [tilespmem:s21], [sflag:$0xC], $0x800, s5, s2, $0x38;
	[tilespmem:$0x14000] =	vst v63  }
0x228: {  	s22 =	sadd.s32 $0x100000, s13;
	s23 =	simm.s32 $0xB000  }
0x229: {  	[hbm4b:s22+s2] =	stream.strided.scatter [tilespmem:s23], [sflag:$0xC], $0x800, s5, s2, $0x38;
	[tilespmem:$0x14000] =	vst v63  }
0x22a: {  	s13 =	sadd.s32 $0x180000, s13;
	s21 =	simm.s32 $0xB800  }
0x22b: {  	[hbm4b:s13+s2] =	stream.strided.scatter [tilespmem:s21], [sflag:$0xC], $0x800, s5, s2, $0x38;
	[tilespmem:$0x14000] =	vst v63  }
0x22c: {  	s13 =	simm.s32 @!p0 $0x10  }
0x22d: {  	_ =	swait.ge @!p0 [sflag:s13], $0x2000  }
0x22e: {  	s28 =	sor.u32 $0x70, s28;
	[sflag:s13] =	ssyncset.done @!p0 $0x0  }
0x22f: {  	s22 =	sadd.s32 s3, s28;
	s23 =	simm.s32 $0x3800;
	[sflag:s13] =	ssyncadd.s32 @!p0 $0xFFFFE000  }
0x230: {  	[tilespmem:s23], [sflag:$0x8] =	stream.strided.gather [hbm4b:s22+s2], $0x800, s5, s2, $0x38;
	[tilespmem:$0x14000] =	vst v63  }
0x231: {  	s21 =	sadd.s32 s1, s28  }
0x232: {  	[tilespmem:s26], [sflag:$0x8] =	stream.strided.gather [hbm4b:s21+s2], $0x800, s5, s2, $0x38;
	[tilespmem:$0x14000] =	vst v63  }
0x233: {  	s22 =	sadd.s32 $0x80000, s21  }
0x234: {  	[tilespmem:s6], [sflag:$0x8] =	stream.strided.gather [hbm4b:s22+s2], $0x800, s5, s2, $0x38;
	[tilespmem:$0x14000] =	vst v63  }
0x235: {  	s23 =	sadd.s32 $0x100000, s21  }
0x236: {  	[tilespmem:s15], [sflag:$0x8] =	stream.strided.gather [hbm4b:s23+s2], $0x800, s5, s2, $0x38;
	[tilespmem:$0x14000] =	vst v63  }
0x237: {  	s13 =	sadd.s32 $0x180000, s21  }
0x238: {  	[tilespmem:s16], [sflag:$0x8] =	stream.strided.gather [hbm4b:s13+s2], $0x800, s5, s2, $0x38;
	[tilespmem:$0x14000] =	vst v63  }
0x239: {  	_ =	swait.ge [sflag:s17], $0x800  }
0x23a: {  	[sflag:s17] =	ssyncset.done $0x0  }
0x23b: {  	[sflag:s17] =	ssyncadd.s32 $0xFFFFF800  }
0x23c: {  	_ =	swait.ge [sflag:s17], $0x2000  }
0x23d: {  	[sflag:s17] =	ssyncset.done $0x0  }
0x23e: {  	s13 =	simm.s32 $0x0;
	[sflag:s17] =	ssyncadd.s32 $0xFFFFE000  }
0x23f: {  	v0 =	vld [tilespmem:s13+$0x2070]  }
0x240: {  	v1 =	vld [tilespmem:s13+$0xD870]  }
0x241: {  	v2 =	vld [tilespmem:s13+$0x2000]  }
0x242: {  	v3 =	vld [tilespmem:s13+$0xC000]  }
0x243: {  	v4 =	vld [tilespmem:s13+$0xC800]  }
0x244: {  	v5 =	vld [tilespmem:s13+$0xD000]  }
0x245: {  	v6 =	vld [tilespmem:s13+$0xD800]  }
0x246: {  	v7 =	vld [tilespmem:s13+$0x2010]  }
0x247: {  	v8 =	vld [tilespmem:s13+$0xC010]  }
0x248: {  	v9 =	vld [tilespmem:s13+$0xC810]  }
0x249: {  	v10 =	vld [tilespmem:s13+$0xD010]  }
0x24a: {  	v11 =	vld [tilespmem:s13+$0xD810]  }
0x24b: {  	v12 =	vld [tilespmem:s13+$0x2020];
	v1 =	vadd.f32 v1, v0  }
0x24c: {  	v13 =	vld [tilespmem:s13+$0xC020];
	v3 =	vadd.f32 v3, v2  }
0x24d: {  	v60 =	vld [tilespmem:s13+$0xC830];
	[tilespmem:s13+$0xD870] =	vst v1;
	v1 =	vadd.f32 v4, v2  }
0x24e: {  	v61 =	vld [tilespmem:s13+$0xD830];
	[tilespmem:s13+$0xC000] =	vst v3;
	v3 =	vadd.f32 v5, v2  }
0x24f: {  	v4 =	vld [tilespmem:s13+$0xC820];
	[tilespmem:s13+$0xC800] =	vst v1;
	v1 =	vadd.f32 v6, v2  }
0x250: {  	v5 =	vld [tilespmem:s13+$0xD020];
	[tilespmem:s13+$0xD000] =	vst v3;
	v3 =	vadd.f32 v8, v7  }
0x251: {  	v2 =	vld [tilespmem:s13+$0xD820];
	[tilespmem:s13+$0xD800] =	vst v1;
	v1 =	vadd.f32 v9, v7  }
0x252: {  	v6 =	vld [tilespmem:s13+$0x2030];
	[tilespmem:s13+$0xC010] =	vst v3;
	v3 =	vadd.f32 v10, v7  }
0x253: {  	v8 =	vld [tilespmem:s13+$0xC030];
	[tilespmem:s13+$0xC810] =	vst v1;
	v1 =	vadd.f32 v11, v7  }
0x254: {  	v62 =	vld [tilespmem:s13+$0xD840];
	[tilespmem:s13+$0xD010] =	vst v3;
	v3 =	vadd.f32 v13, v12  }
0x255: {  	v7 =	vld [tilespmem:s13+$0xD030];
	[tilespmem:s13+$0xD810] =	vst v1;
	v1 =	vadd.f32 v4, v12  }
0x256: {  	v4 =	vld [tilespmem:s13+$0x2040];
	[tilespmem:s13+$0xC020] =	vst v3;
	v3 =	vadd.f32 v5, v12  }
0x257: {  	v5 =	vld [tilespmem:s13+$0xC040];
	[tilespmem:s13+$0xC820] =	vst v1;
	v1 =	vadd.f32 v2, v12  }
0x258: {  	v2 =	vld [tilespmem:s13+$0xC840];
	[tilespmem:s13+$0xD020] =	vst v3;
	v3 =	vadd.f32 v8, v6  }
0x259: {  	v8 =	vld [tilespmem:s13+$0xD040];
	[tilespmem:s13+$0xD820] =	vst v1;
	v1 =	vadd.f32 v60, v6  }
0x25a: {  	[tilespmem:s13+$0xC030] =	vst v3;
	v3 =	vadd.f32 v7, v6;
	v7 =	vld [tilespmem:s13+$0x2050]  }
0x25b: {  	[tilespmem:s13+$0xC830] =	vst v1;
	v1 =	vadd.f32 v61, v6;
	v6 =	vld [tilespmem:s13+$0xC050]  }
0x25c: {  	[tilespmem:s13+$0xD030] =	vst v3;
	v3 =	vadd.f32 v5, v4;
	v5 =	vld [tilespmem:s13+$0xC850]  }
0x25d: {  	[tilespmem:s13+$0xD830] =	vst v1;
	v1 =	vadd.f32 v2, v4;
	v2 =	vld [tilespmem:s13+$0xD050]  }
0x25e: {  	[tilespmem:s13+$0xC040] =	vst v3;
	v3 =	vadd.f32 v8, v4;
	v8 =	vld [tilespmem:s13+$0xD850]  }
0x25f: {  	v63 =	vld [tilespmem:s13+$0xC060];
	v4 =	vadd.f32 v62, v4;
	[tilespmem:s13+$0xC840] =	vst v1  }
0x260: {  	v1 =	vld [tilespmem:s13+$0x2060];
	[tilespmem:s13+$0xD040] =	vst v3;
	v3 =	vadd.f32 v6, v7  }
0x261: {  	[tilespmem:s13+$0xD840] =	vst v4;
	v4 =	vadd.f32 v5, v7;
	v6 =	vld [tilespmem:s13+$0xC860]  }
0x262: {  	[tilespmem:s13+$0xC050] =	vst v3;
	v2 =	vadd.f32 v2, v7;
	v3 =	vld [tilespmem:s13+$0xD060]  }
0x263: {  	[tilespmem:s13+$0xC850] =	vst v4;
	v5 =	vadd.f32 v8, v7;
	v4 =	vld [tilespmem:s13+$0xD860]  }
0x264: {  	[tilespmem:s13+$0xD050] =	vst v2;
	v2 =	vld [tilespmem:s13+$0xC070]  }
0x265: {  	s19 =	simm.s32 $0x0;
	s21 =	simm.s32 $0x200;
	[tilespmem:s13+$0xD850] =	vst v5;
	v7 =	vadd.f32 v63, v1;
	v5 =	vld [tilespmem:s13+$0xC870]  }
.LBB2_11:
0x266: {  	s22 =	sshra.s32 s21, $0x2;
	v6 =	vadd.f32 v6, v1;
	v8 =	vld [tilespmem:s13+$0xD070]  }
0x267: {  	s19 =	sadd.s32 $0x8, s19;
	v9 =	vld [tilespmem:s22+$0x2070];
	[tilespmem:s13+$0xC060] =	vst v7;
	v3 =	vadd.f32 v3, v1  }
0x268: {  	p0 =	slt.u32 s19, $0x78;
	v7 =	vld [tilespmem:s22+$0xD870];
	[tilespmem:s13+$0xC860] =	vst v6;
	v1 =	vadd.f32 v4, v1  }
0x269: {  	v4 =	vld [tilespmem:s22+$0x2000];
	[tilespmem:s13+$0xD060] =	vst v3;
	v2 =	vadd.f32 v2, v0  }
0x26a: {  	v3 =	vld [tilespmem:s22+$0xC000];
	[tilespmem:s13+$0xD860] =	vst v1;
	v1 =	vadd.f32 v5, v0  }
0x26b: {  	v5 =	vld [tilespmem:s22+$0xC800];
	[tilespmem:s13+$0xC070] =	vst v2;
	v2 =	vadd.f32 v8, v0  }
0x26c: {  	v6 =	vld [tilespmem:s22+$0xD000];
	[tilespmem:s13+$0xC870] =	vst v1;
	v0 =	vmov v9  }
0x26d: {  	v1 =	vld [tilespmem:s22+$0xD800];
	v7 =	vadd.f32 v7, v0;
	[tilespmem:s13+$0xD070] =	vst v2;
	s13 =	smov.u32 s22  }
0x26e: {  	v2 =	vld [tilespmem:s13+$0x2010]  }
0x26f: {  	v3 =	vadd.f32 v3, v4;
	v8 =	vld [tilespmem:s13+$0xC010];
	[tilespmem:s13+$0xD870] =	vst v7  }
0x270: {  	v5 =	vadd.f32 v5, v4;
	v7 =	vld [tilespmem:s13+$0xC810]  }
0x271: {  	[tilespmem:s13+$0xC000] =	vst v3;
	v3 =	vadd.f32 v6, v4;
	v6 =	vld [tilespmem:s13+$0xD010]  }
0x272: {  	[tilespmem:s13+$0xC800] =	vst v5;
	v1 =	vadd.f32 v1, v4;
	v4 =	vld [tilespmem:s13+$0xD810]  }
0x273: {  	[tilespmem:s13+$0xD000] =	vst v3;
	v3 =	vld [tilespmem:s13+$0x2020]  }
0x274: {  	[tilespmem:s13+$0xD800] =	vst v1;
	v1 =	vadd.f32 v8, v2;
	v5 =	vld [tilespmem:s13+$0xC020]  }
0x275: {  	v7 =	vadd.f32 v7, v2;
	v8 =	vld [tilespmem:s13+$0xC820]  }
0x276: {  	[tilespmem:s13+$0xC010] =	vst v1;
	v1 =	vadd.f32 v6, v2;
	v6 =	vld [tilespmem:s13+$0xD020]  }
0x277: {  	[tilespmem:s13+$0xC810] =	vst v7;
	v2 =	vadd.f32 v4, v2;
	v4 =	vld [tilespmem:s13+$0xD820]  }
0x278: {  	[tilespmem:s13+$0xD010] =	vst v1;
	v1 =	vld [tilespmem:s13+$0x2030]  }
0x279: {  	[tilespmem:s13+$0xD810] =	vst v2;
	v2 =	vadd.f32 v5, v3;
	v5 =	vld [tilespmem:s13+$0xC030]  }
0x27a: {  	v7 =	vadd.f32 v8, v3;
	v8 =	vld [tilespmem:s13+$0xC830]  }
0x27b: {  	[tilespmem:s13+$0xC020] =	vst v2;
	v2 =	vadd.f32 v6, v3;
	v6 =	vld [tilespmem:s13+$0xD030]  }
0x27c: {  	[tilespmem:s13+$0xC820] =	vst v7;
	v3 =	vadd.f32 v4, v3;
	v4 =	vld [tilespmem:s13+$0xD830]  }
0x27d: {  	[tilespmem:s13+$0xD020] =	vst v2;
	v2 =	vld [tilespmem:s13+$0x2040]  }
0x27e: {  	[tilespmem:s13+$0xD820] =	vst v3;
	v3 =	vadd.f32 v5, v1;
	v5 =	vld [tilespmem:s13+$0xC040]  }
0x27f: {  	v7 =	vadd.f32 v8, v1;
	v8 =	vld [tilespmem:s13+$0xC840]  }
0x280: {  	[tilespmem:s13+$0xC030] =	vst v3;
	v3 =	vadd.f32 v6, v1;
	v6 =	vld [tilespmem:s13+$0xD040]  }
0x281: {  	[tilespmem:s13+$0xC830] =	vst v7;
	v1 =	vadd.f32 v4, v1;
	v4 =	vld [tilespmem:s13+$0xD840]  }
0x282: {  	[tilespmem:s13+$0xD030] =	vst v3;
	v7 =	vld [tilespmem:s13+$0x2050]  }
0x283: {  	[tilespmem:s13+$0xD830] =	vst v1;
	v1 =	vadd.f32 v5, v2;
	v3 =	vld [tilespmem:s13+$0xC050]  }
0x284: {  	v5 =	vadd.f32 v8, v2;
	v8 =	vld [tilespmem:s13+$0xC850]  }
0x285: {  	[tilespmem:s13+$0xC040] =	vst v1;
	v1 =	vadd.f32 v6, v2;
	v9 =	vld [tilespmem:s13+$0xD050]  }
0x286: {  	[tilespmem:s13+$0xC840] =	vst v5;
	v2 =	vadd.f32 v4, v2;
	v4 =	vld [tilespmem:s13+$0xD850]  }
0x287: {  	[tilespmem:s13+$0xD040] =	vst v1;
	v1 =	vld [tilespmem:s13+$0x2060]  }
0x288: {  	[tilespmem:s13+$0xD840] =	vst v2;
	v2 =	vadd.f32 v3, v7;
	v5 =	vld [tilespmem:s13+$0xC060]  }
.Ltmp6:
0x289: {  	v8 =	vadd.f32 v8, v7;
	v6 =	vld [tilespmem:s13+$0xC860];
	(pc) =	sbr.rel @p0 .LBB2_11-.Ltmp6, $4  }
0x28a: {  	[tilespmem:s13+$0xC050] =	vst v2;
	v2 =	vadd.f32 v9, v7;
	v3 =	vld [tilespmem:s13+$0xD060]  }
0x28b: {  	[tilespmem:s13+$0xC850] =	vst v8;
	v7 =	vadd.f32 v4, v7;
	v4 =	vld [tilespmem:s13+$0xD860]  }
0x28c: {  	[tilespmem:s13+$0xD050] =	vst v2;
	v2 =	vld [tilespmem:s13+$0xC070]  }
0x28d: {  	s21 =	sadd.s32 $0x200, s21;
	[tilespmem:s13+$0xD850] =	vst v7;
	v7 =	vadd.f32 v5, v1;
	v5 =	vld [tilespmem:s13+$0xC870]  }
0x28e: {  	v6 =	vadd.f32 v6, v1;
	v8 =	vld [tilespmem:s13+$0xD070]  }
0x28f: {  	[tilespmem:s13+$0xC060] =	vst v7;
	v3 =	vadd.f32 v3, v1  }
0x290: {  	[tilespmem:s13+$0xC860] =	vst v6;
	v1 =	vadd.f32 v4, v1  }
0x291: {  	[tilespmem:s13+$0xD060] =	vst v3;
	v2 =	vadd.f32 v2, v0  }
0x292: {  	[tilespmem:s13+$0xD860] =	vst v1;
	v1 =	vadd.f32 v5, v0  }
0x293: {  	[tilespmem:s13+$0xC070] =	vst v2;
	v0 =	vadd.f32 v8, v0  }
0x294: {  	[tilespmem:s13+$0xC870] =	vst v1  }
0x295: {  	s11 =	sadd.s32 s4, s11;
	s22 =	simm.s32 $0xC000;
	[tilespmem:s13+$0xD070] =	vst v0  }
0x296: {  	[hbm4b:s11+s2] =	stream.strided.scatter [tilespmem:s22], [sflag:$0xD], $0x800, s5, s2, $0x38;
	[tilespmem:$0x14000] =	vst v63  }
0x297: {  	s19 =	simm.s32 $0xC800;
	s23 =	sadd.s32 $0x80000, s11  }
0x298: {  	[hbm4b:s23+s2] =	stream.strided.scatter [tilespmem:s19], [sflag:$0xD], $0x800, s5, s2, $0x38;
	[tilespmem:$0x14000] =	vst v63  }
0x299: {  	p0 =	seq.s32 s12, $0x7;
	s21 =	sadd.s32 $0x100000, s11;
	s22 =	simm.s32 $0xD000  }
0x29a: {  	[hbm4b:s21+s2] =	stream.strided.scatter [tilespmem:s22], [sflag:$0xD], $0x800, s5, s2, $0x38;
	[tilespmem:$0x14000] =	vst v63  }
0x29b: {  	s13 =	simm.s32 @!p0 $0x9;
	s11 =	sadd.s32 $0x180000, s11;
	s23 =	simm.s32 $0xD800  }
0x29c: {  	[hbm4b:s11+s2] =	stream.strided.scatter [tilespmem:s23], [sflag:$0xD], $0x800, s5, s2, $0x38;
	[tilespmem:$0x14000] =	vst v63  }
0x29d: {  	s19 =	simm.s32 @!p0 $0x80;
	s11 =	sadd.s32 @!p0 s14, s18;
	_ =	swait.ge @!p0 [sflag:s13], $0x2000  }
0x29e: {  	s21 =	simm.s32 @!p0 $0x400;
	s11 =	sshll.u32 @!p0 s11, $0x8;
	[sflag:s13] =	ssyncset.done @!p0 $0x0  }
0x29f: {  	s22 =	simm.s32 @!p0 $0x0;
	[sflag:s13] =	ssyncadd.s32 @!p0 $0xFFFFE000;
	s13 =	sadd.s32 @!p0 s3, s11  }
0x2a0: {  	[tilespmem:s22], [sflag:$0x1] =	stream.strided.gather @!p0 [hbm4b:s13+s19], $0x800, s21, s19, $0x38;
	[tilespmem:$0x14000] =	vst v63  }
0x2a1: {  	s13 =	sadd.s32 @!p0 s1, s11;
	s22 =	simm.s32 @!p0 $0x4000  }
0x2a2: {  	[tilespmem:s22], [sflag:$0x1] =	stream.strided.gather @!p0 [hbm4b:s13+s19], $0x800, s21, s19, $0x38;
	[tilespmem:$0x14000] =	vst v63  }
0x2a3: {  	s23 =	simm.s32 @!p0 $0x4800;
	s22 =	sadd.s32 @!p0 $0x80000, s13  }
0x2a4: {  	[tilespmem:s23], [sflag:$0x1] =	stream.strided.gather @!p0 [hbm4b:s22+s19], $0x800, s21, s19, $0x38;
	[tilespmem:$0x14000] =	vst v63  }
0x2a5: {  	s22 =	sadd.s32 @!p0 $0x100000, s13;
	s23 =	simm.s32 @!p0 $0x5000  }
0x2a6: {  	[tilespmem:s23], [sflag:$0x1] =	stream.strided.gather @!p0 [hbm4b:s22+s19], $0x800, s21, s19, $0x38;
	[tilespmem:$0x14000] =	vst v63  }
0x2a7: {  	s13 =	sadd.s32 @!p0 $0x180000, s13;
	s22 =	simm.s32 @!p0 $0x5800  }
0x2a8: {  	[tilespmem:s22], [sflag:$0x1] =	stream.strided.gather @!p0 [hbm4b:s13+s19], $0x800, s21, s19, $0x38;
	[tilespmem:$0x14000] =	vst v63  }
0x2a9: {  	_ =	swait.ge [sflag:s29], $0x800  }
0x2aa: {  	[sflag:s29] =	ssyncset.done $0x0  }
0x2ab: {  	[sflag:s29] =	ssyncadd.s32 $0xFFFFF800  }
0x2ac: {  	_ =	swait.ge [sflag:s29], $0x2000  }
0x2ad: {  	[sflag:s29] =	ssyncset.done $0x0  }
0x2ae: {  	s13 =	simm.s32 $0x0;
	[sflag:s29] =	ssyncadd.s32 $0xFFFFE000  }
0x2af: {  	v0 =	vld [tilespmem:s13+$0x2870]  }
0x2b0: {  	v1 =	vld [tilespmem:s13+$0xF870]  }
0x2b1: {  	v2 =	vld [tilespmem:s13+$0x2800]  }
0x2b2: {  	v3 =	vld [tilespmem:s13+$0xE000]  }
0x2b3: {  	v4 =	vld [tilespmem:s13+$0xE800]  }
0x2b4: {  	v5 =	vld [tilespmem:s13+$0xF000]  }
0x2b5: {  	v6 =	vld [tilespmem:s13+$0xF800]  }
0x2b6: {  	v7 =	vld [tilespmem:s13+$0x2810]  }
0x2b7: {  	v8 =	vld [tilespmem:s13+$0xE010]  }
0x2b8: {  	v9 =	vld [tilespmem:s13+$0xE810]  }
0x2b9: {  	v10 =	vld [tilespmem:s13+$0xF010]  }
0x2ba: {  	v11 =	vld [tilespmem:s13+$0xF810]  }
0x2bb: {  	v12 =	vld [tilespmem:s13+$0x2820];
	v1 =	vadd.f32 v1, v0  }
0x2bc: {  	v13 =	vld [tilespmem:s13+$0xE020];
	v3 =	vadd.f32 v3, v2  }
0x2bd: {  	v60 =	vld [tilespmem:s13+$0xE830];
	[tilespmem:s13+$0xF870] =	vst v1;
	v1 =	vadd.f32 v4, v2  }
0x2be: {  	v61 =	vld [tilespmem:s13+$0xF830];
	[tilespmem:s13+$0xE000] =	vst v3;
	v3 =	vadd.f32 v5, v2  }
0x2bf: {  	v4 =	vld [tilespmem:s13+$0xE820];
	[tilespmem:s13+$0xE800] =	vst v1;
	v1 =	vadd.f32 v6, v2  }
0x2c0: {  	v5 =	vld [tilespmem:s13+$0xF020];
	[tilespmem:s13+$0xF000] =	vst v3;
	v3 =	vadd.f32 v8, v7  }
0x2c1: {  	v2 =	vld [tilespmem:s13+$0xF820];
	[tilespmem:s13+$0xF800] =	vst v1;
	v1 =	vadd.f32 v9, v7  }
0x2c2: {  	v6 =	vld [tilespmem:s13+$0x2830];
	[tilespmem:s13+$0xE010] =	vst v3;
	v3 =	vadd.f32 v10, v7  }
0x2c3: {  	v8 =	vld [tilespmem:s13+$0xE030];
	[tilespmem:s13+$0xE810] =	vst v1;
	v1 =	vadd.f32 v11, v7  }
0x2c4: {  	v62 =	vld [tilespmem:s13+$0xF840];
	[tilespmem:s13+$0xF010] =	vst v3;
	v3 =	vadd.f32 v13, v12  }
0x2c5: {  	v7 =	vld [tilespmem:s13+$0xF030];
	[tilespmem:s13+$0xF810] =	vst v1;
	v1 =	vadd.f32 v4, v12  }
0x2c6: {  	v4 =	vld [tilespmem:s13+$0x2840];
	[tilespmem:s13+$0xE020] =	vst v3;
	v3 =	vadd.f32 v5, v12  }
0x2c7: {  	v5 =	vld [tilespmem:s13+$0xE040];
	[tilespmem:s13+$0xE820] =	vst v1;
	v1 =	vadd.f32 v2, v12  }
0x2c8: {  	v2 =	vld [tilespmem:s13+$0xE840];
	[tilespmem:s13+$0xF020] =	vst v3;
	v3 =	vadd.f32 v8, v6  }
0x2c9: {  	v8 =	vld [tilespmem:s13+$0xF040];
	[tilespmem:s13+$0xF820] =	vst v1;
	v1 =	vadd.f32 v60, v6  }
0x2ca: {  	[tilespmem:s13+$0xE030] =	vst v3;
	v3 =	vadd.f32 v7, v6;
	v7 =	vld [tilespmem:s13+$0x2850]  }
0x2cb: {  	[tilespmem:s13+$0xE830] =	vst v1;
	v1 =	vadd.f32 v61, v6;
	v6 =	vld [tilespmem:s13+$0xE050]  }
0x2cc: {  	[tilespmem:s13+$0xF030] =	vst v3;
	v3 =	vadd.f32 v5, v4;
	v5 =	vld [tilespmem:s13+$0xE850]  }
0x2cd: {  	[tilespmem:s13+$0xF830] =	vst v1;
	v1 =	vadd.f32 v2, v4;
	v2 =	vld [tilespmem:s13+$0xF050]  }
0x2ce: {  	[tilespmem:s13+$0xE040] =	vst v3;
	v3 =	vadd.f32 v8, v4;
	v8 =	vld [tilespmem:s13+$0xF850]  }
0x2cf: {  	v63 =	vld [tilespmem:s13+$0xE060];
	v4 =	vadd.f32 v62, v4;
	[tilespmem:s13+$0xE840] =	vst v1  }
0x2d0: {  	v1 =	vld [tilespmem:s13+$0x2860];
	[tilespmem:s13+$0xF040] =	vst v3;
	v3 =	vadd.f32 v6, v7  }
0x2d1: {  	[tilespmem:s13+$0xF840] =	vst v4;
	v4 =	vadd.f32 v5, v7;
	v6 =	vld [tilespmem:s13+$0xE860]  }
0x2d2: {  	[tilespmem:s13+$0xE050] =	vst v3;
	v2 =	vadd.f32 v2, v7;
	v3 =	vld [tilespmem:s13+$0xF060]  }
0x2d3: {  	[tilespmem:s13+$0xE850] =	vst v4;
	v5 =	vadd.f32 v8, v7;
	v4 =	vld [tilespmem:s13+$0xF860]  }
0x2d4: {  	[tilespmem:s13+$0xF050] =	vst v2;
	v2 =	vld [tilespmem:s13+$0xE070]  }
0x2d5: {  	s19 =	simm.s32 $0x0;
	s21 =	simm.s32 $0x200;
	[tilespmem:s13+$0xF850] =	vst v5;
	v7 =	vadd.f32 v63, v1;
	v5 =	vld [tilespmem:s13+$0xE870]  }
.LBB2_13:
0x2d6: {  	s22 =	sshra.s32 s21, $0x2;
	v6 =	vadd.f32 v6, v1;
	v8 =	vld [tilespmem:s13+$0xF070]  }
0x2d7: {  	s19 =	sadd.s32 $0x8, s19;
	v9 =	vld [tilespmem:s22+$0x2870];
	[tilespmem:s13+$0xE060] =	vst v7;
	v3 =	vadd.f32 v3, v1  }
0x2d8: {  	p1 =	slt.u32 s19, $0x78;
	v7 =	vld [tilespmem:s22+$0xF870];
	[tilespmem:s13+$0xE860] =	vst v6;
	v1 =	vadd.f32 v4, v1  }
0x2d9: {  	v4 =	vld [tilespmem:s22+$0x2800];
	[tilespmem:s13+$0xF060] =	vst v3;
	v2 =	vadd.f32 v2, v0  }
0x2da: {  	v3 =	vld [tilespmem:s22+$0xE000];
	[tilespmem:s13+$0xF860] =	vst v1;
	v1 =	vadd.f32 v5, v0  }
0x2db: {  	v5 =	vld [tilespmem:s22+$0xE800];
	[tilespmem:s13+$0xE070] =	vst v2;
	v2 =	vadd.f32 v8, v0  }
0x2dc: {  	v6 =	vld [tilespmem:s22+$0xF000];
	[tilespmem:s13+$0xE870] =	vst v1;
	v0 =	vmov v9  }
0x2dd: {  	v1 =	vld [tilespmem:s22+$0xF800];
	v7 =	vadd.f32 v7, v0;
	[tilespmem:s13+$0xF070] =	vst v2;
	s13 =	smov.u32 s22  }
0x2de: {  	v2 =	vld [tilespmem:s13+$0x2810]  }
0x2df: {  	v3 =	vadd.f32 v3, v4;
	v8 =	vld [tilespmem:s13+$0xE010];
	[tilespmem:s13+$0xF870] =	vst v7  }
0x2e0: {  	v5 =	vadd.f32 v5, v4;
	v7 =	vld [tilespmem:s13+$0xE810]  }
0x2e1: {  	[tilespmem:s13+$0xE000] =	vst v3;
	v3 =	vadd.f32 v6, v4;
	v6 =	vld [tilespmem:s13+$0xF010]  }
0x2e2: {  	[tilespmem:s13+$0xE800] =	vst v5;
	v1 =	vadd.f32 v1, v4;
	v4 =	vld [tilespmem:s13+$0xF810]  }
0x2e3: {  	[tilespmem:s13+$0xF000] =	vst v3;
	v3 =	vld [tilespmem:s13+$0x2820]  }
0x2e4: {  	[tilespmem:s13+$0xF800] =	vst v1;
	v1 =	vadd.f32 v8, v2;
	v5 =	vld [tilespmem:s13+$0xE020]  }
0x2e5: {  	v7 =	vadd.f32 v7, v2;
	v8 =	vld [tilespmem:s13+$0xE820]  }
0x2e6: {  	[tilespmem:s13+$0xE010] =	vst v1;
	v1 =	vadd.f32 v6, v2;
	v6 =	vld [tilespmem:s13+$0xF020]  }
0x2e7: {  	[tilespmem:s13+$0xE810] =	vst v7;
	v2 =	vadd.f32 v4, v2;
	v4 =	vld [tilespmem:s13+$0xF820]  }
0x2e8: {  	[tilespmem:s13+$0xF010] =	vst v1;
	v1 =	vld [tilespmem:s13+$0x2830]  }
0x2e9: {  	[tilespmem:s13+$0xF810] =	vst v2;
	v2 =	vadd.f32 v5, v3;
	v5 =	vld [tilespmem:s13+$0xE030]  }
0x2ea: {  	v7 =	vadd.f32 v8, v3;
	v8 =	vld [tilespmem:s13+$0xE830]  }
0x2eb: {  	[tilespmem:s13+$0xE020] =	vst v2;
	v2 =	vadd.f32 v6, v3;
	v6 =	vld [tilespmem:s13+$0xF030]  }
0x2ec: {  	[tilespmem:s13+$0xE820] =	vst v7;
	v3 =	vadd.f32 v4, v3;
	v4 =	vld [tilespmem:s13+$0xF830]  }
0x2ed: {  	[tilespmem:s13+$0xF020] =	vst v2;
	v2 =	vld [tilespmem:s13+$0x2840]  }
0x2ee: {  	[tilespmem:s13+$0xF820] =	vst v3;
	v3 =	vadd.f32 v5, v1;
	v5 =	vld [tilespmem:s13+$0xE040]  }
0x2ef: {  	v7 =	vadd.f32 v8, v1;
	v8 =	vld [tilespmem:s13+$0xE840]  }
0x2f0: {  	[tilespmem:s13+$0xE030] =	vst v3;
	v3 =	vadd.f32 v6, v1;
	v6 =	vld [tilespmem:s13+$0xF040]  }
0x2f1: {  	[tilespmem:s13+$0xE830] =	vst v7;
	v1 =	vadd.f32 v4, v1;
	v4 =	vld [tilespmem:s13+$0xF840]  }
0x2f2: {  	[tilespmem:s13+$0xF030] =	vst v3;
	v7 =	vld [tilespmem:s13+$0x2850]  }
0x2f3: {  	[tilespmem:s13+$0xF830] =	vst v1;
	v1 =	vadd.f32 v5, v2;
	v3 =	vld [tilespmem:s13+$0xE050]  }
0x2f4: {  	v5 =	vadd.f32 v8, v2;
	v8 =	vld [tilespmem:s13+$0xE850]  }
0x2f5: {  	[tilespmem:s13+$0xE040] =	vst v1;
	v1 =	vadd.f32 v6, v2;
	v9 =	vld [tilespmem:s13+$0xF050]  }
0x2f6: {  	[tilespmem:s13+$0xE840] =	vst v5;
	v2 =	vadd.f32 v4, v2;
	v4 =	vld [tilespmem:s13+$0xF850]  }
0x2f7: {  	[tilespmem:s13+$0xF040] =	vst v1;
	v1 =	vld [tilespmem:s13+$0x2860]  }
0x2f8: {  	[tilespmem:s13+$0xF840] =	vst v2;
	v2 =	vadd.f32 v3, v7;
	v5 =	vld [tilespmem:s13+$0xE060]  }
.Ltmp7:
0x2f9: {  	v8 =	vadd.f32 v8, v7;
	v6 =	vld [tilespmem:s13+$0xE860];
	(pc) =	sbr.rel @p1 .LBB2_13-.Ltmp7, $4  }
0x2fa: {  	[tilespmem:s13+$0xE050] =	vst v2;
	v2 =	vadd.f32 v9, v7;
	v3 =	vld [tilespmem:s13+$0xF060]  }
0x2fb: {  	[tilespmem:s13+$0xE850] =	vst v8;
	v7 =	vadd.f32 v4, v7;
	v4 =	vld [tilespmem:s13+$0xF860]  }
0x2fc: {  	[tilespmem:s13+$0xF050] =	vst v2;
	v2 =	vld [tilespmem:s13+$0xE070]  }
0x2fd: {  	s21 =	sadd.s32 $0x200, s21;
	[tilespmem:s13+$0xF850] =	vst v7;
	v7 =	vadd.f32 v5, v1;
	v5 =	vld [tilespmem:s13+$0xE870]  }
0x2fe: {  	v6 =	vadd.f32 v6, v1;
	v8 =	vld [tilespmem:s13+$0xF070]  }
0x2ff: {  	[tilespmem:s13+$0xE060] =	vst v7;
	v3 =	vadd.f32 v3, v1  }
0x300: {  	[tilespmem:s13+$0xE860] =	vst v6;
	v1 =	vadd.f32 v4, v1  }
0x301: {  	[tilespmem:s13+$0xF060] =	vst v3;
	v2 =	vadd.f32 v2, v0  }
0x302: {  	[tilespmem:s13+$0xF860] =	vst v1;
	v1 =	vadd.f32 v5, v0  }
0x303: {  	[tilespmem:s13+$0xE070] =	vst v2;
	v0 =	vadd.f32 v8, v0  }
0x304: {  	[tilespmem:s13+$0xE870] =	vst v1  }
0x305: {  	s9 =	sadd.s32 s4, s9;
	s22 =	simm.s32 $0xE000;
	[tilespmem:s13+$0xF070] =	vst v0  }
0x306: {  	[hbm4b:s9+s2] =	stream.strided.scatter [tilespmem:s22], [sflag:$0xE], $0x800, s5, s2, $0x38;
	[tilespmem:$0x14000] =	vst v63  }
0x307: {  	s19 =	simm.s32 $0xE800;
	s23 =	sadd.s32 $0x80000, s9  }
0x308: {  	[hbm4b:s23+s2] =	stream.strided.scatter [tilespmem:s19], [sflag:$0xE], $0x800, s5, s2, $0x38;
	[tilespmem:$0x14000] =	vst v63  }
0x309: {  	s21 =	sadd.s32 $0x100000, s9;
	s22 =	simm.s32 $0xF000  }
0x30a: {  	[hbm4b:s21+s2] =	stream.strided.scatter [tilespmem:s22], [sflag:$0xE], $0x800, s5, s2, $0x38;
	[tilespmem:$0x14000] =	vst v63  }
0x30b: {  	s13 =	simm.s32 @!p0 $0xA;
	s9 =	sadd.s32 $0x180000, s9;
	s23 =	simm.s32 $0xF800  }
0x30c: {  	[hbm4b:s9+s2] =	stream.strided.scatter [tilespmem:s23], [sflag:$0xE], $0x800, s5, s2, $0x38;
	[tilespmem:$0x14000] =	vst v63  }
0x30d: {  	s19 =	simm.s32 @!p0 $0x80;
	s9 =	sand.u32 @!p0 $0xFF800, s11;
	_ =	swait.ge @!p0 [sflag:s13], $0x2000  }
0x30e: {  	s21 =	simm.s32 @!p0 $0x400;
	s11 =	sor.u32 @!p0 $0x10, s9;
	[sflag:s13] =	ssyncset.done @!p0 $0x0  }
0x30f: {  	s22 =	simm.s32 @!p0 $0x800;
	[sflag:s13] =	ssyncadd.s32 @!p0 $0xFFFFE000;
	s13 =	sadd.s32 @!p0 s3, s11  }
0x310: {  	[tilespmem:s22], [sflag:$0x2] =	stream.strided.gather @!p0 [hbm4b:s13+s19], $0x800, s21, s19, $0x38;
	[tilespmem:$0x14000] =	vst v63  }
0x311: {  	s11 =	sadd.s32 @!p0 s1, s11;
	s13 =	simm.s32 @!p0 $0x6000  }
0x312: {  	[tilespmem:s13], [sflag:$0x2] =	stream.strided.gather @!p0 [hbm4b:s11+s19], $0x800, s21, s19, $0x38;
	[tilespmem:$0x14000] =	vst v63  }
0x313: {  	s22 =	simm.s32 @!p0 $0x6800;
	s13 =	sadd.s32 @!p0 $0x80000, s11  }
0x314: {  	[tilespmem:s22], [sflag:$0x2] =	stream.strided.gather @!p0 [hbm4b:s13+s19], $0x800, s21, s19, $0x38;
	[tilespmem:$0x14000] =	vst v63  }
0x315: {  	s13 =	sadd.s32 @!p0 $0x100000, s11;
	s22 =	simm.s32 @!p0 $0x7000  }
0x316: {  	[tilespmem:s22], [sflag:$0x2] =	stream.strided.gather @!p0 [hbm4b:s13+s19], $0x800, s21, s19, $0x38;
	[tilespmem:$0x14000] =	vst v63  }
0x317: {  	s11 =	sadd.s32 @!p0 $0x180000, s11;
	s13 =	simm.s32 @!p0 $0x7800  }
0x318: {  	[tilespmem:s13], [sflag:$0x2] =	stream.strided.gather @!p0 [hbm4b:s11+s19], $0x800, s21, s19, $0x38;
	[tilespmem:$0x14000] =	vst v63  }
0x319: {  	_ =	swait.ge [sflag:s30], $0x800  }
0x31a: {  	[sflag:s30] =	ssyncset.done $0x0  }
0x31b: {  	[sflag:s30] =	ssyncadd.s32 $0xFFFFF800  }
0x31c: {  	_ =	swait.ge [sflag:s30], $0x2000  }
0x31d: {  	[sflag:s30] =	ssyncset.done $0x0  }
0x31e: {  	s11 =	simm.s32 $0x0;
	[sflag:s30] =	ssyncadd.s32 $0xFFFFE000  }
0x31f: {  	v0 =	vld [tilespmem:s11+$0x3070]  }
0x320: {  	v1 =	vld [tilespmem:s11+$0x11870]  }
0x321: {  	v2 =	vld [tilespmem:s11+$0x3000]  }
0x322: {  	v3 =	vld [tilespmem:s11+$0x10000]  }
0x323: {  	v4 =	vld [tilespmem:s11+$0x10800]  }
0x324: {  	v5 =	vld [tilespmem:s11+$0x11000]  }
0x325: {  	v6 =	vld [tilespmem:s11+$0x11800]  }
0x326: {  	v7 =	vld [tilespmem:s11+$0x3010]  }
0x327: {  	v8 =	vld [tilespmem:s11+$0x10010]  }
0x328: {  	v9 =	vld [tilespmem:s11+$0x10810]  }
0x329: {  	v10 =	vld [tilespmem:s11+$0x11010]  }
0x32a: {  	v11 =	vld [tilespmem:s11+$0x11810]  }
0x32b: {  	v12 =	vld [tilespmem:s11+$0x3020];
	v1 =	vadd.f32 v1, v0  }
0x32c: {  	v13 =	vld [tilespmem:s11+$0x10020];
	v3 =	vadd.f32 v3, v2  }
0x32d: {  	v60 =	vld [tilespmem:s11+$0x10830];
	[tilespmem:s11+$0x11870] =	vst v1;
	v1 =	vadd.f32 v4, v2  }
0x32e: {  	v61 =	vld [tilespmem:s11+$0x11830];
	[tilespmem:s11+$0x10000] =	vst v3;
	v3 =	vadd.f32 v5, v2  }
0x32f: {  	v4 =	vld [tilespmem:s11+$0x10820];
	[tilespmem:s11+$0x10800] =	vst v1;
	v1 =	vadd.f32 v6, v2  }
0x330: {  	v5 =	vld [tilespmem:s11+$0x11020];
	[tilespmem:s11+$0x11000] =	vst v3;
	v3 =	vadd.f32 v8, v7  }
0x331: {  	v2 =	vld [tilespmem:s11+$0x11820];
	[tilespmem:s11+$0x11800] =	vst v1;
	v1 =	vadd.f32 v9, v7  }
0x332: {  	v6 =	vld [tilespmem:s11+$0x3030];
	[tilespmem:s11+$0x10010] =	vst v3;
	v3 =	vadd.f32 v10, v7  }
0x333: {  	v8 =	vld [tilespmem:s11+$0x10030];
	[tilespmem:s11+$0x10810] =	vst v1;
	v1 =	vadd.f32 v11, v7  }
0x334: {  	v62 =	vld [tilespmem:s11+$0x11840];
	[tilespmem:s11+$0x11010] =	vst v3;
	v3 =	vadd.f32 v13, v12  }
0x335: {  	v7 =	vld [tilespmem:s11+$0x11030];
	[tilespmem:s11+$0x11810] =	vst v1;
	v1 =	vadd.f32 v4, v12  }
0x336: {  	v4 =	vld [tilespmem:s11+$0x3040];
	[tilespmem:s11+$0x10020] =	vst v3;
	v3 =	vadd.f32 v5, v12  }
0x337: {  	v5 =	vld [tilespmem:s11+$0x10040];
	[tilespmem:s11+$0x10820] =	vst v1;
	v1 =	vadd.f32 v2, v12  }
0x338: {  	v2 =	vld [tilespmem:s11+$0x10840];
	[tilespmem:s11+$0x11020] =	vst v3;
	v3 =	vadd.f32 v8, v6  }
0x339: {  	v8 =	vld [tilespmem:s11+$0x11040];
	[tilespmem:s11+$0x11820] =	vst v1;
	v1 =	vadd.f32 v60, v6  }
0x33a: {  	[tilespmem:s11+$0x10030] =	vst v3;
	v3 =	vadd.f32 v7, v6;
	v7 =	vld [tilespmem:s11+$0x3050]  }
0x33b: {  	[tilespmem:s11+$0x10830] =	vst v1;
	v1 =	vadd.f32 v61, v6;
	v6 =	vld [tilespmem:s11+$0x10050]  }
0x33c: {  	[tilespmem:s11+$0x11030] =	vst v3;
	v3 =	vadd.f32 v5, v4;
	v5 =	vld [tilespmem:s11+$0x10850]  }
0x33d: {  	[tilespmem:s11+$0x11830] =	vst v1;
	v1 =	vadd.f32 v2, v4;
	v2 =	vld [tilespmem:s11+$0x11050]  }
0x33e: {  	[tilespmem:s11+$0x10040] =	vst v3;
	v3 =	vadd.f32 v8, v4;
	v8 =	vld [tilespmem:s11+$0x11850]  }
0x33f: {  	v63 =	vld [tilespmem:s11+$0x10060];
	v4 =	vadd.f32 v62, v4;
	[tilespmem:s11+$0x10840] =	vst v1  }
0x340: {  	v1 =	vld [tilespmem:s11+$0x3060];
	[tilespmem:s11+$0x11040] =	vst v3;
	v3 =	vadd.f32 v6, v7  }
0x341: {  	[tilespmem:s11+$0x11840] =	vst v4;
	v4 =	vadd.f32 v5, v7;
	v6 =	vld [tilespmem:s11+$0x10860]  }
0x342: {  	[tilespmem:s11+$0x10050] =	vst v3;
	v2 =	vadd.f32 v2, v7;
	v3 =	vld [tilespmem:s11+$0x11060]  }
0x343: {  	[tilespmem:s11+$0x10850] =	vst v4;
	v5 =	vadd.f32 v8, v7;
	v4 =	vld [tilespmem:s11+$0x11860]  }
0x344: {  	[tilespmem:s11+$0x11050] =	vst v2;
	v2 =	vld [tilespmem:s11+$0x10070]  }
0x345: {  	s13 =	simm.s32 $0x0;
	s19 =	simm.s32 $0x200;
	[tilespmem:s11+$0x11850] =	vst v5;
	v7 =	vadd.f32 v63, v1;
	v5 =	vld [tilespmem:s11+$0x10870]  }
.LBB2_15:
0x346: {  	s21 =	sshra.s32 s19, $0x2;
	v6 =	vadd.f32 v6, v1;
	v8 =	vld [tilespmem:s11+$0x11070]  }
0x347: {  	s13 =	sadd.s32 $0x8, s13;
	v9 =	vld [tilespmem:s21+$0x3070];
	[tilespmem:s11+$0x10060] =	vst v7;
	v3 =	vadd.f32 v3, v1  }
0x348: {  	p1 =	slt.u32 s13, $0x78;
	v7 =	vld [tilespmem:s21+$0x11870];
	[tilespmem:s11+$0x10860] =	vst v6;
	v1 =	vadd.f32 v4, v1  }
0x349: {  	v4 =	vld [tilespmem:s21+$0x3000];
	[tilespmem:s11+$0x11060] =	vst v3;
	v2 =	vadd.f32 v2, v0  }
0x34a: {  	v3 =	vld [tilespmem:s21+$0x10000];
	[tilespmem:s11+$0x11860] =	vst v1;
	v1 =	vadd.f32 v5, v0  }
0x34b: {  	v5 =	vld [tilespmem:s21+$0x10800];
	[tilespmem:s11+$0x10070] =	vst v2;
	v2 =	vadd.f32 v8, v0  }
0x34c: {  	v6 =	vld [tilespmem:s21+$0x11000];
	[tilespmem:s11+$0x10870] =	vst v1;
	v0 =	vmov v9  }
0x34d: {  	v1 =	vld [tilespmem:s21+$0x11800];
	v7 =	vadd.f32 v7, v0;
	[tilespmem:s11+$0x11070] =	vst v2;
	s11 =	smov.u32 s21  }
0x34e: {  	v2 =	vld [tilespmem:s11+$0x3010]  }
0x34f: {  	v3 =	vadd.f32 v3, v4;
	v8 =	vld [tilespmem:s11+$0x10010];
	[tilespmem:s11+$0x11870] =	vst v7  }
0x350: {  	v5 =	vadd.f32 v5, v4;
	v7 =	vld [tilespmem:s11+$0x10810]  }
0x351: {  	[tilespmem:s11+$0x10000] =	vst v3;
	v3 =	vadd.f32 v6, v4;
	v6 =	vld [tilespmem:s11+$0x11010]  }
0x352: {  	[tilespmem:s11+$0x10800] =	vst v5;
	v1 =	vadd.f32 v1, v4;
	v4 =	vld [tilespmem:s11+$0x11810]  }
0x353: {  	[tilespmem:s11+$0x11000] =	vst v3;
	v3 =	vld [tilespmem:s11+$0x3020]  }
0x354: {  	[tilespmem:s11+$0x11800] =	vst v1;
	v1 =	vadd.f32 v8, v2;
	v5 =	vld [tilespmem:s11+$0x10020]  }
0x355: {  	v7 =	vadd.f32 v7, v2;
	v8 =	vld [tilespmem:s11+$0x10820]  }
0x356: {  	[tilespmem:s11+$0x10010] =	vst v1;
	v1 =	vadd.f32 v6, v2;
	v6 =	vld [tilespmem:s11+$0x11020]  }
0x357: {  	[tilespmem:s11+$0x10810] =	vst v7;
	v2 =	vadd.f32 v4, v2;
	v4 =	vld [tilespmem:s11+$0x11820]  }
0x358: {  	[tilespmem:s11+$0x11010] =	vst v1;
	v1 =	vld [tilespmem:s11+$0x3030]  }
0x359: {  	[tilespmem:s11+$0x11810] =	vst v2;
	v2 =	vadd.f32 v5, v3;
	v5 =	vld [tilespmem:s11+$0x10030]  }
0x35a: {  	v7 =	vadd.f32 v8, v3;
	v8 =	vld [tilespmem:s11+$0x10830]  }
0x35b: {  	[tilespmem:s11+$0x10020] =	vst v2;
	v2 =	vadd.f32 v6, v3;
	v6 =	vld [tilespmem:s11+$0x11030]  }
0x35c: {  	[tilespmem:s11+$0x10820] =	vst v7;
	v3 =	vadd.f32 v4, v3;
	v4 =	vld [tilespmem:s11+$0x11830]  }
0x35d: {  	[tilespmem:s11+$0x11020] =	vst v2;
	v2 =	vld [tilespmem:s11+$0x3040]  }
0x35e: {  	[tilespmem:s11+$0x11820] =	vst v3;
	v3 =	vadd.f32 v5, v1;
	v5 =	vld [tilespmem:s11+$0x10040]  }
0x35f: {  	v7 =	vadd.f32 v8, v1;
	v8 =	vld [tilespmem:s11+$0x10840]  }
0x360: {  	[tilespmem:s11+$0x10030] =	vst v3;
	v3 =	vadd.f32 v6, v1;
	v6 =	vld [tilespmem:s11+$0x11040]  }
0x361: {  	[tilespmem:s11+$0x10830] =	vst v7;
	v1 =	vadd.f32 v4, v1;
	v4 =	vld [tilespmem:s11+$0x11840]  }
0x362: {  	[tilespmem:s11+$0x11030] =	vst v3;
	v7 =	vld [tilespmem:s11+$0x3050]  }
0x363: {  	[tilespmem:s11+$0x11830] =	vst v1;
	v1 =	vadd.f32 v5, v2;
	v3 =	vld [tilespmem:s11+$0x10050]  }
0x364: {  	v5 =	vadd.f32 v8, v2;
	v8 =	vld [tilespmem:s11+$0x10850]  }
0x365: {  	[tilespmem:s11+$0x10040] =	vst v1;
	v1 =	vadd.f32 v6, v2;
	v9 =	vld [tilespmem:s11+$0x11050]  }
0x366: {  	[tilespmem:s11+$0x10840] =	vst v5;
	v2 =	vadd.f32 v4, v2;
	v4 =	vld [tilespmem:s11+$0x11850]  }
0x367: {  	[tilespmem:s11+$0x11040] =	vst v1;
	v1 =	vld [tilespmem:s11+$0x3060]  }
0x368: {  	[tilespmem:s11+$0x11840] =	vst v2;
	v2 =	vadd.f32 v3, v7;
	v5 =	vld [tilespmem:s11+$0x10060]  }
.Ltmp8:
0x369: {  	v8 =	vadd.f32 v8, v7;
	v6 =	vld [tilespmem:s11+$0x10860];
	(pc) =	sbr.rel @p1 .LBB2_15-.Ltmp8, $4  }
0x36a: {  	[tilespmem:s11+$0x10050] =	vst v2;
	v2 =	vadd.f32 v9, v7;
	v3 =	vld [tilespmem:s11+$0x11060]  }
0x36b: {  	[tilespmem:s11+$0x10850] =	vst v8;
	v7 =	vadd.f32 v4, v7;
	v4 =	vld [tilespmem:s11+$0x11860]  }
0x36c: {  	[tilespmem:s11+$0x11050] =	vst v2;
	v2 =	vld [tilespmem:s11+$0x10070]  }
0x36d: {  	s19 =	sadd.s32 $0x200, s19;
	[tilespmem:s11+$0x11850] =	vst v7;
	v7 =	vadd.f32 v5, v1;
	v5 =	vld [tilespmem:s11+$0x10870]  }
0x36e: {  	v6 =	vadd.f32 v6, v1;
	v8 =	vld [tilespmem:s11+$0x11070]  }
0x36f: {  	[tilespmem:s11+$0x10060] =	vst v7;
	v3 =	vadd.f32 v3, v1  }
0x370: {  	[tilespmem:s11+$0x10860] =	vst v6;
	v1 =	vadd.f32 v4, v1  }
0x371: {  	[tilespmem:s11+$0x11060] =	vst v3;
	v2 =	vadd.f32 v2, v0  }
0x372: {  	[tilespmem:s11+$0x11860] =	vst v1;
	v1 =	vadd.f32 v5, v0  }
0x373: {  	[tilespmem:s11+$0x10070] =	vst v2;
	v0 =	vadd.f32 v8, v0  }
0x374: {  	[tilespmem:s11+$0x10870] =	vst v1  }
0x375: {  	s10 =	sadd.s32 s4, s10;
	s22 =	simm.s32 $0x10000;
	[tilespmem:s11+$0x11070] =	vst v0  }
0x376: {  	[hbm4b:s10+s2] =	stream.strided.scatter [tilespmem:s22], [sflag:$0xF], $0x800, s5, s2, $0x38;
	[tilespmem:$0x14000] =	vst v63  }
0x377: {  	s13 =	simm.s32 $0x10800;
	s19 =	sadd.s32 $0x80000, s10  }
0x378: {  	[hbm4b:s19+s2] =	stream.strided.scatter [tilespmem:s13], [sflag:$0xF], $0x800, s5, s2, $0x38;
	[tilespmem:$0x14000] =	vst v63  }
0x379: {  	s23 =	simm.s32 $0x11000;
	s21 =	sadd.s32 $0x100000, s10  }
0x37a: {  	[hbm4b:s21+s2] =	stream.strided.scatter [tilespmem:s23], [sflag:$0xF], $0x800, s5, s2, $0x38;
	[tilespmem:$0x14000] =	vst v63  }
0x37b: {  	s10 =	sadd.s32 $0x180000, s10  }
0x37c: {  	[hbm4b:s10+s2] =	stream.strided.scatter [tilespmem:s24], [sflag:$0xF], $0x800, s5, s2, $0x38;
	[tilespmem:$0x14000] =	vst v63  }
0x37d: {  	s10 =	simm.s32 @!p0 $0xB  }
0x37e: {  	s9 =	sor.u32 @!p0 $0x20, s9;
	_ =	swait.ge @!p0 [sflag:s10], $0x2000  }
0x37f: {  	s11 =	simm.s32 @!p0 $0x80;
	s13 =	simm.s32 @!p0 $0x400;
	[sflag:s10] =	ssyncset.done @!p0 $0x0  }
0x380: {  	s19 =	simm.s32 @!p0 $0x1000;
	[sflag:s10] =	ssyncadd.s32 @!p0 $0xFFFFE000;
	s10 =	sadd.s32 @!p0 s3, s9  }
0x381: {  	[tilespmem:s19], [sflag:$0x3] =	stream.strided.gather @!p0 [hbm4b:s10+s11], $0x800, s13, s11, $0x38;
	[tilespmem:$0x14000] =	vst v63  }
0x382: {  	s9 =	sadd.s32 @!p0 s1, s9;
	s10 =	simm.s32 @!p0 $0x8000  }
0x383: {  	[tilespmem:s10], [sflag:$0x3] =	stream.strided.gather @!p0 [hbm4b:s9+s11], $0x800, s13, s11, $0x38;
	[tilespmem:$0x14000] =	vst v63  }
0x384: {  	s19 =	simm.s32 @!p0 $0x8800;
	s10 =	sadd.s32 @!p0 $0x80000, s9  }
0x385: {  	[tilespmem:s19], [sflag:$0x3] =	stream.strided.gather @!p0 [hbm4b:s10+s11], $0x800, s13, s11, $0x38;
	[tilespmem:$0x14000] =	vst v63  }
0x386: {  	s10 =	sadd.s32 @!p0 $0x100000, s9;
	s19 =	simm.s32 @!p0 $0x9000  }
0x387: {  	[tilespmem:s19], [sflag:$0x3] =	stream.strided.gather @!p0 [hbm4b:s10+s11], $0x800, s13, s11, $0x38;
	[tilespmem:$0x14000] =	vst v63  }
0x388: {  	s9 =	sadd.s32 @!p0 $0x180000, s9;
	s10 =	simm.s32 @!p0 $0x9800  }
0x389: {  	[tilespmem:s10], [sflag:$0x3] =	stream.strided.gather @!p0 [hbm4b:s9+s11], $0x800, s13, s11, $0x38;
	[tilespmem:$0x14000] =	vst v63  }
0x38a: {  	_ =	swait.ge [sflag:s31], $0x800  }
0x38b: {  	[sflag:s31] =	ssyncset.done $0x0  }
0x38c: {  	[sflag:s31] =	ssyncadd.s32 $0xFFFFF800  }
0x38d: {  	_ =	swait.ge [sflag:s31], $0x2000  }
0x38e: {  	[sflag:s31] =	ssyncset.done $0x0  }
0x38f: {  	s9 =	simm.s32 $0x0;
	[sflag:s31] =	ssyncadd.s32 $0xFFFFE000  }
0x390: {  	v0 =	vld [tilespmem:s9+$0x3870]  }
0x391: {  	v1 =	vld [tilespmem:s9+$0x13870]  }
0x392: {  	v2 =	vld [tilespmem:s9+$0x3800]  }
0x393: {  	v3 =	vld [tilespmem:s9+$0x12000]  }
0x394: {  	v4 =	vld [tilespmem:s9+$0x12800]  }
0x395: {  	v5 =	vld [tilespmem:s9+$0x13000]  }
0x396: {  	v6 =	vld [tilespmem:s9+$0x13800]  }
0x397: {  	v7 =	vld [tilespmem:s9+$0x3810]  }
0x398: {  	v8 =	vld [tilespmem:s9+$0x12010]  }
0x399: {  	v9 =	vld [tilespmem:s9+$0x12810]  }
0x39a: {  	v10 =	vld [tilespmem:s9+$0x13010]  }
0x39b: {  	v11 =	vld [tilespmem:s9+$0x13810]  }
0x39c: {  	v12 =	vld [tilespmem:s9+$0x3820];
	v1 =	vadd.f32 v1, v0  }
0x39d: {  	v13 =	vld [tilespmem:s9+$0x12020];
	v3 =	vadd.f32 v3, v2  }
0x39e: {  	v60 =	vld [tilespmem:s9+$0x12830];
	[tilespmem:s9+$0x13870] =	vst v1;
	v1 =	vadd.f32 v4, v2  }
0x39f: {  	v61 =	vld [tilespmem:s9+$0x13830];
	[tilespmem:s9+$0x12000] =	vst v3;
	v3 =	vadd.f32 v5, v2  }
0x3a0: {  	v4 =	vld [tilespmem:s9+$0x12820];
	[tilespmem:s9+$0x12800] =	vst v1;
	v1 =	vadd.f32 v6, v2  }
0x3a1: {  	v5 =	vld [tilespmem:s9+$0x13020];
	[tilespmem:s9+$0x13000] =	vst v3;
	v3 =	vadd.f32 v8, v7  }
0x3a2: {  	v2 =	vld [tilespmem:s9+$0x13820];
	[tilespmem:s9+$0x13800] =	vst v1;
	v1 =	vadd.f32 v9, v7  }
0x3a3: {  	v6 =	vld [tilespmem:s9+$0x3830];
	[tilespmem:s9+$0x12010] =	vst v3;
	v3 =	vadd.f32 v10, v7  }
0x3a4: {  	v8 =	vld [tilespmem:s9+$0x12030];
	[tilespmem:s9+$0x12810] =	vst v1;
	v1 =	vadd.f32 v11, v7  }
0x3a5: {  	v62 =	vld [tilespmem:s9+$0x13840];
	[tilespmem:s9+$0x13010] =	vst v3;
	v3 =	vadd.f32 v13, v12  }
0x3a6: {  	v7 =	vld [tilespmem:s9+$0x13030];
	[tilespmem:s9+$0x13810] =	vst v1;
	v1 =	vadd.f32 v4, v12  }
0x3a7: {  	v4 =	vld [tilespmem:s9+$0x3840];
	[tilespmem:s9+$0x12020] =	vst v3;
	v3 =	vadd.f32 v5, v12  }
0x3a8: {  	v5 =	vld [tilespmem:s9+$0x12040];
	[tilespmem:s9+$0x12820] =	vst v1;
	v1 =	vadd.f32 v2, v12  }
0x3a9: {  	v2 =	vld [tilespmem:s9+$0x12840];
	[tilespmem:s9+$0x13020] =	vst v3;
	v3 =	vadd.f32 v8, v6  }
0x3aa: {  	v8 =	vld [tilespmem:s9+$0x13040];
	[tilespmem:s9+$0x13820] =	vst v1;
	v1 =	vadd.f32 v60, v6  }
0x3ab: {  	[tilespmem:s9+$0x12030] =	vst v3;
	v3 =	vadd.f32 v7, v6;
	v7 =	vld [tilespmem:s9+$0x3850]  }
0x3ac: {  	[tilespmem:s9+$0x12830] =	vst v1;
	v1 =	vadd.f32 v61, v6;
	v6 =	vld [tilespmem:s9+$0x12050]  }
0x3ad: {  	[tilespmem:s9+$0x13030] =	vst v3;
	v3 =	vadd.f32 v5, v4;
	v5 =	vld [tilespmem:s9+$0x12850]  }
0x3ae: {  	[tilespmem:s9+$0x13830] =	vst v1;
	v1 =	vadd.f32 v2, v4;
	v2 =	vld [tilespmem:s9+$0x13050]  }
0x3af: {  	[tilespmem:s9+$0x12040] =	vst v3;
	v3 =	vadd.f32 v8, v4;
	v8 =	vld [tilespmem:s9+$0x13850]  }
0x3b0: {  	v63 =	vld [tilespmem:s9+$0x12060];
	v4 =	vadd.f32 v62, v4;
	[tilespmem:s9+$0x12840] =	vst v1  }
0x3b1: {  	v1 =	vld [tilespmem:s9+$0x3860];
	[tilespmem:s9+$0x13040] =	vst v3;
	v3 =	vadd.f32 v6, v7  }
0x3b2: {  	[tilespmem:s9+$0x13840] =	vst v4;
	v4 =	vadd.f32 v5, v7;
	v6 =	vld [tilespmem:s9+$0x12860]  }
0x3b3: {  	[tilespmem:s9+$0x12050] =	vst v3;
	v2 =	vadd.f32 v2, v7;
	v3 =	vld [tilespmem:s9+$0x13060]  }
0x3b4: {  	[tilespmem:s9+$0x12850] =	vst v4;
	v5 =	vadd.f32 v8, v7;
	v4 =	vld [tilespmem:s9+$0x13860]  }
0x3b5: {  	[tilespmem:s9+$0x13050] =	vst v2;
	v2 =	vld [tilespmem:s9+$0x12070]  }
0x3b6: {  	s23 =	simm.s32 $0xA000;
	s10 =	simm.s32 $0x0;
	s11 =	simm.s32 $0x200;
	[tilespmem:s9+$0x13850] =	vst v5;
	v7 =	vadd.f32 v63, v1;
	v5 =	vld [tilespmem:s9+$0x12870]  }
.LBB2_17:
0x3b7: {  	s13 =	sshra.s32 s11, $0x2;
	v6 =	vadd.f32 v6, v1;
	v8 =	vld [tilespmem:s9+$0x13070]  }
0x3b8: {  	s10 =	sadd.s32 $0x8, s10;
	v9 =	vld [tilespmem:s13+$0x3870];
	[tilespmem:s9+$0x12060] =	vst v7;
	v3 =	vadd.f32 v3, v1  }
0x3b9: {  	p1 =	slt.u32 s10, $0x78;
	v7 =	vld [tilespmem:s13+$0x13870];
	[tilespmem:s9+$0x12860] =	vst v6;
	v1 =	vadd.f32 v4, v1  }
0x3ba: {  	v4 =	vld [tilespmem:s13+$0x3800];
	[tilespmem:s9+$0x13060] =	vst v3;
	v2 =	vadd.f32 v2, v0  }
0x3bb: {  	v3 =	vld [tilespmem:s13+$0x12000];
	[tilespmem:s9+$0x13860] =	vst v1;
	v1 =	vadd.f32 v5, v0  }
0x3bc: {  	v5 =	vld [tilespmem:s13+$0x12800];
	[tilespmem:s9+$0x12070] =	vst v2;
	v2 =	vadd.f32 v8, v0  }
0x3bd: {  	v6 =	vld [tilespmem:s13+$0x13000];
	[tilespmem:s9+$0x12870] =	vst v1;
	v0 =	vmov v9  }
0x3be: {  	v1 =	vld [tilespmem:s13+$0x13800];
	v7 =	vadd.f32 v7, v0;
	[tilespmem:s9+$0x13070] =	vst v2;
	s9 =	smov.u32 s13  }
0x3bf: {  	v2 =	vld [tilespmem:s9+$0x3810]  }
0x3c0: {  	v3 =	vadd.f32 v3, v4;
	v8 =	vld [tilespmem:s9+$0x12010];
	[tilespmem:s9+$0x13870] =	vst v7  }
0x3c1: {  	v5 =	vadd.f32 v5, v4;
	v7 =	vld [tilespmem:s9+$0x12810]  }
0x3c2: {  	[tilespmem:s9+$0x12000] =	vst v3;
	v3 =	vadd.f32 v6, v4;
	v6 =	vld [tilespmem:s9+$0x13010]  }
0x3c3: {  	[tilespmem:s9+$0x12800] =	vst v5;
	v1 =	vadd.f32 v1, v4;
	v4 =	vld [tilespmem:s9+$0x13810]  }
0x3c4: {  	[tilespmem:s9+$0x13000] =	vst v3;
	v3 =	vld [tilespmem:s9+$0x3820]  }
0x3c5: {  	[tilespmem:s9+$0x13800] =	vst v1;
	v1 =	vadd.f32 v8, v2;
	v5 =	vld [tilespmem:s9+$0x12020]  }
0x3c6: {  	v7 =	vadd.f32 v7, v2;
	v8 =	vld [tilespmem:s9+$0x12820]  }
0x3c7: {  	[tilespmem:s9+$0x12010] =	vst v1;
	v1 =	vadd.f32 v6, v2;
	v6 =	vld [tilespmem:s9+$0x13020]  }
0x3c8: {  	[tilespmem:s9+$0x12810] =	vst v7;
	v2 =	vadd.f32 v4, v2;
	v4 =	vld [tilespmem:s9+$0x13820]  }
0x3c9: {  	[tilespmem:s9+$0x13010] =	vst v1;
	v1 =	vld [tilespmem:s9+$0x3830]  }
0x3ca: {  	[tilespmem:s9+$0x13810] =	vst v2;
	v2 =	vadd.f32 v5, v3;
	v5 =	vld [tilespmem:s9+$0x12030]  }
0x3cb: {  	v7 =	vadd.f32 v8, v3;
	v8 =	vld [tilespmem:s9+$0x12830]  }
0x3cc: {  	[tilespmem:s9+$0x12020] =	vst v2;
	v2 =	vadd.f32 v6, v3;
	v6 =	vld [tilespmem:s9+$0x13030]  }
0x3cd: {  	[tilespmem:s9+$0x12820] =	vst v7;
	v3 =	vadd.f32 v4, v3;
	v4 =	vld [tilespmem:s9+$0x13830]  }
0x3ce: {  	[tilespmem:s9+$0x13020] =	vst v2;
	v2 =	vld [tilespmem:s9+$0x3840]  }
0x3cf: {  	[tilespmem:s9+$0x13820] =	vst v3;
	v3 =	vadd.f32 v5, v1;
	v5 =	vld [tilespmem:s9+$0x12040]  }
0x3d0: {  	v7 =	vadd.f32 v8, v1;
	v8 =	vld [tilespmem:s9+$0x12840]  }
0x3d1: {  	[tilespmem:s9+$0x12030] =	vst v3;
	v3 =	vadd.f32 v6, v1;
	v6 =	vld [tilespmem:s9+$0x13040]  }
0x3d2: {  	[tilespmem:s9+$0x12830] =	vst v7;
	v1 =	vadd.f32 v4, v1;
	v4 =	vld [tilespmem:s9+$0x13840]  }
0x3d3: {  	[tilespmem:s9+$0x13030] =	vst v3;
	v7 =	vld [tilespmem:s9+$0x3850]  }
0x3d4: {  	[tilespmem:s9+$0x13830] =	vst v1;
	v1 =	vadd.f32 v5, v2;
	v3 =	vld [tilespmem:s9+$0x12050]  }
0x3d5: {  	v5 =	vadd.f32 v8, v2;
	v8 =	vld [tilespmem:s9+$0x12850]  }
0x3d6: {  	[tilespmem:s9+$0x12040] =	vst v1;
	v1 =	vadd.f32 v6, v2;
	v9 =	vld [tilespmem:s9+$0x13050]  }
0x3d7: {  	[tilespmem:s9+$0x12840] =	vst v5;
	v2 =	vadd.f32 v4, v2;
	v4 =	vld [tilespmem:s9+$0x13850]  }
0x3d8: {  	[tilespmem:s9+$0x13040] =	vst v1;
	v1 =	vld [tilespmem:s9+$0x3860]  }
0x3d9: {  	[tilespmem:s9+$0x13840] =	vst v2;
	v2 =	vadd.f32 v3, v7;
	v5 =	vld [tilespmem:s9+$0x12060]  }
.Ltmp9:
0x3da: {  	v8 =	vadd.f32 v8, v7;
	v6 =	vld [tilespmem:s9+$0x12860];
	(pc) =	sbr.rel @p1 .LBB2_17-.Ltmp9, $4  }
0x3db: {  	[tilespmem:s9+$0x12050] =	vst v2;
	v2 =	vadd.f32 v9, v7;
	v3 =	vld [tilespmem:s9+$0x13060]  }
0x3dc: {  	[tilespmem:s9+$0x12850] =	vst v8;
	v7 =	vadd.f32 v4, v7;
	v4 =	vld [tilespmem:s9+$0x13860]  }
0x3dd: {  	[tilespmem:s9+$0x13050] =	vst v2;
	v2 =	vld [tilespmem:s9+$0x12070]  }
0x3de: {  	s11 =	sadd.s32 $0x200, s11;
	[tilespmem:s9+$0x13850] =	vst v7;
	v7 =	vadd.f32 v5, v1;
	v5 =	vld [tilespmem:s9+$0x12870]  }
0x3df: {  	v6 =	vadd.f32 v6, v1;
	v8 =	vld [tilespmem:s9+$0x13070]  }
0x3e0: {  	[tilespmem:s9+$0x12060] =	vst v7;
	v3 =	vadd.f32 v3, v1  }
0x3e1: {  	[tilespmem:s9+$0x12860] =	vst v6;
	v61 =	vadd.f32 v4, v1  }
0x3e2: {  	[tilespmem:s9+$0x13060] =	vst v3;
	v2 =	vadd.f32 v2, v0  }
0x3e3: {  	[tilespmem:s9+$0x13860] =	vst v61;
	v62 =	vadd.f32 v5, v0  }
0x3e4: {  	[tilespmem:s9+$0x12070] =	vst v2;
	v63 =	vadd.f32 v8, v0  }
0x3e5: {  	[tilespmem:s9+$0x12870] =	vst v62  }
0x3e6: {  	s21 =	sadd.s32 s4, s28;
	[tilespmem:s9+$0x13070] =	vst v63  }
0x3e7: {  	[hbm4b:s21+s2] =	stream.strided.scatter [tilespmem:s26], [sflag:$0x10], $0x800, s5, s2, $0x38;
	[tilespmem:$0x14000] =	vst v63  }
0x3e8: {  	s10 =	sadd.s32 $0x80000, s21  }
0x3e9: {  	[hbm4b:s10+s2] =	stream.strided.scatter [tilespmem:s6], [sflag:$0x10], $0x800, s5, s2, $0x38;
	[tilespmem:$0x14000] =	vst v63  }
.Ltmp10:
0x3ea: {  	_ = 	snop;
	(pc) =	sbr.rel @p0 .LBB2_20-.Ltmp10, $4  }
0x3eb: {  	s28 =	sadd.s32 $0x100000, s21  }
0x3ec: {  	[hbm4b:s28+s2] =	stream.strided.scatter [tilespmem:s15], [sflag:$0x10], $0x800, s5, s2, $0x38;
	[tilespmem:$0x14000] =	vst v63  }
0x3ed: {  	s9 =	sadd.s32 $0x180000, s21  }
0x3ee: {  	[hbm4b:s9+s2] =	stream.strided.scatter [tilespmem:s16], [sflag:$0x10], $0x800, s5, s2, $0x38;
	[tilespmem:$0x14000] =	vst v63  }
0x3ef: {  	s9 =	sadd.s32 s14, s18  }
0x3f0: {  	s9 =	sshll.u32 s9, $0x8  }
0x3f1: {  	_ =	swait.ge [sflag:s0], $0x2000;
	s9 =	sand.u32 $0xFF800, s9  }
0x3f2: {  	[sflag:s0] =	ssyncset.done $0x0;
	s9 =	sor.u32 $0x30, s9  }
0x3f3: {  	s11 =	simm.s32 $0x1800;
	[sflag:s0] =	ssyncadd.s32 $0xFFFFE000;
	s10 =	sadd.s32 s3, s9  }
0x3f4: {  	[tilespmem:s11], [sflag:$0x4] =	stream.strided.gather [hbm4b:s10+s2], $0x800, s5, s2, $0x38;
	[tilespmem:$0x14000] =	vst v63  }
0x3f5: {  	s9 =	sadd.s32 s1, s9  }
0x3f6: {  	[tilespmem:s23], [sflag:$0x4] =	stream.strided.gather [hbm4b:s9+s2], $0x800, s5, s2, $0x38;
	[tilespmem:$0x14000] =	vst v63  }
0x3f7: {  	s14 =	simm.s32 $0xA800;
	s13 =	sadd.s32 $0x80000, s9  }
0x3f8: {  	[tilespmem:s14], [sflag:$0x4] =	stream.strided.gather [hbm4b:s13+s2], $0x800, s5, s2, $0x38;
	[tilespmem:$0x14000] =	vst v63  }
.Ltmp11:
0x3f9: {  	_ = 	snop;
	(pc) =	sbr.rel .LBB2_2-.Ltmp11, $4  }
0x3fa: {  	s21 =	simm.s32 $0xB000;
	s19 =	sadd.s32 $0x100000, s9  }
0x3fb: {  	[tilespmem:s21], [sflag:$0x4] =	stream.strided.gather [hbm4b:s19+s2], $0x800, s5, s2, $0x38;
	[tilespmem:$0x14000] =	vst v63  }
0x3fc: {  	s28 =	simm.s32 $0xB800;
	s12 =	sadd.s32 $0x1, s12;
	s9 =	sadd.s32 $0x180000, s9  }
0x3fd: {  	[tilespmem:s28], [sflag:$0x4] =	stream.strided.gather [hbm4b:s9+s2], $0x800, s5, s2, $0x38;
	[tilespmem:$0x14000] =	vst v63  }
.LBB2_21:
0x3fe: {  	_ =	sfence.sel $0x180000  }
0x3ff: {  	[bflag:$0x0] =	sbarrier.arrive $0xFFFF  }
0x400: {  	_ =	strace $0x90000047  }
0x401: {  	s0 =	stileid.u32;
	[bflag:$0x2] =	sbarrier.arrive $0xFFFF  }
0x402: {  	p0 =	sne.s32 s0, $0x0;
	s0 =	rddreg [dreg:$0x3]  }
0x403: {  	s0 =	sadd.s32 @!p0 $0x100000, s0  }
0x404: {  	[sflag:s0] =	ssyncadd.tile.s32 @!p0 $0x1;
	_ =	shalt  }
.Lfunc_end2:
_tile_overlayer_lowered:
.L_overlay_start_2:
0x405: {  	(tag) =	ssettag $0x2  }
0x406: {  	s0 =	rddreg [dreg:$0x0];
	s2 =	stileid.u32  }
0x407: {  	s1 =	rddreg [dreg:$0x1];
	p0 =	sne.s32 s2, $0x0  }
0x408: {  	s3 =	rddreg [dreg:$0x2];
	[bflag:$0x3] =	sbarrier.arrive $0xFFFF;
	s2 =	simm.s32 @!p0 $0x1C11  }
0x409: {  	[timem:s3], [sflag:s2] =	dma.local @!p0 [hbm:s0], s1  }
0x40a: {  	s0 =	simm.s32 @!p0 $0x11  }
0x40b: {  	_ =	swait.ge @!p0 [sflag:s0], s1  }
0x40c: {  	s1 =	ssub.s32 @!p0 $0x0, s1;
	[sflag:s0] =	ssyncset.done @!p0 $0x0  }
0x40d: {  	[sflag:s0] =	ssyncadd.s32 @!p0 s1  }
0x40e: {  	[bflag:$0x3] =	sbarrier.arrive $0xFFFF  }
0x40f: {  	_ =	shalt  }

</sc_bundles>
